<compile_context>
chip_gen: v7x
topology: tpu7x:2x2x1
jax: 0.10.2.dev20260603
libtpu: 0.0.44.dev20260713+nightly
codegen_flags: <defaults>
</compile_context>

<pallas_src>
import dataclasses

import jax
import jax.numpy as jnp
from jax import lax
from jax.experimental import pallas as pl
from jax.experimental.pallas import tpu as pltpu
from jax.experimental.pallas import tpu_sc as plsc

N = 10000
NPAD = 10240
E = 160000
CHUNK = 128
EPAD = 163840
NCHUNKS = EPAD // CHUNK
NTILES = 16
ROWS_PER_TILE = NPAD // NTILES
ZROWS = 128
NBUF = 2
F32 = jnp.float32



def _segsum_sc(p, src2, dst2, ew):
    Dc = 128
    n_j = Dc // 16
    nch_t = NCHUNKS // (2 * NTILES)
    mesh = plsc.VectorSubcoreMesh(core_axis_name="c", subcore_axis_name="s")

    def body(*refs):
        (p_hbm, src_hbm, dst_hbm, ew_hbm, o0_hbm, o1_hbm,
         src_v, dst_v, ew_v, acc, *bufsems) = refs
        bufs = bufsems[:NBUF]
        gsems = bufsems[NBUF:2 * NBUF]
        ssems = bufsems[2 * NBUF:3 * NBUF]
        c = lax.axis_index("c")
        s = lax.axis_index("s")

        @pl.loop(0, ZROWS)
        def _(i):
            for j in range(n_j):
                bufs[0][i, pl.ds(j * 16, 16)] = jnp.zeros((16,), F32)
        for k in range(ROWS_PER_TILE // ZROWS):
            pltpu.sync_copy(
                bufs[0], acc.at[pl.ds(s * ROWS_PER_TILE + k * ZROWS, ZROWS)])

        tstart = (c * NTILES + s) * nch_t
        pltpu.sync_copy(src_hbm.at[pl.ds(tstart, nch_t)], src_v)
        pltpu.sync_copy(dst_hbm.at[pl.ds(tstart, nch_t)], dst_v)
        pltpu.sync_copy(ew_hbm.at[pl.ds(tstart * CHUNK, nch_t * CHUNK)], ew_v)
        plsc.subcore_barrier()

        def issue_gather(t, b):
            pltpu.async_copy(p_hbm.at[src_v.at[t]], bufs[b], gsems[b])

        def wait_gather(b):
            pltpu.make_async_copy(
                p_hbm.at[src_v.at[0]], bufs[b], gsems[b]).wait()

        def issue_scatter(t, b):
            pltpu.async_copy(bufs[b], acc.at[dst_v.at[t]], ssems[b],
                             add=True)

        def wait_scatter(b):
            pltpu.make_async_copy(
                bufs[b], acc.at[dst_v.at[0]], ssems[b]).wait()

        for b in range(NBUF):
            issue_gather(b, b)

        @pl.loop(0, nch_t, step=NBUF)
        def _(g):
            for b in range(NBUF):
                t = g + b
                wait_gather(b)

                nb = (b + NBUF - 1) % NBUF
                ok = jnp.logical_and(t >= 1, t + NBUF - 1 < nch_t)
                def retire_prefetch(t=t, nb=nb):
                    wait_scatter(nb)
                    issue_gather(t + NBUF - 1, nb)
                pl.when(ok)(retire_prefetch)

                @plsc.parallel_loop(0, CHUNK, unroll=4)
                def _(e):
                    w = plsc.load_gather(
                        ew_v, [jnp.full((16,), t * CHUNK + e, jnp.int32)])
                    for j in range(n_j):
                        sl = (e, pl.ds(j * 16, 16))
                        bufs[b][sl] = bufs[b][sl] * w

                issue_scatter(t, b)

        for b in range(NBUF):
            wait_scatter(b)

        plsc.subcore_barrier()
        rsl = pl.ds(s * ROWS_PER_TILE, ROWS_PER_TILE)
        pl.when(c == 0)(lambda: pltpu.sync_copy(acc.at[rsl], o0_hbm.at[rsl]))
        pl.when(c == 1)(lambda: pltpu.sync_copy(acc.at[rsl], o1_hbm.at[rsl]))

    out_t = (jax.ShapeDtypeStruct((NPAD, Dc), F32),
             jax.ShapeDtypeStruct((NPAD, Dc), F32))
    cp = pltpu.CompilerParams()
    if "needs_layout_passes" in pltpu.CompilerParams.__dataclass_fields__:
        cp = dataclasses.replace(cp, needs_layout_passes=False)
    fn = pl.kernel(
        body,
        out_type=out_t,
        mesh=mesh,
        compiler_params=cp,
        scratch_types=(
            [pltpu.VMEM((nch_t, CHUNK), jnp.int32),
             pltpu.VMEM((nch_t, CHUNK), jnp.int32),
             pltpu.VMEM((nch_t * CHUNK,), F32),
             pltpu.VMEM_SHARED((NPAD, Dc), F32)]
            + [pltpu.VMEM((CHUNK, Dc), F32)] * NBUF
            + [pltpu.SemaphoreType.DMA] * (2 * NBUF)
        ),
    )
    return fn(p, src2, dst2, ew)



BN = 2000
GRID = N // BN


def _bs(shape, im):
    return pl.BlockSpec(shape, im)


def _row(i):
    return (i, 0)


def _rep(i):
    return (0, 0)


def _tc_project1(x, Wr):
    D = Wr.shape[1]
    Dh = D // 2
    K = x.shape[1]

    def body(x_ref, wr_ref, p0_ref, p1_ref):
        p = jnp.dot(x_ref[...], wr_ref[...], preferred_element_type=F32)
        p0_ref[...] = p[:, :Dh]
        p1_ref[...] = p[:, Dh:]

    return pl.pallas_call(
        body,
        grid=(GRID,),
        in_specs=[_bs((BN, K), _row), _bs((K, D), _rep)],
        out_specs=[_bs((BN, Dh), _row), _bs((BN, Dh), _row)],
        out_shape=[jax.ShapeDtypeStruct((N, Dh), F32),
                   jax.ShapeDtypeStruct((N, Dh), F32)],
    )(x, Wr)


def _tc_root1(x, Ws, b):
    D = Ws.shape[1]
    K = x.shape[1]

    def body(x_ref, ws_ref, b_ref, r_ref):
        r_ref[...] = jnp.dot(x_ref[...], ws_ref[...],
                             preferred_element_type=F32) + b_ref[...]

    return pl.pallas_call(
        body,
        grid=(GRID,),
        in_specs=[_bs((BN, K), _row), _bs((K, D), _rep), _bs((1, D), _rep)],
        out_specs=_bs((BN, D), _row),
        out_shape=jax.ShapeDtypeStruct((N, D), F32),
    )(x, Ws, b.reshape(1, D))


def _tc_mid(a0p, a1p, r, Wr):
    Dh_in = a0p[0].shape[1]
    D = Wr.shape[1]

    def body(a00, a01, a10, a11, r_ref, wr_ref, p_ref, h_ref):
        h = jnp.concatenate([a00[...] + a01[...], a10[...] + a11[...]],
                            axis=1) + r_ref[...]
        h = jnp.maximum(h, 0.0)
        h_ref[...] = h
        p_ref[...] = jnp.dot(h, wr_ref[...], preferred_element_type=F32)

    K = 2 * Dh_in
    return pl.pallas_call(
        body,
        grid=(GRID,),
        in_specs=[_bs((BN, Dh_in), _row)] * 4 +
                 [_bs((BN, K), _row), _bs((K, D), _rep)],
        out_specs=[_bs((BN, D), _row), _bs((BN, K), _row)],
        out_shape=[jax.ShapeDtypeStruct((N, D), F32),
                   jax.ShapeDtypeStruct((N, K), F32)],
    )(*a0p, *a1p, r, Wr)


def _tc_last_h(a0, a1, r):
    D = a0.shape[1]

    def body(a0_ref, a1_ref, r_ref, h_ref):
        h_ref[...] = jnp.maximum(a0_ref[...] + a1_ref[...] + r_ref[...], 0.0)

    return pl.pallas_call(
        body,
        grid=(GRID,),
        in_specs=[_bs((BN, D), _row), _bs((BN, D), _row), _bs((BN, D), _row)],
        out_specs=_bs((BN, D), _row),
        out_shape=jax.ShapeDtypeStruct((N, D), F32),
    )(a0, a1, r)


def _tc_final(b0, b1, r3, Wr):
    D = b0.shape[1]
    Do = Wr.shape[1]

    def body(b0_ref, b1_ref, r_ref, wr_ref, o_ref):
        agg = b0_ref[...] + b1_ref[...]
        o_ref[...] = jnp.dot(agg, wr_ref[...], preferred_element_type=F32) + r_ref[...]

    return pl.pallas_call(
        body,
        grid=(GRID,),
        in_specs=[_bs((BN, D), _row), _bs((BN, D), _row), _bs((BN, Do), _row),
                  _bs((D, Do), _rep)],
        out_specs=_bs((BN, Do), _row),
        out_shape=jax.ShapeDtypeStruct((N, Do), F32),
    )(b0, b1, r3, Wr)



def kernel(x, edge_index, edge_weight, batch, Wr1, br1, Ws1,
           Wr2, br2, Ws2, Wr3, br3, Ws3):
    del batch
    pad = EPAD - E
    pad_src = (jnp.arange(pad, dtype=jnp.int32) * 61) % N
    pad_dst = N + (jnp.arange(pad, dtype=jnp.int32) % (NPAD - N))
    src2 = jnp.concatenate([edge_index[0], pad_src]).reshape(NCHUNKS, CHUNK)
    dst2 = jnp.concatenate([edge_index[1], pad_dst]).reshape(NCHUNKS, CHUNK)
    ewp = jnp.pad(edge_weight, (0, pad))

    p0, p1 = _tc_project1(x, Wr1)
    a0p = _segsum_sc(p0, src2, dst2, ewp)
    a1p = _segsum_sc(p1, src2, dst2, ewp)
    r1 = _tc_root1(x, Ws1, br1)

    p2, h1 = _tc_mid(a0p, a1p, r1, Wr2)
    a0, a1 = _segsum_sc(p2, src2, dst2, ewp)
    r2 = _tc_root1(h1, Ws2, br2)

    h2 = _tc_last_h(a0, a1, r2)
    b0, b1 = _segsum_sc(h2, src2, dst2, ewp)
    r3 = _tc_root1(h2, Ws3, br3)

    return _tc_final(b0, b1, r3, Wr3)

# --- scband reference (transcript-rebuilt; emitter-appended) ---
"""Pipeline reference for scband-gnn-73280732004501 (READ-ONLY COPY).

The authoritative reference and input builder live on the scoring server;
editing this copy changes nothing except your own understanding.
"""

import jax, jax.numpy as jnp
import numpy as np


def _graph_conv(x, edge_index, edge_weight, W_rel, b_rel, W_root):
    # PyG GraphConv: out = lin_rel(sum_{j->i} e_ji * x_j) + lin_root(x_i)
    src = edge_index[0]
    dst = edge_index[1]
    msg = x[src] * edge_weight[:, None]
    agg = jax.ops.segment_sum(msg, dst, num_segments=x.shape[0])
    return agg @ W_rel + b_rel + x @ W_root


def setup_inputs(seed: int = 0) -> dict:
    key = jax.random.key(seed)
    ks = jax.random.split(key, 16)
    N, E, D_in, H = 10000, 160000, 1152, 256
    x = jax.random.normal(ks[0], (N, D_in), dtype=jnp.float32)
    edge_index = jax.random.randint(ks[1], (2, E), 0, N, dtype=jnp.int32)
    edge_weight = jax.random.uniform(ks[2], (E,), dtype=jnp.float32)
    batch = jnp.sort(jax.random.randint(ks[3], (N,), 0, 16, dtype=jnp.int32))
    def lin(k, fi, fo):
        return jax.random.normal(k, (fi, fo), dtype=jnp.float32) * (1.0 / np.sqrt(fi))
    Wr1 = lin(ks[4], D_in, H); br1 = jnp.zeros((H,), jnp.float32); Ws1 = lin(ks[5], D_in, H)
    Wr2 = lin(ks[6], H, 128); br2 = jnp.zeros((128,), jnp.float32); Ws2 = lin(ks[7], H, 128)
    Wr3 = lin(ks[8], 128, 2); br3 = jnp.zeros((2,), jnp.float32); Ws3 = lin(ks[9], 128, 2)
    return {"x": x, "edge_index": edge_index, "edge_weight": edge_weight, "batch": batch,
            "Wr1": Wr1, "br1": br1, "Ws1": Ws1,
            "Wr2": Wr2, "br2": br2, "Ws2": Ws2,
            "Wr3": Wr3, "br3": br3, "Ws3": Ws3}


def reference(x, edge_index, edge_weight, batch, Wr1, br1, Ws1, Wr2, br2, Ws2, Wr3, br3, Ws3):
    h = _graph_conv(x, edge_index, edge_weight, Wr1, br1, Ws1)
    h = jax.nn.relu(h)
    h = _graph_conv(h, edge_index, edge_weight, Wr2, br2, Ws2)
    h = jax.nn.relu(h)
    h = _graph_conv(h, edge_index, edge_weight, Wr3, br3, Ws3)
    return h

if __name__ == "__main__":
    import jax
    _d = setup_inputs()
    print(jax.jit(kernel)(*tuple(_d.values())))

</pallas_src>

<mosaic_0001>
#map = affine_map<(d0, d1) -> (0, 0)>
#map1 = affine_map<(d0, d1) -> (0)>
module attributes {stable_mosaic.version = 14 : i64} {
  func.func @body(%arg0: i32, %arg1: i32, %arg2: memref<10000x128xf32, #tpu.memory_space<hbm>>, %arg3: memref<1280x128xi32, #tpu.memory_space<hbm>>, %arg4: memref<1280x128xi32, #tpu.memory_space<hbm>>, %arg5: memref<163840xf32, #tpu.memory_space<hbm>>, %arg6: memref<10240x128xf32, #tpu.memory_space<hbm>>, %arg7: memref<10240x128xf32, #tpu.memory_space<hbm>>, %arg8: memref<40x128xi32, #tpu.memory_space<vmem>>, %arg9: memref<40x128xi32, #tpu.memory_space<vmem>>, %arg10: memref<5120xf32, #tpu.memory_space<vmem>>, %arg11: memref<10240x128xf32, #tpu.memory_space<vmem_shared>>, %arg12: memref<128x128xf32, #tpu.memory_space<vmem>>, %arg13: memref<128x128xf32, #tpu.memory_space<vmem>>, %arg14: memref<!tpu.dma_semaphore, #tpu.memory_space<semaphore_mem>>, %arg15: memref<!tpu.dma_semaphore, #tpu.memory_space<semaphore_mem>>, %arg16: memref<!tpu.dma_semaphore, #tpu.memory_space<semaphore_mem>>, %arg17: memref<!tpu.dma_semaphore, #tpu.memory_space<semaphore_mem>>) attributes {dimension_semantics = [#tpu.dimension_semantics<core_parallel>, #tpu.dimension_semantics<subcore_parallel>], iteration_bounds = array<i64: 2, 16>, scalar_prefetch = 0 : i64, scratch_operands = 10 : i64, tpu.core_type = #tpu.core_type<sc_vector_subcore>, window_params = [{transform_indices = #map}, {transform_indices = #map}, {transform_indices = #map}, {transform_indices = #map1}, {transform_indices = #map}, {transform_indices = #map}]} {
    %scan3A = arith.constant 0 : i32
    %scan3A_0 = arith.constant 128 : i32
    %scan3A_1 = arith.addi %scan3A, %scan3A_0 : i32
    %scan3A_2 = arith.constant 1 : i32
    scf.for %scan3A_70 = %scan3A to %scan3A_1 step %scan3A_2  : i32 {
      %mul3A_71 = arith.constant 1 : i32
      %mul3A_72 = arith.muli %scan3A_70, %mul3A_71 : i32
      %add3A_73 = arith.constant 0 : i32
      %add3A_74 = arith.addi %add3A_73, %mul3A_72 : i32
      %broadcast_in_dim3A = arith.constant 0.000000e+00 : f32
      %broadcast_in_dim3A_75 = vector.broadcast %broadcast_in_dim3A : f32 to vector<16xf32>
      %swap3A = arith.index_cast %add3A_74 : i32 to index
      %swap3A_76 = arith.constant 0 : index
      %swap3A_77 = tpu.vector_load %arg12[%swap3A, %swap3A_76] {strides = array<i32>} : memref<128x128xf32, #tpu.memory_space<vmem>>, vector<16xf32>,
      tpu.vector_store %arg12[%swap3A, %swap3A_76], %broadcast_in_dim3A_75 {strides = array<i32>} : memref<128x128xf32, #tpu.memory_space<vmem>>, vector<16xf32>,
      %broadcast_in_dim3A_78 = arith.constant 0.000000e+00 : f32
      %broadcast_in_dim3A_79 = vector.broadcast %broadcast_in_dim3A_78 : f32 to vector<16xf32>
      %swap3A_80 = arith.index_cast %add3A_74 : i32 to index
      %swap3A_81 = arith.constant 16 : index
      %swap3A_82 = tpu.vector_load %arg12[%swap3A_80, %swap3A_81] {strides = array<i32>} : memref<128x128xf32, #tpu.memory_space<vmem>>, vector<16xf32>,
      tpu.vector_store %arg12[%swap3A_80, %swap3A_81], %broadcast_in_dim3A_79 {strides = array<i32>} : memref<128x128xf32, #tpu.memory_space<vmem>>, vector<16xf32>,
      %broadcast_in_dim3A_83 = arith.constant 0.000000e+00 : f32
      %broadcast_in_dim3A_84 = vector.broadcast %broadcast_in_dim3A_83 : f32 to vector<16xf32>
      %swap3A_85 = arith.index_cast %add3A_74 : i32 to index
      %swap3A_86 = arith.constant 32 : index
      %swap3A_87 = tpu.vector_load %arg12[%swap3A_85, %swap3A_86] {strides = array<i32>} : memref<128x128xf32, #tpu.memory_space<vmem>>, vector<16xf32>,
      tpu.vector_store %arg12[%swap3A_85, %swap3A_86], %broadcast_in_dim3A_84 {strides = array<i32>} : memref<128x128xf32, #tpu.memory_space<vmem>>, vector<16xf32>,
      %broadcast_in_dim3A_88 = arith.constant 0.000000e+00 : f32
      %broadcast_in_dim3A_89 = vector.broadcast %broadcast_in_dim3A_88 : f32 to vector<16xf32>
      %swap3A_90 = arith.index_cast %add3A_74 : i32 to index
      %swap3A_91 = arith.constant 48 : index
      %swap3A_92 = tpu.vector_load %arg12[%swap3A_90, %swap3A_91] {strides = array<i32>} : memref<128x128xf32, #tpu.memory_space<vmem>>, vector<16xf32>,
      tpu.vector_store %arg12[%swap3A_90, %swap3A_91], %broadcast_in_dim3A_89 {strides = array<i32>} : memref<128x128xf32, #tpu.memory_space<vmem>>, vector<16xf32>,
      %broadcast_in_dim3A_93 = arith.constant 0.000000e+00 : f32
      %broadcast_in_dim3A_94 = vector.broadcast %broadcast_in_dim3A_93 : f32 to vector<16xf32>
      %swap3A_95 = arith.index_cast %add3A_74 : i32 to index
      %swap3A_96 = arith.constant 64 : index
      %swap3A_97 = tpu.vector_load %arg12[%swap3A_95, %swap3A_96] {strides = array<i32>} : memref<128x128xf32, #tpu.memory_space<vmem>>, vector<16xf32>,
      tpu.vector_store %arg12[%swap3A_95, %swap3A_96], %broadcast_in_dim3A_94 {strides = array<i32>} : memref<128x128xf32, #tpu.memory_space<vmem>>, vector<16xf32>,
      %broadcast_in_dim3A_98 = arith.constant 0.000000e+00 : f32
      %broadcast_in_dim3A_99 = vector.broadcast %broadcast_in_dim3A_98 : f32 to vector<16xf32>
      %swap3A_100 = arith.index_cast %add3A_74 : i32 to index
      %swap3A_101 = arith.constant 80 : index
      %swap3A_102 = tpu.vector_load %arg12[%swap3A_100, %swap3A_101] {strides = array<i32>} : memref<128x128xf32, #tpu.memory_space<vmem>>, vector<16xf32>,
      tpu.vector_store %arg12[%swap3A_100, %swap3A_101], %broadcast_in_dim3A_99 {strides = array<i32>} : memref<128x128xf32, #tpu.memory_space<vmem>>, vector<16xf32>,
      %broadcast_in_dim3A_103 = arith.constant 0.000000e+00 : f32
      %broadcast_in_dim3A_104 = vector.broadcast %broadcast_in_dim3A_103 : f32 to vector<16xf32>
      %swap3A_105 = arith.index_cast %add3A_74 : i32 to index
      %swap3A_106 = arith.constant 96 : index
      %swap3A_107 = tpu.vector_load %arg12[%swap3A_105, %swap3A_106] {strides = array<i32>} : memref<128x128xf32, #tpu.memory_space<vmem>>, vector<16xf32>,
      tpu.vector_store %arg12[%swap3A_105, %swap3A_106], %broadcast_in_dim3A_104 {strides = array<i32>} : memref<128x128xf32, #tpu.memory_space<vmem>>, vector<16xf32>,
      %broadcast_in_dim3A_108 = arith.constant 0.000000e+00 : f32
      %broadcast_in_dim3A_109 = vector.broadcast %broadcast_in_dim3A_108 : f32 to vector<16xf32>
      %swap3A_110 = arith.index_cast %add3A_74 : i32 to index
      %swap3A_111 = arith.constant 112 : index
      %swap3A_112 = tpu.vector_load %arg12[%swap3A_110, %swap3A_111] {strides = array<i32>} : memref<128x128xf32, #tpu.memory_space<vmem>>, vector<16xf32>,
      tpu.vector_store %arg12[%swap3A_110, %swap3A_111], %broadcast_in_dim3A_109 {strides = array<i32>} : memref<128x128xf32, #tpu.memory_space<vmem>>, vector<16xf32>,
    }
    %scan3A_3 = arith.constant 128 : i32
    %mul3A = arith.constant 640 : i32
    %mul3A_4 = arith.muli %arg1, %mul3A : i32
    %add3A = arith.constant 0 : i32
    %add3A_5 = arith.addi %mul3A_4, %add3A : i32
    "tpu.region"() ({
      %run_scoped3A = tpu.sem_alloc : memref<!tpu.dma_semaphore, #tpu.memory_space<semaphore_mem>>
      %dma_start3A_70 = arith.constant 0 : i32
      %dma_start3A_71 = tpu.memref_slice %arg11[%add3A_5, %dma_start3A_70] : memref<10240x128xf32, #tpu.memory_space<vmem_shared>> -> memref<128x128xf32, #tpu.memory_space<vmem_shared>>
      %dma_start3A_72 = arith.constant 0 : i32
      %dma_start3A_73 = tpu.memref_slice %arg11[%add3A_5, %dma_start3A_72] : memref<10240x128xf32, #tpu.memory_space<vmem_shared>> -> memref<128x128xf32, #tpu.memory_space<vmem_shared>>
      tpu.enqueue_dma source(%arg12 : memref<128x128xf32, #tpu.memory_space<vmem>>) target(%dma_start3A_73 : memref<128x128xf32, #tpu.memory_space<vmem_shared>>) target_semaphore(%run_scoped3A : memref<!tpu.dma_semaphore, #tpu.memory_space<semaphore_mem>>)
      %dma_wait3A_74 = arith.constant 0 : i32
      %dma_wait3A_75 = tpu.memref_slice %arg11[%add3A_5, %dma_wait3A_74] : memref<10240x128xf32, #tpu.memory_space<vmem_shared>> -> memref<128x128xf32, #tpu.memory_space<vmem_shared>>
      %dma_wait3A_76 = arith.constant 0 : i32
      %dma_wait3A_77 = tpu.memref_slice %arg11[%add3A_5, %dma_wait3A_76] : memref<10240x128xf32, #tpu.memory_space<vmem_shared>> -> memref<128x128xf32, #tpu.memory_space<vmem_shared>>
      tpu.wait_dma2 semaphore(%run_scoped3A : memref<!tpu.dma_semaphore, #tpu.memory_space<semaphore_mem>>) src(%arg12 : memref<128x128xf32, #tpu.memory_space<vmem>>) dst(%dma_wait3A_77 : memref<128x128xf32, #tpu.memory_space<vmem_shared>>)
      tpu.yield
    }) : () -> ()
    %mul3A_6 = arith.constant 640 : i32
    %mul3A_7 = arith.muli %arg1, %mul3A_6 : i32
    %add3A_8 = arith.constant 128 : i32
    %add3A_9 = arith.addi %mul3A_7, %add3A_8 : i32
    "tpu.region"() ({
      %run_scoped3A = tpu.sem_alloc : memref<!tpu.dma_semaphore, #tpu.memory_space<semaphore_mem>>
      %dma_start3A_70 = arith.constant 0 : i32
      %dma_start3A_71 = tpu.memref_slice %arg11[%add3A_9, %dma_start3A_70] : memref<10240x128xf32, #tpu.memory_space<vmem_shared>> -> memref<128x128xf32, #tpu.memory_space<vmem_shared>>
      %dma_start3A_72 = arith.constant 0 : i32
      %dma_start3A_73 = tpu.memref_slice %arg11[%add3A_9, %dma_start3A_72] : memref<10240x128xf32, #tpu.memory_space<vmem_shared>> -> memref<128x128xf32, #tpu.memory_space<vmem_shared>>
      tpu.enqueue_dma source(%arg12 : memref<128x128xf32, #tpu.memory_space<vmem>>) target(%dma_start3A_73 : memref<128x128xf32, #tpu.memory_space<vmem_shared>>) target_semaphore(%run_scoped3A : memref<!tpu.dma_semaphore, #tpu.memory_space<semaphore_mem>>)
      %dma_wait3A_74 = arith.constant 0 : i32
      %dma_wait3A_75 = tpu.memref_slice %arg11[%add3A_9, %dma_wait3A_74] : memref<10240x128xf32, #tpu.memory_space<vmem_shared>> -> memref<128x128xf32, #tpu.memory_space<vmem_shared>>
      %dma_wait3A_76 = arith.constant 0 : i32
      %dma_wait3A_77 = tpu.memref_slice %arg11[%add3A_9, %dma_wait3A_76] : memref<10240x128xf32, #tpu.memory_space<vmem_shared>> -> memref<128x128xf32, #tpu.memory_space<vmem_shared>>
      tpu.wait_dma2 semaphore(%run_scoped3A : memref<!tpu.dma_semaphore, #tpu.memory_space<semaphore_mem>>) src(%arg12 : memref<128x128xf32, #tpu.memory_space<vmem>>) dst(%dma_wait3A_77 : memref<128x128xf32, #tpu.memory_space<vmem_shared>>)
      tpu.yield
    }) : () -> ()
    %mul3A_10 = arith.constant 640 : i32
    %mul3A_11 = arith.muli %arg1, %mul3A_10 : i32
    %add3A_12 = arith.constant 256 : i32
    %add3A_13 = arith.addi %mul3A_11, %add3A_12 : i32
    "tpu.region"() ({
      %run_scoped3A = tpu.sem_alloc : memref<!tpu.dma_semaphore, #tpu.memory_space<semaphore_mem>>
      %dma_start3A_70 = arith.constant 0 : i32
      %dma_start3A_71 = tpu.memref_slice %arg11[%add3A_13, %dma_start3A_70] : memref<10240x128xf32, #tpu.memory_space<vmem_shared>> -> memref<128x128xf32, #tpu.memory_space<vmem_shared>>
      %dma_start3A_72 = arith.constant 0 : i32
      %dma_start3A_73 = tpu.memref_slice %arg11[%add3A_13, %dma_start3A_72] : memref<10240x128xf32, #tpu.memory_space<vmem_shared>> -> memref<128x128xf32, #tpu.memory_space<vmem_shared>>
      tpu.enqueue_dma source(%arg12 : memref<128x128xf32, #tpu.memory_space<vmem>>) target(%dma_start3A_73 : memref<128x128xf32, #tpu.memory_space<vmem_shared>>) target_semaphore(%run_scoped3A : memref<!tpu.dma_semaphore, #tpu.memory_space<semaphore_mem>>)
      %dma_wait3A_74 = arith.constant 0 : i32
      %dma_wait3A_75 = tpu.memref_slice %arg11[%add3A_13, %dma_wait3A_74] : memref<10240x128xf32, #tpu.memory_space<vmem_shared>> -> memref<128x128xf32, #tpu.memory_space<vmem_shared>>
      %dma_wait3A_76 = arith.constant 0 : i32
      %dma_wait3A_77 = tpu.memref_slice %arg11[%add3A_13, %dma_wait3A_76] : memref<10240x128xf32, #tpu.memory_space<vmem_shared>> -> memref<128x128xf32, #tpu.memory_space<vmem_shared>>
      tpu.wait_dma2 semaphore(%run_scoped3A : memref<!tpu.dma_semaphore, #tpu.memory_space<semaphore_mem>>) src(%arg12 : memref<128x128xf32, #tpu.memory_space<vmem>>) dst(%dma_wait3A_77 : memref<128x128xf32, #tpu.memory_space<vmem_shared>>)
      tpu.yield
    }) : () -> ()
    %mul3A_14 = arith.constant 640 : i32
    %mul3A_15 = arith.muli %arg1, %mul3A_14 : i32
    %add3A_16 = arith.constant 384 : i32
    %add3A_17 = arith.addi %mul3A_15, %add3A_16 : i32
    "tpu.region"() ({
      %run_scoped3A = tpu.sem_alloc : memref<!tpu.dma_semaphore, #tpu.memory_space<semaphore_mem>>
      %dma_start3A_70 = arith.constant 0 : i32
      %dma_start3A_71 = tpu.memref_slice %arg11[%add3A_17, %dma_start3A_70] : memref<10240x128xf32, #tpu.memory_space<vmem_shared>> -> memref<128x128xf32, #tpu.memory_space<vmem_shared>>
      %dma_start3A_72 = arith.constant 0 : i32
      %dma_start3A_73 = tpu.memref_slice %arg11[%add3A_17, %dma_start3A_72] : memref<10240x128xf32, #tpu.memory_space<vmem_shared>> -> memref<128x128xf32, #tpu.memory_space<vmem_shared>>
      tpu.enqueue_dma source(%arg12 : memref<128x128xf32, #tpu.memory_space<vmem>>) target(%dma_start3A_73 : memref<128x128xf32, #tpu.memory_space<vmem_shared>>) target_semaphore(%run_scoped3A : memref<!tpu.dma_semaphore, #tpu.memory_space<semaphore_mem>>)
      %dma_wait3A_74 = arith.constant 0 : i32
      %dma_wait3A_75 = tpu.memref_slice %arg11[%add3A_17, %dma_wait3A_74] : memref<10240x128xf32, #tpu.memory_space<vmem_shared>> -> memref<128x128xf32, #tpu.memory_space<vmem_shared>>
      %dma_wait3A_76 = arith.constant 0 : i32
      %dma_wait3A_77 = tpu.memref_slice %arg11[%add3A_17, %dma_wait3A_76] : memref<10240x128xf32, #tpu.memory_space<vmem_shared>> -> memref<128x128xf32, #tpu.memory_space<vmem_shared>>
      tpu.wait_dma2 semaphore(%run_scoped3A : memref<!tpu.dma_semaphore, #tpu.memory_space<semaphore_mem>>) src(%arg12 : memref<128x128xf32, #tpu.memory_space<vmem>>) dst(%dma_wait3A_77 : memref<128x128xf32, #tpu.memory_space<vmem_shared>>)
      tpu.yield
    }) : () -> ()
    %mul3A_18 = arith.constant 640 : i32
    %mul3A_19 = arith.muli %arg1, %mul3A_18 : i32
    %add3A_20 = arith.constant 512 : i32
    %add3A_21 = arith.addi %mul3A_19, %add3A_20 : i32
    "tpu.region"() ({
      %run_scoped3A = tpu.sem_alloc : memref<!tpu.dma_semaphore, #tpu.memory_space<semaphore_mem>>
      %dma_start3A_70 = arith.constant 0 : i32
      %dma_start3A_71 = tpu.memref_slice %arg11[%add3A_21, %dma_start3A_70] : memref<10240x128xf32, #tpu.memory_space<vmem_shared>> -> memref<128x128xf32, #tpu.memory_space<vmem_shared>>
      %dma_start3A_72 = arith.constant 0 : i32
      %dma_start3A_73 = tpu.memref_slice %arg11[%add3A_21, %dma_start3A_72] : memref<10240x128xf32, #tpu.memory_space<vmem_shared>> -> memref<128x128xf32, #tpu.memory_space<vmem_shared>>
      tpu.enqueue_dma source(%arg12 : memref<128x128xf32, #tpu.memory_space<vmem>>) target(%dma_start3A_73 : memref<128x128xf32, #tpu.memory_space<vmem_shared>>) target_semaphore(%run_scoped3A : memref<!tpu.dma_semaphore, #tpu.memory_space<semaphore_mem>>)
      %dma_wait3A_74 = arith.constant 0 : i32
      %dma_wait3A_75 = tpu.memref_slice %arg11[%add3A_21, %dma_wait3A_74] : memref<10240x128xf32, #tpu.memory_space<vmem_shared>> -> memref<128x128xf32, #tpu.memory_space<vmem_shared>>
      %dma_wait3A_76 = arith.constant 0 : i32
      %dma_wait3A_77 = tpu.memref_slice %arg11[%add3A_21, %dma_wait3A_76] : memref<10240x128xf32, #tpu.memory_space<vmem_shared>> -> memref<128x128xf32, #tpu.memory_space<vmem_shared>>
      tpu.wait_dma2 semaphore(%run_scoped3A : memref<!tpu.dma_semaphore, #tpu.memory_space<semaphore_mem>>) src(%arg12 : memref<128x128xf32, #tpu.memory_space<vmem>>) dst(%dma_wait3A_77 : memref<128x128xf32, #tpu.memory_space<vmem_shared>>)
      tpu.yield
    }) : () -> ()
    %mul3A_22 = arith.constant 16 : i32
    %mul3A_23 = arith.muli %arg0, %mul3A_22 : i32
    %add3A_24 = arith.addi %mul3A_23, %arg1 : i32
    %mul3A_25 = arith.constant 40 : i32
    %mul3A_26 = arith.muli %add3A_24, %mul3A_25 : i32
    "tpu.region"() ({
      %run_scoped3A = tpu.sem_alloc : memref<!tpu.dma_semaphore, #tpu.memory_space<semaphore_mem>>
      %dma_start3A_70 = arith.constant 0 : i32
      %dma_start3A_71 = tpu.memref_slice %arg3[%mul3A_26, %dma_start3A_70] : memref<1280x128xi32, #tpu.memory_space<hbm>> -> memref<40x128xi32, #tpu.memory_space<hbm>>
      %dma_start3A_72 = arith.constant 0 : i32
      %dma_start3A_73 = tpu.memref_slice %arg3[%mul3A_26, %dma_start3A_72] : memref<1280x128xi32, #tpu.memory_space<hbm>> -> memref<40x128xi32, #tpu.memory_space<hbm>>
      tpu.enqueue_dma source(%dma_start3A_73 : memref<40x128xi32, #tpu.memory_space<hbm>>) target(%arg8 : memref<40x128xi32, #tpu.memory_space<vmem>>) target_semaphore(%run_scoped3A : memref<!tpu.dma_semaphore, #tpu.memory_space<semaphore_mem>>)
      %dma_wait3A_74 = arith.constant 0 : i32
      %dma_wait3A_75 = tpu.memref_slice %arg3[%mul3A_26, %dma_wait3A_74] : memref<1280x128xi32, #tpu.memory_space<hbm>> -> memref<40x128xi32, #tpu.memory_space<hbm>>
      %dma_wait3A_76 = arith.constant 0 : i32
      %dma_wait3A_77 = tpu.memref_slice %arg3[%mul3A_26, %dma_wait3A_76] : memref<1280x128xi32, #tpu.memory_space<hbm>> -> memref<40x128xi32, #tpu.memory_space<hbm>>
      tpu.wait_dma2 semaphore(%run_scoped3A : memref<!tpu.dma_semaphore, #tpu.memory_space<semaphore_mem>>) src(%dma_wait3A_77 : memref<40x128xi32, #tpu.memory_space<hbm>>) dst(%arg8 : memref<40x128xi32, #tpu.memory_space<vmem>>)
      tpu.yield
    }) : () -> ()
    "tpu.region"() ({
      %run_scoped3A = tpu.sem_alloc : memref<!tpu.dma_semaphore, #tpu.memory_space<semaphore_mem>>
      %dma_start3A_70 = arith.constant 0 : i32
      %dma_start3A_71 = tpu.memref_slice %arg4[%mul3A_26, %dma_start3A_70] : memref<1280x128xi32, #tpu.memory_space<hbm>> -> memref<40x128xi32, #tpu.memory_space<hbm>>
      %dma_start3A_72 = arith.constant 0 : i32
      %dma_start3A_73 = tpu.memref_slice %arg4[%mul3A_26, %dma_start3A_72] : memref<1280x128xi32, #tpu.memory_space<hbm>> -> memref<40x128xi32, #tpu.memory_space<hbm>>
      tpu.enqueue_dma source(%dma_start3A_73 : memref<40x128xi32, #tpu.memory_space<hbm>>) target(%arg9 : memref<40x128xi32, #tpu.memory_space<vmem>>) target_semaphore(%run_scoped3A : memref<!tpu.dma_semaphore, #tpu.memory_space<semaphore_mem>>)
      %dma_wait3A_74 = arith.constant 0 : i32
      %dma_wait3A_75 = tpu.memref_slice %arg4[%mul3A_26, %dma_wait3A_74] : memref<1280x128xi32, #tpu.memory_space<hbm>> -> memref<40x128xi32, #tpu.memory_space<hbm>>
      %dma_wait3A_76 = arith.constant 0 : i32
      %dma_wait3A_77 = tpu.memref_slice %arg4[%mul3A_26, %dma_wait3A_76] : memref<1280x128xi32, #tpu.memory_space<hbm>> -> memref<40x128xi32, #tpu.memory_space<hbm>>
      tpu.wait_dma2 semaphore(%run_scoped3A : memref<!tpu.dma_semaphore, #tpu.memory_space<semaphore_mem>>) src(%dma_wait3A_77 : memref<40x128xi32, #tpu.memory_space<hbm>>) dst(%arg9 : memref<40x128xi32, #tpu.memory_space<vmem>>)
      tpu.yield
    }) : () -> ()
    %mul3A_27 = arith.constant 128 : i32
    %mul3A_28 = arith.muli %mul3A_26, %mul3A_27 : i32
    "tpu.region"() ({
      %run_scoped3A = tpu.sem_alloc : memref<!tpu.dma_semaphore, #tpu.memory_space<semaphore_mem>>
      %dma_start3A_70 = tpu.memref_slice %arg5[%mul3A_28] : memref<163840xf32, #tpu.memory_space<hbm>> -> memref<5120xf32, #tpu.memory_space<hbm>>
      %dma_start3A_71 = tpu.memref_slice %arg5[%mul3A_28] : memref<163840xf32, #tpu.memory_space<hbm>> -> memref<5120xf32, #tpu.memory_space<hbm>>
      tpu.enqueue_dma source(%dma_start3A_71 : memref<5120xf32, #tpu.memory_space<hbm>>) target(%arg10 : memref<5120xf32, #tpu.memory_space<vmem>>) target_semaphore(%run_scoped3A : memref<!tpu.dma_semaphore, #tpu.memory_space<semaphore_mem>>)
      %dma_wait3A_72 = tpu.memref_slice %arg5[%mul3A_28] : memref<163840xf32, #tpu.memory_space<hbm>> -> memref<5120xf32, #tpu.memory_space<hbm>>
      %dma_wait3A_73 = tpu.memref_slice %arg5[%mul3A_28] : memref<163840xf32, #tpu.memory_space<hbm>> -> memref<5120xf32, #tpu.memory_space<hbm>>
      tpu.wait_dma2 semaphore(%run_scoped3A : memref<!tpu.dma_semaphore, #tpu.memory_space<semaphore_mem>>) src(%dma_wait3A_73 : memref<5120xf32, #tpu.memory_space<hbm>>) dst(%arg10 : memref<5120xf32, #tpu.memory_space<vmem>>)
      tpu.yield
    }) : () -> ()
    %barrier3A = arith.constant 0 : index
    tpu.barrier barrier_id(%barrier3A)
    %dma_start3A = arith.constant 0 : i32
    %dma_start3A_29 = arith.constant 0 : i32
    %dma_start3A_30 = tpu.memref_slice %arg8[%dma_start3A, %dma_start3A_29] : memref<40x128xi32, #tpu.memory_space<vmem>> -> memref<1x128xi32, #tpu.memory_space<vmem>>
    %dma_start3A_31 = tpu.memref_squeeze %dma_start3A_30 : memref<1x128xi32, #tpu.memory_space<vmem>> -> memref<128xi32, #tpu.memory_space<vmem>>
    %dma_start3A_32 = arith.constant 0 : i32
    %dma_start3A_33 = arith.constant 0 : i32
    %dma_start3A_34 = tpu.memref_slice %arg2[%dma_start3A_32, %dma_start3A_33] : memref<10000x128xf32, #tpu.memory_space<hbm>> -> memref<10000x128xf32, #tpu.memory_space<hbm>>
    tpu.enqueue_indirect_dma source(%dma_start3A_34 : memref<10000x128xf32, #tpu.memory_space<hbm>>) target(%arg12 : memref<128x128xf32, #tpu.memory_space<vmem>>) offsets(%dma_start3A_31 : memref<128xi32, #tpu.memory_space<vmem>>) semaphore(%arg14 : memref<!tpu.dma_semaphore, #tpu.memory_space<semaphore_mem>>)
    %dma_start3A_35 = arith.constant 1 : i32
    %dma_start3A_36 = arith.constant 0 : i32
    %dma_start3A_37 = tpu.memref_slice %arg8[%dma_start3A_35, %dma_start3A_36] : memref<40x128xi32, #tpu.memory_space<vmem>> -> memref<1x128xi32, #tpu.memory_space<vmem>>
    %dma_start3A_38 = tpu.memref_squeeze %dma_start3A_37 : memref<1x128xi32, #tpu.memory_space<vmem>> -> memref<128xi32, #tpu.memory_space<vmem>>
    %dma_start3A_39 = arith.constant 0 : i32
    %dma_start3A_40 = arith.constant 0 : i32
    %dma_start3A_41 = tpu.memref_slice %arg2[%dma_start3A_39, %dma_start3A_40] : memref<10000x128xf32, #tpu.memory_space<hbm>> -> memref<10000x128xf32, #tpu.memory_space<hbm>>
    tpu.enqueue_indirect_dma source(%dma_start3A_41 : memref<10000x128xf32, #tpu.memory_space<hbm>>) target(%arg13 : memref<128x128xf32, #tpu.memory_space<vmem>>) offsets(%dma_start3A_38 : memref<128xi32, #tpu.memory_space<vmem>>) semaphore(%arg15 : memref<!tpu.dma_semaphore, #tpu.memory_space<semaphore_mem>>)
    %scan3A_42 = arith.constant 0 : i32
    %scan3A_43 = arith.constant 20 : i32
    %scan3A_44 = arith.addi %scan3A_42, %scan3A_43 : i32
    %scan3A_45 = arith.constant 1 : i32
    scf.for %scan3A_70 = %scan3A_42 to %scan3A_44 step %scan3A_45  : i32 {
      %mul3A_71 = arith.constant 2 : i32
      %mul3A_72 = arith.muli %scan3A_70, %mul3A_71 : i32
      %add3A_73 = arith.constant 0 : i32
      %add3A_74 = arith.addi %add3A_73, %mul3A_72 : i32
      %add3A_75 = arith.constant 0 : i32
      %add3A_76 = arith.addi %add3A_74, %add3A_75 : i32
      %dma_wait3A_77 = arith.constant 0 : i32
      %dma_wait3A_78 = arith.constant 0 : i32
      %dma_wait3A_79 = tpu.memref_slice %arg8[%dma_wait3A_77, %dma_wait3A_78] : memref<40x128xi32, #tpu.memory_space<vmem>> -> memref<1x128xi32, #tpu.memory_space<vmem>>
      %dma_wait3A_80 = tpu.memref_squeeze %dma_wait3A_79 : memref<1x128xi32, #tpu.memory_space<vmem>> -> memref<128xi32, #tpu.memory_space<vmem>>
      %dma_wait3A_81 = arith.constant 0 : i32
      %dma_wait3A_82 = arith.constant 0 : i32
      %dma_wait3A_83 = tpu.memref_slice %arg2[%dma_wait3A_81, %dma_wait3A_82] : memref<10000x128xf32, #tpu.memory_space<hbm>> -> memref<10000x128xf32, #tpu.memory_space<hbm>>
      tpu.wait_indirect_dma semaphore(%arg14 : memref<!tpu.dma_semaphore, #tpu.memory_space<semaphore_mem>>) src(%dma_wait3A_83 : memref<10000x128xf32, #tpu.memory_space<hbm>>) dst(%arg12 : memref<128x128xf32, #tpu.memory_space<vmem>>)
      %ge3A = arith.constant 1 : i32
      %ge3A_84 = arith.cmpi sge, %add3A_76, %ge3A : i32
      %add3A_85 = arith.constant 2 : i32
      %add3A_86 = arith.addi %add3A_76, %add3A_85 : i32
      %sub3A = arith.constant 1 : i32
      %sub3A_87 = arith.subi %add3A_86, %sub3A : i32
      %lt3A = arith.constant 40 : i32
      %lt3A_88 = arith.cmpi slt, %sub3A_87, %lt3A : i32
      %and3A = arith.andi %ge3A_84, %lt3A_88 : i1
      %convert_element_type3A_89 = arith.extui %and3A : i1 to i32
      %cond3A_90 = arith.constant 0 : i32
      %cond3A_91 = arith.cmpi ne, %convert_element_type3A_89, %cond3A_90 : i32
      scf.if %cond3A_91 {
        %dma_wait3A_130 = arith.constant 0 : i32
        %dma_wait3A_131 = arith.constant 0 : i32
        %dma_wait3A_132 = tpu.memref_slice %arg9[%dma_wait3A_130, %dma_wait3A_131] : memref<40x128xi32, #tpu.memory_space<vmem>> -> memref<1x128xi32, #tpu.memory_space<vmem>>
        %dma_wait3A_133 = tpu.memref_squeeze %dma_wait3A_132 : memref<1x128xi32, #tpu.memory_space<vmem>> -> memref<128xi32, #tpu.memory_space<vmem>>
        %dma_wait3A_134 = arith.constant 0 : i32
        %dma_wait3A_135 = arith.constant 0 : i32
        %dma_wait3A_136 = tpu.memref_slice %arg11[%dma_wait3A_134, %dma_wait3A_135] : memref<10240x128xf32, #tpu.memory_space<vmem_shared>> -> memref<10240x128xf32, #tpu.memory_space<vmem_shared>>
        tpu.wait_indirect_dma semaphore(%arg17 : memref<!tpu.dma_semaphore, #tpu.memory_space<semaphore_mem>>) src(%arg13 : memref<128x128xf32, #tpu.memory_space<vmem>>) dst(%dma_wait3A_136 : memref<10240x128xf32, #tpu.memory_space<vmem_shared>>)
        %add3A_137 = arith.constant 2 : i32
        %add3A_138 = arith.addi %add3A_76, %add3A_137 : i32
        %sub3A_139 = arith.constant 1 : i32
        %sub3A_140 = arith.subi %add3A_138, %sub3A_139 : i32
        %dma_start3A_141 = arith.constant 0 : i32
        %dma_start3A_142 = tpu.memref_slice %arg8[%sub3A_140, %dma_start3A_141] : memref<40x128xi32, #tpu.memory_space<vmem>> -> memref<1x128xi32, #tpu.memory_space<vmem>>
        %dma_start3A_143 = tpu.memref_squeeze %dma_start3A_142 : memref<1x128xi32, #tpu.memory_space<vmem>> -> memref<128xi32, #tpu.memory_space<vmem>>
        %dma_start3A_144 = arith.constant 0 : i32
        %dma_start3A_145 = arith.constant 0 : i32
        %dma_start3A_146 = tpu.memref_slice %arg2[%dma_start3A_144, %dma_start3A_145] : memref<10000x128xf32, #tpu.memory_space<hbm>> -> memref<10000x128xf32, #tpu.memory_space<hbm>>
        tpu.enqueue_indirect_dma source(%dma_start3A_146 : memref<10000x128xf32, #tpu.memory_space<hbm>>) target(%arg13 : memref<128x128xf32, #tpu.memory_space<vmem>>) offsets(%dma_start3A_143 : memref<128xi32, #tpu.memory_space<vmem>>) semaphore(%arg15 : memref<!tpu.dma_semaphore, #tpu.memory_space<semaphore_mem>>)
      } else {
      }
      %parallel_loop3A = arith.constant 0 : i32
      %parallel_loop3A_92 = arith.constant 128 : i32
      %parallel_loop3A_93 = arith.constant 1 : i32
      scf.for %parallel_loop3A_130 = %parallel_loop3A to %parallel_loop3A_92 step %parallel_loop3A_93  : i32 {
        %parallel_loop3A_131 = arith.constant 128 : i32
        %parallel_loop3A_132 = arith.muli %add3A_76, %parallel_loop3A_131 : i32
        %parallel_loop3A_133 = arith.addi %parallel_loop3A_132, %parallel_loop3A_130 : i32
        %parallel_loop3A_134 = vector.broadcast %parallel_loop3A_133 : i32 to vector<16xi32>
        %parallel_loop3A_135 = tpu.vector_load_idx %arg10[%parallel_loop3A_134] : memref<5120xf32, #tpu.memory_space<vmem>>[vector<16xi32>], vector<16xf32>,
        %parallel_loop3A_136 = arith.index_cast %parallel_loop3A_130 : i32 to index
        %parallel_loop3A_137 = arith.constant 0 : index
        %parallel_loop3A_138 = tpu.vector_load %arg12[%parallel_loop3A_136, %parallel_loop3A_137] {strides = array<i32>} : memref<128x128xf32, #tpu.memory_space<vmem>>, vector<16xf32>,
        %parallel_loop3A_139 = arith.mulf %parallel_loop3A_138, %parallel_loop3A_135 : vector<16xf32>
        %parallel_loop3A_140 = arith.index_cast %parallel_loop3A_130 : i32 to index
        %parallel_loop3A_141 = arith.constant 0 : index
        %parallel_loop3A_142 = tpu.vector_load %arg12[%parallel_loop3A_140, %parallel_loop3A_141] {strides = array<i32>} : memref<128x128xf32, #tpu.memory_space<vmem>>, vector<16xf32>,
        tpu.vector_store %arg12[%parallel_loop3A_140, %parallel_loop3A_141], %parallel_loop3A_139 {strides = array<i32>} : memref<128x128xf32, #tpu.memory_space<vmem>>, vector<16xf32>,
        %parallel_loop3A_143 = arith.index_cast %parallel_loop3A_130 : i32 to index
        %parallel_loop3A_144 = arith.constant 16 : index
        %parallel_loop3A_145 = tpu.vector_load %arg12[%parallel_loop3A_143, %parallel_loop3A_144] {strides = array<i32>} : memref<128x128xf32, #tpu.memory_space<vmem>>, vector<16xf32>,
        %parallel_loop3A_146 = arith.mulf %parallel_loop3A_145, %parallel_loop3A_135 : vector<16xf32>
        %parallel_loop3A_147 = arith.index_cast %parallel_loop3A_130 : i32 to index
        %parallel_loop3A_148 = arith.constant 16 : index
        %parallel_loop3A_149 = tpu.vector_load %arg12[%parallel_loop3A_147, %parallel_loop3A_148] {strides = array<i32>} : memref<128x128xf32, #tpu.memory_space<vmem>>, vector<16xf32>,
        tpu.vector_store %arg12[%parallel_loop3A_147, %parallel_loop3A_148], %parallel_loop3A_146 {strides = array<i32>} : memref<128x128xf32, #tpu.memory_space<vmem>>, vector<16xf32>,
        %parallel_loop3A_150 = arith.index_cast %parallel_loop3A_130 : i32 to index
        %parallel_loop3A_151 = arith.constant 32 : index
        %parallel_loop3A_152 = tpu.vector_load %arg12[%parallel_loop3A_150, %parallel_loop3A_151] {strides = array<i32>} : memref<128x128xf32, #tpu.memory_space<vmem>>, vector<16xf32>,
        %parallel_loop3A_153 = arith.mulf %parallel_loop3A_152, %parallel_loop3A_135 : vector<16xf32>
        %parallel_loop3A_154 = arith.index_cast %parallel_loop3A_130 : i32 to index
        %parallel_loop3A_155 = arith.constant 32 : index
        %parallel_loop3A_156 = tpu.vector_load %arg12[%parallel_loop3A_154, %parallel_loop3A_155] {strides = array<i32>} : memref<128x128xf32, #tpu.memory_space<vmem>>, vector<16xf32>,
        tpu.vector_store %arg12[%parallel_loop3A_154, %parallel_loop3A_155], %parallel_loop3A_153 {strides = array<i32>} : memref<128x128xf32, #tpu.memory_space<vmem>>, vector<16xf32>,
        %parallel_loop3A_157 = arith.index_cast %parallel_loop3A_130 : i32 to index
        %parallel_loop3A_158 = arith.constant 48 : index
        %parallel_loop3A_159 = tpu.vector_load %arg12[%parallel_loop3A_157, %parallel_loop3A_158] {strides = array<i32>} : memref<128x128xf32, #tpu.memory_space<vmem>>, vector<16xf32>,
        %parallel_loop3A_160 = arith.mulf %parallel_loop3A_159, %parallel_loop3A_135 : vector<16xf32>
        %parallel_loop3A_161 = arith.index_cast %parallel_loop3A_130 : i32 to index
        %parallel_loop3A_162 = arith.constant 48 : index
        %parallel_loop3A_163 = tpu.vector_load %arg12[%parallel_loop3A_161, %parallel_loop3A_162] {strides = array<i32>} : memref<128x128xf32, #tpu.memory_space<vmem>>, vector<16xf32>,
        tpu.vector_store %arg12[%parallel_loop3A_161, %parallel_loop3A_162], %parallel_loop3A_160 {strides = array<i32>} : memref<128x128xf32, #tpu.memory_space<vmem>>, vector<16xf32>,
        %parallel_loop3A_164 = arith.index_cast %parallel_loop3A_130 : i32 to index
        %parallel_loop3A_165 = arith.constant 64 : index
        %parallel_loop3A_166 = tpu.vector_load %arg12[%parallel_loop3A_164, %parallel_loop3A_165] {strides = array<i32>} : memref<128x128xf32, #tpu.memory_space<vmem>>, vector<16xf32>,
        %parallel_loop3A_167 = arith.mulf %parallel_loop3A_166, %parallel_loop3A_135 : vector<16xf32>
        %parallel_loop3A_168 = arith.index_cast %parallel_loop3A_130 : i32 to index
        %parallel_loop3A_169 = arith.constant 64 : index
        %parallel_loop3A_170 = tpu.vector_load %arg12[%parallel_loop3A_168, %parallel_loop3A_169] {strides = array<i32>} : memref<128x128xf32, #tpu.memory_space<vmem>>, vector<16xf32>,
        tpu.vector_store %arg12[%parallel_loop3A_168, %parallel_loop3A_169], %parallel_loop3A_167 {strides = array<i32>} : memref<128x128xf32, #tpu.memory_space<vmem>>, vector<16xf32>,
        %parallel_loop3A_171 = arith.index_cast %parallel_loop3A_130 : i32 to index
        %parallel_loop3A_172 = arith.constant 80 : index
        %parallel_loop3A_173 = tpu.vector_load %arg12[%parallel_loop3A_171, %parallel_loop3A_172] {strides = array<i32>} : memref<128x128xf32, #tpu.memory_space<vmem>>, vector<16xf32>,
        %parallel_loop3A_174 = arith.mulf %parallel_loop3A_173, %parallel_loop3A_135 : vector<16xf32>
        %parallel_loop3A_175 = arith.index_cast %parallel_loop3A_130 : i32 to index
        %parallel_loop3A_176 = arith.constant 80 : index
        %parallel_loop3A_177 = tpu.vector_load %arg12[%parallel_loop3A_175, %parallel_loop3A_176] {strides = array<i32>} : memref<128x128xf32, #tpu.memory_space<vmem>>, vector<16xf32>,
        tpu.vector_store %arg12[%parallel_loop3A_175, %parallel_loop3A_176], %parallel_loop3A_174 {strides = array<i32>} : memref<128x128xf32, #tpu.memory_space<vmem>>, vector<16xf32>,
        %parallel_loop3A_178 = arith.index_cast %parallel_loop3A_130 : i32 to index
        %parallel_loop3A_179 = arith.constant 96 : index
        %parallel_loop3A_180 = tpu.vector_load %arg12[%parallel_loop3A_178, %parallel_loop3A_179] {strides = array<i32>} : memref<128x128xf32, #tpu.memory_space<vmem>>, vector<16xf32>,
        %parallel_loop3A_181 = arith.mulf %parallel_loop3A_180, %parallel_loop3A_135 : vector<16xf32>
        %parallel_loop3A_182 = arith.index_cast %parallel_loop3A_130 : i32 to index
        %parallel_loop3A_183 = arith.constant 96 : index
        %parallel_loop3A_184 = tpu.vector_load %arg12[%parallel_loop3A_182, %parallel_loop3A_183] {strides = array<i32>} : memref<128x128xf32, #tpu.memory_space<vmem>>, vector<16xf32>,
        tpu.vector_store %arg12[%parallel_loop3A_182, %parallel_loop3A_183], %parallel_loop3A_181 {strides = array<i32>} : memref<128x128xf32, #tpu.memory_space<vmem>>, vector<16xf32>,
        %parallel_loop3A_185 = arith.index_cast %parallel_loop3A_130 : i32 to index
        %parallel_loop3A_186 = arith.constant 112 : index
        %parallel_loop3A_187 = tpu.vector_load %arg12[%parallel_loop3A_185, %parallel_loop3A_186] {strides = array<i32>} : memref<128x128xf32, #tpu.memory_space<vmem>>, vector<16xf32>,
        %parallel_loop3A_188 = arith.mulf %parallel_loop3A_187, %parallel_loop3A_135 : vector<16xf32>
        %parallel_loop3A_189 = arith.index_cast %parallel_loop3A_130 : i32 to index
        %parallel_loop3A_190 = arith.constant 112 : index
        %parallel_loop3A_191 = tpu.vector_load %arg12[%parallel_loop3A_189, %parallel_loop3A_190] {strides = array<i32>} : memref<128x128xf32, #tpu.memory_space<vmem>>, vector<16xf32>,
        tpu.vector_store %arg12[%parallel_loop3A_189, %parallel_loop3A_190], %parallel_loop3A_188 {strides = array<i32>} : memref<128x128xf32, #tpu.memory_space<vmem>>, vector<16xf32>,
      } {sc.loop_unroll_factor = 4 : i64, sc.parallel_access}
      %dma_start3A_94 = arith.constant 0 : i32
      %dma_start3A_95 = tpu.memref_slice %arg9[%add3A_76, %dma_start3A_94] : memref<40x128xi32, #tpu.memory_space<vmem>> -> memref<1x128xi32, #tpu.memory_space<vmem>>
      %dma_start3A_96 = tpu.memref_squeeze %dma_start3A_95 : memref<1x128xi32, #tpu.memory_space<vmem>> -> memref<128xi32, #tpu.memory_space<vmem>>
      %dma_start3A_97 = arith.constant 0 : i32
      %dma_start3A_98 = arith.constant 0 : i32
      %dma_start3A_99 = tpu.memref_slice %arg11[%dma_start3A_97, %dma_start3A_98] : memref<10240x128xf32, #tpu.memory_space<vmem_shared>> -> memref<10240x128xf32, #tpu.memory_space<vmem_shared>>
      tpu.enqueue_indirect_dma source(%arg12 : memref<128x128xf32, #tpu.memory_space<vmem>>) target(%dma_start3A_99 : memref<10240x128xf32, #tpu.memory_space<vmem_shared>>) offsets(%dma_start3A_96 : memref<128xi32, #tpu.memory_space<vmem>>) semaphore(%arg16 : memref<!tpu.dma_semaphore, #tpu.memory_space<semaphore_mem>>) {add = true}
      %add3A_100 = arith.constant 1 : i32
      %add3A_101 = arith.addi %add3A_74, %add3A_100 : i32
      %dma_wait3A_102 = arith.constant 0 : i32
      %dma_wait3A_103 = arith.constant 0 : i32
      %dma_wait3A_104 = tpu.memref_slice %arg8[%dma_wait3A_102, %dma_wait3A_103] : memref<40x128xi32, #tpu.memory_space<vmem>> -> memref<1x128xi32, #tpu.memory_space<vmem>>
      %dma_wait3A_105 = tpu.memref_squeeze %dma_wait3A_104 : memref<1x128xi32, #tpu.memory_space<vmem>> -> memref<128xi32, #tpu.memory_space<vmem>>
      %dma_wait3A_106 = arith.constant 0 : i32
      %dma_wait3A_107 = arith.constant 0 : i32
      %dma_wait3A_108 = tpu.memref_slice %arg2[%dma_wait3A_106, %dma_wait3A_107] : memref<10000x128xf32, #tpu.memory_space<hbm>> -> memref<10000x128xf32, #tpu.memory_space<hbm>>
      tpu.wait_indirect_dma semaphore(%arg15 : memref<!tpu.dma_semaphore, #tpu.memory_space<semaphore_mem>>) src(%dma_wait3A_108 : memref<10000x128xf32, #tpu.memory_space<hbm>>) dst(%arg13 : memref<128x128xf32, #tpu.memory_space<vmem>>)
      %ge3A_109 = arith.constant 1 : i32
      %ge3A_110 = arith.cmpi sge, %add3A_101, %ge3A_109 : i32
      %add3A_111 = arith.constant 2 : i32
      %add3A_112 = arith.addi %add3A_101, %add3A_111 : i32
      %sub3A_113 = arith.constant 1 : i32
      %sub3A_114 = arith.subi %add3A_112, %sub3A_113 : i32
      %lt3A_115 = arith.constant 40 : i32
      %lt3A_116 = arith.cmpi slt, %sub3A_114, %lt3A_115 : i32
      %and3A_117 = arith.andi %ge3A_110, %lt3A_116 : i1
      %convert_element_type3A_118 = arith.extui %and3A_117 : i1 to i32
      %cond3A_119 = arith.constant 0 : i32
      %cond3A_120 = arith.cmpi ne, %convert_element_type3A_118, %cond3A_119 : i32
      scf.if %cond3A_120 {
        %dma_wait3A_130 = arith.constant 0 : i32
        %dma_wait3A_131 = arith.constant 0 : i32
        %dma_wait3A_132 = tpu.memref_slice %arg9[%dma_wait3A_130, %dma_wait3A_131] : memref<40x128xi32, #tpu.memory_space<vmem>> -> memref<1x128xi32, #tpu.memory_space<vmem>>
        %dma_wait3A_133 = tpu.memref_squeeze %dma_wait3A_132 : memref<1x128xi32, #tpu.memory_space<vmem>> -> memref<128xi32, #tpu.memory_space<vmem>>
        %dma_wait3A_134 = arith.constant 0 : i32
        %dma_wait3A_135 = arith.constant 0 : i32
        %dma_wait3A_136 = tpu.memref_slice %arg11[%dma_wait3A_134, %dma_wait3A_135] : memref<10240x128xf32, #tpu.memory_space<vmem_shared>> -> memref<10240x128xf32, #tpu.memory_space<vmem_shared>>
        tpu.wait_indirect_dma semaphore(%arg16 : memref<!tpu.dma_semaphore, #tpu.memory_space<semaphore_mem>>) src(%arg12 : memref<128x128xf32, #tpu.memory_space<vmem>>) dst(%dma_wait3A_136 : memref<10240x128xf32, #tpu.memory_space<vmem_shared>>)
        %add3A_137 = arith.constant 2 : i32
        %add3A_138 = arith.addi %add3A_101, %add3A_137 : i32
        %sub3A_139 = arith.constant 1 : i32
        %sub3A_140 = arith.subi %add3A_138, %sub3A_139 : i32
        %dma_start3A_141 = arith.constant 0 : i32
        %dma_start3A_142 = tpu.memref_slice %arg8[%sub3A_140, %dma_start3A_141] : memref<40x128xi32, #tpu.memory_space<vmem>> -> memref<1x128xi32, #tpu.memory_space<vmem>>
        %dma_start3A_143 = tpu.memref_squeeze %dma_start3A_142 : memref<1x128xi32, #tpu.memory_space<vmem>> -> memref<128xi32, #tpu.memory_space<vmem>>
        %dma_start3A_144 = arith.constant 0 : i32
        %dma_start3A_145 = arith.constant 0 : i32
        %dma_start3A_146 = tpu.memref_slice %arg2[%dma_start3A_144, %dma_start3A_145] : memref<10000x128xf32, #tpu.memory_space<hbm>> -> memref<10000x128xf32, #tpu.memory_space<hbm>>
        tpu.enqueue_indirect_dma source(%dma_start3A_146 : memref<10000x128xf32, #tpu.memory_space<hbm>>) target(%arg12 : memref<128x128xf32, #tpu.memory_space<vmem>>) offsets(%dma_start3A_143 : memref<128xi32, #tpu.memory_space<vmem>>) semaphore(%arg14 : memref<!tpu.dma_semaphore, #tpu.memory_space<semaphore_mem>>)
      } else {
      }
      %parallel_loop3A_121 = arith.constant 0 : i32
      %parallel_loop3A_122 = arith.constant 128 : i32
      %parallel_loop3A_123 = arith.constant 1 : i32
      scf.for %parallel_loop3A_130 = %parallel_loop3A_121 to %parallel_loop3A_122 step %parallel_loop3A_123  : i32 {
        %parallel_loop3A_131 = arith.constant 128 : i32
        %parallel_loop3A_132 = arith.muli %add3A_101, %parallel_loop3A_131 : i32
        %parallel_loop3A_133 = arith.addi %parallel_loop3A_132, %parallel_loop3A_130 : i32
        %parallel_loop3A_134 = vector.broadcast %parallel_loop3A_133 : i32 to vector<16xi32>
        %parallel_loop3A_135 = tpu.vector_load_idx %arg10[%parallel_loop3A_134] : memref<5120xf32, #tpu.memory_space<vmem>>[vector<16xi32>], vector<16xf32>,
        %parallel_loop3A_136 = arith.index_cast %parallel_loop3A_130 : i32 to index
        %parallel_loop3A_137 = arith.constant 0 : index
        %parallel_loop3A_138 = tpu.vector_load %arg13[%parallel_loop3A_136, %parallel_loop3A_137] {strides = array<i32>} : memref<128x128xf32, #tpu.memory_space<vmem>>, vector<16xf32>,
        %parallel_loop3A_139 = arith.mulf %parallel_loop3A_138, %parallel_loop3A_135 : vector<16xf32>
        %parallel_loop3A_140 = arith.index_cast %parallel_loop3A_130 : i32 to index
        %parallel_loop3A_141 = arith.constant 0 : index
        %parallel_loop3A_142 = tpu.vector_load %arg13[%parallel_loop3A_140, %parallel_loop3A_141] {strides = array<i32>} : memref<128x128xf32, #tpu.memory_space<vmem>>, vector<16xf32>,
        tpu.vector_store %arg13[%parallel_loop3A_140, %parallel_loop3A_141], %parallel_loop3A_139 {strides = array<i32>} : memref<128x128xf32, #tpu.memory_space<vmem>>, vector<16xf32>,
        %parallel_loop3A_143 = arith.index_cast %parallel_loop3A_130 : i32 to index
        %parallel_loop3A_144 = arith.constant 16 : index
        %parallel_loop3A_145 = tpu.vector_load %arg13[%parallel_loop3A_143, %parallel_loop3A_144] {strides = array<i32>} : memref<128x128xf32, #tpu.memory_space<vmem>>, vector<16xf32>,
        %parallel_loop3A_146 = arith.mulf %parallel_loop3A_145, %parallel_loop3A_135 : vector<16xf32>
        %parallel_loop3A_147 = arith.index_cast %parallel_loop3A_130 : i32 to index
        %parallel_loop3A_148 = arith.constant 16 : index
        %parallel_loop3A_149 = tpu.vector_load %arg13[%parallel_loop3A_147, %parallel_loop3A_148] {strides = array<i32>} : memref<128x128xf32, #tpu.memory_space<vmem>>, vector<16xf32>,
        tpu.vector_store %arg13[%parallel_loop3A_147, %parallel_loop3A_148], %parallel_loop3A_146 {strides = array<i32>} : memref<128x128xf32, #tpu.memory_space<vmem>>, vector<16xf32>,
        %parallel_loop3A_150 = arith.index_cast %parallel_loop3A_130 : i32 to index
        %parallel_loop3A_151 = arith.constant 32 : index
        %parallel_loop3A_152 = tpu.vector_load %arg13[%parallel_loop3A_150, %parallel_loop3A_151] {strides = array<i32>} : memref<128x128xf32, #tpu.memory_space<vmem>>, vector<16xf32>,
        %parallel_loop3A_153 = arith.mulf %parallel_loop3A_152, %parallel_loop3A_135 : vector<16xf32>
        %parallel_loop3A_154 = arith.index_cast %parallel_loop3A_130 : i32 to index
        %parallel_loop3A_155 = arith.constant 32 : index
        %parallel_loop3A_156 = tpu.vector_load %arg13[%parallel_loop3A_154, %parallel_loop3A_155] {strides = array<i32>} : memref<128x128xf32, #tpu.memory_space<vmem>>, vector<16xf32>,
        tpu.vector_store %arg13[%parallel_loop3A_154, %parallel_loop3A_155], %parallel_loop3A_153 {strides = array<i32>} : memref<128x128xf32, #tpu.memory_space<vmem>>, vector<16xf32>,
        %parallel_loop3A_157 = arith.index_cast %parallel_loop3A_130 : i32 to index
        %parallel_loop3A_158 = arith.constant 48 : index
        %parallel_loop3A_159 = tpu.vector_load %arg13[%parallel_loop3A_157, %parallel_loop3A_158] {strides = array<i32>} : memref<128x128xf32, #tpu.memory_space<vmem>>, vector<16xf32>,
        %parallel_loop3A_160 = arith.mulf %parallel_loop3A_159, %parallel_loop3A_135 : vector<16xf32>
        %parallel_loop3A_161 = arith.index_cast %parallel_loop3A_130 : i32 to index
        %parallel_loop3A_162 = arith.constant 48 : index
        %parallel_loop3A_163 = tpu.vector_load %arg13[%parallel_loop3A_161, %parallel_loop3A_162] {strides = array<i32>} : memref<128x128xf32, #tpu.memory_space<vmem>>, vector<16xf32>,
        tpu.vector_store %arg13[%parallel_loop3A_161, %parallel_loop3A_162], %parallel_loop3A_160 {strides = array<i32>} : memref<128x128xf32, #tpu.memory_space<vmem>>, vector<16xf32>,
        %parallel_loop3A_164 = arith.index_cast %parallel_loop3A_130 : i32 to index
        %parallel_loop3A_165 = arith.constant 64 : index
        %parallel_loop3A_166 = tpu.vector_load %arg13[%parallel_loop3A_164, %parallel_loop3A_165] {strides = array<i32>} : memref<128x128xf32, #tpu.memory_space<vmem>>, vector<16xf32>,
        %parallel_loop3A_167 = arith.mulf %parallel_loop3A_166, %parallel_loop3A_135 : vector<16xf32>
        %parallel_loop3A_168 = arith.index_cast %parallel_loop3A_130 : i32 to index
        %parallel_loop3A_169 = arith.constant 64 : index
        %parallel_loop3A_170 = tpu.vector_load %arg13[%parallel_loop3A_168, %parallel_loop3A_169] {strides = array<i32>} : memref<128x128xf32, #tpu.memory_space<vmem>>, vector<16xf32>,
        tpu.vector_store %arg13[%parallel_loop3A_168, %parallel_loop3A_169], %parallel_loop3A_167 {strides = array<i32>} : memref<128x128xf32, #tpu.memory_space<vmem>>, vector<16xf32>,
        %parallel_loop3A_171 = arith.index_cast %parallel_loop3A_130 : i32 to index
        %parallel_loop3A_172 = arith.constant 80 : index
        %parallel_loop3A_173 = tpu.vector_load %arg13[%parallel_loop3A_171, %parallel_loop3A_172] {strides = array<i32>} : memref<128x128xf32, #tpu.memory_space<vmem>>, vector<16xf32>,
        %parallel_loop3A_174 = arith.mulf %parallel_loop3A_173, %parallel_loop3A_135 : vector<16xf32>
        %parallel_loop3A_175 = arith.index_cast %parallel_loop3A_130 : i32 to index
        %parallel_loop3A_176 = arith.constant 80 : index
        %parallel_loop3A_177 = tpu.vector_load %arg13[%parallel_loop3A_175, %parallel_loop3A_176] {strides = array<i32>} : memref<128x128xf32, #tpu.memory_space<vmem>>, vector<16xf32>,
        tpu.vector_store %arg13[%parallel_loop3A_175, %parallel_loop3A_176], %parallel_loop3A_174 {strides = array<i32>} : memref<128x128xf32, #tpu.memory_space<vmem>>, vector<16xf32>,
        %parallel_loop3A_178 = arith.index_cast %parallel_loop3A_130 : i32 to index
        %parallel_loop3A_179 = arith.constant 96 : index
        %parallel_loop3A_180 = tpu.vector_load %arg13[%parallel_loop3A_178, %parallel_loop3A_179] {strides = array<i32>} : memref<128x128xf32, #tpu.memory_space<vmem>>, vector<16xf32>,
        %parallel_loop3A_181 = arith.mulf %parallel_loop3A_180, %parallel_loop3A_135 : vector<16xf32>
        %parallel_loop3A_182 = arith.index_cast %parallel_loop3A_130 : i32 to index
        %parallel_loop3A_183 = arith.constant 96 : index
        %parallel_loop3A_184 = tpu.vector_load %arg13[%parallel_loop3A_182, %parallel_loop3A_183] {strides = array<i32>} : memref<128x128xf32, #tpu.memory_space<vmem>>, vector<16xf32>,
        tpu.vector_store %arg13[%parallel_loop3A_182, %parallel_loop3A_183], %parallel_loop3A_181 {strides = array<i32>} : memref<128x128xf32, #tpu.memory_space<vmem>>, vector<16xf32>,
        %parallel_loop3A_185 = arith.index_cast %parallel_loop3A_130 : i32 to index
        %parallel_loop3A_186 = arith.constant 112 : index
        %parallel_loop3A_187 = tpu.vector_load %arg13[%parallel_loop3A_185, %parallel_loop3A_186] {strides = array<i32>} : memref<128x128xf32, #tpu.memory_space<vmem>>, vector<16xf32>,
        %parallel_loop3A_188 = arith.mulf %parallel_loop3A_187, %parallel_loop3A_135 : vector<16xf32>
        %parallel_loop3A_189 = arith.index_cast %parallel_loop3A_130 : i32 to index
        %parallel_loop3A_190 = arith.constant 112 : index
        %parallel_loop3A_191 = tpu.vector_load %arg13[%parallel_loop3A_189, %parallel_loop3A_190] {strides = array<i32>} : memref<128x128xf32, #tpu.memory_space<vmem>>, vector<16xf32>,
        tpu.vector_store %arg13[%parallel_loop3A_189, %parallel_loop3A_190], %parallel_loop3A_188 {strides = array<i32>} : memref<128x128xf32, #tpu.memory_space<vmem>>, vector<16xf32>,
      } {sc.loop_unroll_factor = 4 : i64, sc.parallel_access}
      %dma_start3A_124 = arith.constant 0 : i32
      %dma_start3A_125 = tpu.memref_slice %arg9[%add3A_101, %dma_start3A_124] : memref<40x128xi32, #tpu.memory_space<vmem>> -> memref<1x128xi32, #tpu.memory_space<vmem>>
      %dma_start3A_126 = tpu.memref_squeeze %dma_start3A_125 : memref<1x128xi32, #tpu.memory_space<vmem>> -> memref<128xi32, #tpu.memory_space<vmem>>
      %dma_start3A_127 = arith.constant 0 : i32
      %dma_start3A_128 = arith.constant 0 : i32
      %dma_start3A_129 = tpu.memref_slice %arg11[%dma_start3A_127, %dma_start3A_128] : memref<10240x128xf32, #tpu.memory_space<vmem_shared>> -> memref<10240x128xf32, #tpu.memory_space<vmem_shared>>
      tpu.enqueue_indirect_dma source(%arg13 : memref<128x128xf32, #tpu.memory_space<vmem>>) target(%dma_start3A_129 : memref<10240x128xf32, #tpu.memory_space<vmem_shared>>) offsets(%dma_start3A_126 : memref<128xi32, #tpu.memory_space<vmem>>) semaphore(%arg17 : memref<!tpu.dma_semaphore, #tpu.memory_space<semaphore_mem>>) {add = true}
    }
    %scan3A_46 = arith.constant 20 : i32
    %dma_wait3A = arith.constant 0 : i32
    %dma_wait3A_47 = arith.constant 0 : i32
    %dma_wait3A_48 = tpu.memref_slice %arg9[%dma_wait3A, %dma_wait3A_47] : memref<40x128xi32, #tpu.memory_space<vmem>> -> memref<1x128xi32, #tpu.memory_space<vmem>>
    %dma_wait3A_49 = tpu.memref_squeeze %dma_wait3A_48 : memref<1x128xi32, #tpu.memory_space<vmem>> -> memref<128xi32, #tpu.memory_space<vmem>>
    %dma_wait3A_50 = arith.constant 0 : i32
    %dma_wait3A_51 = arith.constant 0 : i32
    %dma_wait3A_52 = tpu.memref_slice %arg11[%dma_wait3A_50, %dma_wait3A_51] : memref<10240x128xf32, #tpu.memory_space<vmem_shared>> -> memref<10240x128xf32, #tpu.memory_space<vmem_shared>>
    tpu.wait_indirect_dma semaphore(%arg16 : memref<!tpu.dma_semaphore, #tpu.memory_space<semaphore_mem>>) src(%arg12 : memref<128x128xf32, #tpu.memory_space<vmem>>) dst(%dma_wait3A_52 : memref<10240x128xf32, #tpu.memory_space<vmem_shared>>)
    %dma_wait3A_53 = arith.constant 0 : i32
    %dma_wait3A_54 = arith.constant 0 : i32
    %dma_wait3A_55 = tpu.memref_slice %arg9[%dma_wait3A_53, %dma_wait3A_54] : memref<40x128xi32, #tpu.memory_space<vmem>> -> memref<1x128xi32, #tpu.memory_space<vmem>>
    %dma_wait3A_56 = tpu.memref_squeeze %dma_wait3A_55 : memref<1x128xi32, #tpu.memory_space<vmem>> -> memref<128xi32, #tpu.memory_space<vmem>>
    %dma_wait3A_57 = arith.constant 0 : i32
    %dma_wait3A_58 = arith.constant 0 : i32
    %dma_wait3A_59 = tpu.memref_slice %arg11[%dma_wait3A_57, %dma_wait3A_58] : memref<10240x128xf32, #tpu.memory_space<vmem_shared>> -> memref<10240x128xf32, #tpu.memory_space<vmem_shared>>
    tpu.wait_indirect_dma semaphore(%arg17 : memref<!tpu.dma_semaphore, #tpu.memory_space<semaphore_mem>>) src(%arg13 : memref<128x128xf32, #tpu.memory_space<vmem>>) dst(%dma_wait3A_59 : memref<10240x128xf32, #tpu.memory_space<vmem_shared>>)
    %barrier3A_60 = arith.constant 0 : index
    tpu.barrier barrier_id(%barrier3A_60)
    %mul3A_61 = arith.constant 640 : i32
    %mul3A_62 = arith.muli %arg1, %mul3A_61 : i32
    %eq3A = arith.constant 0 : i32
    %eq3A_63 = arith.cmpi eq, %arg0, %eq3A : i32
    %convert_element_type3A = arith.extui %eq3A_63 : i1 to i32
    %cond3A = arith.constant 0 : i32
    %cond3A_64 = arith.cmpi ne, %convert_element_type3A, %cond3A : i32
    scf.if %cond3A_64 {
      "tpu.region"() ({
        %run_scoped3A = tpu.sem_alloc : memref<!tpu.dma_semaphore, #tpu.memory_space<semaphore_mem>>
        %dma_start3A_70 = arith.constant 0 : i32
        %dma_start3A_71 = tpu.memref_slice %arg6[%mul3A_62, %dma_start3A_70] : memref<10240x128xf32, #tpu.memory_space<hbm>> -> memref<640x128xf32, #tpu.memory_space<hbm>>
        %dma_start3A_72 = arith.constant 0 : i32
        %dma_start3A_73 = tpu.memref_slice %arg11[%mul3A_62, %dma_start3A_72] : memref<10240x128xf32, #tpu.memory_space<vmem_shared>> -> memref<640x128xf32, #tpu.memory_space<vmem_shared>>
        tpu.enqueue_dma source(%dma_start3A_73 : memref<640x128xf32, #tpu.memory_space<vmem_shared>>) target(%dma_start3A_71 : memref<640x128xf32, #tpu.memory_space<hbm>>) target_semaphore(%run_scoped3A : memref<!tpu.dma_semaphore, #tpu.memory_space<semaphore_mem>>)
        %dma_wait3A_74 = arith.constant 0 : i32
        %dma_wait3A_75 = tpu.memref_slice %arg6[%mul3A_62, %dma_wait3A_74] : memref<10240x128xf32, #tpu.memory_space<hbm>> -> memref<640x128xf32, #tpu.memory_space<hbm>>
        %dma_wait3A_76 = arith.constant 0 : i32
        %dma_wait3A_77 = tpu.memref_slice %arg11[%mul3A_62, %dma_wait3A_76] : memref<10240x128xf32, #tpu.memory_space<vmem_shared>> -> memref<640x128xf32, #tpu.memory_space<vmem_shared>>
        tpu.wait_dma2 semaphore(%run_scoped3A : memref<!tpu.dma_semaphore, #tpu.memory_space<semaphore_mem>>) src(%dma_wait3A_77 : memref<640x128xf32, #tpu.memory_space<vmem_shared>>) dst(%dma_wait3A_75 : memref<640x128xf32, #tpu.memory_space<hbm>>)
        tpu.yield
      }) : () -> ()
    } else {
    }
    %eq3A_65 = arith.constant 1 : i32
    %eq3A_66 = arith.cmpi eq, %arg0, %eq3A_65 : i32
    %convert_element_type3A_67 = arith.extui %eq3A_66 : i1 to i32
    %cond3A_68 = arith.constant 0 : i32
    %cond3A_69 = arith.cmpi ne, %convert_element_type3A_67, %cond3A_68 : i32
    scf.if %cond3A_69 {
      "tpu.region"() ({
        %run_scoped3A = tpu.sem_alloc : memref<!tpu.dma_semaphore, #tpu.memory_space<semaphore_mem>>
        %dma_start3A_70 = arith.constant 0 : i32
        %dma_start3A_71 = tpu.memref_slice %arg7[%mul3A_62, %dma_start3A_70] : memref<10240x128xf32, #tpu.memory_space<hbm>> -> memref<640x128xf32, #tpu.memory_space<hbm>>
        %dma_start3A_72 = arith.constant 0 : i32
        %dma_start3A_73 = tpu.memref_slice %arg11[%mul3A_62, %dma_start3A_72] : memref<10240x128xf32, #tpu.memory_space<vmem_shared>> -> memref<640x128xf32, #tpu.memory_space<vmem_shared>>
        tpu.enqueue_dma source(%dma_start3A_73 : memref<640x128xf32, #tpu.memory_space<vmem_shared>>) target(%dma_start3A_71 : memref<640x128xf32, #tpu.memory_space<hbm>>) target_semaphore(%run_scoped3A : memref<!tpu.dma_semaphore, #tpu.memory_space<semaphore_mem>>)
        %dma_wait3A_74 = arith.constant 0 : i32
        %dma_wait3A_75 = tpu.memref_slice %arg7[%mul3A_62, %dma_wait3A_74] : memref<10240x128xf32, #tpu.memory_space<hbm>> -> memref<640x128xf32, #tpu.memory_space<hbm>>
        %dma_wait3A_76 = arith.constant 0 : i32
        %dma_wait3A_77 = tpu.memref_slice %arg11[%mul3A_62, %dma_wait3A_76] : memref<10240x128xf32, #tpu.memory_space<vmem_shared>> -> memref<640x128xf32, #tpu.memory_space<vmem_shared>>
        tpu.wait_dma2 semaphore(%run_scoped3A : memref<!tpu.dma_semaphore, #tpu.memory_space<semaphore_mem>>) src(%dma_wait3A_77 : memref<640x128xf32, #tpu.memory_space<vmem_shared>>) dst(%dma_wait3A_75 : memref<640x128xf32, #tpu.memory_space<hbm>>)
        tpu.yield
      }) : () -> ()
    } else {
    }
    return
  }
}

#map = affine_map<(d0, d1) -> (0, 0)>
#map1 = affine_map<(d0, d1) -> (0)>
module attributes {stable_mosaic.version = 14 : i64} {
  func.func @body(%arg0: i32, %arg1: i32, %arg2: memref<10000x128xf32, #tpu.memory_space<hbm>>, %arg3: memref<1280x128xi32, #tpu.memory_space<hbm>>, %arg4: memref<1280x128xi32, #tpu.memory_space<hbm>>, %arg5: memref<163840xf32, #tpu.memory_space<hbm>>, %arg6: memref<10240x128xf32, #tpu.memory_space<hbm>>, %arg7: memref<10240x128xf32, #tpu.memory_space<hbm>>, %arg8: memref<40x128xi32, #tpu.memory_space<vmem>>, %arg9: memref<40x128xi32, #tpu.memory_space<vmem>>, %arg10: memref<5120xf32, #tpu.memory_space<vmem>>, %arg11: memref<10240x128xf32, #tpu.memory_space<vmem_shared>>, %arg12: memref<128x128xf32, #tpu.memory_space<vmem>>, %arg13: memref<128x128xf32, #tpu.memory_space<vmem>>, %arg14: memref<!tpu.dma_semaphore, #tpu.memory_space<semaphore_mem>>, %arg15: memref<!tpu.dma_semaphore, #tpu.memory_space<semaphore_mem>>, %arg16: memref<!tpu.dma_semaphore, #tpu.memory_space<semaphore_mem>>, %arg17: memref<!tpu.dma_semaphore, #tpu.memory_space<semaphore_mem>>) attributes {dimension_semantics = [#tpu.dimension_semantics<core_parallel>, #tpu.dimension_semantics<subcore_parallel>], iteration_bounds = array<i64: 2, 16>, scalar_prefetch = 0 : i64, scratch_operands = 10 : i64, tpu.core_type = #tpu.core_type<sc_vector_subcore>, window_params = [{transform_indices = #map}, {transform_indices = #map}, {transform_indices = #map}, {transform_indices = #map1}, {transform_indices = #map}, {transform_indices = #map}]} {
    %scan3A = arith.constant 0 : i32
    %scan3A_0 = arith.constant 128 : i32
    %scan3A_1 = arith.addi %scan3A, %scan3A_0 : i32
    %scan3A_2 = arith.constant 1 : i32
    scf.for %scan3A_70 = %scan3A to %scan3A_1 step %scan3A_2  : i32 {
      %mul3A_71 = arith.constant 1 : i32
      %mul3A_72 = arith.muli %scan3A_70, %mul3A_71 : i32
      %add3A_73 = arith.constant 0 : i32
      %add3A_74 = arith.addi %add3A_73, %mul3A_72 : i32
      %broadcast_in_dim3A = arith.constant 0.000000e+00 : f32
      %broadcast_in_dim3A_75 = vector.broadcast %broadcast_in_dim3A : f32 to vector<16xf32>
      %swap3A = arith.index_cast %add3A_74 : i32 to index
      %swap3A_76 = arith.constant 0 : index
      %swap3A_77 = tpu.vector_load %arg12[%swap3A, %swap3A_76] {strides = array<i32>} : memref<128x128xf32, #tpu.memory_space<vmem>>, vector<16xf32>,
      tpu.vector_store %arg12[%swap3A, %swap3A_76], %broadcast_in_dim3A_75 {strides = array<i32>} : memref<128x128xf32, #tpu.memory_space<vmem>>, vector<16xf32>,
      %broadcast_in_dim3A_78 = arith.constant 0.000000e+00 : f32
      %broadcast_in_dim3A_79 = vector.broadcast %broadcast_in_dim3A_78 : f32 to vector<16xf32>
      %swap3A_80 = arith.index_cast %add3A_74 : i32 to index
      %swap3A_81 = arith.constant 16 : index
      %swap3A_82 = tpu.vector_load %arg12[%swap3A_80, %swap3A_81] {strides = array<i32>} : memref<128x128xf32, #tpu.memory_space<vmem>>, vector<16xf32>,
      tpu.vector_store %arg12[%swap3A_80, %swap3A_81], %broadcast_in_dim3A_79 {strides = array<i32>} : memref<128x128xf32, #tpu.memory_space<vmem>>, vector<16xf32>,
      %broadcast_in_dim3A_83 = arith.constant 0.000000e+00 : f32
      %broadcast_in_dim3A_84 = vector.broadcast %broadcast_in_dim3A_83 : f32 to vector<16xf32>
      %swap3A_85 = arith.index_cast %add3A_74 : i32 to index
      %swap3A_86 = arith.constant 32 : index
      %swap3A_87 = tpu.vector_load %arg12[%swap3A_85, %swap3A_86] {strides = array<i32>} : memref<128x128xf32, #tpu.memory_space<vmem>>, vector<16xf32>,
      tpu.vector_store %arg12[%swap3A_85, %swap3A_86], %broadcast_in_dim3A_84 {strides = array<i32>} : memref<128x128xf32, #tpu.memory_space<vmem>>, vector<16xf32>,
      %broadcast_in_dim3A_88 = arith.constant 0.000000e+00 : f32
      %broadcast_in_dim3A_89 = vector.broadcast %broadcast_in_dim3A_88 : f32 to vector<16xf32>
      %swap3A_90 = arith.index_cast %add3A_74 : i32 to index
      %swap3A_91 = arith.constant 48 : index
      %swap3A_92 = tpu.vector_load %arg12[%swap3A_90, %swap3A_91] {strides = array<i32>} : memref<128x128xf32, #tpu.memory_space<vmem>>, vector<16xf32>,
      tpu.vector_store %arg12[%swap3A_90, %swap3A_91], %broadcast_in_dim3A_89 {strides = array<i32>} : memref<128x128xf32, #tpu.memory_space<vmem>>, vector<16xf32>,
      %broadcast_in_dim3A_93 = arith.constant 0.000000e+00 : f32
      %broadcast_in_dim3A_94 = vector.broadcast %broadcast_in_dim3A_93 : f32 to vector<16xf32>
      %swap3A_95 = arith.index_cast %add3A_74 : i32 to index
      %swap3A_96 = arith.constant 64 : index
      %swap3A_97 = tpu.vector_load %arg12[%swap3A_95, %swap3A_96] {strides = array<i32>} : memref<128x128xf32, #tpu.memory_space<vmem>>, vector<16xf32>,
      tpu.vector_store %arg12[%swap3A_95, %swap3A_96], %broadcast_in_dim3A_94 {strides = array<i32>} : memref<128x128xf32, #tpu.memory_space<vmem>>, vector<16xf32>,
      %broadcast_in_dim3A_98 = arith.constant 0.000000e+00 : f32
      %broadcast_in_dim3A_99 = vector.broadcast %broadcast_in_dim3A_98 : f32 to vector<16xf32>
      %swap3A_100 = arith.index_cast %add3A_74 : i32 to index
      %swap3A_101 = arith.constant 80 : index
      %swap3A_102 = tpu.vector_load %arg12[%swap3A_100, %swap3A_101] {strides = array<i32>} : memref<128x128xf32, #tpu.memory_space<vmem>>, vector<16xf32>,
      tpu.vector_store %arg12[%swap3A_100, %swap3A_101], %broadcast_in_dim3A_99 {strides = array<i32>} : memref<128x128xf32, #tpu.memory_space<vmem>>, vector<16xf32>,
      %broadcast_in_dim3A_103 = arith.constant 0.000000e+00 : f32
      %broadcast_in_dim3A_104 = vector.broadcast %broadcast_in_dim3A_103 : f32 to vector<16xf32>
      %swap3A_105 = arith.index_cast %add3A_74 : i32 to index
      %swap3A_106 = arith.constant 96 : index
      %swap3A_107 = tpu.vector_load %arg12[%swap3A_105, %swap3A_106] {strides = array<i32>} : memref<128x128xf32, #tpu.memory_space<vmem>>, vector<16xf32>,
      tpu.vector_store %arg12[%swap3A_105, %swap3A_106], %broadcast_in_dim3A_104 {strides = array<i32>} : memref<128x128xf32, #tpu.memory_space<vmem>>, vector<16xf32>,
      %broadcast_in_dim3A_108 = arith.constant 0.000000e+00 : f32
      %broadcast_in_dim3A_109 = vector.broadcast %broadcast_in_dim3A_108 : f32 to vector<16xf32>
      %swap3A_110 = arith.index_cast %add3A_74 : i32 to index
      %swap3A_111 = arith.constant 112 : index
      %swap3A_112 = tpu.vector_load %arg12[%swap3A_110, %swap3A_111] {strides = array<i32>} : memref<128x128xf32, #tpu.memory_space<vmem>>, vector<16xf32>,
      tpu.vector_store %arg12[%swap3A_110, %swap3A_111], %broadcast_in_dim3A_109 {strides = array<i32>} : memref<128x128xf32, #tpu.memory_space<vmem>>, vector<16xf32>,
    }
    %scan3A_3 = arith.constant 128 : i32
    %mul3A = arith.constant 640 : i32
    %mul3A_4 = arith.muli %arg1, %mul3A : i32
    %add3A = arith.constant 0 : i32
    %add3A_5 = arith.addi %mul3A_4, %add3A : i32
    "tpu.region"() ({
      %run_scoped3A = tpu.sem_alloc : memref<!tpu.dma_semaphore, #tpu.memory_space<semaphore_mem>>
      %dma_start3A_70 = arith.constant 0 : i32
      %dma_start3A_71 = tpu.memref_slice %arg11[%add3A_5, %dma_start3A_70] : memref<10240x128xf32, #tpu.memory_space<vmem_shared>> -> memref<128x128xf32, #tpu.memory_space<vmem_shared>>
      %dma_start3A_72 = arith.constant 0 : i32
      %dma_start3A_73 = tpu.memref_slice %arg11[%add3A_5, %dma_start3A_72] : memref<10240x128xf32, #tpu.memory_space<vmem_shared>> -> memref<128x128xf32, #tpu.memory_space<vmem_shared>>
      tpu.enqueue_dma source(%arg12 : memref<128x128xf32, #tpu.memory_space<vmem>>) target(%dma_start3A_73 : memref<128x128xf32, #tpu.memory_space<vmem_shared>>) target_semaphore(%run_scoped3A : memref<!tpu.dma_semaphore, #tpu.memory_space<semaphore_mem>>)
      %dma_wait3A_74 = arith.constant 0 : i32
      %dma_wait3A_75 = tpu.memref_slice %arg11[%add3A_5, %dma_wait3A_74] : memref<10240x128xf32, #tpu.memory_space<vmem_shared>> -> memref<128x128xf32, #tpu.memory_space<vmem_shared>>
      %dma_wait3A_76 = arith.constant 0 : i32
      %dma_wait3A_77 = tpu.memref_slice %arg11[%add3A_5, %dma_wait3A_76] : memref<10240x128xf32, #tpu.memory_space<vmem_shared>> -> memref<128x128xf32, #tpu.memory_space<vmem_shared>>
      tpu.wait_dma2 semaphore(%run_scoped3A : memref<!tpu.dma_semaphore, #tpu.memory_space<semaphore_mem>>) src(%arg12 : memref<128x128xf32, #tpu.memory_space<vmem>>) dst(%dma_wait3A_77 : memref<128x128xf32, #tpu.memory_space<vmem_shared>>)
      tpu.yield
    }) : () -> ()
    %mul3A_6 = arith.constant 640 : i32
    %mul3A_7 = arith.muli %arg1, %mul3A_6 : i32
    %add3A_8 = arith.constant 128 : i32
    %add3A_9 = arith.addi %mul3A_7, %add3A_8 : i32
    "tpu.region"() ({
      %run_scoped3A = tpu.sem_alloc : memref<!tpu.dma_semaphore, #tpu.memory_space<semaphore_mem>>
      %dma_start3A_70 = arith.constant 0 : i32
      %dma_start3A_71 = tpu.memref_slice %arg11[%add3A_9, %dma_start3A_70] : memref<10240x128xf32, #tpu.memory_space<vmem_shared>> -> memref<128x128xf32, #tpu.memory_space<vmem_shared>>
      %dma_start3A_72 = arith.constant 0 : i32
      %dma_start3A_73 = tpu.memref_slice %arg11[%add3A_9, %dma_start3A_72] : memref<10240x128xf32, #tpu.memory_space<vmem_shared>> -> memref<128x128xf32, #tpu.memory_space<vmem_shared>>
      tpu.enqueue_dma source(%arg12 : memref<128x128xf32, #tpu.memory_space<vmem>>) target(%dma_start3A_73 : memref<128x128xf32, #tpu.memory_space<vmem_shared>>) target_semaphore(%run_scoped3A : memref<!tpu.dma_semaphore, #tpu.memory_space<semaphore_mem>>)
      %dma_wait3A_74 = arith.constant 0 : i32
      %dma_wait3A_75 = tpu.memref_slice %arg11[%add3A_9, %dma_wait3A_74] : memref<10240x128xf32, #tpu.memory_space<vmem_shared>> -> memref<128x128xf32, #tpu.memory_space<vmem_shared>>
      %dma_wait3A_76 = arith.constant 0 : i32
      %dma_wait3A_77 = tpu.memref_slice %arg11[%add3A_9, %dma_wait3A_76] : memref<10240x128xf32, #tpu.memory_space<vmem_shared>> -> memref<128x128xf32, #tpu.memory_space<vmem_shared>>
      tpu.wait_dma2 semaphore(%run_scoped3A : memref<!tpu.dma_semaphore, #tpu.memory_space<semaphore_mem>>) src(%arg12 : memref<128x128xf32, #tpu.memory_space<vmem>>) dst(%dma_wait3A_77 : memref<128x128xf32, #tpu.memory_space<vmem_shared>>)
      tpu.yield
    }) : () -> ()
    %mul3A_10 = arith.constant 640 : i32
    %mul3A_11 = arith.muli %arg1, %mul3A_10 : i32
    %add3A_12 = arith.constant 256 : i32
    %add3A_13 = arith.addi %mul3A_11, %add3A_12 : i32
    "tpu.region"() ({
      %run_scoped3A = tpu.sem_alloc : memref<!tpu.dma_semaphore, #tpu.memory_space<semaphore_mem>>
      %dma_start3A_70 = arith.constant 0 : i32
      %dma_start3A_71 = tpu.memref_slice %arg11[%add3A_13, %dma_start3A_70] : memref<10240x128xf32, #tpu.memory_space<vmem_shared>> -> memref<128x128xf32, #tpu.memory_space<vmem_shared>>
      %dma_start3A_72 = arith.constant 0 : i32
      %dma_start3A_73 = tpu.memref_slice %arg11[%add3A_13, %dma_start3A_72] : memref<10240x128xf32, #tpu.memory_space<vmem_shared>> -> memref<128x128xf32, #tpu.memory_space<vmem_shared>>
      tpu.enqueue_dma source(%arg12 : memref<128x128xf32, #tpu.memory_space<vmem>>) target(%dma_start3A_73 : memref<128x128xf32, #tpu.memory_space<vmem_shared>>) target_semaphore(%run_scoped3A : memref<!tpu.dma_semaphore, #tpu.memory_space<semaphore_mem>>)
      %dma_wait3A_74 = arith.constant 0 : i32
      %dma_wait3A_75 = tpu.memref_slice %arg11[%add3A_13, %dma_wait3A_74] : memref<10240x128xf32, #tpu.memory_space<vmem_shared>> -> memref<128x128xf32, #tpu.memory_space<vmem_shared>>
      %dma_wait3A_76 = arith.constant 0 : i32
      %dma_wait3A_77 = tpu.memref_slice %arg11[%add3A_13, %dma_wait3A_76] : memref<10240x128xf32, #tpu.memory_space<vmem_shared>> -> memref<128x128xf32, #tpu.memory_space<vmem_shared>>
      tpu.wait_dma2 semaphore(%run_scoped3A : memref<!tpu.dma_semaphore, #tpu.memory_space<semaphore_mem>>) src(%arg12 : memref<128x128xf32, #tpu.memory_space<vmem>>) dst(%dma_wait3A_77 : memref<128x128xf32, #tpu.memory_space<vmem_shared>>)
      tpu.yield
    }) : () -> ()
    %mul3A_14 = arith.constant 640 : i32
    %mul3A_15 = arith.muli %arg1, %mul3A_14 : i32
    %add3A_16 = arith.constant 384 : i32
    %add3A_17 = arith.addi %mul3A_15, %add3A_16 : i32
    "tpu.region"() ({
      %run_scoped3A = tpu.sem_alloc : memref<!tpu.dma_semaphore, #tpu.memory_space<semaphore_mem>>
      %dma_start3A_70 = arith.constant 0 : i32
      %dma_start3A_71 = tpu.memref_slice %arg11[%add3A_17, %dma_start3A_70] : memref<10240x128xf32, #tpu.memory_space<vmem_shared>> -> memref<128x128xf32, #tpu.memory_space<vmem_shared>>
      %dma_start3A_72 = arith.constant 0 : i32
      %dma_start3A_73 = tpu.memref_slice %arg11[%add3A_17, %dma_start3A_72] : memref<10240x128xf32, #tpu.memory_space<vmem_shared>> -> memref<128x128xf32, #tpu.memory_space<vmem_shared>>
      tpu.enqueue_dma source(%arg12 : memref<128x128xf32, #tpu.memory_space<vmem>>) target(%dma_start3A_73 : memref<128x128xf32, #tpu.memory_space<vmem_shared>>) target_semaphore(%run_scoped3A : memref<!tpu.dma_semaphore, #tpu.memory_space<semaphore_mem>>)
      %dma_wait3A_74 = arith.constant 0 : i32
      %dma_wait3A_75 = tpu.memref_slice %arg11[%add3A_17, %dma_wait3A_74] : memref<10240x128xf32, #tpu.memory_space<vmem_shared>> -> memref<128x128xf32, #tpu.memory_space<vmem_shared>>
      %dma_wait3A_76 = arith.constant 0 : i32
      %dma_wait3A_77 = tpu.memref_slice %arg11[%add3A_17, %dma_wait3A_76] : memref<10240x128xf32, #tpu.memory_space<vmem_shared>> -> memref<128x128xf32, #tpu.memory_space<vmem_shared>>
      tpu.wait_dma2 semaphore(%run_scoped3A : memref<!tpu.dma_semaphore, #tpu.memory_space<semaphore_mem>>) src(%arg12 : memref<128x128xf32, #tpu.memory_space<vmem>>) dst(%dma_wait3A_77 : memref<128x128xf32, #tpu.memory_space<vmem_shared>>)
      tpu.yield
    }) : () -> ()
    %mul3A_18 = arith.constant 640 : i32
    %mul3A_19 = arith.muli %arg1, %mul3A_18 : i32
    %add3A_20 = arith.constant 512 : i32
    %add3A_21 = arith.addi %mul3A_19, %add3A_20 : i32
    "tpu.region"() ({
      %run_scoped3A = tpu.sem_alloc : memref<!tpu.dma_semaphore, #tpu.memory_space<semaphore_mem>>
      %dma_start3A_70 = arith.constant 0 : i32
      %dma_start3A_71 = tpu.memref_slice %arg11[%add3A_21, %dma_start3A_70] : memref<10240x128xf32, #tpu.memory_space<vmem_shared>> -> memref<128x128xf32, #tpu.memory_space<vmem_shared>>
      %dma_start3A_72 = arith.constant 0 : i32
      %dma_start3A_73 = tpu.memref_slice %arg11[%add3A_21, %dma_start3A_72] : memref<10240x128xf32, #tpu.memory_space<vmem_shared>> -> memref<128x128xf32, #tpu.memory_space<vmem_shared>>
      tpu.enqueue_dma source(%arg12 : memref<128x128xf32, #tpu.memory_space<vmem>>) target(%dma_start3A_73 : memref<128x128xf32, #tpu.memory_space<vmem_shared>>) target_semaphore(%run_scoped3A : memref<!tpu.dma_semaphore, #tpu.memory_space<semaphore_mem>>)
      %dma_wait3A_74 = arith.constant 0 : i32
      %dma_wait3A_75 = tpu.memref_slice %arg11[%add3A_21, %dma_wait3A_74] : memref<10240x128xf32, #tpu.memory_space<vmem_shared>> -> memref<128x128xf32, #tpu.memory_space<vmem_shared>>
      %dma_wait3A_76 = arith.constant 0 : i32
      %dma_wait3A_77 = tpu.memref_slice %arg11[%add3A_21, %dma_wait3A_76] : memref<10240x128xf32, #tpu.memory_space<vmem_shared>> -> memref<128x128xf32, #tpu.memory_space<vmem_shared>>
      tpu.wait_dma2 semaphore(%run_scoped3A : memref<!tpu.dma_semaphore, #tpu.memory_space<semaphore_mem>>) src(%arg12 : memref<128x128xf32, #tpu.memory_space<vmem>>) dst(%dma_wait3A_77 : memref<128x128xf32, #tpu.memory_space<vmem_shared>>)
      tpu.yield
    }) : () -> ()
    %mul3A_22 = arith.constant 16 : i32
    %mul3A_23 = arith.muli %arg0, %mul3A_22 : i32
    %add3A_24 = arith.addi %mul3A_23, %arg1 : i32
    %mul3A_25 = arith.constant 40 : i32
    %mul3A_26 = arith.muli %add3A_24, %mul3A_25 : i32
    "tpu.region"() ({
      %run_scoped3A = tpu.sem_alloc : memref<!tpu.dma_semaphore, #tpu.memory_space<semaphore_mem>>
      %dma_start3A_70 = arith.constant 0 : i32
      %dma_start3A_71 = tpu.memref_slice %arg3[%mul3A_26, %dma_start3A_70] : memref<1280x128xi32, #tpu.memory_space<hbm>> -> memref<40x128xi32, #tpu.memory_space<hbm>>
      %dma_start3A_72 = arith.constant 0 : i32
      %dma_start3A_73 = tpu.memref_slice %arg3[%mul3A_26, %dma_start3A_72] : memref<1280x128xi32, #tpu.memory_space<hbm>> -> memref<40x128xi32, #tpu.memory_space<hbm>>
      tpu.enqueue_dma source(%dma_start3A_73 : memref<40x128xi32, #tpu.memory_space<hbm>>) target(%arg8 : memref<40x128xi32, #tpu.memory_space<vmem>>) target_semaphore(%run_scoped3A : memref<!tpu.dma_semaphore, #tpu.memory_space<semaphore_mem>>)
      %dma_wait3A_74 = arith.constant 0 : i32
      %dma_wait3A_75 = tpu.memref_slice %arg3[%mul3A_26, %dma_wait3A_74] : memref<1280x128xi32, #tpu.memory_space<hbm>> -> memref<40x128xi32, #tpu.memory_space<hbm>>
      %dma_wait3A_76 = arith.constant 0 : i32
      %dma_wait3A_77 = tpu.memref_slice %arg3[%mul3A_26, %dma_wait3A_76] : memref<1280x128xi32, #tpu.memory_space<hbm>> -> memref<40x128xi32, #tpu.memory_space<hbm>>
      tpu.wait_dma2 semaphore(%run_scoped3A : memref<!tpu.dma_semaphore, #tpu.memory_space<semaphore_mem>>) src(%dma_wait3A_77 : memref<40x128xi32, #tpu.memory_space<hbm>>) dst(%arg8 : memref<40x128xi32, #tpu.memory_space<vmem>>)
      tpu.yield
    }) : () -> ()
    "tpu.region"() ({
      %run_scoped3A = tpu.sem_alloc : memref<!tpu.dma_semaphore, #tpu.memory_space<semaphore_mem>>
      %dma_start3A_70 = arith.constant 0 : i32
      %dma_start3A_71 = tpu.memref_slice %arg4[%mul3A_26, %dma_start3A_70] : memref<1280x128xi32, #tpu.memory_space<hbm>> -> memref<40x128xi32, #tpu.memory_space<hbm>>
      %dma_start3A_72 = arith.constant 0 : i32
      %dma_start3A_73 = tpu.memref_slice %arg4[%mul3A_26, %dma_start3A_72] : memref<1280x128xi32, #tpu.memory_space<hbm>> -> memref<40x128xi32, #tpu.memory_space<hbm>>
      tpu.enqueue_dma source(%dma_start3A_73 : memref<40x128xi32, #tpu.memory_space<hbm>>) target(%arg9 : memref<40x128xi32, #tpu.memory_space<vmem>>) target_semaphore(%run_scoped3A : memref<!tpu.dma_semaphore, #tpu.memory_space<semaphore_mem>>)
      %dma_wait3A_74 = arith.constant 0 : i32
      %dma_wait3A_75 = tpu.memref_slice %arg4[%mul3A_26, %dma_wait3A_74] : memref<1280x128xi32, #tpu.memory_space<hbm>> -> memref<40x128xi32, #tpu.memory_space<hbm>>
      %dma_wait3A_76 = arith.constant 0 : i32
      %dma_wait3A_77 = tpu.memref_slice %arg4[%mul3A_26, %dma_wait3A_76] : memref<1280x128xi32, #tpu.memory_space<hbm>> -> memref<40x128xi32, #tpu.memory_space<hbm>>
      tpu.wait_dma2 semaphore(%run_scoped3A : memref<!tpu.dma_semaphore, #tpu.memory_space<semaphore_mem>>) src(%dma_wait3A_77 : memref<40x128xi32, #tpu.memory_space<hbm>>) dst(%arg9 : memref<40x128xi32, #tpu.memory_space<vmem>>)
      tpu.yield
    }) : () -> ()
    %mul3A_27 = arith.constant 128 : i32
    %mul3A_28 = arith.muli %mul3A_26, %mul3A_27 : i32
    "tpu.region"() ({
      %run_scoped3A = tpu.sem_alloc : memref<!tpu.dma_semaphore, #tpu.memory_space<semaphore_mem>>
      %dma_start3A_70 = tpu.memref_slice %arg5[%mul3A_28] : memref<163840xf32, #tpu.memory_space<hbm>> -> memref<5120xf32, #tpu.memory_space<hbm>>
      %dma_start3A_71 = tpu.memref_slice %arg5[%mul3A_28] : memref<163840xf32, #tpu.memory_space<hbm>> -> memref<5120xf32, #tpu.memory_space<hbm>>
      tpu.enqueue_dma source(%dma_start3A_71 : memref<5120xf32, #tpu.memory_space<hbm>>) target(%arg10 : memref<5120xf32, #tpu.memory_space<vmem>>) target_semaphore(%run_scoped3A : memref<!tpu.dma_semaphore, #tpu.memory_space<semaphore_mem>>)
      %dma_wait3A_72 = tpu.memref_slice %arg5[%mul3A_28] : memref<163840xf32, #tpu.memory_space<hbm>> -> memref<5120xf32, #tpu.memory_space<hbm>>
      %dma_wait3A_73 = tpu.memref_slice %arg5[%mul3A_28] : memref<163840xf32, #tpu.memory_space<hbm>> -> memref<5120xf32, #tpu.memory_space<hbm>>
      tpu.wait_dma2 semaphore(%run_scoped3A : memref<!tpu.dma_semaphore, #tpu.memory_space<semaphore_mem>>) src(%dma_wait3A_73 : memref<5120xf32, #tpu.memory_space<hbm>>) dst(%arg10 : memref<5120xf32, #tpu.memory_space<vmem>>)
      tpu.yield
    }) : () -> ()
    %barrier3A = arith.constant 0 : index
    tpu.barrier barrier_id(%barrier3A)
    %dma_start3A = arith.constant 0 : i32
    %dma_start3A_29 = arith.constant 0 : i32
    %dma_start3A_30 = tpu.memref_slice %arg8[%dma_start3A, %dma_start3A_29] : memref<40x128xi32, #tpu.memory_space<vmem>> -> memref<1x128xi32, #tpu.memory_space<vmem>>
    %dma_start3A_31 = tpu.memref_squeeze %dma_start3A_30 : memref<1x128xi32, #tpu.memory_space<vmem>> -> memref<128xi32, #tpu.memory_space<vmem>>
    %dma_start3A_32 = arith.constant 0 : i32
    %dma_start3A_33 = arith.constant 0 : i32
    %dma_start3A_34 = tpu.memref_slice %arg2[%dma_start3A_32, %dma_start3A_33] : memref<10000x128xf32, #tpu.memory_space<hbm>> -> memref<10000x128xf32, #tpu.memory_space<hbm>>
    tpu.enqueue_indirect_dma source(%dma_start3A_34 : memref<10000x128xf32, #tpu.memory_space<hbm>>) target(%arg12 : memref<128x128xf32, #tpu.memory_space<vmem>>) offsets(%dma_start3A_31 : memref<128xi32, #tpu.memory_space<vmem>>) semaphore(%arg14 : memref<!tpu.dma_semaphore, #tpu.memory_space<semaphore_mem>>)
    %dma_start3A_35 = arith.constant 1 : i32
    %dma_start3A_36 = arith.constant 0 : i32
    %dma_start3A_37 = tpu.memref_slice %arg8[%dma_start3A_35, %dma_start3A_36] : memref<40x128xi32, #tpu.memory_space<vmem>> -> memref<1x128xi32, #tpu.memory_space<vmem>>
    %dma_start3A_38 = tpu.memref_squeeze %dma_start3A_37 : memref<1x128xi32, #tpu.memory_space<vmem>> -> memref<128xi32, #tpu.memory_space<vmem>>
    %dma_start3A_39 = arith.constant 0 : i32
    %dma_start3A_40 = arith.constant 0 : i32
    %dma_start3A_41 = tpu.memref_slice %arg2[%dma_start3A_39, %dma_start3A_40] : memref<10000x128xf32, #tpu.memory_space<hbm>> -> memref<10000x128xf32, #tpu.memory_space<hbm>>
    tpu.enqueue_indirect_dma source(%dma_start3A_41 : memref<10000x128xf32, #tpu.memory_space<hbm>>) target(%arg13 : memref<128x128xf32, #tpu.memory_space<vmem>>) offsets(%dma_start3A_38 : memref<128xi32, #tpu.memory_space<vmem>>) semaphore(%arg15 : memref<!tpu.dma_semaphore, #tpu.memory_space<semaphore_mem>>)
    %scan3A_42 = arith.constant 0 : i32
    %scan3A_43 = arith.constant 20 : i32
    %scan3A_44 = arith.addi %scan3A_42, %scan3A_43 : i32
    %scan3A_45 = arith.constant 1 : i32
    scf.for %scan3A_70 = %scan3A_42 to %scan3A_44 step %scan3A_45  : i32 {
      %mul3A_71 = arith.constant 2 : i32
      %mul3A_72 = arith.muli %scan3A_70, %mul3A_71 : i32
      %add3A_73 = arith.constant 0 : i32
      %add3A_74 = arith.addi %add3A_73, %mul3A_72 : i32
      %add3A_75 = arith.constant 0 : i32
      %add3A_76 = arith.addi %add3A_74, %add3A_75 : i32
      %dma_wait3A_77 = arith.constant 0 : i32
      %dma_wait3A_78 = arith.constant 0 : i32
      %dma_wait3A_79 = tpu.memref_slice %arg8[%dma_wait3A_77, %dma_wait3A_78] : memref<40x128xi32, #tpu.memory_space<vmem>> -> memref<1x128xi32, #tpu.memory_space<vmem>>
      %dma_wait3A_80 = tpu.memref_squeeze %dma_wait3A_79 : memref<1x128xi32, #tpu.memory_space<vmem>> -> memref<128xi32, #tpu.memory_space<vmem>>
      %dma_wait3A_81 = arith.constant 0 : i32
      %dma_wait3A_82 = arith.constant 0 : i32
      %dma_wait3A_83 = tpu.memref_slice %arg2[%dma_wait3A_81, %dma_wait3A_82] : memref<10000x128xf32, #tpu.memory_space<hbm>> -> memref<10000x128xf32, #tpu.memory_space<hbm>>
      tpu.wait_indirect_dma semaphore(%arg14 : memref<!tpu.dma_semaphore, #tpu.memory_space<semaphore_mem>>) src(%dma_wait3A_83 : memref<10000x128xf32, #tpu.memory_space<hbm>>) dst(%arg12 : memref<128x128xf32, #tpu.memory_space<vmem>>)
      %ge3A = arith.constant 1 : i32
      %ge3A_84 = arith.cmpi sge, %add3A_76, %ge3A : i32
      %add3A_85 = arith.constant 2 : i32
      %add3A_86 = arith.addi %add3A_76, %add3A_85 : i32
      %sub3A = arith.constant 1 : i32
      %sub3A_87 = arith.subi %add3A_86, %sub3A : i32
      %lt3A = arith.constant 40 : i32
      %lt3A_88 = arith.cmpi slt, %sub3A_87, %lt3A : i32
      %and3A = arith.andi %ge3A_84, %lt3A_88 : i1
      %convert_element_type3A_89 = arith.extui %and3A : i1 to i32
      %cond3A_90 = arith.constant 0 : i32
      %cond3A_91 = arith.cmpi ne, %convert_element_type3A_89, %cond3A_90 : i32
      scf.if %cond3A_91 {
        %dma_wait3A_130 = arith.constant 0 : i32
        %dma_wait3A_131 = arith.constant 0 : i32
        %dma_wait3A_132 = tpu.memref_slice %arg9[%dma_wait3A_130, %dma_wait3A_131] : memref<40x128xi32, #tpu.memory_space<vmem>> -> memref<1x128xi32, #tpu.memory_space<vmem>>
        %dma_wait3A_133 = tpu.memref_squeeze %dma_wait3A_132 : memref<1x128xi32, #tpu.memory_space<vmem>> -> memref<128xi32, #tpu.memory_space<vmem>>
        %dma_wait3A_134 = arith.constant 0 : i32
        %dma_wait3A_135 = arith.constant 0 : i32
        %dma_wait3A_136 = tpu.memref_slice %arg11[%dma_wait3A_134, %dma_wait3A_135] : memref<10240x128xf32, #tpu.memory_space<vmem_shared>> -> memref<10240x128xf32, #tpu.memory_space<vmem_shared>>
        tpu.wait_indirect_dma semaphore(%arg17 : memref<!tpu.dma_semaphore, #tpu.memory_space<semaphore_mem>>) src(%arg13 : memref<128x128xf32, #tpu.memory_space<vmem>>) dst(%dma_wait3A_136 : memref<10240x128xf32, #tpu.memory_space<vmem_shared>>)
        %add3A_137 = arith.constant 2 : i32
        %add3A_138 = arith.addi %add3A_76, %add3A_137 : i32
        %sub3A_139 = arith.constant 1 : i32
        %sub3A_140 = arith.subi %add3A_138, %sub3A_139 : i32
        %dma_start3A_141 = arith.constant 0 : i32
        %dma_start3A_142 = tpu.memref_slice %arg8[%sub3A_140, %dma_start3A_141] : memref<40x128xi32, #tpu.memory_space<vmem>> -> memref<1x128xi32, #tpu.memory_space<vmem>>
        %dma_start3A_143 = tpu.memref_squeeze %dma_start3A_142 : memref<1x128xi32, #tpu.memory_space<vmem>> -> memref<128xi32, #tpu.memory_space<vmem>>
        %dma_start3A_144 = arith.constant 0 : i32
        %dma_start3A_145 = arith.constant 0 : i32
        %dma_start3A_146 = tpu.memref_slice %arg2[%dma_start3A_144, %dma_start3A_145] : memref<10000x128xf32, #tpu.memory_space<hbm>> -> memref<10000x128xf32, #tpu.memory_space<hbm>>
        tpu.enqueue_indirect_dma source(%dma_start3A_146 : memref<10000x128xf32, #tpu.memory_space<hbm>>) target(%arg13 : memref<128x128xf32, #tpu.memory_space<vmem>>) offsets(%dma_start3A_143 : memref<128xi32, #tpu.memory_space<vmem>>) semaphore(%arg15 : memref<!tpu.dma_semaphore, #tpu.memory_space<semaphore_mem>>)
      } else {
      }
      %parallel_loop3A = arith.constant 0 : i32
      %parallel_loop3A_92 = arith.constant 128 : i32
      %parallel_loop3A_93 = arith.constant 1 : i32
      scf.for %parallel_loop3A_130 = %parallel_loop3A to %parallel_loop3A_92 step %parallel_loop3A_93  : i32 {
        %parallel_loop3A_131 = arith.constant 128 : i32
        %parallel_loop3A_132 = arith.muli %add3A_76, %parallel_loop3A_131 : i32
        %parallel_loop3A_133 = arith.addi %parallel_loop3A_132, %parallel_loop3A_130 : i32
        %parallel_loop3A_134 = vector.broadcast %parallel_loop3A_133 : i32 to vector<16xi32>
        %parallel_loop3A_135 = tpu.vector_load_idx %arg10[%parallel_loop3A_134] : memref<5120xf32, #tpu.memory_space<vmem>>[vector<16xi32>], vector<16xf32>,
        %parallel_loop3A_136 = arith.index_cast %parallel_loop3A_130 : i32 to index
        %parallel_loop3A_137 = arith.constant 0 : index
        %parallel_loop3A_138 = tpu.vector_load %arg12[%parallel_loop3A_136, %parallel_loop3A_137] {strides = array<i32>} : memref<128x128xf32, #tpu.memory_space<vmem>>, vector<16xf32>,
        %parallel_loop3A_139 = arith.mulf %parallel_loop3A_138, %parallel_loop3A_135 : vector<16xf32>
        %parallel_loop3A_140 = arith.index_cast %parallel_loop3A_130 : i32 to index
        %parallel_loop3A_141 = arith.constant 0 : index
        %parallel_loop3A_142 = tpu.vector_load %arg12[%parallel_loop3A_140, %parallel_loop3A_141] {strides = array<i32>} : memref<128x128xf32, #tpu.memory_space<vmem>>, vector<16xf32>,
        tpu.vector_store %arg12[%parallel_loop3A_140, %parallel_loop3A_141], %parallel_loop3A_139 {strides = array<i32>} : memref<128x128xf32, #tpu.memory_space<vmem>>, vector<16xf32>,
        %parallel_loop3A_143 = arith.index_cast %parallel_loop3A_130 : i32 to index
        %parallel_loop3A_144 = arith.constant 16 : index
        %parallel_loop3A_145 = tpu.vector_load %arg12[%parallel_loop3A_143, %parallel_loop3A_144] {strides = array<i32>} : memref<128x128xf32, #tpu.memory_space<vmem>>, vector<16xf32>,
        %parallel_loop3A_146 = arith.mulf %parallel_loop3A_145, %parallel_loop3A_135 : vector<16xf32>
        %parallel_loop3A_147 = arith.index_cast %parallel_loop3A_130 : i32 to index
        %parallel_loop3A_148 = arith.constant 16 : index
        %parallel_loop3A_149 = tpu.vector_load %arg12[%parallel_loop3A_147, %parallel_loop3A_148] {strides = array<i32>} : memref<128x128xf32, #tpu.memory_space<vmem>>, vector<16xf32>,
        tpu.vector_store %arg12[%parallel_loop3A_147, %parallel_loop3A_148], %parallel_loop3A_146 {strides = array<i32>} : memref<128x128xf32, #tpu.memory_space<vmem>>, vector<16xf32>,
        %parallel_loop3A_150 = arith.index_cast %parallel_loop3A_130 : i32 to index
        %parallel_loop3A_151 = arith.constant 32 : index
        %parallel_loop3A_152 = tpu.vector_load %arg12[%parallel_loop3A_150, %parallel_loop3A_151] {strides = array<i32>} : memref<128x128xf32, #tpu.memory_space<vmem>>, vector<16xf32>,
        %parallel_loop3A_153 = arith.mulf %parallel_loop3A_152, %parallel_loop3A_135 : vector<16xf32>
        %parallel_loop3A_154 = arith.index_cast %parallel_loop3A_130 : i32 to index
        %parallel_loop3A_155 = arith.constant 32 : index
        %parallel_loop3A_156 = tpu.vector_load %arg12[%parallel_loop3A_154, %parallel_loop3A_155] {strides = array<i32>} : memref<128x128xf32, #tpu.memory_space<vmem>>, vector<16xf32>,
        tpu.vector_store %arg12[%parallel_loop3A_154, %parallel_loop3A_155], %parallel_loop3A_153 {strides = array<i32>} : memref<128x128xf32, #tpu.memory_space<vmem>>, vector<16xf32>,
        %parallel_loop3A_157 = arith.index_cast %parallel_loop3A_130 : i32 to index
        %parallel_loop3A_158 = arith.constant 48 : index
        %parallel_loop3A_159 = tpu.vector_load %arg12[%parallel_loop3A_157, %parallel_loop3A_158] {strides = array<i32>} : memref<128x128xf32, #tpu.memory_space<vmem>>, vector<16xf32>,
        %parallel_loop3A_160 = arith.mulf %parallel_loop3A_159, %parallel_loop3A_135 : vector<16xf32>
        %parallel_loop3A_161 = arith.index_cast %parallel_loop3A_130 : i32 to index
        %parallel_loop3A_162 = arith.constant 48 : index
        %parallel_loop3A_163 = tpu.vector_load %arg12[%parallel_loop3A_161, %parallel_loop3A_162] {strides = array<i32>} : memref<128x128xf32, #tpu.memory_space<vmem>>, vector<16xf32>,
        tpu.vector_store %arg12[%parallel_loop3A_161, %parallel_loop3A_162], %parallel_loop3A_160 {strides = array<i32>} : memref<128x128xf32, #tpu.memory_space<vmem>>, vector<16xf32>,
        %parallel_loop3A_164 = arith.index_cast %parallel_loop3A_130 : i32 to index
        %parallel_loop3A_165 = arith.constant 64 : index
        %parallel_loop3A_166 = tpu.vector_load %arg12[%parallel_loop3A_164, %parallel_loop3A_165] {strides = array<i32>} : memref<128x128xf32, #tpu.memory_space<vmem>>, vector<16xf32>,
        %parallel_loop3A_167 = arith.mulf %parallel_loop3A_166, %parallel_loop3A_135 : vector<16xf32>
        %parallel_loop3A_168 = arith.index_cast %parallel_loop3A_130 : i32 to index
        %parallel_loop3A_169 = arith.constant 64 : index
        %parallel_loop3A_170 = tpu.vector_load %arg12[%parallel_loop3A_168, %parallel_loop3A_169] {strides = array<i32>} : memref<128x128xf32, #tpu.memory_space<vmem>>, vector<16xf32>,
        tpu.vector_store %arg12[%parallel_loop3A_168, %parallel_loop3A_169], %parallel_loop3A_167 {strides = array<i32>} : memref<128x128xf32, #tpu.memory_space<vmem>>, vector<16xf32>,
        %parallel_loop3A_171 = arith.index_cast %parallel_loop3A_130 : i32 to index
        %parallel_loop3A_172 = arith.constant 80 : index
        %parallel_loop3A_173 = tpu.vector_load %arg12[%parallel_loop3A_171, %parallel_loop3A_172] {strides = array<i32>} : memref<128x128xf32, #tpu.memory_space<vmem>>, vector<16xf32>,
        %parallel_loop3A_174 = arith.mulf %parallel_loop3A_173, %parallel_loop3A_135 : vector<16xf32>
        %parallel_loop3A_175 = arith.index_cast %parallel_loop3A_130 : i32 to index
        %parallel_loop3A_176 = arith.constant 80 : index
        %parallel_loop3A_177 = tpu.vector_load %arg12[%parallel_loop3A_175, %parallel_loop3A_176] {strides = array<i32>} : memref<128x128xf32, #tpu.memory_space<vmem>>, vector<16xf32>,
        tpu.vector_store %arg12[%parallel_loop3A_175, %parallel_loop3A_176], %parallel_loop3A_174 {strides = array<i32>} : memref<128x128xf32, #tpu.memory_space<vmem>>, vector<16xf32>,
        %parallel_loop3A_178 = arith.index_cast %parallel_loop3A_130 : i32 to index
        %parallel_loop3A_179 = arith.constant 96 : index
        %parallel_loop3A_180 = tpu.vector_load %arg12[%parallel_loop3A_178, %parallel_loop3A_179] {strides = array<i32>} : memref<128x128xf32, #tpu.memory_space<vmem>>, vector<16xf32>,
        %parallel_loop3A_181 = arith.mulf %parallel_loop3A_180, %parallel_loop3A_135 : vector<16xf32>
        %parallel_loop3A_182 = arith.index_cast %parallel_loop3A_130 : i32 to index
        %parallel_loop3A_183 = arith.constant 96 : index
        %parallel_loop3A_184 = tpu.vector_load %arg12[%parallel_loop3A_182, %parallel_loop3A_183] {strides = array<i32>} : memref<128x128xf32, #tpu.memory_space<vmem>>, vector<16xf32>,
        tpu.vector_store %arg12[%parallel_loop3A_182, %parallel_loop3A_183], %parallel_loop3A_181 {strides = array<i32>} : memref<128x128xf32, #tpu.memory_space<vmem>>, vector<16xf32>,
        %parallel_loop3A_185 = arith.index_cast %parallel_loop3A_130 : i32 to index
        %parallel_loop3A_186 = arith.constant 112 : index
        %parallel_loop3A_187 = tpu.vector_load %arg12[%parallel_loop3A_185, %parallel_loop3A_186] {strides = array<i32>} : memref<128x128xf32, #tpu.memory_space<vmem>>, vector<16xf32>,
        %parallel_loop3A_188 = arith.mulf %parallel_loop3A_187, %parallel_loop3A_135 : vector<16xf32>
        %parallel_loop3A_189 = arith.index_cast %parallel_loop3A_130 : i32 to index
        %parallel_loop3A_190 = arith.constant 112 : index
        %parallel_loop3A_191 = tpu.vector_load %arg12[%parallel_loop3A_189, %parallel_loop3A_190] {strides = array<i32>} : memref<128x128xf32, #tpu.memory_space<vmem>>, vector<16xf32>,
        tpu.vector_store %arg12[%parallel_loop3A_189, %parallel_loop3A_190], %parallel_loop3A_188 {strides = array<i32>} : memref<128x128xf32, #tpu.memory_space<vmem>>, vector<16xf32>,
      } {sc.loop_unroll_factor = 4 : i64, sc.parallel_access}
      %dma_start3A_94 = arith.constant 0 : i32
      %dma_start3A_95 = tpu.memref_slice %arg9[%add3A_76, %dma_start3A_94] : memref<40x128xi32, #tpu.memory_space<vmem>> -> memref<1x128xi32, #tpu.memory_space<vmem>>
      %dma_start3A_96 = tpu.memref_squeeze %dma_start3A_95 : memref<1x128xi32, #tpu.memory_space<vmem>> -> memref<128xi32, #tpu.memory_space<vmem>>
      %dma_start3A_97 = arith.constant 0 : i32
      %dma_start3A_98 = arith.constant 0 : i32
      %dma_start3A_99 = tpu.memref_slice %arg11[%dma_start3A_97, %dma_start3A_98] : memref<10240x128xf32, #tpu.memory_space<vmem_shared>> -> memref<10240x128xf32, #tpu.memory_space<vmem_shared>>
      tpu.enqueue_indirect_dma source(%arg12 : memref<128x128xf32, #tpu.memory_space<vmem>>) target(%dma_start3A_99 : memref<10240x128xf32, #tpu.memory_space<vmem_shared>>) offsets(%dma_start3A_96 : memref<128xi32, #tpu.memory_space<vmem>>) semaphore(%arg16 : memref<!tpu.dma_semaphore, #tpu.memory_space<semaphore_mem>>) {add = true}
      %add3A_100 = arith.constant 1 : i32
      %add3A_101 = arith.addi %add3A_74, %add3A_100 : i32
      %dma_wait3A_102 = arith.constant 0 : i32
      %dma_wait3A_103 = arith.constant 0 : i32
      %dma_wait3A_104 = tpu.memref_slice %arg8[%dma_wait3A_102, %dma_wait3A_103] : memref<40x128xi32, #tpu.memory_space<vmem>> -> memref<1x128xi32, #tpu.memory_space<vmem>>
      %dma_wait3A_105 = tpu.memref_squeeze %dma_wait3A_104 : memref<1x128xi32, #tpu.memory_space<vmem>> -> memref<128xi32, #tpu.memory_space<vmem>>
      %dma_wait3A_106 = arith.constant 0 : i32
      %dma_wait3A_107 = arith.constant 0 : i32
      %dma_wait3A_108 = tpu.memref_slice %arg2[%dma_wait3A_106, %dma_wait3A_107] : memref<10000x128xf32, #tpu.memory_space<hbm>> -> memref<10000x128xf32, #tpu.memory_space<hbm>>
      tpu.wait_indirect_dma semaphore(%arg15 : memref<!tpu.dma_semaphore, #tpu.memory_space<semaphore_mem>>) src(%dma_wait3A_108 : memref<10000x128xf32, #tpu.memory_space<hbm>>) dst(%arg13 : memref<128x128xf32, #tpu.memory_space<vmem>>)
      %ge3A_109 = arith.constant 1 : i32
      %ge3A_110 = arith.cmpi sge, %add3A_101, %ge3A_109 : i32
      %add3A_111 = arith.constant 2 : i32
      %add3A_112 = arith.addi %add3A_101, %add3A_111 : i32
      %sub3A_113 = arith.constant 1 : i32
      %sub3A_114 = arith.subi %add3A_112, %sub3A_113 : i32
      %lt3A_115 = arith.constant 40 : i32
      %lt3A_116 = arith.cmpi slt, %sub3A_114, %lt3A_115 : i32
      %and3A_117 = arith.andi %ge3A_110, %lt3A_116 : i1
      %convert_element_type3A_118 = arith.extui %and3A_117 : i1 to i32
      %cond3A_119 = arith.constant 0 : i32
      %cond3A_120 = arith.cmpi ne, %convert_element_type3A_118, %cond3A_119 : i32
      scf.if %cond3A_120 {
        %dma_wait3A_130 = arith.constant 0 : i32
        %dma_wait3A_131 = arith.constant 0 : i32
        %dma_wait3A_132 = tpu.memref_slice %arg9[%dma_wait3A_130, %dma_wait3A_131] : memref<40x128xi32, #tpu.memory_space<vmem>> -> memref<1x128xi32, #tpu.memory_space<vmem>>
        %dma_wait3A_133 = tpu.memref_squeeze %dma_wait3A_132 : memref<1x128xi32, #tpu.memory_space<vmem>> -> memref<128xi32, #tpu.memory_space<vmem>>
        %dma_wait3A_134 = arith.constant 0 : i32
        %dma_wait3A_135 = arith.constant 0 : i32
        %dma_wait3A_136 = tpu.memref_slice %arg11[%dma_wait3A_134, %dma_wait3A_135] : memref<10240x128xf32, #tpu.memory_space<vmem_shared>> -> memref<10240x128xf32, #tpu.memory_space<vmem_shared>>
        tpu.wait_indirect_dma semaphore(%arg16 : memref<!tpu.dma_semaphore, #tpu.memory_space<semaphore_mem>>) src(%arg12 : memref<128x128xf32, #tpu.memory_space<vmem>>) dst(%dma_wait3A_136 : memref<10240x128xf32, #tpu.memory_space<vmem_shared>>)
        %add3A_137 = arith.constant 2 : i32
        %add3A_138 = arith.addi %add3A_101, %add3A_137 : i32
        %sub3A_139 = arith.constant 1 : i32
        %sub3A_140 = arith.subi %add3A_138, %sub3A_139 : i32
        %dma_start3A_141 = arith.constant 0 : i32
        %dma_start3A_142 = tpu.memref_slice %arg8[%sub3A_140, %dma_start3A_141] : memref<40x128xi32, #tpu.memory_space<vmem>> -> memref<1x128xi32, #tpu.memory_space<vmem>>
        %dma_start3A_143 = tpu.memref_squeeze %dma_start3A_142 : memref<1x128xi32, #tpu.memory_space<vmem>> -> memref<128xi32, #tpu.memory_space<vmem>>
        %dma_start3A_144 = arith.constant 0 : i32
        %dma_start3A_145 = arith.constant 0 : i32
        %dma_start3A_146 = tpu.memref_slice %arg2[%dma_start3A_144, %dma_start3A_145] : memref<10000x128xf32, #tpu.memory_space<hbm>> -> memref<10000x128xf32, #tpu.memory_space<hbm>>
        tpu.enqueue_indirect_dma source(%dma_start3A_146 : memref<10000x128xf32, #tpu.memory_space<hbm>>) target(%arg12 : memref<128x128xf32, #tpu.memory_space<vmem>>) offsets(%dma_start3A_143 : memref<128xi32, #tpu.memory_space<vmem>>) semaphore(%arg14 : memref<!tpu.dma_semaphore, #tpu.memory_space<semaphore_mem>>)
      } else {
      }
      %parallel_loop3A_121 = arith.constant 0 : i32
      %parallel_loop3A_122 = arith.constant 128 : i32
      %parallel_loop3A_123 = arith.constant 1 : i32
      scf.for %parallel_loop3A_130 = %parallel_loop3A_121 to %parallel_loop3A_122 step %parallel_loop3A_123  : i32 {
        %parallel_loop3A_131 = arith.constant 128 : i32
        %parallel_loop3A_132 = arith.muli %add3A_101, %parallel_loop3A_131 : i32
        %parallel_loop3A_133 = arith.addi %parallel_loop3A_132, %parallel_loop3A_130 : i32
        %parallel_loop3A_134 = vector.broadcast %parallel_loop3A_133 : i32 to vector<16xi32>
        %parallel_loop3A_135 = tpu.vector_load_idx %arg10[%parallel_loop3A_134] : memref<5120xf32, #tpu.memory_space<vmem>>[vector<16xi32>], vector<16xf32>,
        %parallel_loop3A_136 = arith.index_cast %parallel_loop3A_130 : i32 to index
        %parallel_loop3A_137 = arith.constant 0 : index
        %parallel_loop3A_138 = tpu.vector_load %arg13[%parallel_loop3A_136, %parallel_loop3A_137] {strides = array<i32>} : memref<128x128xf32, #tpu.memory_space<vmem>>, vector<16xf32>,
        %parallel_loop3A_139 = arith.mulf %parallel_loop3A_138, %parallel_loop3A_135 : vector<16xf32>
        %parallel_loop3A_140 = arith.index_cast %parallel_loop3A_130 : i32 to index
        %parallel_loop3A_141 = arith.constant 0 : index
        %parallel_loop3A_142 = tpu.vector_load %arg13[%parallel_loop3A_140, %parallel_loop3A_141] {strides = array<i32>} : memref<128x128xf32, #tpu.memory_space<vmem>>, vector<16xf32>,
        tpu.vector_store %arg13[%parallel_loop3A_140, %parallel_loop3A_141], %parallel_loop3A_139 {strides = array<i32>} : memref<128x128xf32, #tpu.memory_space<vmem>>, vector<16xf32>,
        %parallel_loop3A_143 = arith.index_cast %parallel_loop3A_130 : i32 to index
        %parallel_loop3A_144 = arith.constant 16 : index
        %parallel_loop3A_145 = tpu.vector_load %arg13[%parallel_loop3A_143, %parallel_loop3A_144] {strides = array<i32>} : memref<128x128xf32, #tpu.memory_space<vmem>>, vector<16xf32>,
        %parallel_loop3A_146 = arith.mulf %parallel_loop3A_145, %parallel_loop3A_135 : vector<16xf32>
        %parallel_loop3A_147 = arith.index_cast %parallel_loop3A_130 : i32 to index
        %parallel_loop3A_148 = arith.constant 16 : index
        %parallel_loop3A_149 = tpu.vector_load %arg13[%parallel_loop3A_147, %parallel_loop3A_148] {strides = array<i32>} : memref<128x128xf32, #tpu.memory_space<vmem>>, vector<16xf32>,
        tpu.vector_store %arg13[%parallel_loop3A_147, %parallel_loop3A_148], %parallel_loop3A_146 {strides = array<i32>} : memref<128x128xf32, #tpu.memory_space<vmem>>, vector<16xf32>,
        %parallel_loop3A_150 = arith.index_cast %parallel_loop3A_130 : i32 to index
        %parallel_loop3A_151 = arith.constant 32 : index
        %parallel_loop3A_152 = tpu.vector_load %arg13[%parallel_loop3A_150, %parallel_loop3A_151] {strides = array<i32>} : memref<128x128xf32, #tpu.memory_space<vmem>>, vector<16xf32>,
        %parallel_loop3A_153 = arith.mulf %parallel_loop3A_152, %parallel_loop3A_135 : vector<16xf32>
        %parallel_loop3A_154 = arith.index_cast %parallel_loop3A_130 : i32 to index
        %parallel_loop3A_155 = arith.constant 32 : index
        %parallel_loop3A_156 = tpu.vector_load %arg13[%parallel_loop3A_154, %parallel_loop3A_155] {strides = array<i32>} : memref<128x128xf32, #tpu.memory_space<vmem>>, vector<16xf32>,
        tpu.vector_store %arg13[%parallel_loop3A_154, %parallel_loop3A_155], %parallel_loop3A_153 {strides = array<i32>} : memref<128x128xf32, #tpu.memory_space<vmem>>, vector<16xf32>,
        %parallel_loop3A_157 = arith.index_cast %parallel_loop3A_130 : i32 to index
        %parallel_loop3A_158 = arith.constant 48 : index
        %parallel_loop3A_159 = tpu.vector_load %arg13[%parallel_loop3A_157, %parallel_loop3A_158] {strides = array<i32>} : memref<128x128xf32, #tpu.memory_space<vmem>>, vector<16xf32>,
        %parallel_loop3A_160 = arith.mulf %parallel_loop3A_159, %parallel_loop3A_135 : vector<16xf32>
        %parallel_loop3A_161 = arith.index_cast %parallel_loop3A_130 : i32 to index
        %parallel_loop3A_162 = arith.constant 48 : index
        %parallel_loop3A_163 = tpu.vector_load %arg13[%parallel_loop3A_161, %parallel_loop3A_162] {strides = array<i32>} : memref<128x128xf32, #tpu.memory_space<vmem>>, vector<16xf32>,
        tpu.vector_store %arg13[%parallel_loop3A_161, %parallel_loop3A_162], %parallel_loop3A_160 {strides = array<i32>} : memref<128x128xf32, #tpu.memory_space<vmem>>, vector<16xf32>,
        %parallel_loop3A_164 = arith.index_cast %parallel_loop3A_130 : i32 to index
        %parallel_loop3A_165 = arith.constant 64 : index
        %parallel_loop3A_166 = tpu.vector_load %arg13[%parallel_loop3A_164, %parallel_loop3A_165] {strides = array<i32>} : memref<128x128xf32, #tpu.memory_space<vmem>>, vector<16xf32>,
        %parallel_loop3A_167 = arith.mulf %parallel_loop3A_166, %parallel_loop3A_135 : vector<16xf32>
        %parallel_loop3A_168 = arith.index_cast %parallel_loop3A_130 : i32 to index
        %parallel_loop3A_169 = arith.constant 64 : index
        %parallel_loop3A_170 = tpu.vector_load %arg13[%parallel_loop3A_168, %parallel_loop3A_169] {strides = array<i32>} : memref<128x128xf32, #tpu.memory_space<vmem>>, vector<16xf32>,
        tpu.vector_store %arg13[%parallel_loop3A_168, %parallel_loop3A_169], %parallel_loop3A_167 {strides = array<i32>} : memref<128x128xf32, #tpu.memory_space<vmem>>, vector<16xf32>,
        %parallel_loop3A_171 = arith.index_cast %parallel_loop3A_130 : i32 to index
        %parallel_loop3A_172 = arith.constant 80 : index
        %parallel_loop3A_173 = tpu.vector_load %arg13[%parallel_loop3A_171, %parallel_loop3A_172] {strides = array<i32>} : memref<128x128xf32, #tpu.memory_space<vmem>>, vector<16xf32>,
        %parallel_loop3A_174 = arith.mulf %parallel_loop3A_173, %parallel_loop3A_135 : vector<16xf32>
        %parallel_loop3A_175 = arith.index_cast %parallel_loop3A_130 : i32 to index
        %parallel_loop3A_176 = arith.constant 80 : index
        %parallel_loop3A_177 = tpu.vector_load %arg13[%parallel_loop3A_175, %parallel_loop3A_176] {strides = array<i32>} : memref<128x128xf32, #tpu.memory_space<vmem>>, vector<16xf32>,
        tpu.vector_store %arg13[%parallel_loop3A_175, %parallel_loop3A_176], %parallel_loop3A_174 {strides = array<i32>} : memref<128x128xf32, #tpu.memory_space<vmem>>, vector<16xf32>,
        %parallel_loop3A_178 = arith.index_cast %parallel_loop3A_130 : i32 to index
        %parallel_loop3A_179 = arith.constant 96 : index
        %parallel_loop3A_180 = tpu.vector_load %arg13[%parallel_loop3A_178, %parallel_loop3A_179] {strides = array<i32>} : memref<128x128xf32, #tpu.memory_space<vmem>>, vector<16xf32>,
        %parallel_loop3A_181 = arith.mulf %parallel_loop3A_180, %parallel_loop3A_135 : vector<16xf32>
        %parallel_loop3A_182 = arith.index_cast %parallel_loop3A_130 : i32 to index
        %parallel_loop3A_183 = arith.constant 96 : index
        %parallel_loop3A_184 = tpu.vector_load %arg13[%parallel_loop3A_182, %parallel_loop3A_183] {strides = array<i32>} : memref<128x128xf32, #tpu.memory_space<vmem>>, vector<16xf32>,
        tpu.vector_store %arg13[%parallel_loop3A_182, %parallel_loop3A_183], %parallel_loop3A_181 {strides = array<i32>} : memref<128x128xf32, #tpu.memory_space<vmem>>, vector<16xf32>,
        %parallel_loop3A_185 = arith.index_cast %parallel_loop3A_130 : i32 to index
        %parallel_loop3A_186 = arith.constant 112 : index
        %parallel_loop3A_187 = tpu.vector_load %arg13[%parallel_loop3A_185, %parallel_loop3A_186] {strides = array<i32>} : memref<128x128xf32, #tpu.memory_space<vmem>>, vector<16xf32>,
        %parallel_loop3A_188 = arith.mulf %parallel_loop3A_187, %parallel_loop3A_135 : vector<16xf32>
        %parallel_loop3A_189 = arith.index_cast %parallel_loop3A_130 : i32 to index
        %parallel_loop3A_190 = arith.constant 112 : index
        %parallel_loop3A_191 = tpu.vector_load %arg13[%parallel_loop3A_189, %parallel_loop3A_190] {strides = array<i32>} : memref<128x128xf32, #tpu.memory_space<vmem>>, vector<16xf32>,
        tpu.vector_store %arg13[%parallel_loop3A_189, %parallel_loop3A_190], %parallel_loop3A_188 {strides = array<i32>} : memref<128x128xf32, #tpu.memory_space<vmem>>, vector<16xf32>,
      } {sc.loop_unroll_factor = 4 : i64, sc.parallel_access}
      %dma_start3A_124 = arith.constant 0 : i32
      %dma_start3A_125 = tpu.memref_slice %arg9[%add3A_101, %dma_start3A_124] : memref<40x128xi32, #tpu.memory_space<vmem>> -> memref<1x128xi32, #tpu.memory_space<vmem>>
      %dma_start3A_126 = tpu.memref_squeeze %dma_start3A_125 : memref<1x128xi32, #tpu.memory_space<vmem>> -> memref<128xi32, #tpu.memory_space<vmem>>
      %dma_start3A_127 = arith.constant 0 : i32
      %dma_start3A_128 = arith.constant 0 : i32
      %dma_start3A_129 = tpu.memref_slice %arg11[%dma_start3A_127, %dma_start3A_128] : memref<10240x128xf32, #tpu.memory_space<vmem_shared>> -> memref<10240x128xf32, #tpu.memory_space<vmem_shared>>
      tpu.enqueue_indirect_dma source(%arg13 : memref<128x128xf32, #tpu.memory_space<vmem>>) target(%dma_start3A_129 : memref<10240x128xf32, #tpu.memory_space<vmem_shared>>) offsets(%dma_start3A_126 : memref<128xi32, #tpu.memory_space<vmem>>) semaphore(%arg17 : memref<!tpu.dma_semaphore, #tpu.memory_space<semaphore_mem>>) {add = true}
    }
    %scan3A_46 = arith.constant 20 : i32
    %dma_wait3A = arith.constant 0 : i32
    %dma_wait3A_47 = arith.constant 0 : i32
    %dma_wait3A_48 = tpu.memref_slice %arg9[%dma_wait3A, %dma_wait3A_47] : memref<40x128xi32, #tpu.memory_space<vmem>> -> memref<1x128xi32, #tpu.memory_space<vmem>>
    %dma_wait3A_49 = tpu.memref_squeeze %dma_wait3A_48 : memref<1x128xi32, #tpu.memory_space<vmem>> -> memref<128xi32, #tpu.memory_space<vmem>>
    %dma_wait3A_50 = arith.constant 0 : i32
    %dma_wait3A_51 = arith.constant 0 : i32
    %dma_wait3A_52 = tpu.memref_slice %arg11[%dma_wait3A_50, %dma_wait3A_51] : memref<10240x128xf32, #tpu.memory_space<vmem_shared>> -> memref<10240x128xf32, #tpu.memory_space<vmem_shared>>
    tpu.wait_indirect_dma semaphore(%arg16 : memref<!tpu.dma_semaphore, #tpu.memory_space<semaphore_mem>>) src(%arg12 : memref<128x128xf32, #tpu.memory_space<vmem>>) dst(%dma_wait3A_52 : memref<10240x128xf32, #tpu.memory_space<vmem_shared>>)
    %dma_wait3A_53 = arith.constant 0 : i32
    %dma_wait3A_54 = arith.constant 0 : i32
    %dma_wait3A_55 = tpu.memref_slice %arg9[%dma_wait3A_53, %dma_wait3A_54] : memref<40x128xi32, #tpu.memory_space<vmem>> -> memref<1x128xi32, #tpu.memory_space<vmem>>
    %dma_wait3A_56 = tpu.memref_squeeze %dma_wait3A_55 : memref<1x128xi32, #tpu.memory_space<vmem>> -> memref<128xi32, #tpu.memory_space<vmem>>
    %dma_wait3A_57 = arith.constant 0 : i32
    %dma_wait3A_58 = arith.constant 0 : i32
    %dma_wait3A_59 = tpu.memref_slice %arg11[%dma_wait3A_57, %dma_wait3A_58] : memref<10240x128xf32, #tpu.memory_space<vmem_shared>> -> memref<10240x128xf32, #tpu.memory_space<vmem_shared>>
    tpu.wait_indirect_dma semaphore(%arg17 : memref<!tpu.dma_semaphore, #tpu.memory_space<semaphore_mem>>) src(%arg13 : memref<128x128xf32, #tpu.memory_space<vmem>>) dst(%dma_wait3A_59 : memref<10240x128xf32, #tpu.memory_space<vmem_shared>>)
    %barrier3A_60 = arith.constant 0 : index
    tpu.barrier barrier_id(%barrier3A_60)
    %mul3A_61 = arith.constant 640 : i32
    %mul3A_62 = arith.muli %arg1, %mul3A_61 : i32
    %eq3A = arith.constant 0 : i32
    %eq3A_63 = arith.cmpi eq, %arg0, %eq3A : i32
    %convert_element_type3A = arith.extui %eq3A_63 : i1 to i32
    %cond3A = arith.constant 0 : i32
    %cond3A_64 = arith.cmpi ne, %convert_element_type3A, %cond3A : i32
    scf.if %cond3A_64 {
      "tpu.region"() ({
        %run_scoped3A = tpu.sem_alloc : memref<!tpu.dma_semaphore, #tpu.memory_space<semaphore_mem>>
        %dma_start3A_70 = arith.constant 0 : i32
        %dma_start3A_71 = tpu.memref_slice %arg6[%mul3A_62, %dma_start3A_70] : memref<10240x128xf32, #tpu.memory_space<hbm>> -> memref<640x128xf32, #tpu.memory_space<hbm>>
        %dma_start3A_72 = arith.constant 0 : i32
        %dma_start3A_73 = tpu.memref_slice %arg11[%mul3A_62, %dma_start3A_72] : memref<10240x128xf32, #tpu.memory_space<vmem_shared>> -> memref<640x128xf32, #tpu.memory_space<vmem_shared>>
        tpu.enqueue_dma source(%dma_start3A_73 : memref<640x128xf32, #tpu.memory_space<vmem_shared>>) target(%dma_start3A_71 : memref<640x128xf32, #tpu.memory_space<hbm>>) target_semaphore(%run_scoped3A : memref<!tpu.dma_semaphore, #tpu.memory_space<semaphore_mem>>)
        %dma_wait3A_74 = arith.constant 0 : i32
        %dma_wait3A_75 = tpu.memref_slice %arg6[%mul3A_62, %dma_wait3A_74] : memref<10240x128xf32, #tpu.memory_space<hbm>> -> memref<640x128xf32, #tpu.memory_space<hbm>>
        %dma_wait3A_76 = arith.constant 0 : i32
        %dma_wait3A_77 = tpu.memref_slice %arg11[%mul3A_62, %dma_wait3A_76] : memref<10240x128xf32, #tpu.memory_space<vmem_shared>> -> memref<640x128xf32, #tpu.memory_space<vmem_shared>>
        tpu.wait_dma2 semaphore(%run_scoped3A : memref<!tpu.dma_semaphore, #tpu.memory_space<semaphore_mem>>) src(%dma_wait3A_77 : memref<640x128xf32, #tpu.memory_space<vmem_shared>>) dst(%dma_wait3A_75 : memref<640x128xf32, #tpu.memory_space<hbm>>)
        tpu.yield
      }) : () -> ()
    } else {
    }
    %eq3A_65 = arith.constant 1 : i32
    %eq3A_66 = arith.cmpi eq, %arg0, %eq3A_65 : i32
    %convert_element_type3A_67 = arith.extui %eq3A_66 : i1 to i32
    %cond3A_68 = arith.constant 0 : i32
    %cond3A_69 = arith.cmpi ne, %convert_element_type3A_67, %cond3A_68 : i32
    scf.if %cond3A_69 {
      "tpu.region"() ({
        %run_scoped3A = tpu.sem_alloc : memref<!tpu.dma_semaphore, #tpu.memory_space<semaphore_mem>>
        %dma_start3A_70 = arith.constant 0 : i32
        %dma_start3A_71 = tpu.memref_slice %arg7[%mul3A_62, %dma_start3A_70] : memref<10240x128xf32, #tpu.memory_space<hbm>> -> memref<640x128xf32, #tpu.memory_space<hbm>>
        %dma_start3A_72 = arith.constant 0 : i32
        %dma_start3A_73 = tpu.memref_slice %arg11[%mul3A_62, %dma_start3A_72] : memref<10240x128xf32, #tpu.memory_space<vmem_shared>> -> memref<640x128xf32, #tpu.memory_space<vmem_shared>>
        tpu.enqueue_dma source(%dma_start3A_73 : memref<640x128xf32, #tpu.memory_space<vmem_shared>>) target(%dma_start3A_71 : memref<640x128xf32, #tpu.memory_space<hbm>>) target_semaphore(%run_scoped3A : memref<!tpu.dma_semaphore, #tpu.memory_space<semaphore_mem>>)
        %dma_wait3A_74 = arith.constant 0 : i32
        %dma_wait3A_75 = tpu.memref_slice %arg7[%mul3A_62, %dma_wait3A_74] : memref<10240x128xf32, #tpu.memory_space<hbm>> -> memref<640x128xf32, #tpu.memory_space<hbm>>
        %dma_wait3A_76 = arith.constant 0 : i32
        %dma_wait3A_77 = tpu.memref_slice %arg11[%mul3A_62, %dma_wait3A_76] : memref<10240x128xf32, #tpu.memory_space<vmem_shared>> -> memref<640x128xf32, #tpu.memory_space<vmem_shared>>
        tpu.wait_dma2 semaphore(%run_scoped3A : memref<!tpu.dma_semaphore, #tpu.memory_space<semaphore_mem>>) src(%dma_wait3A_77 : memref<640x128xf32, #tpu.memory_space<vmem_shared>>) dst(%dma_wait3A_75 : memref<640x128xf32, #tpu.memory_space<hbm>>)
        tpu.yield
      }) : () -> ()
    } else {
    }
    return
  }
}

#map = affine_map<(d0, d1) -> (0, 0)>
#map1 = affine_map<(d0, d1) -> (0)>
module attributes {stable_mosaic.version = 14 : i64} {
  func.func @body(%arg0: i32, %arg1: i32, %arg2: memref<10000x128xf32, #tpu.memory_space<hbm>>, %arg3: memref<1280x128xi32, #tpu.memory_space<hbm>>, %arg4: memref<1280x128xi32, #tpu.memory_space<hbm>>, %arg5: memref<163840xf32, #tpu.memory_space<hbm>>, %arg6: memref<10240x128xf32, #tpu.memory_space<hbm>>, %arg7: memref<10240x128xf32, #tpu.memory_space<hbm>>, %arg8: memref<40x128xi32, #tpu.memory_space<vmem>>, %arg9: memref<40x128xi32, #tpu.memory_space<vmem>>, %arg10: memref<5120xf32, #tpu.memory_space<vmem>>, %arg11: memref<10240x128xf32, #tpu.memory_space<vmem_shared>>, %arg12: memref<128x128xf32, #tpu.memory_space<vmem>>, %arg13: memref<128x128xf32, #tpu.memory_space<vmem>>, %arg14: memref<!tpu.dma_semaphore, #tpu.memory_space<semaphore_mem>>, %arg15: memref<!tpu.dma_semaphore, #tpu.memory_space<semaphore_mem>>, %arg16: memref<!tpu.dma_semaphore, #tpu.memory_space<semaphore_mem>>, %arg17: memref<!tpu.dma_semaphore, #tpu.memory_space<semaphore_mem>>) attributes {dimension_semantics = [#tpu.dimension_semantics<core_parallel>, #tpu.dimension_semantics<subcore_parallel>], iteration_bounds = array<i64: 2, 16>, scalar_prefetch = 0 : i64, scratch_operands = 10 : i64, tpu.core_type = #tpu.core_type<sc_vector_subcore>, window_params = [{transform_indices = #map}, {transform_indices = #map}, {transform_indices = #map}, {transform_indices = #map1}, {transform_indices = #map}, {transform_indices = #map}]} {
    %scan3A = arith.constant 0 : i32
    %scan3A_0 = arith.constant 128 : i32
    %scan3A_1 = arith.addi %scan3A, %scan3A_0 : i32
    %scan3A_2 = arith.constant 1 : i32
    scf.for %scan3A_70 = %scan3A to %scan3A_1 step %scan3A_2  : i32 {
      %mul3A_71 = arith.constant 1 : i32
      %mul3A_72 = arith.muli %scan3A_70, %mul3A_71 : i32
      %add3A_73 = arith.constant 0 : i32
      %add3A_74 = arith.addi %add3A_73, %mul3A_72 : i32
      %broadcast_in_dim3A = arith.constant 0.000000e+00 : f32
      %broadcast_in_dim3A_75 = vector.broadcast %broadcast_in_dim3A : f32 to vector<16xf32>
      %swap3A = arith.index_cast %add3A_74 : i32 to index
      %swap3A_76 = arith.constant 0 : index
      %swap3A_77 = tpu.vector_load %arg12[%swap3A, %swap3A_76] {strides = array<i32>} : memref<128x128xf32, #tpu.memory_space<vmem>>, vector<16xf32>,
      tpu.vector_store %arg12[%swap3A, %swap3A_76], %broadcast_in_dim3A_75 {strides = array<i32>} : memref<128x128xf32, #tpu.memory_space<vmem>>, vector<16xf32>,
      %broadcast_in_dim3A_78 = arith.constant 0.000000e+00 : f32
      %broadcast_in_dim3A_79 = vector.broadcast %broadcast_in_dim3A_78 : f32 to vector<16xf32>
      %swap3A_80 = arith.index_cast %add3A_74 : i32 to index
      %swap3A_81 = arith.constant 16 : index
      %swap3A_82 = tpu.vector_load %arg12[%swap3A_80, %swap3A_81] {strides = array<i32>} : memref<128x128xf32, #tpu.memory_space<vmem>>, vector<16xf32>,
      tpu.vector_store %arg12[%swap3A_80, %swap3A_81], %broadcast_in_dim3A_79 {strides = array<i32>} : memref<128x128xf32, #tpu.memory_space<vmem>>, vector<16xf32>,
      %broadcast_in_dim3A_83 = arith.constant 0.000000e+00 : f32
      %broadcast_in_dim3A_84 = vector.broadcast %broadcast_in_dim3A_83 : f32 to vector<16xf32>
      %swap3A_85 = arith.index_cast %add3A_74 : i32 to index
      %swap3A_86 = arith.constant 32 : index
      %swap3A_87 = tpu.vector_load %arg12[%swap3A_85, %swap3A_86] {strides = array<i32>} : memref<128x128xf32, #tpu.memory_space<vmem>>, vector<16xf32>,
      tpu.vector_store %arg12[%swap3A_85, %swap3A_86], %broadcast_in_dim3A_84 {strides = array<i32>} : memref<128x128xf32, #tpu.memory_space<vmem>>, vector<16xf32>,
      %broadcast_in_dim3A_88 = arith.constant 0.000000e+00 : f32
      %broadcast_in_dim3A_89 = vector.broadcast %broadcast_in_dim3A_88 : f32 to vector<16xf32>
      %swap3A_90 = arith.index_cast %add3A_74 : i32 to index
      %swap3A_91 = arith.constant 48 : index
      %swap3A_92 = tpu.vector_load %arg12[%swap3A_90, %swap3A_91] {strides = array<i32>} : memref<128x128xf32, #tpu.memory_space<vmem>>, vector<16xf32>,
      tpu.vector_store %arg12[%swap3A_90, %swap3A_91], %broadcast_in_dim3A_89 {strides = array<i32>} : memref<128x128xf32, #tpu.memory_space<vmem>>, vector<16xf32>,
      %broadcast_in_dim3A_93 = arith.constant 0.000000e+00 : f32
      %broadcast_in_dim3A_94 = vector.broadcast %broadcast_in_dim3A_93 : f32 to vector<16xf32>
      %swap3A_95 = arith.index_cast %add3A_74 : i32 to index
      %swap3A_96 = arith.constant 64 : index
      %swap3A_97 = tpu.vector_load %arg12[%swap3A_95, %swap3A_96] {strides = array<i32>} : memref<128x128xf32, #tpu.memory_space<vmem>>, vector<16xf32>,
      tpu.vector_store %arg12[%swap3A_95, %swap3A_96], %broadcast_in_dim3A_94 {strides = array<i32>} : memref<128x128xf32, #tpu.memory_space<vmem>>, vector<16xf32>,
      %broadcast_in_dim3A_98 = arith.constant 0.000000e+00 : f32
      %broadcast_in_dim3A_99 = vector.broadcast %broadcast_in_dim3A_98 : f32 to vector<16xf32>
      %swap3A_100 = arith.index_cast %add3A_74 : i32 to index
      %swap3A_101 = arith.constant 80 : index
      %swap3A_102 = tpu.vector_load %arg12[%swap3A_100, %swap3A_101] {strides = array<i32>} : memref<128x128xf32, #tpu.memory_space<vmem>>, vector<16xf32>,
      tpu.vector_store %arg12[%swap3A_100, %swap3A_101], %broadcast_in_dim3A_99 {strides = array<i32>} : memref<128x128xf32, #tpu.memory_space<vmem>>, vector<16xf32>,
      %broadcast_in_dim3A_103 = arith.constant 0.000000e+00 : f32
      %broadcast_in_dim3A_104 = vector.broadcast %broadcast_in_dim3A_103 : f32 to vector<16xf32>
      %swap3A_105 = arith.index_cast %add3A_74 : i32 to index
      %swap3A_106 = arith.constant 96 : index
      %swap3A_107 = tpu.vector_load %arg12[%swap3A_105, %swap3A_106] {strides = array<i32>} : memref<128x128xf32, #tpu.memory_space<vmem>>, vector<16xf32>,
      tpu.vector_store %arg12[%swap3A_105, %swap3A_106], %broadcast_in_dim3A_104 {strides = array<i32>} : memref<128x128xf32, #tpu.memory_space<vmem>>, vector<16xf32>,
      %broadcast_in_dim3A_108 = arith.constant 0.000000e+00 : f32
      %broadcast_in_dim3A_109 = vector.broadcast %broadcast_in_dim3A_108 : f32 to vector<16xf32>
      %swap3A_110 = arith.index_cast %add3A_74 : i32 to index
      %swap3A_111 = arith.constant 112 : index
      %swap3A_112 = tpu.vector_load %arg12[%swap3A_110, %swap3A_111] {strides = array<i32>} : memref<128x128xf32, #tpu.memory_space<vmem>>, vector<16xf32>,
      tpu.vector_store %arg12[%swap3A_110, %swap3A_111], %broadcast_in_dim3A_109 {strides = array<i32>} : memref<128x128xf32, #tpu.memory_space<vmem>>, vector<16xf32>,
    }
    %scan3A_3 = arith.constant 128 : i32
    %mul3A = arith.constant 640 : i32
    %mul3A_4 = arith.muli %arg1, %mul3A : i32
    %add3A = arith.constant 0 : i32
    %add3A_5 = arith.addi %mul3A_4, %add3A : i32
    "tpu.region"() ({
      %run_scoped3A = tpu.sem_alloc : memref<!tpu.dma_semaphore, #tpu.memory_space<semaphore_mem>>
      %dma_start3A_70 = arith.constant 0 : i32
      %dma_start3A_71 = tpu.memref_slice %arg11[%add3A_5, %dma_start3A_70] : memref<10240x128xf32, #tpu.memory_space<vmem_shared>> -> memref<128x128xf32, #tpu.memory_space<vmem_shared>>
      %dma_start3A_72 = arith.constant 0 : i32
      %dma_start3A_73 = tpu.memref_slice %arg11[%add3A_5, %dma_start3A_72] : memref<10240x128xf32, #tpu.memory_space<vmem_shared>> -> memref<128x128xf32, #tpu.memory_space<vmem_shared>>
      tpu.enqueue_dma source(%arg12 : memref<128x128xf32, #tpu.memory_space<vmem>>) target(%dma_start3A_73 : memref<128x128xf32, #tpu.memory_space<vmem_shared>>) target_semaphore(%run_scoped3A : memref<!tpu.dma_semaphore, #tpu.memory_space<semaphore_mem>>)
      %dma_wait3A_74 = arith.constant 0 : i32
      %dma_wait3A_75 = tpu.memref_slice %arg11[%add3A_5, %dma_wait3A_74] : memref<10240x128xf32, #tpu.memory_space<vmem_shared>> -> memref<128x128xf32, #tpu.memory_space<vmem_shared>>
      %dma_wait3A_76 = arith.constant 0 : i32
      %dma_wait3A_77 = tpu.memref_slice %arg11[%add3A_5, %dma_wait3A_76] : memref<10240x128xf32, #tpu.memory_space<vmem_shared>> -> memref<128x128xf32, #tpu.memory_space<vmem_shared>>
      tpu.wait_dma2 semaphore(%run_scoped3A : memref<!tpu.dma_semaphore, #tpu.memory_space<semaphore_mem>>) src(%arg12 : memref<128x128xf32, #tpu.memory_space<vmem>>) dst(%dma_wait3A_77 : memref<128x128xf32, #tpu.memory_space<vmem_shared>>)
      tpu.yield
    }) : () -> ()
    %mul3A_6 = arith.constant 640 : i32
    %mul3A_7 = arith.muli %arg1, %mul3A_6 : i32
    %add3A_8 = arith.constant 128 : i32
    %add3A_9 = arith.addi %mul3A_7, %add3A_8 : i32
    "tpu.region"() ({
      %run_scoped3A = tpu.sem_alloc : memref<!tpu.dma_semaphore, #tpu.memory_space<semaphore_mem>>
      %dma_start3A_70 = arith.constant 0 : i32
      %dma_start3A_71 = tpu.memref_slice %arg11[%add3A_9, %dma_start3A_70] : memref<10240x128xf32, #tpu.memory_space<vmem_shared>> -> memref<128x128xf32, #tpu.memory_space<vmem_shared>>
      %dma_start3A_72 = arith.constant 0 : i32
      %dma_start3A_73 = tpu.memref_slice %arg11[%add3A_9, %dma_start3A_72] : memref<10240x128xf32, #tpu.memory_space<vmem_shared>> -> memref<128x128xf32, #tpu.memory_space<vmem_shared>>
      tpu.enqueue_dma source(%arg12 : memref<128x128xf32, #tpu.memory_space<vmem>>) target(%dma_start3A_73 : memref<128x128xf32, #tpu.memory_space<vmem_shared>>) target_semaphore(%run_scoped3A : memref<!tpu.dma_semaphore, #tpu.memory_space<semaphore_mem>>)
      %dma_wait3A_74 = arith.constant 0 : i32
      %dma_wait3A_75 = tpu.memref_slice %arg11[%add3A_9, %dma_wait3A_74] : memref<10240x128xf32, #tpu.memory_space<vmem_shared>> -> memref<128x128xf32, #tpu.memory_space<vmem_shared>>
      %dma_wait3A_76 = arith.constant 0 : i32
      %dma_wait3A_77 = tpu.memref_slice %arg11[%add3A_9, %dma_wait3A_76] : memref<10240x128xf32, #tpu.memory_space<vmem_shared>> -> memref<128x128xf32, #tpu.memory_space<vmem_shared>>
      tpu.wait_dma2 semaphore(%run_scoped3A : memref<!tpu.dma_semaphore, #tpu.memory_space<semaphore_mem>>) src(%arg12 : memref<128x128xf32, #tpu.memory_space<vmem>>) dst(%dma_wait3A_77 : memref<128x128xf32, #tpu.memory_space<vmem_shared>>)
      tpu.yield
    }) : () -> ()
    %mul3A_10 = arith.constant 640 : i32
    %mul3A_11 = arith.muli %arg1, %mul3A_10 : i32
    %add3A_12 = arith.constant 256 : i32
    %add3A_13 = arith.addi %mul3A_11, %add3A_12 : i32
    "tpu.region"() ({
      %run_scoped3A = tpu.sem_alloc : memref<!tpu.dma_semaphore, #tpu.memory_space<semaphore_mem>>
      %dma_start3A_70 = arith.constant 0 : i32
      %dma_start3A_71 = tpu.memref_slice %arg11[%add3A_13, %dma_start3A_70] : memref<10240x128xf32, #tpu.memory_space<vmem_shared>> -> memref<128x128xf32, #tpu.memory_space<vmem_shared>>
      %dma_start3A_72 = arith.constant 0 : i32
      %dma_start3A_73 = tpu.memref_slice %arg11[%add3A_13, %dma_start3A_72] : memref<10240x128xf32, #tpu.memory_space<vmem_shared>> -> memref<128x128xf32, #tpu.memory_space<vmem_shared>>
      tpu.enqueue_dma source(%arg12 : memref<128x128xf32, #tpu.memory_space<vmem>>) target(%dma_start3A_73 : memref<128x128xf32, #tpu.memory_space<vmem_shared>>) target_semaphore(%run_scoped3A : memref<!tpu.dma_semaphore, #tpu.memory_space<semaphore_mem>>)
      %dma_wait3A_74 = arith.constant 0 : i32
      %dma_wait3A_75 = tpu.memref_slice %arg11[%add3A_13, %dma_wait3A_74] : memref<10240x128xf32, #tpu.memory_space<vmem_shared>> -> memref<128x128xf32, #tpu.memory_space<vmem_shared>>
      %dma_wait3A_76 = arith.constant 0 : i32
      %dma_wait3A_77 = tpu.memref_slice %arg11[%add3A_13, %dma_wait3A_76] : memref<10240x128xf32, #tpu.memory_space<vmem_shared>> -> memref<128x128xf32, #tpu.memory_space<vmem_shared>>
      tpu.wait_dma2 semaphore(%run_scoped3A : memref<!tpu.dma_semaphore, #tpu.memory_space<semaphore_mem>>) src(%arg12 : memref<128x128xf32, #tpu.memory_space<vmem>>) dst(%dma_wait3A_77 : memref<128x128xf32, #tpu.memory_space<vmem_shared>>)
      tpu.yield
    }) : () -> ()
    %mul3A_14 = arith.constant 640 : i32
    %mul3A_15 = arith.muli %arg1, %mul3A_14 : i32
    %add3A_16 = arith.constant 384 : i32
    %add3A_17 = arith.addi %mul3A_15, %add3A_16 : i32
    "tpu.region"() ({
      %run_scoped3A = tpu.sem_alloc : memref<!tpu.dma_semaphore, #tpu.memory_space<semaphore_mem>>
      %dma_start3A_70 = arith.constant 0 : i32
      %dma_start3A_71 = tpu.memref_slice %arg11[%add3A_17, %dma_start3A_70] : memref<10240x128xf32, #tpu.memory_space<vmem_shared>> -> memref<128x128xf32, #tpu.memory_space<vmem_shared>>
      %dma_start3A_72 = arith.constant 0 : i32
      %dma_start3A_73 = tpu.memref_slice %arg11[%add3A_17, %dma_start3A_72] : memref<10240x128xf32, #tpu.memory_space<vmem_shared>> -> memref<128x128xf32, #tpu.memory_space<vmem_shared>>
      tpu.enqueue_dma source(%arg12 : memref<128x128xf32, #tpu.memory_space<vmem>>) target(%dma_start3A_73 : memref<128x128xf32, #tpu.memory_space<vmem_shared>>) target_semaphore(%run_scoped3A : memref<!tpu.dma_semaphore, #tpu.memory_space<semaphore_mem>>)
      %dma_wait3A_74 = arith.constant 0 : i32
      %dma_wait3A_75 = tpu.memref_slice %arg11[%add3A_17, %dma_wait3A_74] : memref<10240x128xf32, #tpu.memory_space<vmem_shared>> -> memref<128x128xf32, #tpu.memory_space<vmem_shared>>
      %dma_wait3A_76 = arith.constant 0 : i32
      %dma_wait3A_77 = tpu.memref_slice %arg11[%add3A_17, %dma_wait3A_76] : memref<10240x128xf32, #tpu.memory_space<vmem_shared>> -> memref<128x128xf32, #tpu.memory_space<vmem_shared>>
      tpu.wait_dma2 semaphore(%run_scoped3A : memref<!tpu.dma_semaphore, #tpu.memory_space<semaphore_mem>>) src(%arg12 : memref<128x128xf32, #tpu.memory_space<vmem>>) dst(%dma_wait3A_77 : memref<128x128xf32, #tpu.memory_space<vmem_shared>>)
      tpu.yield
    }) : () -> ()
    %mul3A_18 = arith.constant 640 : i32
    %mul3A_19 = arith.muli %arg1, %mul3A_18 : i32
    %add3A_20 = arith.constant 512 : i32
    %add3A_21 = arith.addi %mul3A_19, %add3A_20 : i32
    "tpu.region"() ({
      %run_scoped3A = tpu.sem_alloc : memref<!tpu.dma_semaphore, #tpu.memory_space<semaphore_mem>>
      %dma_start3A_70 = arith.constant 0 : i32
      %dma_start3A_71 = tpu.memref_slice %arg11[%add3A_21, %dma_start3A_70] : memref<10240x128xf32, #tpu.memory_space<vmem_shared>> -> memref<128x128xf32, #tpu.memory_space<vmem_shared>>
      %dma_start3A_72 = arith.constant 0 : i32
      %dma_start3A_73 = tpu.memref_slice %arg11[%add3A_21, %dma_start3A_72] : memref<10240x128xf32, #tpu.memory_space<vmem_shared>> -> memref<128x128xf32, #tpu.memory_space<vmem_shared>>
      tpu.enqueue_dma source(%arg12 : memref<128x128xf32, #tpu.memory_space<vmem>>) target(%dma_start3A_73 : memref<128x128xf32, #tpu.memory_space<vmem_shared>>) target_semaphore(%run_scoped3A : memref<!tpu.dma_semaphore, #tpu.memory_space<semaphore_mem>>)
      %dma_wait3A_74 = arith.constant 0 : i32
      %dma_wait3A_75 = tpu.memref_slice %arg11[%add3A_21, %dma_wait3A_74] : memref<10240x128xf32, #tpu.memory_space<vmem_shared>> -> memref<128x128xf32, #tpu.memory_space<vmem_shared>>
      %dma_wait3A_76 = arith.constant 0 : i32
      %dma_wait3A_77 = tpu.memref_slice %arg11[%add3A_21, %dma_wait3A_76] : memref<10240x128xf32, #tpu.memory_space<vmem_shared>> -> memref<128x128xf32, #tpu.memory_space<vmem_shared>>
      tpu.wait_dma2 semaphore(%run_scoped3A : memref<!tpu.dma_semaphore, #tpu.memory_space<semaphore_mem>>) src(%arg12 : memref<128x128xf32, #tpu.memory_space<vmem>>) dst(%dma_wait3A_77 : memref<128x128xf32, #tpu.memory_space<vmem_shared>>)
      tpu.yield
    }) : () -> ()
    %mul3A_22 = arith.constant 16 : i32
    %mul3A_23 = arith.muli %arg0, %mul3A_22 : i32
    %add3A_24 = arith.addi %mul3A_23, %arg1 : i32
    %mul3A_25 = arith.constant 40 : i32
    %mul3A_26 = arith.muli %add3A_24, %mul3A_25 : i32
    "tpu.region"() ({
      %run_scoped3A = tpu.sem_alloc : memref<!tpu.dma_semaphore, #tpu.memory_space<semaphore_mem>>
      %dma_start3A_70 = arith.constant 0 : i32
      %dma_start3A_71 = tpu.memref_slice %arg3[%mul3A_26, %dma_start3A_70] : memref<1280x128xi32, #tpu.memory_space<hbm>> -> memref<40x128xi32, #tpu.memory_space<hbm>>
      %dma_start3A_72 = arith.constant 0 : i32
      %dma_start3A_73 = tpu.memref_slice %arg3[%mul3A_26, %dma_start3A_72] : memref<1280x128xi32, #tpu.memory_space<hbm>> -> memref<40x128xi32, #tpu.memory_space<hbm>>
      tpu.enqueue_dma source(%dma_start3A_73 : memref<40x128xi32, #tpu.memory_space<hbm>>) target(%arg8 : memref<40x128xi32, #tpu.memory_space<vmem>>) target_semaphore(%run_scoped3A : memref<!tpu.dma_semaphore, #tpu.memory_space<semaphore_mem>>)
      %dma_wait3A_74 = arith.constant 0 : i32
      %dma_wait3A_75 = tpu.memref_slice %arg3[%mul3A_26, %dma_wait3A_74] : memref<1280x128xi32, #tpu.memory_space<hbm>> -> memref<40x128xi32, #tpu.memory_space<hbm>>
      %dma_wait3A_76 = arith.constant 0 : i32
      %dma_wait3A_77 = tpu.memref_slice %arg3[%mul3A_26, %dma_wait3A_76] : memref<1280x128xi32, #tpu.memory_space<hbm>> -> memref<40x128xi32, #tpu.memory_space<hbm>>
      tpu.wait_dma2 semaphore(%run_scoped3A : memref<!tpu.dma_semaphore, #tpu.memory_space<semaphore_mem>>) src(%dma_wait3A_77 : memref<40x128xi32, #tpu.memory_space<hbm>>) dst(%arg8 : memref<40x128xi32, #tpu.memory_space<vmem>>)
      tpu.yield
    }) : () -> ()
    "tpu.region"() ({
      %run_scoped3A = tpu.sem_alloc : memref<!tpu.dma_semaphore, #tpu.memory_space<semaphore_mem>>
      %dma_start3A_70 = arith.constant 0 : i32
      %dma_start3A_71 = tpu.memref_slice %arg4[%mul3A_26, %dma_start3A_70] : memref<1280x128xi32, #tpu.memory_space<hbm>> -> memref<40x128xi32, #tpu.memory_space<hbm>>
      %dma_start3A_72 = arith.constant 0 : i32
      %dma_start3A_73 = tpu.memref_slice %arg4[%mul3A_26, %dma_start3A_72] : memref<1280x128xi32, #tpu.memory_space<hbm>> -> memref<40x128xi32, #tpu.memory_space<hbm>>
      tpu.enqueue_dma source(%dma_start3A_73 : memref<40x128xi32, #tpu.memory_space<hbm>>) target(%arg9 : memref<40x128xi32, #tpu.memory_space<vmem>>) target_semaphore(%run_scoped3A : memref<!tpu.dma_semaphore, #tpu.memory_space<semaphore_mem>>)
      %dma_wait3A_74 = arith.constant 0 : i32
      %dma_wait3A_75 = tpu.memref_slice %arg4[%mul3A_26, %dma_wait3A_74] : memref<1280x128xi32, #tpu.memory_space<hbm>> -> memref<40x128xi32, #tpu.memory_space<hbm>>
      %dma_wait3A_76 = arith.constant 0 : i32
      %dma_wait3A_77 = tpu.memref_slice %arg4[%mul3A_26, %dma_wait3A_76] : memref<1280x128xi32, #tpu.memory_space<hbm>> -> memref<40x128xi32, #tpu.memory_space<hbm>>
      tpu.wait_dma2 semaphore(%run_scoped3A : memref<!tpu.dma_semaphore, #tpu.memory_space<semaphore_mem>>) src(%dma_wait3A_77 : memref<40x128xi32, #tpu.memory_space<hbm>>) dst(%arg9 : memref<40x128xi32, #tpu.memory_space<vmem>>)
      tpu.yield
    }) : () -> ()
    %mul3A_27 = arith.constant 128 : i32
    %mul3A_28 = arith.muli %mul3A_26, %mul3A_27 : i32
    "tpu.region"() ({
      %run_scoped3A = tpu.sem_alloc : memref<!tpu.dma_semaphore, #tpu.memory_space<semaphore_mem>>
      %dma_start3A_70 = tpu.memref_slice %arg5[%mul3A_28] : memref<163840xf32, #tpu.memory_space<hbm>> -> memref<5120xf32, #tpu.memory_space<hbm>>
      %dma_start3A_71 = tpu.memref_slice %arg5[%mul3A_28] : memref<163840xf32, #tpu.memory_space<hbm>> -> memref<5120xf32, #tpu.memory_space<hbm>>
      tpu.enqueue_dma source(%dma_start3A_71 : memref<5120xf32, #tpu.memory_space<hbm>>) target(%arg10 : memref<5120xf32, #tpu.memory_space<vmem>>) target_semaphore(%run_scoped3A : memref<!tpu.dma_semaphore, #tpu.memory_space<semaphore_mem>>)
      %dma_wait3A_72 = tpu.memref_slice %arg5[%mul3A_28] : memref<163840xf32, #tpu.memory_space<hbm>> -> memref<5120xf32, #tpu.memory_space<hbm>>
      %dma_wait3A_73 = tpu.memref_slice %arg5[%mul3A_28] : memref<163840xf32, #tpu.memory_space<hbm>> -> memref<5120xf32, #tpu.memory_space<hbm>>
      tpu.wait_dma2 semaphore(%run_scoped3A : memref<!tpu.dma_semaphore, #tpu.memory_space<semaphore_mem>>) src(%dma_wait3A_73 : memref<5120xf32, #tpu.memory_space<hbm>>) dst(%arg10 : memref<5120xf32, #tpu.memory_space<vmem>>)
      tpu.yield
    }) : () -> ()
    %barrier3A = arith.constant 0 : index
    tpu.barrier barrier_id(%barrier3A)
    %dma_start3A = arith.constant 0 : i32
    %dma_start3A_29 = arith.constant 0 : i32
    %dma_start3A_30 = tpu.memref_slice %arg8[%dma_start3A, %dma_start3A_29] : memref<40x128xi32, #tpu.memory_space<vmem>> -> memref<1x128xi32, #tpu.memory_space<vmem>>
    %dma_start3A_31 = tpu.memref_squeeze %dma_start3A_30 : memref<1x128xi32, #tpu.memory_space<vmem>> -> memref<128xi32, #tpu.memory_space<vmem>>
    %dma_start3A_32 = arith.constant 0 : i32
    %dma_start3A_33 = arith.constant 0 : i32
    %dma_start3A_34 = tpu.memref_slice %arg2[%dma_start3A_32, %dma_start3A_33] : memref<10000x128xf32, #tpu.memory_space<hbm>> -> memref<10000x128xf32, #tpu.memory_space<hbm>>
    tpu.enqueue_indirect_dma source(%dma_start3A_34 : memref<10000x128xf32, #tpu.memory_space<hbm>>) target(%arg12 : memref<128x128xf32, #tpu.memory_space<vmem>>) offsets(%dma_start3A_31 : memref<128xi32, #tpu.memory_space<vmem>>) semaphore(%arg14 : memref<!tpu.dma_semaphore, #tpu.memory_space<semaphore_mem>>)
    %dma_start3A_35 = arith.constant 1 : i32
    %dma_start3A_36 = arith.constant 0 : i32
    %dma_start3A_37 = tpu.memref_slice %arg8[%dma_start3A_35, %dma_start3A_36] : memref<40x128xi32, #tpu.memory_space<vmem>> -> memref<1x128xi32, #tpu.memory_space<vmem>>
    %dma_start3A_38 = tpu.memref_squeeze %dma_start3A_37 : memref<1x128xi32, #tpu.memory_space<vmem>> -> memref<128xi32, #tpu.memory_space<vmem>>
    %dma_start3A_39 = arith.constant 0 : i32
    %dma_start3A_40 = arith.constant 0 : i32
    %dma_start3A_41 = tpu.memref_slice %arg2[%dma_start3A_39, %dma_start3A_40] : memref<10000x128xf32, #tpu.memory_space<hbm>> -> memref<10000x128xf32, #tpu.memory_space<hbm>>
    tpu.enqueue_indirect_dma source(%dma_start3A_41 : memref<10000x128xf32, #tpu.memory_space<hbm>>) target(%arg13 : memref<128x128xf32, #tpu.memory_space<vmem>>) offsets(%dma_start3A_38 : memref<128xi32, #tpu.memory_space<vmem>>) semaphore(%arg15 : memref<!tpu.dma_semaphore, #tpu.memory_space<semaphore_mem>>)
    %scan3A_42 = arith.constant 0 : i32
    %scan3A_43 = arith.constant 20 : i32
    %scan3A_44 = arith.addi %scan3A_42, %scan3A_43 : i32
    %scan3A_45 = arith.constant 1 : i32
    scf.for %scan3A_70 = %scan3A_42 to %scan3A_44 step %scan3A_45  : i32 {
      %mul3A_71 = arith.constant 2 : i32
      %mul3A_72 = arith.muli %scan3A_70, %mul3A_71 : i32
      %add3A_73 = arith.constant 0 : i32
      %add3A_74 = arith.addi %add3A_73, %mul3A_72 : i32
      %add3A_75 = arith.constant 0 : i32
      %add3A_76 = arith.addi %add3A_74, %add3A_75 : i32
      %dma_wait3A_77 = arith.constant 0 : i32
      %dma_wait3A_78 = arith.constant 0 : i32
      %dma_wait3A_79 = tpu.memref_slice %arg8[%dma_wait3A_77, %dma_wait3A_78] : memref<40x128xi32, #tpu.memory_space<vmem>> -> memref<1x128xi32, #tpu.memory_space<vmem>>
      %dma_wait3A_80 = tpu.memref_squeeze %dma_wait3A_79 : memref<1x128xi32, #tpu.memory_space<vmem>> -> memref<128xi32, #tpu.memory_space<vmem>>
      %dma_wait3A_81 = arith.constant 0 : i32
      %dma_wait3A_82 = arith.constant 0 : i32
      %dma_wait3A_83 = tpu.memref_slice %arg2[%dma_wait3A_81, %dma_wait3A_82] : memref<10000x128xf32, #tpu.memory_space<hbm>> -> memref<10000x128xf32, #tpu.memory_space<hbm>>
      tpu.wait_indirect_dma semaphore(%arg14 : memref<!tpu.dma_semaphore, #tpu.memory_space<semaphore_mem>>) src(%dma_wait3A_83 : memref<10000x128xf32, #tpu.memory_space<hbm>>) dst(%arg12 : memref<128x128xf32, #tpu.memory_space<vmem>>)
      %ge3A = arith.constant 1 : i32
      %ge3A_84 = arith.cmpi sge, %add3A_76, %ge3A : i32
      %add3A_85 = arith.constant 2 : i32
      %add3A_86 = arith.addi %add3A_76, %add3A_85 : i32
      %sub3A = arith.constant 1 : i32
      %sub3A_87 = arith.subi %add3A_86, %sub3A : i32
      %lt3A = arith.constant 40 : i32
      %lt3A_88 = arith.cmpi slt, %sub3A_87, %lt3A : i32
      %and3A = arith.andi %ge3A_84, %lt3A_88 : i1
      %convert_element_type3A_89 = arith.extui %and3A : i1 to i32
      %cond3A_90 = arith.constant 0 : i32
      %cond3A_91 = arith.cmpi ne, %convert_element_type3A_89, %cond3A_90 : i32
      scf.if %cond3A_91 {
        %dma_wait3A_130 = arith.constant 0 : i32
        %dma_wait3A_131 = arith.constant 0 : i32
        %dma_wait3A_132 = tpu.memref_slice %arg9[%dma_wait3A_130, %dma_wait3A_131] : memref<40x128xi32, #tpu.memory_space<vmem>> -> memref<1x128xi32, #tpu.memory_space<vmem>>
        %dma_wait3A_133 = tpu.memref_squeeze %dma_wait3A_132 : memref<1x128xi32, #tpu.memory_space<vmem>> -> memref<128xi32, #tpu.memory_space<vmem>>
        %dma_wait3A_134 = arith.constant 0 : i32
        %dma_wait3A_135 = arith.constant 0 : i32
        %dma_wait3A_136 = tpu.memref_slice %arg11[%dma_wait3A_134, %dma_wait3A_135] : memref<10240x128xf32, #tpu.memory_space<vmem_shared>> -> memref<10240x128xf32, #tpu.memory_space<vmem_shared>>
        tpu.wait_indirect_dma semaphore(%arg17 : memref<!tpu.dma_semaphore, #tpu.memory_space<semaphore_mem>>) src(%arg13 : memref<128x128xf32, #tpu.memory_space<vmem>>) dst(%dma_wait3A_136 : memref<10240x128xf32, #tpu.memory_space<vmem_shared>>)
        %add3A_137 = arith.constant 2 : i32
        %add3A_138 = arith.addi %add3A_76, %add3A_137 : i32
        %sub3A_139 = arith.constant 1 : i32
        %sub3A_140 = arith.subi %add3A_138, %sub3A_139 : i32
        %dma_start3A_141 = arith.constant 0 : i32
        %dma_start3A_142 = tpu.memref_slice %arg8[%sub3A_140, %dma_start3A_141] : memref<40x128xi32, #tpu.memory_space<vmem>> -> memref<1x128xi32, #tpu.memory_space<vmem>>
        %dma_start3A_143 = tpu.memref_squeeze %dma_start3A_142 : memref<1x128xi32, #tpu.memory_space<vmem>> -> memref<128xi32, #tpu.memory_space<vmem>>
        %dma_start3A_144 = arith.constant 0 : i32
        %dma_start3A_145 = arith.constant 0 : i32
        %dma_start3A_146 = tpu.memref_slice %arg2[%dma_start3A_144, %dma_start3A_145] : memref<10000x128xf32, #tpu.memory_space<hbm>> -> memref<10000x128xf32, #tpu.memory_space<hbm>>
        tpu.enqueue_indirect_dma source(%dma_start3A_146 : memref<10000x128xf32, #tpu.memory_space<hbm>>) target(%arg13 : memref<128x128xf32, #tpu.memory_space<vmem>>) offsets(%dma_start3A_143 : memref<128xi32, #tpu.memory_space<vmem>>) semaphore(%arg15 : memref<!tpu.dma_semaphore, #tpu.memory_space<semaphore_mem>>)
      } else {
      }
      %parallel_loop3A = arith.constant 0 : i32
      %parallel_loop3A_92 = arith.constant 128 : i32
      %parallel_loop3A_93 = arith.constant 1 : i32
      scf.for %parallel_loop3A_130 = %parallel_loop3A to %parallel_loop3A_92 step %parallel_loop3A_93  : i32 {
        %parallel_loop3A_131 = arith.constant 128 : i32
        %parallel_loop3A_132 = arith.muli %add3A_76, %parallel_loop3A_131 : i32
        %parallel_loop3A_133 = arith.addi %parallel_loop3A_132, %parallel_loop3A_130 : i32
        %parallel_loop3A_134 = vector.broadcast %parallel_loop3A_133 : i32 to vector<16xi32>
        %parallel_loop3A_135 = tpu.vector_load_idx %arg10[%parallel_loop3A_134] : memref<5120xf32, #tpu.memory_space<vmem>>[vector<16xi32>], vector<16xf32>,
        %parallel_loop3A_136 = arith.index_cast %parallel_loop3A_130 : i32 to index
        %parallel_loop3A_137 = arith.constant 0 : index
        %parallel_loop3A_138 = tpu.vector_load %arg12[%parallel_loop3A_136, %parallel_loop3A_137] {strides = array<i32>} : memref<128x128xf32, #tpu.memory_space<vmem>>, vector<16xf32>,
        %parallel_loop3A_139 = arith.mulf %parallel_loop3A_138, %parallel_loop3A_135 : vector<16xf32>
        %parallel_loop3A_140 = arith.index_cast %parallel_loop3A_130 : i32 to index
        %parallel_loop3A_141 = arith.constant 0 : index
        %parallel_loop3A_142 = tpu.vector_load %arg12[%parallel_loop3A_140, %parallel_loop3A_141] {strides = array<i32>} : memref<128x128xf32, #tpu.memory_space<vmem>>, vector<16xf32>,
        tpu.vector_store %arg12[%parallel_loop3A_140, %parallel_loop3A_141], %parallel_loop3A_139 {strides = array<i32>} : memref<128x128xf32, #tpu.memory_space<vmem>>, vector<16xf32>,
        %parallel_loop3A_143 = arith.index_cast %parallel_loop3A_130 : i32 to index
        %parallel_loop3A_144 = arith.constant 16 : index
        %parallel_loop3A_145 = tpu.vector_load %arg12[%parallel_loop3A_143, %parallel_loop3A_144] {strides = array<i32>} : memref<128x128xf32, #tpu.memory_space<vmem>>, vector<16xf32>,
        %parallel_loop3A_146 = arith.mulf %parallel_loop3A_145, %parallel_loop3A_135 : vector<16xf32>
        %parallel_loop3A_147 = arith.index_cast %parallel_loop3A_130 : i32 to index
        %parallel_loop3A_148 = arith.constant 16 : index
        %parallel_loop3A_149 = tpu.vector_load %arg12[%parallel_loop3A_147, %parallel_loop3A_148] {strides = array<i32>} : memref<128x128xf32, #tpu.memory_space<vmem>>, vector<16xf32>,
        tpu.vector_store %arg12[%parallel_loop3A_147, %parallel_loop3A_148], %parallel_loop3A_146 {strides = array<i32>} : memref<128x128xf32, #tpu.memory_space<vmem>>, vector<16xf32>,
        %parallel_loop3A_150 = arith.index_cast %parallel_loop3A_130 : i32 to index
        %parallel_loop3A_151 = arith.constant 32 : index
        %parallel_loop3A_152 = tpu.vector_load %arg12[%parallel_loop3A_150, %parallel_loop3A_151] {strides = array<i32>} : memref<128x128xf32, #tpu.memory_space<vmem>>, vector<16xf32>,
        %parallel_loop3A_153 = arith.mulf %parallel_loop3A_152, %parallel_loop3A_135 : vector<16xf32>
        %parallel_loop3A_154 = arith.index_cast %parallel_loop3A_130 : i32 to index
        %parallel_loop3A_155 = arith.constant 32 : index
        %parallel_loop3A_156 = tpu.vector_load %arg12[%parallel_loop3A_154, %parallel_loop3A_155] {strides = array<i32>} : memref<128x128xf32, #tpu.memory_space<vmem>>, vector<16xf32>,
        tpu.vector_store %arg12[%parallel_loop3A_154, %parallel_loop3A_155], %parallel_loop3A_153 {strides = array<i32>} : memref<128x128xf32, #tpu.memory_space<vmem>>, vector<16xf32>,
        %parallel_loop3A_157 = arith.index_cast %parallel_loop3A_130 : i32 to index
        %parallel_loop3A_158 = arith.constant 48 : index
        %parallel_loop3A_159 = tpu.vector_load %arg12[%parallel_loop3A_157, %parallel_loop3A_158] {strides = array<i32>} : memref<128x128xf32, #tpu.memory_space<vmem>>, vector<16xf32>,
        %parallel_loop3A_160 = arith.mulf %parallel_loop3A_159, %parallel_loop3A_135 : vector<16xf32>
        %parallel_loop3A_161 = arith.index_cast %parallel_loop3A_130 : i32 to index
        %parallel_loop3A_162 = arith.constant 48 : index
        %parallel_loop3A_163 = tpu.vector_load %arg12[%parallel_loop3A_161, %parallel_loop3A_162] {strides = array<i32>} : memref<128x128xf32, #tpu.memory_space<vmem>>, vector<16xf32>,
        tpu.vector_store %arg12[%parallel_loop3A_161, %parallel_loop3A_162], %parallel_loop3A_160 {strides = array<i32>} : memref<128x128xf32, #tpu.memory_space<vmem>>, vector<16xf32>,
        %parallel_loop3A_164 = arith.index_cast %parallel_loop3A_130 : i32 to index
        %parallel_loop3A_165 = arith.constant 64 : index
        %parallel_loop3A_166 = tpu.vector_load %arg12[%parallel_loop3A_164, %parallel_loop3A_165] {strides = array<i32>} : memref<128x128xf32, #tpu.memory_space<vmem>>, vector<16xf32>,
        %parallel_loop3A_167 = arith.mulf %parallel_loop3A_166, %parallel_loop3A_135 : vector<16xf32>
        %parallel_loop3A_168 = arith.index_cast %parallel_loop3A_130 : i32 to index
        %parallel_loop3A_169 = arith.constant 64 : index
        %parallel_loop3A_170 = tpu.vector_load %arg12[%parallel_loop3A_168, %parallel_loop3A_169] {strides = array<i32>} : memref<128x128xf32, #tpu.memory_space<vmem>>, vector<16xf32>,
        tpu.vector_store %arg12[%parallel_loop3A_168, %parallel_loop3A_169], %parallel_loop3A_167 {strides = array<i32>} : memref<128x128xf32, #tpu.memory_space<vmem>>, vector<16xf32>,
        %parallel_loop3A_171 = arith.index_cast %parallel_loop3A_130 : i32 to index
        %parallel_loop3A_172 = arith.constant 80 : index
        %parallel_loop3A_173 = tpu.vector_load %arg12[%parallel_loop3A_171, %parallel_loop3A_172] {strides = array<i32>} : memref<128x128xf32, #tpu.memory_space<vmem>>, vector<16xf32>,
        %parallel_loop3A_174 = arith.mulf %parallel_loop3A_173, %parallel_loop3A_135 : vector<16xf32>
        %parallel_loop3A_175 = arith.index_cast %parallel_loop3A_130 : i32 to index
        %parallel_loop3A_176 = arith.constant 80 : index
        %parallel_loop3A_177 = tpu.vector_load %arg12[%parallel_loop3A_175, %parallel_loop3A_176] {strides = array<i32>} : memref<128x128xf32, #tpu.memory_space<vmem>>, vector<16xf32>,
        tpu.vector_store %arg12[%parallel_loop3A_175, %parallel_loop3A_176], %parallel_loop3A_174 {strides = array<i32>} : memref<128x128xf32, #tpu.memory_space<vmem>>, vector<16xf32>,
        %parallel_loop3A_178 = arith.index_cast %parallel_loop3A_130 : i32 to index
        %parallel_loop3A_179 = arith.constant 96 : index
        %parallel_loop3A_180 = tpu.vector_load %arg12[%parallel_loop3A_178, %parallel_loop3A_179] {strides = array<i32>} : memref<128x128xf32, #tpu.memory_space<vmem>>, vector<16xf32>,
        %parallel_loop3A_181 = arith.mulf %parallel_loop3A_180, %parallel_loop3A_135 : vector<16xf32>
        %parallel_loop3A_182 = arith.index_cast %parallel_loop3A_130 : i32 to index
        %parallel_loop3A_183 = arith.constant 96 : index
        %parallel_loop3A_184 = tpu.vector_load %arg12[%parallel_loop3A_182, %parallel_loop3A_183] {strides = array<i32>} : memref<128x128xf32, #tpu.memory_space<vmem>>, vector<16xf32>,
        tpu.vector_store %arg12[%parallel_loop3A_182, %parallel_loop3A_183], %parallel_loop3A_181 {strides = array<i32>} : memref<128x128xf32, #tpu.memory_space<vmem>>, vector<16xf32>,
        %parallel_loop3A_185 = arith.index_cast %parallel_loop3A_130 : i32 to index
        %parallel_loop3A_186 = arith.constant 112 : index
        %parallel_loop3A_187 = tpu.vector_load %arg12[%parallel_loop3A_185, %parallel_loop3A_186] {strides = array<i32>} : memref<128x128xf32, #tpu.memory_space<vmem>>, vector<16xf32>,
        %parallel_loop3A_188 = arith.mulf %parallel_loop3A_187, %parallel_loop3A_135 : vector<16xf32>
        %parallel_loop3A_189 = arith.index_cast %parallel_loop3A_130 : i32 to index
        %parallel_loop3A_190 = arith.constant 112 : index
        %parallel_loop3A_191 = tpu.vector_load %arg12[%parallel_loop3A_189, %parallel_loop3A_190] {strides = array<i32>} : memref<128x128xf32, #tpu.memory_space<vmem>>, vector<16xf32>,
        tpu.vector_store %arg12[%parallel_loop3A_189, %parallel_loop3A_190], %parallel_loop3A_188 {strides = array<i32>} : memref<128x128xf32, #tpu.memory_space<vmem>>, vector<16xf32>,
      } {sc.loop_unroll_factor = 4 : i64, sc.parallel_access}
      %dma_start3A_94 = arith.constant 0 : i32
      %dma_start3A_95 = tpu.memref_slice %arg9[%add3A_76, %dma_start3A_94] : memref<40x128xi32, #tpu.memory_space<vmem>> -> memref<1x128xi32, #tpu.memory_space<vmem>>
      %dma_start3A_96 = tpu.memref_squeeze %dma_start3A_95 : memref<1x128xi32, #tpu.memory_space<vmem>> -> memref<128xi32, #tpu.memory_space<vmem>>
      %dma_start3A_97 = arith.constant 0 : i32
      %dma_start3A_98 = arith.constant 0 : i32
      %dma_start3A_99 = tpu.memref_slice %arg11[%dma_start3A_97, %dma_start3A_98] : memref<10240x128xf32, #tpu.memory_space<vmem_shared>> -> memref<10240x128xf32, #tpu.memory_space<vmem_shared>>
      tpu.enqueue_indirect_dma source(%arg12 : memref<128x128xf32, #tpu.memory_space<vmem>>) target(%dma_start3A_99 : memref<10240x128xf32, #tpu.memory_space<vmem_shared>>) offsets(%dma_start3A_96 : memref<128xi32, #tpu.memory_space<vmem>>) semaphore(%arg16 : memref<!tpu.dma_semaphore, #tpu.memory_space<semaphore_mem>>) {add = true}
      %add3A_100 = arith.constant 1 : i32
      %add3A_101 = arith.addi %add3A_74, %add3A_100 : i32
      %dma_wait3A_102 = arith.constant 0 : i32
      %dma_wait3A_103 = arith.constant 0 : i32
      %dma_wait3A_104 = tpu.memref_slice %arg8[%dma_wait3A_102, %dma_wait3A_103] : memref<40x128xi32, #tpu.memory_space<vmem>> -> memref<1x128xi32, #tpu.memory_space<vmem>>
      %dma_wait3A_105 = tpu.memref_squeeze %dma_wait3A_104 : memref<1x128xi32, #tpu.memory_space<vmem>> -> memref<128xi32, #tpu.memory_space<vmem>>
      %dma_wait3A_106 = arith.constant 0 : i32
      %dma_wait3A_107 = arith.constant 0 : i32
      %dma_wait3A_108 = tpu.memref_slice %arg2[%dma_wait3A_106, %dma_wait3A_107] : memref<10000x128xf32, #tpu.memory_space<hbm>> -> memref<10000x128xf32, #tpu.memory_space<hbm>>
      tpu.wait_indirect_dma semaphore(%arg15 : memref<!tpu.dma_semaphore, #tpu.memory_space<semaphore_mem>>) src(%dma_wait3A_108 : memref<10000x128xf32, #tpu.memory_space<hbm>>) dst(%arg13 : memref<128x128xf32, #tpu.memory_space<vmem>>)
      %ge3A_109 = arith.constant 1 : i32
      %ge3A_110 = arith.cmpi sge, %add3A_101, %ge3A_109 : i32
      %add3A_111 = arith.constant 2 : i32
      %add3A_112 = arith.addi %add3A_101, %add3A_111 : i32
      %sub3A_113 = arith.constant 1 : i32
      %sub3A_114 = arith.subi %add3A_112, %sub3A_113 : i32
      %lt3A_115 = arith.constant 40 : i32
      %lt3A_116 = arith.cmpi slt, %sub3A_114, %lt3A_115 : i32
      %and3A_117 = arith.andi %ge3A_110, %lt3A_116 : i1
      %convert_element_type3A_118 = arith.extui %and3A_117 : i1 to i32
      %cond3A_119 = arith.constant 0 : i32
      %cond3A_120 = arith.cmpi ne, %convert_element_type3A_118, %cond3A_119 : i32
      scf.if %cond3A_120 {
        %dma_wait3A_130 = arith.constant 0 : i32
        %dma_wait3A_131 = arith.constant 0 : i32
        %dma_wait3A_132 = tpu.memref_slice %arg9[%dma_wait3A_130, %dma_wait3A_131] : memref<40x128xi32, #tpu.memory_space<vmem>> -> memref<1x128xi32, #tpu.memory_space<vmem>>
        %dma_wait3A_133 = tpu.memref_squeeze %dma_wait3A_132 : memref<1x128xi32, #tpu.memory_space<vmem>> -> memref<128xi32, #tpu.memory_space<vmem>>
        %dma_wait3A_134 = arith.constant 0 : i32
        %dma_wait3A_135 = arith.constant 0 : i32
        %dma_wait3A_136 = tpu.memref_slice %arg11[%dma_wait3A_134, %dma_wait3A_135] : memref<10240x128xf32, #tpu.memory_space<vmem_shared>> -> memref<10240x128xf32, #tpu.memory_space<vmem_shared>>
        tpu.wait_indirect_dma semaphore(%arg16 : memref<!tpu.dma_semaphore, #tpu.memory_space<semaphore_mem>>) src(%arg12 : memref<128x128xf32, #tpu.memory_space<vmem>>) dst(%dma_wait3A_136 : memref<10240x128xf32, #tpu.memory_space<vmem_shared>>)
        %add3A_137 = arith.constant 2 : i32
        %add3A_138 = arith.addi %add3A_101, %add3A_137 : i32
        %sub3A_139 = arith.constant 1 : i32
        %sub3A_140 = arith.subi %add3A_138, %sub3A_139 : i32
        %dma_start3A_141 = arith.constant 0 : i32
        %dma_start3A_142 = tpu.memref_slice %arg8[%sub3A_140, %dma_start3A_141] : memref<40x128xi32, #tpu.memory_space<vmem>> -> memref<1x128xi32, #tpu.memory_space<vmem>>
        %dma_start3A_143 = tpu.memref_squeeze %dma_start3A_142 : memref<1x128xi32, #tpu.memory_space<vmem>> -> memref<128xi32, #tpu.memory_space<vmem>>
        %dma_start3A_144 = arith.constant 0 : i32
        %dma_start3A_145 = arith.constant 0 : i32
        %dma_start3A_146 = tpu.memref_slice %arg2[%dma_start3A_144, %dma_start3A_145] : memref<10000x128xf32, #tpu.memory_space<hbm>> -> memref<10000x128xf32, #tpu.memory_space<hbm>>
        tpu.enqueue_indirect_dma source(%dma_start3A_146 : memref<10000x128xf32, #tpu.memory_space<hbm>>) target(%arg12 : memref<128x128xf32, #tpu.memory_space<vmem>>) offsets(%dma_start3A_143 : memref<128xi32, #tpu.memory_space<vmem>>) semaphore(%arg14 : memref<!tpu.dma_semaphore, #tpu.memory_space<semaphore_mem>>)
      } else {
      }
      %parallel_loop3A_121 = arith.constant 0 : i32
      %parallel_loop3A_122 = arith.constant 128 : i32
      %parallel_loop3A_123 = arith.constant 1 : i32
      scf.for %parallel_loop3A_130 = %parallel_loop3A_121 to %parallel_loop3A_122 step %parallel_loop3A_123  : i32 {
        %parallel_loop3A_131 = arith.constant 128 : i32
        %parallel_loop3A_132 = arith.muli %add3A_101, %parallel_loop3A_131 : i32
        %parallel_loop3A_133 = arith.addi %parallel_loop3A_132, %parallel_loop3A_130 : i32
        %parallel_loop3A_134 = vector.broadcast %parallel_loop3A_133 : i32 to vector<16xi32>
        %parallel_loop3A_135 = tpu.vector_load_idx %arg10[%parallel_loop3A_134] : memref<5120xf32, #tpu.memory_space<vmem>>[vector<16xi32>], vector<16xf32>,
        %parallel_loop3A_136 = arith.index_cast %parallel_loop3A_130 : i32 to index
        %parallel_loop3A_137 = arith.constant 0 : index
        %parallel_loop3A_138 = tpu.vector_load %arg13[%parallel_loop3A_136, %parallel_loop3A_137] {strides = array<i32>} : memref<128x128xf32, #tpu.memory_space<vmem>>, vector<16xf32>,
        %parallel_loop3A_139 = arith.mulf %parallel_loop3A_138, %parallel_loop3A_135 : vector<16xf32>
        %parallel_loop3A_140 = arith.index_cast %parallel_loop3A_130 : i32 to index
        %parallel_loop3A_141 = arith.constant 0 : index
        %parallel_loop3A_142 = tpu.vector_load %arg13[%parallel_loop3A_140, %parallel_loop3A_141] {strides = array<i32>} : memref<128x128xf32, #tpu.memory_space<vmem>>, vector<16xf32>,
        tpu.vector_store %arg13[%parallel_loop3A_140, %parallel_loop3A_141], %parallel_loop3A_139 {strides = array<i32>} : memref<128x128xf32, #tpu.memory_space<vmem>>, vector<16xf32>,
        %parallel_loop3A_143 = arith.index_cast %parallel_loop3A_130 : i32 to index
        %parallel_loop3A_144 = arith.constant 16 : index
        %parallel_loop3A_145 = tpu.vector_load %arg13[%parallel_loop3A_143, %parallel_loop3A_144] {strides = array<i32>} : memref<128x128xf32, #tpu.memory_space<vmem>>, vector<16xf32>,
        %parallel_loop3A_146 = arith.mulf %parallel_loop3A_145, %parallel_loop3A_135 : vector<16xf32>
        %parallel_loop3A_147 = arith.index_cast %parallel_loop3A_130 : i32 to index
        %parallel_loop3A_148 = arith.constant 16 : index
        %parallel_loop3A_149 = tpu.vector_load %arg13[%parallel_loop3A_147, %parallel_loop3A_148] {strides = array<i32>} : memref<128x128xf32, #tpu.memory_space<vmem>>, vector<16xf32>,
        tpu.vector_store %arg13[%parallel_loop3A_147, %parallel_loop3A_148], %parallel_loop3A_146 {strides = array<i32>} : memref<128x128xf32, #tpu.memory_space<vmem>>, vector<16xf32>,
        %parallel_loop3A_150 = arith.index_cast %parallel_loop3A_130 : i32 to index
        %parallel_loop3A_151 = arith.constant 32 : index
        %parallel_loop3A_152 = tpu.vector_load %arg13[%parallel_loop3A_150, %parallel_loop3A_151] {strides = array<i32>} : memref<128x128xf32, #tpu.memory_space<vmem>>, vector<16xf32>,
        %parallel_loop3A_153 = arith.mulf %parallel_loop3A_152, %parallel_loop3A_135 : vector<16xf32>
        %parallel_loop3A_154 = arith.index_cast %parallel_loop3A_130 : i32 to index
        %parallel_loop3A_155 = arith.constant 32 : index
        %parallel_loop3A_156 = tpu.vector_load %arg13[%parallel_loop3A_154, %parallel_loop3A_155] {strides = array<i32>} : memref<128x128xf32, #tpu.memory_space<vmem>>, vector<16xf32>,
        tpu.vector_store %arg13[%parallel_loop3A_154, %parallel_loop3A_155], %parallel_loop3A_153 {strides = array<i32>} : memref<128x128xf32, #tpu.memory_space<vmem>>, vector<16xf32>,
        %parallel_loop3A_157 = arith.index_cast %parallel_loop3A_130 : i32 to index
        %parallel_loop3A_158 = arith.constant 48 : index
        %parallel_loop3A_159 = tpu.vector_load %arg13[%parallel_loop3A_157, %parallel_loop3A_158] {strides = array<i32>} : memref<128x128xf32, #tpu.memory_space<vmem>>, vector<16xf32>,
        %parallel_loop3A_160 = arith.mulf %parallel_loop3A_159, %parallel_loop3A_135 : vector<16xf32>
        %parallel_loop3A_161 = arith.index_cast %parallel_loop3A_130 : i32 to index
        %parallel_loop3A_162 = arith.constant 48 : index
        %parallel_loop3A_163 = tpu.vector_load %arg13[%parallel_loop3A_161, %parallel_loop3A_162] {strides = array<i32>} : memref<128x128xf32, #tpu.memory_space<vmem>>, vector<16xf32>,
        tpu.vector_store %arg13[%parallel_loop3A_161, %parallel_loop3A_162], %parallel_loop3A_160 {strides = array<i32>} : memref<128x128xf32, #tpu.memory_space<vmem>>, vector<16xf32>,
        %parallel_loop3A_164 = arith.index_cast %parallel_loop3A_130 : i32 to index
        %parallel_loop3A_165 = arith.constant 64 : index
        %parallel_loop3A_166 = tpu.vector_load %arg13[%parallel_loop3A_164, %parallel_loop3A_165] {strides = array<i32>} : memref<128x128xf32, #tpu.memory_space<vmem>>, vector<16xf32>,
        %parallel_loop3A_167 = arith.mulf %parallel_loop3A_166, %parallel_loop3A_135 : vector<16xf32>
        %parallel_loop3A_168 = arith.index_cast %parallel_loop3A_130 : i32 to index
        %parallel_loop3A_169 = arith.constant 64 : index
        %parallel_loop3A_170 = tpu.vector_load %arg13[%parallel_loop3A_168, %parallel_loop3A_169] {strides = array<i32>} : memref<128x128xf32, #tpu.memory_space<vmem>>, vector<16xf32>,
        tpu.vector_store %arg13[%parallel_loop3A_168, %parallel_loop3A_169], %parallel_loop3A_167 {strides = array<i32>} : memref<128x128xf32, #tpu.memory_space<vmem>>, vector<16xf32>,
        %parallel_loop3A_171 = arith.index_cast %parallel_loop3A_130 : i32 to index
        %parallel_loop3A_172 = arith.constant 80 : index
        %parallel_loop3A_173 = tpu.vector_load %arg13[%parallel_loop3A_171, %parallel_loop3A_172] {strides = array<i32>} : memref<128x128xf32, #tpu.memory_space<vmem>>, vector<16xf32>,
        %parallel_loop3A_174 = arith.mulf %parallel_loop3A_173, %parallel_loop3A_135 : vector<16xf32>
        %parallel_loop3A_175 = arith.index_cast %parallel_loop3A_130 : i32 to index
        %parallel_loop3A_176 = arith.constant 80 : index
        %parallel_loop3A_177 = tpu.vector_load %arg13[%parallel_loop3A_175, %parallel_loop3A_176] {strides = array<i32>} : memref<128x128xf32, #tpu.memory_space<vmem>>, vector<16xf32>,
        tpu.vector_store %arg13[%parallel_loop3A_175, %parallel_loop3A_176], %parallel_loop3A_174 {strides = array<i32>} : memref<128x128xf32, #tpu.memory_space<vmem>>, vector<16xf32>,
        %parallel_loop3A_178 = arith.index_cast %parallel_loop3A_130 : i32 to index
        %parallel_loop3A_179 = arith.constant 96 : index
        %parallel_loop3A_180 = tpu.vector_load %arg13[%parallel_loop3A_178, %parallel_loop3A_179] {strides = array<i32>} : memref<128x128xf32, #tpu.memory_space<vmem>>, vector<16xf32>,
        %parallel_loop3A_181 = arith.mulf %parallel_loop3A_180, %parallel_loop3A_135 : vector<16xf32>
        %parallel_loop3A_182 = arith.index_cast %parallel_loop3A_130 : i32 to index
        %parallel_loop3A_183 = arith.constant 96 : index
        %parallel_loop3A_184 = tpu.vector_load %arg13[%parallel_loop3A_182, %parallel_loop3A_183] {strides = array<i32>} : memref<128x128xf32, #tpu.memory_space<vmem>>, vector<16xf32>,
        tpu.vector_store %arg13[%parallel_loop3A_182, %parallel_loop3A_183], %parallel_loop3A_181 {strides = array<i32>} : memref<128x128xf32, #tpu.memory_space<vmem>>, vector<16xf32>,
        %parallel_loop3A_185 = arith.index_cast %parallel_loop3A_130 : i32 to index
        %parallel_loop3A_186 = arith.constant 112 : index
        %parallel_loop3A_187 = tpu.vector_load %arg13[%parallel_loop3A_185, %parallel_loop3A_186] {strides = array<i32>} : memref<128x128xf32, #tpu.memory_space<vmem>>, vector<16xf32>,
        %parallel_loop3A_188 = arith.mulf %parallel_loop3A_187, %parallel_loop3A_135 : vector<16xf32>
        %parallel_loop3A_189 = arith.index_cast %parallel_loop3A_130 : i32 to index
        %parallel_loop3A_190 = arith.constant 112 : index
        %parallel_loop3A_191 = tpu.vector_load %arg13[%parallel_loop3A_189, %parallel_loop3A_190] {strides = array<i32>} : memref<128x128xf32, #tpu.memory_space<vmem>>, vector<16xf32>,
        tpu.vector_store %arg13[%parallel_loop3A_189, %parallel_loop3A_190], %parallel_loop3A_188 {strides = array<i32>} : memref<128x128xf32, #tpu.memory_space<vmem>>, vector<16xf32>,
      } {sc.loop_unroll_factor = 4 : i64, sc.parallel_access}
      %dma_start3A_124 = arith.constant 0 : i32
      %dma_start3A_125 = tpu.memref_slice %arg9[%add3A_101, %dma_start3A_124] : memref<40x128xi32, #tpu.memory_space<vmem>> -> memref<1x128xi32, #tpu.memory_space<vmem>>
      %dma_start3A_126 = tpu.memref_squeeze %dma_start3A_125 : memref<1x128xi32, #tpu.memory_space<vmem>> -> memref<128xi32, #tpu.memory_space<vmem>>
      %dma_start3A_127 = arith.constant 0 : i32
      %dma_start3A_128 = arith.constant 0 : i32
      %dma_start3A_129 = tpu.memref_slice %arg11[%dma_start3A_127, %dma_start3A_128] : memref<10240x128xf32, #tpu.memory_space<vmem_shared>> -> memref<10240x128xf32, #tpu.memory_space<vmem_shared>>
      tpu.enqueue_indirect_dma source(%arg13 : memref<128x128xf32, #tpu.memory_space<vmem>>) target(%dma_start3A_129 : memref<10240x128xf32, #tpu.memory_space<vmem_shared>>) offsets(%dma_start3A_126 : memref<128xi32, #tpu.memory_space<vmem>>) semaphore(%arg17 : memref<!tpu.dma_semaphore, #tpu.memory_space<semaphore_mem>>) {add = true}
    }
    %scan3A_46 = arith.constant 20 : i32
    %dma_wait3A = arith.constant 0 : i32
    %dma_wait3A_47 = arith.constant 0 : i32
    %dma_wait3A_48 = tpu.memref_slice %arg9[%dma_wait3A, %dma_wait3A_47] : memref<40x128xi32, #tpu.memory_space<vmem>> -> memref<1x128xi32, #tpu.memory_space<vmem>>
    %dma_wait3A_49 = tpu.memref_squeeze %dma_wait3A_48 : memref<1x128xi32, #tpu.memory_space<vmem>> -> memref<128xi32, #tpu.memory_space<vmem>>
    %dma_wait3A_50 = arith.constant 0 : i32
    %dma_wait3A_51 = arith.constant 0 : i32
    %dma_wait3A_52 = tpu.memref_slice %arg11[%dma_wait3A_50, %dma_wait3A_51] : memref<10240x128xf32, #tpu.memory_space<vmem_shared>> -> memref<10240x128xf32, #tpu.memory_space<vmem_shared>>
    tpu.wait_indirect_dma semaphore(%arg16 : memref<!tpu.dma_semaphore, #tpu.memory_space<semaphore_mem>>) src(%arg12 : memref<128x128xf32, #tpu.memory_space<vmem>>) dst(%dma_wait3A_52 : memref<10240x128xf32, #tpu.memory_space<vmem_shared>>)
    %dma_wait3A_53 = arith.constant 0 : i32
    %dma_wait3A_54 = arith.constant 0 : i32
    %dma_wait3A_55 = tpu.memref_slice %arg9[%dma_wait3A_53, %dma_wait3A_54] : memref<40x128xi32, #tpu.memory_space<vmem>> -> memref<1x128xi32, #tpu.memory_space<vmem>>
    %dma_wait3A_56 = tpu.memref_squeeze %dma_wait3A_55 : memref<1x128xi32, #tpu.memory_space<vmem>> -> memref<128xi32, #tpu.memory_space<vmem>>
    %dma_wait3A_57 = arith.constant 0 : i32
    %dma_wait3A_58 = arith.constant 0 : i32
    %dma_wait3A_59 = tpu.memref_slice %arg11[%dma_wait3A_57, %dma_wait3A_58] : memref<10240x128xf32, #tpu.memory_space<vmem_shared>> -> memref<10240x128xf32, #tpu.memory_space<vmem_shared>>
    tpu.wait_indirect_dma semaphore(%arg17 : memref<!tpu.dma_semaphore, #tpu.memory_space<semaphore_mem>>) src(%arg13 : memref<128x128xf32, #tpu.memory_space<vmem>>) dst(%dma_wait3A_59 : memref<10240x128xf32, #tpu.memory_space<vmem_shared>>)
    %barrier3A_60 = arith.constant 0 : index
    tpu.barrier barrier_id(%barrier3A_60)
    %mul3A_61 = arith.constant 640 : i32
    %mul3A_62 = arith.muli %arg1, %mul3A_61 : i32
    %eq3A = arith.constant 0 : i32
    %eq3A_63 = arith.cmpi eq, %arg0, %eq3A : i32
    %convert_element_type3A = arith.extui %eq3A_63 : i1 to i32
    %cond3A = arith.constant 0 : i32
    %cond3A_64 = arith.cmpi ne, %convert_element_type3A, %cond3A : i32
    scf.if %cond3A_64 {
      "tpu.region"() ({
        %run_scoped3A = tpu.sem_alloc : memref<!tpu.dma_semaphore, #tpu.memory_space<semaphore_mem>>
        %dma_start3A_70 = arith.constant 0 : i32
        %dma_start3A_71 = tpu.memref_slice %arg6[%mul3A_62, %dma_start3A_70] : memref<10240x128xf32, #tpu.memory_space<hbm>> -> memref<640x128xf32, #tpu.memory_space<hbm>>
        %dma_start3A_72 = arith.constant 0 : i32
        %dma_start3A_73 = tpu.memref_slice %arg11[%mul3A_62, %dma_start3A_72] : memref<10240x128xf32, #tpu.memory_space<vmem_shared>> -> memref<640x128xf32, #tpu.memory_space<vmem_shared>>
        tpu.enqueue_dma source(%dma_start3A_73 : memref<640x128xf32, #tpu.memory_space<vmem_shared>>) target(%dma_start3A_71 : memref<640x128xf32, #tpu.memory_space<hbm>>) target_semaphore(%run_scoped3A : memref<!tpu.dma_semaphore, #tpu.memory_space<semaphore_mem>>)
        %dma_wait3A_74 = arith.constant 0 : i32
        %dma_wait3A_75 = tpu.memref_slice %arg6[%mul3A_62, %dma_wait3A_74] : memref<10240x128xf32, #tpu.memory_space<hbm>> -> memref<640x128xf32, #tpu.memory_space<hbm>>
        %dma_wait3A_76 = arith.constant 0 : i32
        %dma_wait3A_77 = tpu.memref_slice %arg11[%mul3A_62, %dma_wait3A_76] : memref<10240x128xf32, #tpu.memory_space<vmem_shared>> -> memref<640x128xf32, #tpu.memory_space<vmem_shared>>
        tpu.wait_dma2 semaphore(%run_scoped3A : memref<!tpu.dma_semaphore, #tpu.memory_space<semaphore_mem>>) src(%dma_wait3A_77 : memref<640x128xf32, #tpu.memory_space<vmem_shared>>) dst(%dma_wait3A_75 : memref<640x128xf32, #tpu.memory_space<hbm>>)
        tpu.yield
      }) : () -> ()
    } else {
    }
    %eq3A_65 = arith.constant 1 : i32
    %eq3A_66 = arith.cmpi eq, %arg0, %eq3A_65 : i32
    %convert_element_type3A_67 = arith.extui %eq3A_66 : i1 to i32
    %cond3A_68 = arith.constant 0 : i32
    %cond3A_69 = arith.cmpi ne, %convert_element_type3A_67, %cond3A_68 : i32
    scf.if %cond3A_69 {
      "tpu.region"() ({
        %run_scoped3A = tpu.sem_alloc : memref<!tpu.dma_semaphore, #tpu.memory_space<semaphore_mem>>
        %dma_start3A_70 = arith.constant 0 : i32
        %dma_start3A_71 = tpu.memref_slice %arg7[%mul3A_62, %dma_start3A_70] : memref<10240x128xf32, #tpu.memory_space<hbm>> -> memref<640x128xf32, #tpu.memory_space<hbm>>
        %dma_start3A_72 = arith.constant 0 : i32
        %dma_start3A_73 = tpu.memref_slice %arg11[%mul3A_62, %dma_start3A_72] : memref<10240x128xf32, #tpu.memory_space<vmem_shared>> -> memref<640x128xf32, #tpu.memory_space<vmem_shared>>
        tpu.enqueue_dma source(%dma_start3A_73 : memref<640x128xf32, #tpu.memory_space<vmem_shared>>) target(%dma_start3A_71 : memref<640x128xf32, #tpu.memory_space<hbm>>) target_semaphore(%run_scoped3A : memref<!tpu.dma_semaphore, #tpu.memory_space<semaphore_mem>>)
        %dma_wait3A_74 = arith.constant 0 : i32
        %dma_wait3A_75 = tpu.memref_slice %arg7[%mul3A_62, %dma_wait3A_74] : memref<10240x128xf32, #tpu.memory_space<hbm>> -> memref<640x128xf32, #tpu.memory_space<hbm>>
        %dma_wait3A_76 = arith.constant 0 : i32
        %dma_wait3A_77 = tpu.memref_slice %arg11[%mul3A_62, %dma_wait3A_76] : memref<10240x128xf32, #tpu.memory_space<vmem_shared>> -> memref<640x128xf32, #tpu.memory_space<vmem_shared>>
        tpu.wait_dma2 semaphore(%run_scoped3A : memref<!tpu.dma_semaphore, #tpu.memory_space<semaphore_mem>>) src(%dma_wait3A_77 : memref<640x128xf32, #tpu.memory_space<vmem_shared>>) dst(%dma_wait3A_75 : memref<640x128xf32, #tpu.memory_space<hbm>>)
        tpu.yield
      }) : () -> ()
    } else {
    }
    return
  }
}

#map = affine_map<(d0, d1) -> (0, 0)>
#map1 = affine_map<(d0, d1) -> (0)>
module attributes {stable_mosaic.version = 14 : i64} {
  func.func @body(%arg0: i32, %arg1: i32, %arg2: memref<10000x128xf32, #tpu.memory_space<hbm>>, %arg3: memref<1280x128xi32, #tpu.memory_space<hbm>>, %arg4: memref<1280x128xi32, #tpu.memory_space<hbm>>, %arg5: memref<163840xf32, #tpu.memory_space<hbm>>, %arg6: memref<10240x128xf32, #tpu.memory_space<hbm>>, %arg7: memref<10240x128xf32, #tpu.memory_space<hbm>>, %arg8: memref<40x128xi32, #tpu.memory_space<vmem>>, %arg9: memref<40x128xi32, #tpu.memory_space<vmem>>, %arg10: memref<5120xf32, #tpu.memory_space<vmem>>, %arg11: memref<10240x128xf32, #tpu.memory_space<vmem_shared>>, %arg12: memref<128x128xf32, #tpu.memory_space<vmem>>, %arg13: memref<128x128xf32, #tpu.memory_space<vmem>>, %arg14: memref<!tpu.dma_semaphore, #tpu.memory_space<semaphore_mem>>, %arg15: memref<!tpu.dma_semaphore, #tpu.memory_space<semaphore_mem>>, %arg16: memref<!tpu.dma_semaphore, #tpu.memory_space<semaphore_mem>>, %arg17: memref<!tpu.dma_semaphore, #tpu.memory_space<semaphore_mem>>) attributes {dimension_semantics = [#tpu.dimension_semantics<core_parallel>, #tpu.dimension_semantics<subcore_parallel>], iteration_bounds = array<i64: 2, 16>, scalar_prefetch = 0 : i64, scratch_operands = 10 : i64, tpu.core_type = #tpu.core_type<sc_vector_subcore>, window_params = [{transform_indices = #map}, {transform_indices = #map}, {transform_indices = #map}, {transform_indices = #map1}, {transform_indices = #map}, {transform_indices = #map}]} {
    %scan3A = arith.constant 0 : i32
    %scan3A_0 = arith.constant 128 : i32
    %scan3A_1 = arith.addi %scan3A, %scan3A_0 : i32
    %scan3A_2 = arith.constant 1 : i32
    scf.for %scan3A_70 = %scan3A to %scan3A_1 step %scan3A_2  : i32 {
      %mul3A_71 = arith.constant 1 : i32
      %mul3A_72 = arith.muli %scan3A_70, %mul3A_71 : i32
      %add3A_73 = arith.constant 0 : i32
      %add3A_74 = arith.addi %add3A_73, %mul3A_72 : i32
      %broadcast_in_dim3A = arith.constant 0.000000e+00 : f32
      %broadcast_in_dim3A_75 = vector.broadcast %broadcast_in_dim3A : f32 to vector<16xf32>
      %swap3A = arith.index_cast %add3A_74 : i32 to index
      %swap3A_76 = arith.constant 0 : index
      %swap3A_77 = tpu.vector_load %arg12[%swap3A, %swap3A_76] {strides = array<i32>} : memref<128x128xf32, #tpu.memory_space<vmem>>, vector<16xf32>,
      tpu.vector_store %arg12[%swap3A, %swap3A_76], %broadcast_in_dim3A_75 {strides = array<i32>} : memref<128x128xf32, #tpu.memory_space<vmem>>, vector<16xf32>,
      %broadcast_in_dim3A_78 = arith.constant 0.000000e+00 : f32
      %broadcast_in_dim3A_79 = vector.broadcast %broadcast_in_dim3A_78 : f32 to vector<16xf32>
      %swap3A_80 = arith.index_cast %add3A_74 : i32 to index
      %swap3A_81 = arith.constant 16 : index
      %swap3A_82 = tpu.vector_load %arg12[%swap3A_80, %swap3A_81] {strides = array<i32>} : memref<128x128xf32, #tpu.memory_space<vmem>>, vector<16xf32>,
      tpu.vector_store %arg12[%swap3A_80, %swap3A_81], %broadcast_in_dim3A_79 {strides = array<i32>} : memref<128x128xf32, #tpu.memory_space<vmem>>, vector<16xf32>,
      %broadcast_in_dim3A_83 = arith.constant 0.000000e+00 : f32
      %broadcast_in_dim3A_84 = vector.broadcast %broadcast_in_dim3A_83 : f32 to vector<16xf32>
      %swap3A_85 = arith.index_cast %add3A_74 : i32 to index
      %swap3A_86 = arith.constant 32 : index
      %swap3A_87 = tpu.vector_load %arg12[%swap3A_85, %swap3A_86] {strides = array<i32>} : memref<128x128xf32, #tpu.memory_space<vmem>>, vector<16xf32>,
      tpu.vector_store %arg12[%swap3A_85, %swap3A_86], %broadcast_in_dim3A_84 {strides = array<i32>} : memref<128x128xf32, #tpu.memory_space<vmem>>, vector<16xf32>,
      %broadcast_in_dim3A_88 = arith.constant 0.000000e+00 : f32
      %broadcast_in_dim3A_89 = vector.broadcast %broadcast_in_dim3A_88 : f32 to vector<16xf32>
      %swap3A_90 = arith.index_cast %add3A_74 : i32 to index
      %swap3A_91 = arith.constant 48 : index
      %swap3A_92 = tpu.vector_load %arg12[%swap3A_90, %swap3A_91] {strides = array<i32>} : memref<128x128xf32, #tpu.memory_space<vmem>>, vector<16xf32>,
      tpu.vector_store %arg12[%swap3A_90, %swap3A_91], %broadcast_in_dim3A_89 {strides = array<i32>} : memref<128x128xf32, #tpu.memory_space<vmem>>, vector<16xf32>,
      %broadcast_in_dim3A_93 = arith.constant 0.000000e+00 : f32
      %broadcast_in_dim3A_94 = vector.broadcast %broadcast_in_dim3A_93 : f32 to vector<16xf32>
      %swap3A_95 = arith.index_cast %add3A_74 : i32 to index
      %swap3A_96 = arith.constant 64 : index
      %swap3A_97 = tpu.vector_load %arg12[%swap3A_95, %swap3A_96] {strides = array<i32>} : memref<128x128xf32, #tpu.memory_space<vmem>>, vector<16xf32>,
      tpu.vector_store %arg12[%swap3A_95, %swap3A_96], %broadcast_in_dim3A_94 {strides = array<i32>} : memref<128x128xf32, #tpu.memory_space<vmem>>, vector<16xf32>,
      %broadcast_in_dim3A_98 = arith.constant 0.000000e+00 : f32
      %broadcast_in_dim3A_99 = vector.broadcast %broadcast_in_dim3A_98 : f32 to vector<16xf32>
      %swap3A_100 = arith.index_cast %add3A_74 : i32 to index
      %swap3A_101 = arith.constant 80 : index
      %swap3A_102 = tpu.vector_load %arg12[%swap3A_100, %swap3A_101] {strides = array<i32>} : memref<128x128xf32, #tpu.memory_space<vmem>>, vector<16xf32>,
      tpu.vector_store %arg12[%swap3A_100, %swap3A_101], %broadcast_in_dim3A_99 {strides = array<i32>} : memref<128x128xf32, #tpu.memory_space<vmem>>, vector<16xf32>,
      %broadcast_in_dim3A_103 = arith.constant 0.000000e+00 : f32
      %broadcast_in_dim3A_104 = vector.broadcast %broadcast_in_dim3A_103 : f32 to vector<16xf32>
      %swap3A_105 = arith.index_cast %add3A_74 : i32 to index
      %swap3A_106 = arith.constant 96 : index
      %swap3A_107 = tpu.vector_load %arg12[%swap3A_105, %swap3A_106] {strides = array<i32>} : memref<128x128xf32, #tpu.memory_space<vmem>>, vector<16xf32>,
      tpu.vector_store %arg12[%swap3A_105, %swap3A_106], %broadcast_in_dim3A_104 {strides = array<i32>} : memref<128x128xf32, #tpu.memory_space<vmem>>, vector<16xf32>,
      %broadcast_in_dim3A_108 = arith.constant 0.000000e+00 : f32
      %broadcast_in_dim3A_109 = vector.broadcast %broadcast_in_dim3A_108 : f32 to vector<16xf32>
      %swap3A_110 = arith.index_cast %add3A_74 : i32 to index
      %swap3A_111 = arith.constant 112 : index
      %swap3A_112 = tpu.vector_load %arg12[%swap3A_110, %swap3A_111] {strides = array<i32>} : memref<128x128xf32, #tpu.memory_space<vmem>>, vector<16xf32>,
      tpu.vector_store %arg12[%swap3A_110, %swap3A_111], %broadcast_in_dim3A_109 {strides = array<i32>} : memref<128x128xf32, #tpu.memory_space<vmem>>, vector<16xf32>,
    }
    %scan3A_3 = arith.constant 128 : i32
    %mul3A = arith.constant 640 : i32
    %mul3A_4 = arith.muli %arg1, %mul3A : i32
    %add3A = arith.constant 0 : i32
    %add3A_5 = arith.addi %mul3A_4, %add3A : i32
    "tpu.region"() ({
      %run_scoped3A = tpu.sem_alloc : memref<!tpu.dma_semaphore, #tpu.memory_space<semaphore_mem>>
      %dma_start3A_70 = arith.constant 0 : i32
      %dma_start3A_71 = tpu.memref_slice %arg11[%add3A_5, %dma_start3A_70] : memref<10240x128xf32, #tpu.memory_space<vmem_shared>> -> memref<128x128xf32, #tpu.memory_space<vmem_shared>>
      %dma_start3A_72 = arith.constant 0 : i32
      %dma_start3A_73 = tpu.memref_slice %arg11[%add3A_5, %dma_start3A_72] : memref<10240x128xf32, #tpu.memory_space<vmem_shared>> -> memref<128x128xf32, #tpu.memory_space<vmem_shared>>
      tpu.enqueue_dma source(%arg12 : memref<128x128xf32, #tpu.memory_space<vmem>>) target(%dma_start3A_73 : memref<128x128xf32, #tpu.memory_space<vmem_shared>>) target_semaphore(%run_scoped3A : memref<!tpu.dma_semaphore, #tpu.memory_space<semaphore_mem>>)
      %dma_wait3A_74 = arith.constant 0 : i32
      %dma_wait3A_75 = tpu.memref_slice %arg11[%add3A_5, %dma_wait3A_74] : memref<10240x128xf32, #tpu.memory_space<vmem_shared>> -> memref<128x128xf32, #tpu.memory_space<vmem_shared>>
      %dma_wait3A_76 = arith.constant 0 : i32
      %dma_wait3A_77 = tpu.memref_slice %arg11[%add3A_5, %dma_wait3A_76] : memref<10240x128xf32, #tpu.memory_space<vmem_shared>> -> memref<128x128xf32, #tpu.memory_space<vmem_shared>>
      tpu.wait_dma2 semaphore(%run_scoped3A : memref<!tpu.dma_semaphore, #tpu.memory_space<semaphore_mem>>) src(%arg12 : memref<128x128xf32, #tpu.memory_space<vmem>>) dst(%dma_wait3A_77 : memref<128x128xf32, #tpu.memory_space<vmem_shared>>)
      tpu.yield
    }) : () -> ()
    %mul3A_6 = arith.constant 640 : i32
    %mul3A_7 = arith.muli %arg1, %mul3A_6 : i32
    %add3A_8 = arith.constant 128 : i32
    %add3A_9 = arith.addi %mul3A_7, %add3A_8 : i32
    "tpu.region"() ({
      %run_scoped3A = tpu.sem_alloc : memref<!tpu.dma_semaphore, #tpu.memory_space<semaphore_mem>>
      %dma_start3A_70 = arith.constant 0 : i32
      %dma_start3A_71 = tpu.memref_slice %arg11[%add3A_9, %dma_start3A_70] : memref<10240x128xf32, #tpu.memory_space<vmem_shared>> -> memref<128x128xf32, #tpu.memory_space<vmem_shared>>
      %dma_start3A_72 = arith.constant 0 : i32
      %dma_start3A_73 = tpu.memref_slice %arg11[%add3A_9, %dma_start3A_72] : memref<10240x128xf32, #tpu.memory_space<vmem_shared>> -> memref<128x128xf32, #tpu.memory_space<vmem_shared>>
      tpu.enqueue_dma source(%arg12 : memref<128x128xf32, #tpu.memory_space<vmem>>) target(%dma_start3A_73 : memref<128x128xf32, #tpu.memory_space<vmem_shared>>) target_semaphore(%run_scoped3A : memref<!tpu.dma_semaphore, #tpu.memory_space<semaphore_mem>>)
      %dma_wait3A_74 = arith.constant 0 : i32
      %dma_wait3A_75 = tpu.memref_slice %arg11[%add3A_9, %dma_wait3A_74] : memref<10240x128xf32, #tpu.memory_space<vmem_shared>> -> memref<128x128xf32, #tpu.memory_space<vmem_shared>>
      %dma_wait3A_76 = arith.constant 0 : i32
      %dma_wait3A_77 = tpu.memref_slice %arg11[%add3A_9, %dma_wait3A_76] : memref<10240x128xf32, #tpu.memory_space<vmem_shared>> -> memref<128x128xf32, #tpu.memory_space<vmem_shared>>
      tpu.wait_dma2 semaphore(%run_scoped3A : memref<!tpu.dma_semaphore, #tpu.memory_space<semaphore_mem>>) src(%arg12 : memref<128x128xf32, #tpu.memory_space<vmem>>) dst(%dma_wait3A_77 : memref<128x128xf32, #tpu.memory_space<vmem_shared>>)
      tpu.yield
    }) : () -> ()
    %mul3A_10 = arith.constant 640 : i32
    %mul3A_11 = arith.muli %arg1, %mul3A_10 : i32
    %add3A_12 = arith.constant 256 : i32
    %add3A_13 = arith.addi %mul3A_11, %add3A_12 : i32
    "tpu.region"() ({
      %run_scoped3A = tpu.sem_alloc : memref<!tpu.dma_semaphore, #tpu.memory_space<semaphore_mem>>
      %dma_start3A_70 = arith.constant 0 : i32
      %dma_start3A_71 = tpu.memref_slice %arg11[%add3A_13, %dma_start3A_70] : memref<10240x128xf32, #tpu.memory_space<vmem_shared>> -> memref<128x128xf32, #tpu.memory_space<vmem_shared>>
      %dma_start3A_72 = arith.constant 0 : i32
      %dma_start3A_73 = tpu.memref_slice %arg11[%add3A_13, %dma_start3A_72] : memref<10240x128xf32, #tpu.memory_space<vmem_shared>> -> memref<128x128xf32, #tpu.memory_space<vmem_shared>>
      tpu.enqueue_dma source(%arg12 : memref<128x128xf32, #tpu.memory_space<vmem>>) target(%dma_start3A_73 : memref<128x128xf32, #tpu.memory_space<vmem_shared>>) target_semaphore(%run_scoped3A : memref<!tpu.dma_semaphore, #tpu.memory_space<semaphore_mem>>)
      %dma_wait3A_74 = arith.constant 0 : i32
      %dma_wait3A_75 = tpu.memref_slice %arg11[%add3A_13, %dma_wait3A_74] : memref<10240x128xf32, #tpu.memory_space<vmem_shared>> -> memref<128x128xf32, #tpu.memory_space<vmem_shared>>
      %dma_wait3A_76 = arith.constant 0 : i32
      %dma_wait3A_77 = tpu.memref_slice %arg11[%add3A_13, %dma_wait3A_76] : memref<10240x128xf32, #tpu.memory_space<vmem_shared>> -> memref<128x128xf32, #tpu.memory_space<vmem_shared>>
      tpu.wait_dma2 semaphore(%run_scoped3A : memref<!tpu.dma_semaphore, #tpu.memory_space<semaphore_mem>>) src(%arg12 : memref<128x128xf32, #tpu.memory_space<vmem>>) dst(%dma_wait3A_77 : memref<128x128xf32, #tpu.memory_space<vmem_shared>>)
      tpu.yield
    }) : () -> ()
    %mul3A_14 = arith.constant 640 : i32
    %mul3A_15 = arith.muli %arg1, %mul3A_14 : i32
    %add3A_16 = arith.constant 384 : i32
    %add3A_17 = arith.addi %mul3A_15, %add3A_16 : i32
    "tpu.region"() ({
      %run_scoped3A = tpu.sem_alloc : memref<!tpu.dma_semaphore, #tpu.memory_space<semaphore_mem>>
      %dma_start3A_70 = arith.constant 0 : i32
      %dma_start3A_71 = tpu.memref_slice %arg11[%add3A_17, %dma_start3A_70] : memref<10240x128xf32, #tpu.memory_space<vmem_shared>> -> memref<128x128xf32, #tpu.memory_space<vmem_shared>>
      %dma_start3A_72 = arith.constant 0 : i32
      %dma_start3A_73 = tpu.memref_slice %arg11[%add3A_17, %dma_start3A_72] : memref<10240x128xf32, #tpu.memory_space<vmem_shared>> -> memref<128x128xf32, #tpu.memory_space<vmem_shared>>
      tpu.enqueue_dma source(%arg12 : memref<128x128xf32, #tpu.memory_space<vmem>>) target(%dma_start3A_73 : memref<128x128xf32, #tpu.memory_space<vmem_shared>>) target_semaphore(%run_scoped3A : memref<!tpu.dma_semaphore, #tpu.memory_space<semaphore_mem>>)
      %dma_wait3A_74 = arith.constant 0 : i32
      %dma_wait3A_75 = tpu.memref_slice %arg11[%add3A_17, %dma_wait3A_74] : memref<10240x128xf32, #tpu.memory_space<vmem_shared>> -> memref<128x128xf32, #tpu.memory_space<vmem_shared>>
      %dma_wait3A_76 = arith.constant 0 : i32
      %dma_wait3A_77 = tpu.memref_slice %arg11[%add3A_17, %dma_wait3A_76] : memref<10240x128xf32, #tpu.memory_space<vmem_shared>> -> memref<128x128xf32, #tpu.memory_space<vmem_shared>>
      tpu.wait_dma2 semaphore(%run_scoped3A : memref<!tpu.dma_semaphore, #tpu.memory_space<semaphore_mem>>) src(%arg12 : memref<128x128xf32, #tpu.memory_space<vmem>>) dst(%dma_wait3A_77 : memref<128x128xf32, #tpu.memory_space<vmem_shared>>)
      tpu.yield
    }) : () -> ()
    %mul3A_18 = arith.constant 640 : i32
    %mul3A_19 = arith.muli %arg1, %mul3A_18 : i32
    %add3A_20 = arith.constant 512 : i32
    %add3A_21 = arith.addi %mul3A_19, %add3A_20 : i32
    "tpu.region"() ({
      %run_scoped3A = tpu.sem_alloc : memref<!tpu.dma_semaphore, #tpu.memory_space<semaphore_mem>>
      %dma_start3A_70 = arith.constant 0 : i32
      %dma_start3A_71 = tpu.memref_slice %arg11[%add3A_21, %dma_start3A_70] : memref<10240x128xf32, #tpu.memory_space<vmem_shared>> -> memref<128x128xf32, #tpu.memory_space<vmem_shared>>
      %dma_start3A_72 = arith.constant 0 : i32
      %dma_start3A_73 = tpu.memref_slice %arg11[%add3A_21, %dma_start3A_72] : memref<10240x128xf32, #tpu.memory_space<vmem_shared>> -> memref<128x128xf32, #tpu.memory_space<vmem_shared>>
      tpu.enqueue_dma source(%arg12 : memref<128x128xf32, #tpu.memory_space<vmem>>) target(%dma_start3A_73 : memref<128x128xf32, #tpu.memory_space<vmem_shared>>) target_semaphore(%run_scoped3A : memref<!tpu.dma_semaphore, #tpu.memory_space<semaphore_mem>>)
      %dma_wait3A_74 = arith.constant 0 : i32
      %dma_wait3A_75 = tpu.memref_slice %arg11[%add3A_21, %dma_wait3A_74] : memref<10240x128xf32, #tpu.memory_space<vmem_shared>> -> memref<128x128xf32, #tpu.memory_space<vmem_shared>>
      %dma_wait3A_76 = arith.constant 0 : i32
      %dma_wait3A_77 = tpu.memref_slice %arg11[%add3A_21, %dma_wait3A_76] : memref<10240x128xf32, #tpu.memory_space<vmem_shared>> -> memref<128x128xf32, #tpu.memory_space<vmem_shared>>
      tpu.wait_dma2 semaphore(%run_scoped3A : memref<!tpu.dma_semaphore, #tpu.memory_space<semaphore_mem>>) src(%arg12 : memref<128x128xf32, #tpu.memory_space<vmem>>) dst(%dma_wait3A_77 : memref<128x128xf32, #tpu.memory_space<vmem_shared>>)
      tpu.yield
    }) : () -> ()
    %mul3A_22 = arith.constant 16 : i32
    %mul3A_23 = arith.muli %arg0, %mul3A_22 : i32
    %add3A_24 = arith.addi %mul3A_23, %arg1 : i32
    %mul3A_25 = arith.constant 40 : i32
    %mul3A_26 = arith.muli %add3A_24, %mul3A_25 : i32
    "tpu.region"() ({
      %run_scoped3A = tpu.sem_alloc : memref<!tpu.dma_semaphore, #tpu.memory_space<semaphore_mem>>
      %dma_start3A_70 = arith.constant 0 : i32
      %dma_start3A_71 = tpu.memref_slice %arg3[%mul3A_26, %dma_start3A_70] : memref<1280x128xi32, #tpu.memory_space<hbm>> -> memref<40x128xi32, #tpu.memory_space<hbm>>
      %dma_start3A_72 = arith.constant 0 : i32
      %dma_start3A_73 = tpu.memref_slice %arg3[%mul3A_26, %dma_start3A_72] : memref<1280x128xi32, #tpu.memory_space<hbm>> -> memref<40x128xi32, #tpu.memory_space<hbm>>
      tpu.enqueue_dma source(%dma_start3A_73 : memref<40x128xi32, #tpu.memory_space<hbm>>) target(%arg8 : memref<40x128xi32, #tpu.memory_space<vmem>>) target_semaphore(%run_scoped3A : memref<!tpu.dma_semaphore, #tpu.memory_space<semaphore_mem>>)
      %dma_wait3A_74 = arith.constant 0 : i32
      %dma_wait3A_75 = tpu.memref_slice %arg3[%mul3A_26, %dma_wait3A_74] : memref<1280x128xi32, #tpu.memory_space<hbm>> -> memref<40x128xi32, #tpu.memory_space<hbm>>
      %dma_wait3A_76 = arith.constant 0 : i32
      %dma_wait3A_77 = tpu.memref_slice %arg3[%mul3A_26, %dma_wait3A_76] : memref<1280x128xi32, #tpu.memory_space<hbm>> -> memref<40x128xi32, #tpu.memory_space<hbm>>
      tpu.wait_dma2 semaphore(%run_scoped3A : memref<!tpu.dma_semaphore, #tpu.memory_space<semaphore_mem>>) src(%dma_wait3A_77 : memref<40x128xi32, #tpu.memory_space<hbm>>) dst(%arg8 : memref<40x128xi32, #tpu.memory_space<vmem>>)
      tpu.yield
    }) : () -> ()
    "tpu.region"() ({
      %run_scoped3A = tpu.sem_alloc : memref<!tpu.dma_semaphore, #tpu.memory_space<semaphore_mem>>
      %dma_start3A_70 = arith.constant 0 : i32
      %dma_start3A_71 = tpu.memref_slice %arg4[%mul3A_26, %dma_start3A_70] : memref<1280x128xi32, #tpu.memory_space<hbm>> -> memref<40x128xi32, #tpu.memory_space<hbm>>
      %dma_start3A_72 = arith.constant 0 : i32
      %dma_start3A_73 = tpu.memref_slice %arg4[%mul3A_26, %dma_start3A_72] : memref<1280x128xi32, #tpu.memory_space<hbm>> -> memref<40x128xi32, #tpu.memory_space<hbm>>
      tpu.enqueue_dma source(%dma_start3A_73 : memref<40x128xi32, #tpu.memory_space<hbm>>) target(%arg9 : memref<40x128xi32, #tpu.memory_space<vmem>>) target_semaphore(%run_scoped3A : memref<!tpu.dma_semaphore, #tpu.memory_space<semaphore_mem>>)
      %dma_wait3A_74 = arith.constant 0 : i32
      %dma_wait3A_75 = tpu.memref_slice %arg4[%mul3A_26, %dma_wait3A_74] : memref<1280x128xi32, #tpu.memory_space<hbm>> -> memref<40x128xi32, #tpu.memory_space<hbm>>
      %dma_wait3A_76 = arith.constant 0 : i32
      %dma_wait3A_77 = tpu.memref_slice %arg4[%mul3A_26, %dma_wait3A_76] : memref<1280x128xi32, #tpu.memory_space<hbm>> -> memref<40x128xi32, #tpu.memory_space<hbm>>
      tpu.wait_dma2 semaphore(%run_scoped3A : memref<!tpu.dma_semaphore, #tpu.memory_space<semaphore_mem>>) src(%dma_wait3A_77 : memref<40x128xi32, #tpu.memory_space<hbm>>) dst(%arg9 : memref<40x128xi32, #tpu.memory_space<vmem>>)
      tpu.yield
    }) : () -> ()
    %mul3A_27 = arith.constant 128 : i32
    %mul3A_28 = arith.muli %mul3A_26, %mul3A_27 : i32
    "tpu.region"() ({
      %run_scoped3A = tpu.sem_alloc : memref<!tpu.dma_semaphore, #tpu.memory_space<semaphore_mem>>
      %dma_start3A_70 = tpu.memref_slice %arg5[%mul3A_28] : memref<163840xf32, #tpu.memory_space<hbm>> -> memref<5120xf32, #tpu.memory_space<hbm>>
      %dma_start3A_71 = tpu.memref_slice %arg5[%mul3A_28] : memref<163840xf32, #tpu.memory_space<hbm>> -> memref<5120xf32, #tpu.memory_space<hbm>>
      tpu.enqueue_dma source(%dma_start3A_71 : memref<5120xf32, #tpu.memory_space<hbm>>) target(%arg10 : memref<5120xf32, #tpu.memory_space<vmem>>) target_semaphore(%run_scoped3A : memref<!tpu.dma_semaphore, #tpu.memory_space<semaphore_mem>>)
      %dma_wait3A_72 = tpu.memref_slice %arg5[%mul3A_28] : memref<163840xf32, #tpu.memory_space<hbm>> -> memref<5120xf32, #tpu.memory_space<hbm>>
      %dma_wait3A_73 = tpu.memref_slice %arg5[%mul3A_28] : memref<163840xf32, #tpu.memory_space<hbm>> -> memref<5120xf32, #tpu.memory_space<hbm>>
      tpu.wait_dma2 semaphore(%run_scoped3A : memref<!tpu.dma_semaphore, #tpu.memory_space<semaphore_mem>>) src(%dma_wait3A_73 : memref<5120xf32, #tpu.memory_space<hbm>>) dst(%arg10 : memref<5120xf32, #tpu.memory_space<vmem>>)
      tpu.yield
    }) : () -> ()
    %barrier3A = arith.constant 0 : index
    tpu.barrier barrier_id(%barrier3A)
    %dma_start3A = arith.constant 0 : i32
    %dma_start3A_29 = arith.constant 0 : i32
    %dma_start3A_30 = tpu.memref_slice %arg8[%dma_start3A, %dma_start3A_29] : memref<40x128xi32, #tpu.memory_space<vmem>> -> memref<1x128xi32, #tpu.memory_space<vmem>>
    %dma_start3A_31 = tpu.memref_squeeze %dma_start3A_30 : memref<1x128xi32, #tpu.memory_space<vmem>> -> memref<128xi32, #tpu.memory_space<vmem>>
    %dma_start3A_32 = arith.constant 0 : i32
    %dma_start3A_33 = arith.constant 0 : i32
    %dma_start3A_34 = tpu.memref_slice %arg2[%dma_start3A_32, %dma_start3A_33] : memref<10000x128xf32, #tpu.memory_space<hbm>> -> memref<10000x128xf32, #tpu.memory_space<hbm>>
    tpu.enqueue_indirect_dma source(%dma_start3A_34 : memref<10000x128xf32, #tpu.memory_space<hbm>>) target(%arg12 : memref<128x128xf32, #tpu.memory_space<vmem>>) offsets(%dma_start3A_31 : memref<128xi32, #tpu.memory_space<vmem>>) semaphore(%arg14 : memref<!tpu.dma_semaphore, #tpu.memory_space<semaphore_mem>>)
    %dma_start3A_35 = arith.constant 1 : i32
    %dma_start3A_36 = arith.constant 0 : i32
    %dma_start3A_37 = tpu.memref_slice %arg8[%dma_start3A_35, %dma_start3A_36] : memref<40x128xi32, #tpu.memory_space<vmem>> -> memref<1x128xi32, #tpu.memory_space<vmem>>
    %dma_start3A_38 = tpu.memref_squeeze %dma_start3A_37 : memref<1x128xi32, #tpu.memory_space<vmem>> -> memref<128xi32, #tpu.memory_space<vmem>>
    %dma_start3A_39 = arith.constant 0 : i32
    %dma_start3A_40 = arith.constant 0 : i32
    %dma_start3A_41 = tpu.memref_slice %arg2[%dma_start3A_39, %dma_start3A_40] : memref<10000x128xf32, #tpu.memory_space<hbm>> -> memref<10000x128xf32, #tpu.memory_space<hbm>>
    tpu.enqueue_indirect_dma source(%dma_start3A_41 : memref<10000x128xf32, #tpu.memory_space<hbm>>) target(%arg13 : memref<128x128xf32, #tpu.memory_space<vmem>>) offsets(%dma_start3A_38 : memref<128xi32, #tpu.memory_space<vmem>>) semaphore(%arg15 : memref<!tpu.dma_semaphore, #tpu.memory_space<semaphore_mem>>)
    %scan3A_42 = arith.constant 0 : i32
    %scan3A_43 = arith.constant 20 : i32
    %scan3A_44 = arith.addi %scan3A_42, %scan3A_43 : i32
    %scan3A_45 = arith.constant 1 : i32
    scf.for %scan3A_70 = %scan3A_42 to %scan3A_44 step %scan3A_45  : i32 {
      %mul3A_71 = arith.constant 2 : i32
      %mul3A_72 = arith.muli %scan3A_70, %mul3A_71 : i32
      %add3A_73 = arith.constant 0 : i32
      %add3A_74 = arith.addi %add3A_73, %mul3A_72 : i32
      %add3A_75 = arith.constant 0 : i32
      %add3A_76 = arith.addi %add3A_74, %add3A_75 : i32
      %dma_wait3A_77 = arith.constant 0 : i32
      %dma_wait3A_78 = arith.constant 0 : i32
      %dma_wait3A_79 = tpu.memref_slice %arg8[%dma_wait3A_77, %dma_wait3A_78] : memref<40x128xi32, #tpu.memory_space<vmem>> -> memref<1x128xi32, #tpu.memory_space<vmem>>
      %dma_wait3A_80 = tpu.memref_squeeze %dma_wait3A_79 : memref<1x128xi32, #tpu.memory_space<vmem>> -> memref<128xi32, #tpu.memory_space<vmem>>
      %dma_wait3A_81 = arith.constant 0 : i32
      %dma_wait3A_82 = arith.constant 0 : i32
      %dma_wait3A_83 = tpu.memref_slice %arg2[%dma_wait3A_81, %dma_wait3A_82] : memref<10000x128xf32, #tpu.memory_space<hbm>> -> memref<10000x128xf32, #tpu.memory_space<hbm>>
      tpu.wait_indirect_dma semaphore(%arg14 : memref<!tpu.dma_semaphore, #tpu.memory_space<semaphore_mem>>) src(%dma_wait3A_83 : memref<10000x128xf32, #tpu.memory_space<hbm>>) dst(%arg12 : memref<128x128xf32, #tpu.memory_space<vmem>>)
      %ge3A = arith.constant 1 : i32
      %ge3A_84 = arith.cmpi sge, %add3A_76, %ge3A : i32
      %add3A_85 = arith.constant 2 : i32
      %add3A_86 = arith.addi %add3A_76, %add3A_85 : i32
      %sub3A = arith.constant 1 : i32
      %sub3A_87 = arith.subi %add3A_86, %sub3A : i32
      %lt3A = arith.constant 40 : i32
      %lt3A_88 = arith.cmpi slt, %sub3A_87, %lt3A : i32
      %and3A = arith.andi %ge3A_84, %lt3A_88 : i1
      %convert_element_type3A_89 = arith.extui %and3A : i1 to i32
      %cond3A_90 = arith.constant 0 : i32
      %cond3A_91 = arith.cmpi ne, %convert_element_type3A_89, %cond3A_90 : i32
      scf.if %cond3A_91 {
        %dma_wait3A_130 = arith.constant 0 : i32
        %dma_wait3A_131 = arith.constant 0 : i32
        %dma_wait3A_132 = tpu.memref_slice %arg9[%dma_wait3A_130, %dma_wait3A_131] : memref<40x128xi32, #tpu.memory_space<vmem>> -> memref<1x128xi32, #tpu.memory_space<vmem>>
        %dma_wait3A_133 = tpu.memref_squeeze %dma_wait3A_132 : memref<1x128xi32, #tpu.memory_space<vmem>> -> memref<128xi32, #tpu.memory_space<vmem>>
        %dma_wait3A_134 = arith.constant 0 : i32
        %dma_wait3A_135 = arith.constant 0 : i32
        %dma_wait3A_136 = tpu.memref_slice %arg11[%dma_wait3A_134, %dma_wait3A_135] : memref<10240x128xf32, #tpu.memory_space<vmem_shared>> -> memref<10240x128xf32, #tpu.memory_space<vmem_shared>>
        tpu.wait_indirect_dma semaphore(%arg17 : memref<!tpu.dma_semaphore, #tpu.memory_space<semaphore_mem>>) src(%arg13 : memref<128x128xf32, #tpu.memory_space<vmem>>) dst(%dma_wait3A_136 : memref<10240x128xf32, #tpu.memory_space<vmem_shared>>)
        %add3A_137 = arith.constant 2 : i32
        %add3A_138 = arith.addi %add3A_76, %add3A_137 : i32
        %sub3A_139 = arith.constant 1 : i32
        %sub3A_140 = arith.subi %add3A_138, %sub3A_139 : i32
        %dma_start3A_141 = arith.constant 0 : i32
        %dma_start3A_142 = tpu.memref_slice %arg8[%sub3A_140, %dma_start3A_141] : memref<40x128xi32, #tpu.memory_space<vmem>> -> memref<1x128xi32, #tpu.memory_space<vmem>>
        %dma_start3A_143 = tpu.memref_squeeze %dma_start3A_142 : memref<1x128xi32, #tpu.memory_space<vmem>> -> memref<128xi32, #tpu.memory_space<vmem>>
        %dma_start3A_144 = arith.constant 0 : i32
        %dma_start3A_145 = arith.constant 0 : i32
        %dma_start3A_146 = tpu.memref_slice %arg2[%dma_start3A_144, %dma_start3A_145] : memref<10000x128xf32, #tpu.memory_space<hbm>> -> memref<10000x128xf32, #tpu.memory_space<hbm>>
        tpu.enqueue_indirect_dma source(%dma_start3A_146 : memref<10000x128xf32, #tpu.memory_space<hbm>>) target(%arg13 : memref<128x128xf32, #tpu.memory_space<vmem>>) offsets(%dma_start3A_143 : memref<128xi32, #tpu.memory_space<vmem>>) semaphore(%arg15 : memref<!tpu.dma_semaphore, #tpu.memory_space<semaphore_mem>>)
      } else {
      }
      %parallel_loop3A = arith.constant 0 : i32
      %parallel_loop3A_92 = arith.constant 128 : i32
      %parallel_loop3A_93 = arith.constant 1 : i32
      scf.for %parallel_loop3A_130 = %parallel_loop3A to %parallel_loop3A_92 step %parallel_loop3A_93  : i32 {
        %parallel_loop3A_131 = arith.constant 128 : i32
        %parallel_loop3A_132 = arith.muli %add3A_76, %parallel_loop3A_131 : i32
        %parallel_loop3A_133 = arith.addi %parallel_loop3A_132, %parallel_loop3A_130 : i32
        %parallel_loop3A_134 = vector.broadcast %parallel_loop3A_133 : i32 to vector<16xi32>
        %parallel_loop3A_135 = tpu.vector_load_idx %arg10[%parallel_loop3A_134] : memref<5120xf32, #tpu.memory_space<vmem>>[vector<16xi32>], vector<16xf32>,
        %parallel_loop3A_136 = arith.index_cast %parallel_loop3A_130 : i32 to index
        %parallel_loop3A_137 = arith.constant 0 : index
        %parallel_loop3A_138 = tpu.vector_load %arg12[%parallel_loop3A_136, %parallel_loop3A_137] {strides = array<i32>} : memref<128x128xf32, #tpu.memory_space<vmem>>, vector<16xf32>,
        %parallel_loop3A_139 = arith.mulf %parallel_loop3A_138, %parallel_loop3A_135 : vector<16xf32>
        %parallel_loop3A_140 = arith.index_cast %parallel_loop3A_130 : i32 to index
        %parallel_loop3A_141 = arith.constant 0 : index
        %parallel_loop3A_142 = tpu.vector_load %arg12[%parallel_loop3A_140, %parallel_loop3A_141] {strides = array<i32>} : memref<128x128xf32, #tpu.memory_space<vmem>>, vector<16xf32>,
        tpu.vector_store %arg12[%parallel_loop3A_140, %parallel_loop3A_141], %parallel_loop3A_139 {strides = array<i32>} : memref<128x128xf32, #tpu.memory_space<vmem>>, vector<16xf32>,
        %parallel_loop3A_143 = arith.index_cast %parallel_loop3A_130 : i32 to index
        %parallel_loop3A_144 = arith.constant 16 : index
        %parallel_loop3A_145 = tpu.vector_load %arg12[%parallel_loop3A_143, %parallel_loop3A_144] {strides = array<i32>} : memref<128x128xf32, #tpu.memory_space<vmem>>, vector<16xf32>,
        %parallel_loop3A_146 = arith.mulf %parallel_loop3A_145, %parallel_loop3A_135 : vector<16xf32>
        %parallel_loop3A_147 = arith.index_cast %parallel_loop3A_130 : i32 to index
        %parallel_loop3A_148 = arith.constant 16 : index
        %parallel_loop3A_149 = tpu.vector_load %arg12[%parallel_loop3A_147, %parallel_loop3A_148] {strides = array<i32>} : memref<128x128xf32, #tpu.memory_space<vmem>>, vector<16xf32>,
        tpu.vector_store %arg12[%parallel_loop3A_147, %parallel_loop3A_148], %parallel_loop3A_146 {strides = array<i32>} : memref<128x128xf32, #tpu.memory_space<vmem>>, vector<16xf32>,
        %parallel_loop3A_150 = arith.index_cast %parallel_loop3A_130 : i32 to index
        %parallel_loop3A_151 = arith.constant 32 : index
        %parallel_loop3A_152 = tpu.vector_load %arg12[%parallel_loop3A_150, %parallel_loop3A_151] {strides = array<i32>} : memref<128x128xf32, #tpu.memory_space<vmem>>, vector<16xf32>,
        %parallel_loop3A_153 = arith.mulf %parallel_loop3A_152, %parallel_loop3A_135 : vector<16xf32>
        %parallel_loop3A_154 = arith.index_cast %parallel_loop3A_130 : i32 to index
        %parallel_loop3A_155 = arith.constant 32 : index
        %parallel_loop3A_156 = tpu.vector_load %arg12[%parallel_loop3A_154, %parallel_loop3A_155] {strides = array<i32>} : memref<128x128xf32, #tpu.memory_space<vmem>>, vector<16xf32>,
        tpu.vector_store %arg12[%parallel_loop3A_154, %parallel_loop3A_155], %parallel_loop3A_153 {strides = array<i32>} : memref<128x128xf32, #tpu.memory_space<vmem>>, vector<16xf32>,
        %parallel_loop3A_157 = arith.index_cast %parallel_loop3A_130 : i32 to index
        %parallel_loop3A_158 = arith.constant 48 : index
        %parallel_loop3A_159 = tpu.vector_load %arg12[%parallel_loop3A_157, %parallel_loop3A_158] {strides = array<i32>} : memref<128x128xf32, #tpu.memory_space<vmem>>, vector<16xf32>,
        %parallel_loop3A_160 = arith.mulf %parallel_loop3A_159, %parallel_loop3A_135 : vector<16xf32>
        %parallel_loop3A_161 = arith.index_cast %parallel_loop3A_130 : i32 to index
        %parallel_loop3A_162 = arith.constant 48 : index
        %parallel_loop3A_163 = tpu.vector_load %arg12[%parallel_loop3A_161, %parallel_loop3A_162] {strides = array<i32>} : memref<128x128xf32, #tpu.memory_space<vmem>>, vector<16xf32>,
        tpu.vector_store %arg12[%parallel_loop3A_161, %parallel_loop3A_162], %parallel_loop3A_160 {strides = array<i32>} : memref<128x128xf32, #tpu.memory_space<vmem>>, vector<16xf32>,
        %parallel_loop3A_164 = arith.index_cast %parallel_loop3A_130 : i32 to index
        %parallel_loop3A_165 = arith.constant 64 : index
        %parallel_loop3A_166 = tpu.vector_load %arg12[%parallel_loop3A_164, %parallel_loop3A_165] {strides = array<i32>} : memref<128x128xf32, #tpu.memory_space<vmem>>, vector<16xf32>,
        %parallel_loop3A_167 = arith.mulf %parallel_loop3A_166, %parallel_loop3A_135 : vector<16xf32>
        %parallel_loop3A_168 = arith.index_cast %parallel_loop3A_130 : i32 to index
        %parallel_loop3A_169 = arith.constant 64 : index
        %parallel_loop3A_170 = tpu.vector_load %arg12[%parallel_loop3A_168, %parallel_loop3A_169] {strides = array<i32>} : memref<128x128xf32, #tpu.memory_space<vmem>>, vector<16xf32>,
        tpu.vector_store %arg12[%parallel_loop3A_168, %parallel_loop3A_169], %parallel_loop3A_167 {strides = array<i32>} : memref<128x128xf32, #tpu.memory_space<vmem>>, vector<16xf32>,
        %parallel_loop3A_171 = arith.index_cast %parallel_loop3A_130 : i32 to index
        %parallel_loop3A_172 = arith.constant 80 : index
        %parallel_loop3A_173 = tpu.vector_load %arg12[%parallel_loop3A_171, %parallel_loop3A_172] {strides = array<i32>} : memref<128x128xf32, #tpu.memory_space<vmem>>, vector<16xf32>,
        %parallel_loop3A_174 = arith.mulf %parallel_loop3A_173, %parallel_loop3A_135 : vector<16xf32>
        %parallel_loop3A_175 = arith.index_cast %parallel_loop3A_130 : i32 to index
        %parallel_loop3A_176 = arith.constant 80 : index
        %parallel_loop3A_177 = tpu.vector_load %arg12[%parallel_loop3A_175, %parallel_loop3A_176] {strides = array<i32>} : memref<128x128xf32, #tpu.memory_space<vmem>>, vector<16xf32>,
        tpu.vector_store %arg12[%parallel_loop3A_175, %parallel_loop3A_176], %parallel_loop3A_174 {strides = array<i32>} : memref<128x128xf32, #tpu.memory_space<vmem>>, vector<16xf32>,
        %parallel_loop3A_178 = arith.index_cast %parallel_loop3A_130 : i32 to index
        %parallel_loop3A_179 = arith.constant 96 : index
        %parallel_loop3A_180 = tpu.vector_load %arg12[%parallel_loop3A_178, %parallel_loop3A_179] {strides = array<i32>} : memref<128x128xf32, #tpu.memory_space<vmem>>, vector<16xf32>,
        %parallel_loop3A_181 = arith.mulf %parallel_loop3A_180, %parallel_loop3A_135 : vector<16xf32>
        %parallel_loop3A_182 = arith.index_cast %parallel_loop3A_130 : i32 to index
        %parallel_loop3A_183 = arith.constant 96 : index
        %parallel_loop3A_184 = tpu.vector_load %arg12[%parallel_loop3A_182, %parallel_loop3A_183] {strides = array<i32>} : memref<128x128xf32, #tpu.memory_space<vmem>>, vector<16xf32>,
        tpu.vector_store %arg12[%parallel_loop3A_182, %parallel_loop3A_183], %parallel_loop3A_181 {strides = array<i32>} : memref<128x128xf32, #tpu.memory_space<vmem>>, vector<16xf32>,
        %parallel_loop3A_185 = arith.index_cast %parallel_loop3A_130 : i32 to index
        %parallel_loop3A_186 = arith.constant 112 : index
        %parallel_loop3A_187 = tpu.vector_load %arg12[%parallel_loop3A_185, %parallel_loop3A_186] {strides = array<i32>} : memref<128x128xf32, #tpu.memory_space<vmem>>, vector<16xf32>,
        %parallel_loop3A_188 = arith.mulf %parallel_loop3A_187, %parallel_loop3A_135 : vector<16xf32>
        %parallel_loop3A_189 = arith.index_cast %parallel_loop3A_130 : i32 to index
        %parallel_loop3A_190 = arith.constant 112 : index
        %parallel_loop3A_191 = tpu.vector_load %arg12[%parallel_loop3A_189, %parallel_loop3A_190] {strides = array<i32>} : memref<128x128xf32, #tpu.memory_space<vmem>>, vector<16xf32>,
        tpu.vector_store %arg12[%parallel_loop3A_189, %parallel_loop3A_190], %parallel_loop3A_188 {strides = array<i32>} : memref<128x128xf32, #tpu.memory_space<vmem>>, vector<16xf32>,
      } {sc.loop_unroll_factor = 4 : i64, sc.parallel_access}
      %dma_start3A_94 = arith.constant 0 : i32
      %dma_start3A_95 = tpu.memref_slice %arg9[%add3A_76, %dma_start3A_94] : memref<40x128xi32, #tpu.memory_space<vmem>> -> memref<1x128xi32, #tpu.memory_space<vmem>>
      %dma_start3A_96 = tpu.memref_squeeze %dma_start3A_95 : memref<1x128xi32, #tpu.memory_space<vmem>> -> memref<128xi32, #tpu.memory_space<vmem>>
      %dma_start3A_97 = arith.constant 0 : i32
      %dma_start3A_98 = arith.constant 0 : i32
      %dma_start3A_99 = tpu.memref_slice %arg11[%dma_start3A_97, %dma_start3A_98] : memref<10240x128xf32, #tpu.memory_space<vmem_shared>> -> memref<10240x128xf32, #tpu.memory_space<vmem_shared>>
      tpu.enqueue_indirect_dma source(%arg12 : memref<128x128xf32, #tpu.memory_space<vmem>>) target(%dma_start3A_99 : memref<10240x128xf32, #tpu.memory_space<vmem_shared>>) offsets(%dma_start3A_96 : memref<128xi32, #tpu.memory_space<vmem>>) semaphore(%arg16 : memref<!tpu.dma_semaphore, #tpu.memory_space<semaphore_mem>>) {add = true}
      %add3A_100 = arith.constant 1 : i32
      %add3A_101 = arith.addi %add3A_74, %add3A_100 : i32
      %dma_wait3A_102 = arith.constant 0 : i32
      %dma_wait3A_103 = arith.constant 0 : i32
      %dma_wait3A_104 = tpu.memref_slice %arg8[%dma_wait3A_102, %dma_wait3A_103] : memref<40x128xi32, #tpu.memory_space<vmem>> -> memref<1x128xi32, #tpu.memory_space<vmem>>
      %dma_wait3A_105 = tpu.memref_squeeze %dma_wait3A_104 : memref<1x128xi32, #tpu.memory_space<vmem>> -> memref<128xi32, #tpu.memory_space<vmem>>
      %dma_wait3A_106 = arith.constant 0 : i32
      %dma_wait3A_107 = arith.constant 0 : i32
      %dma_wait3A_108 = tpu.memref_slice %arg2[%dma_wait3A_106, %dma_wait3A_107] : memref<10000x128xf32, #tpu.memory_space<hbm>> -> memref<10000x128xf32, #tpu.memory_space<hbm>>
      tpu.wait_indirect_dma semaphore(%arg15 : memref<!tpu.dma_semaphore, #tpu.memory_space<semaphore_mem>>) src(%dma_wait3A_108 : memref<10000x128xf32, #tpu.memory_space<hbm>>) dst(%arg13 : memref<128x128xf32, #tpu.memory_space<vmem>>)
      %ge3A_109 = arith.constant 1 : i32
      %ge3A_110 = arith.cmpi sge, %add3A_101, %ge3A_109 : i32
      %add3A_111 = arith.constant 2 : i32
      %add3A_112 = arith.addi %add3A_101, %add3A_111 : i32
      %sub3A_113 = arith.constant 1 : i32
      %sub3A_114 = arith.subi %add3A_112, %sub3A_113 : i32
      %lt3A_115 = arith.constant 40 : i32
      %lt3A_116 = arith.cmpi slt, %sub3A_114, %lt3A_115 : i32
      %and3A_117 = arith.andi %ge3A_110, %lt3A_116 : i1
      %convert_element_type3A_118 = arith.extui %and3A_117 : i1 to i32
      %cond3A_119 = arith.constant 0 : i32
      %cond3A_120 = arith.cmpi ne, %convert_element_type3A_118, %cond3A_119 : i32
      scf.if %cond3A_120 {
        %dma_wait3A_130 = arith.constant 0 : i32
        %dma_wait3A_131 = arith.constant 0 : i32
        %dma_wait3A_132 = tpu.memref_slice %arg9[%dma_wait3A_130, %dma_wait3A_131] : memref<40x128xi32, #tpu.memory_space<vmem>> -> memref<1x128xi32, #tpu.memory_space<vmem>>
        %dma_wait3A_133 = tpu.memref_squeeze %dma_wait3A_132 : memref<1x128xi32, #tpu.memory_space<vmem>> -> memref<128xi32, #tpu.memory_space<vmem>>
        %dma_wait3A_134 = arith.constant 0 : i32
        %dma_wait3A_135 = arith.constant 0 : i32
        %dma_wait3A_136 = tpu.memref_slice %arg11[%dma_wait3A_134, %dma_wait3A_135] : memref<10240x128xf32, #tpu.memory_space<vmem_shared>> -> memref<10240x128xf32, #tpu.memory_space<vmem_shared>>
        tpu.wait_indirect_dma semaphore(%arg16 : memref<!tpu.dma_semaphore, #tpu.memory_space<semaphore_mem>>) src(%arg12 : memref<128x128xf32, #tpu.memory_space<vmem>>) dst(%dma_wait3A_136 : memref<10240x128xf32, #tpu.memory_space<vmem_shared>>)
        %add3A_137 = arith.constant 2 : i32
        %add3A_138 = arith.addi %add3A_101, %add3A_137 : i32
        %sub3A_139 = arith.constant 1 : i32
        %sub3A_140 = arith.subi %add3A_138, %sub3A_139 : i32
        %dma_start3A_141 = arith.constant 0 : i32
        %dma_start3A_142 = tpu.memref_slice %arg8[%sub3A_140, %dma_start3A_141] : memref<40x128xi32, #tpu.memory_space<vmem>> -> memref<1x128xi32, #tpu.memory_space<vmem>>
        %dma_start3A_143 = tpu.memref_squeeze %dma_start3A_142 : memref<1x128xi32, #tpu.memory_space<vmem>> -> memref<128xi32, #tpu.memory_space<vmem>>
        %dma_start3A_144 = arith.constant 0 : i32
        %dma_start3A_145 = arith.constant 0 : i32
        %dma_start3A_146 = tpu.memref_slice %arg2[%dma_start3A_144, %dma_start3A_145] : memref<10000x128xf32, #tpu.memory_space<hbm>> -> memref<10000x128xf32, #tpu.memory_space<hbm>>
        tpu.enqueue_indirect_dma source(%dma_start3A_146 : memref<10000x128xf32, #tpu.memory_space<hbm>>) target(%arg12 : memref<128x128xf32, #tpu.memory_space<vmem>>) offsets(%dma_start3A_143 : memref<128xi32, #tpu.memory_space<vmem>>) semaphore(%arg14 : memref<!tpu.dma_semaphore, #tpu.memory_space<semaphore_mem>>)
      } else {
      }
      %parallel_loop3A_121 = arith.constant 0 : i32
      %parallel_loop3A_122 = arith.constant 128 : i32
      %parallel_loop3A_123 = arith.constant 1 : i32
      scf.for %parallel_loop3A_130 = %parallel_loop3A_121 to %parallel_loop3A_122 step %parallel_loop3A_123  : i32 {
        %parallel_loop3A_131 = arith.constant 128 : i32
        %parallel_loop3A_132 = arith.muli %add3A_101, %parallel_loop3A_131 : i32
        %parallel_loop3A_133 = arith.addi %parallel_loop3A_132, %parallel_loop3A_130 : i32
        %parallel_loop3A_134 = vector.broadcast %parallel_loop3A_133 : i32 to vector<16xi32>
        %parallel_loop3A_135 = tpu.vector_load_idx %arg10[%parallel_loop3A_134] : memref<5120xf32, #tpu.memory_space<vmem>>[vector<16xi32>], vector<16xf32>,
        %parallel_loop3A_136 = arith.index_cast %parallel_loop3A_130 : i32 to index
        %parallel_loop3A_137 = arith.constant 0 : index
        %parallel_loop3A_138 = tpu.vector_load %arg13[%parallel_loop3A_136, %parallel_loop3A_137] {strides = array<i32>} : memref<128x128xf32, #tpu.memory_space<vmem>>, vector<16xf32>,
        %parallel_loop3A_139 = arith.mulf %parallel_loop3A_138, %parallel_loop3A_135 : vector<16xf32>
        %parallel_loop3A_140 = arith.index_cast %parallel_loop3A_130 : i32 to index
        %parallel_loop3A_141 = arith.constant 0 : index
        %parallel_loop3A_142 = tpu.vector_load %arg13[%parallel_loop3A_140, %parallel_loop3A_141] {strides = array<i32>} : memref<128x128xf32, #tpu.memory_space<vmem>>, vector<16xf32>,
        tpu.vector_store %arg13[%parallel_loop3A_140, %parallel_loop3A_141], %parallel_loop3A_139 {strides = array<i32>} : memref<128x128xf32, #tpu.memory_space<vmem>>, vector<16xf32>,
        %parallel_loop3A_143 = arith.index_cast %parallel_loop3A_130 : i32 to index
        %parallel_loop3A_144 = arith.constant 16 : index
        %parallel_loop3A_145 = tpu.vector_load %arg13[%parallel_loop3A_143, %parallel_loop3A_144] {strides = array<i32>} : memref<128x128xf32, #tpu.memory_space<vmem>>, vector<16xf32>,
        %parallel_loop3A_146 = arith.mulf %parallel_loop3A_145, %parallel_loop3A_135 : vector<16xf32>
        %parallel_loop3A_147 = arith.index_cast %parallel_loop3A_130 : i32 to index
        %parallel_loop3A_148 = arith.constant 16 : index
        %parallel_loop3A_149 = tpu.vector_load %arg13[%parallel_loop3A_147, %parallel_loop3A_148] {strides = array<i32>} : memref<128x128xf32, #tpu.memory_space<vmem>>, vector<16xf32>,
        tpu.vector_store %arg13[%parallel_loop3A_147, %parallel_loop3A_148], %parallel_loop3A_146 {strides = array<i32>} : memref<128x128xf32, #tpu.memory_space<vmem>>, vector<16xf32>,
        %parallel_loop3A_150 = arith.index_cast %parallel_loop3A_130 : i32 to index
        %parallel_loop3A_151 = arith.constant 32 : index
        %parallel_loop3A_152 = tpu.vector_load %arg13[%parallel_loop3A_150, %parallel_loop3A_151] {strides = array<i32>} : memref<128x128xf32, #tpu.memory_space<vmem>>, vector<16xf32>,
        %parallel_loop3A_153 = arith.mulf %parallel_loop3A_152, %parallel_loop3A_135 : vector<16xf32>
        %parallel_loop3A_154 = arith.index_cast %parallel_loop3A_130 : i32 to index
        %parallel_loop3A_155 = arith.constant 32 : index
        %parallel_loop3A_156 = tpu.vector_load %arg13[%parallel_loop3A_154, %parallel_loop3A_155] {strides = array<i32>} : memref<128x128xf32, #tpu.memory_space<vmem>>, vector<16xf32>,
        tpu.vector_store %arg13[%parallel_loop3A_154, %parallel_loop3A_155], %parallel_loop3A_153 {strides = array<i32>} : memref<128x128xf32, #tpu.memory_space<vmem>>, vector<16xf32>,
        %parallel_loop3A_157 = arith.index_cast %parallel_loop3A_130 : i32 to index
        %parallel_loop3A_158 = arith.constant 48 : index
        %parallel_loop3A_159 = tpu.vector_load %arg13[%parallel_loop3A_157, %parallel_loop3A_158] {strides = array<i32>} : memref<128x128xf32, #tpu.memory_space<vmem>>, vector<16xf32>,
        %parallel_loop3A_160 = arith.mulf %parallel_loop3A_159, %parallel_loop3A_135 : vector<16xf32>
        %parallel_loop3A_161 = arith.index_cast %parallel_loop3A_130 : i32 to index
        %parallel_loop3A_162 = arith.constant 48 : index
        %parallel_loop3A_163 = tpu.vector_load %arg13[%parallel_loop3A_161, %parallel_loop3A_162] {strides = array<i32>} : memref<128x128xf32, #tpu.memory_space<vmem>>, vector<16xf32>,
        tpu.vector_store %arg13[%parallel_loop3A_161, %parallel_loop3A_162], %parallel_loop3A_160 {strides = array<i32>} : memref<128x128xf32, #tpu.memory_space<vmem>>, vector<16xf32>,
        %parallel_loop3A_164 = arith.index_cast %parallel_loop3A_130 : i32 to index
        %parallel_loop3A_165 = arith.constant 64 : index
        %parallel_loop3A_166 = tpu.vector_load %arg13[%parallel_loop3A_164, %parallel_loop3A_165] {strides = array<i32>} : memref<128x128xf32, #tpu.memory_space<vmem>>, vector<16xf32>,
        %parallel_loop3A_167 = arith.mulf %parallel_loop3A_166, %parallel_loop3A_135 : vector<16xf32>
        %parallel_loop3A_168 = arith.index_cast %parallel_loop3A_130 : i32 to index
        %parallel_loop3A_169 = arith.constant 64 : index
        %parallel_loop3A_170 = tpu.vector_load %arg13[%parallel_loop3A_168, %parallel_loop3A_169] {strides = array<i32>} : memref<128x128xf32, #tpu.memory_space<vmem>>, vector<16xf32>,
        tpu.vector_store %arg13[%parallel_loop3A_168, %parallel_loop3A_169], %parallel_loop3A_167 {strides = array<i32>} : memref<128x128xf32, #tpu.memory_space<vmem>>, vector<16xf32>,
        %parallel_loop3A_171 = arith.index_cast %parallel_loop3A_130 : i32 to index
        %parallel_loop3A_172 = arith.constant 80 : index
        %parallel_loop3A_173 = tpu.vector_load %arg13[%parallel_loop3A_171, %parallel_loop3A_172] {strides = array<i32>} : memref<128x128xf32, #tpu.memory_space<vmem>>, vector<16xf32>,
        %parallel_loop3A_174 = arith.mulf %parallel_loop3A_173, %parallel_loop3A_135 : vector<16xf32>
        %parallel_loop3A_175 = arith.index_cast %parallel_loop3A_130 : i32 to index
        %parallel_loop3A_176 = arith.constant 80 : index
        %parallel_loop3A_177 = tpu.vector_load %arg13[%parallel_loop3A_175, %parallel_loop3A_176] {strides = array<i32>} : memref<128x128xf32, #tpu.memory_space<vmem>>, vector<16xf32>,
        tpu.vector_store %arg13[%parallel_loop3A_175, %parallel_loop3A_176], %parallel_loop3A_174 {strides = array<i32>} : memref<128x128xf32, #tpu.memory_space<vmem>>, vector<16xf32>,
        %parallel_loop3A_178 = arith.index_cast %parallel_loop3A_130 : i32 to index
        %parallel_loop3A_179 = arith.constant 96 : index
        %parallel_loop3A_180 = tpu.vector_load %arg13[%parallel_loop3A_178, %parallel_loop3A_179] {strides = array<i32>} : memref<128x128xf32, #tpu.memory_space<vmem>>, vector<16xf32>,
        %parallel_loop3A_181 = arith.mulf %parallel_loop3A_180, %parallel_loop3A_135 : vector<16xf32>
        %parallel_loop3A_182 = arith.index_cast %parallel_loop3A_130 : i32 to index
        %parallel_loop3A_183 = arith.constant 96 : index
        %parallel_loop3A_184 = tpu.vector_load %arg13[%parallel_loop3A_182, %parallel_loop3A_183] {strides = array<i32>} : memref<128x128xf32, #tpu.memory_space<vmem>>, vector<16xf32>,
        tpu.vector_store %arg13[%parallel_loop3A_182, %parallel_loop3A_183], %parallel_loop3A_181 {strides = array<i32>} : memref<128x128xf32, #tpu.memory_space<vmem>>, vector<16xf32>,
        %parallel_loop3A_185 = arith.index_cast %parallel_loop3A_130 : i32 to index
        %parallel_loop3A_186 = arith.constant 112 : index
        %parallel_loop3A_187 = tpu.vector_load %arg13[%parallel_loop3A_185, %parallel_loop3A_186] {strides = array<i32>} : memref<128x128xf32, #tpu.memory_space<vmem>>, vector<16xf32>,
        %parallel_loop3A_188 = arith.mulf %parallel_loop3A_187, %parallel_loop3A_135 : vector<16xf32>
        %parallel_loop3A_189 = arith.index_cast %parallel_loop3A_130 : i32 to index
        %parallel_loop3A_190 = arith.constant 112 : index
        %parallel_loop3A_191 = tpu.vector_load %arg13[%parallel_loop3A_189, %parallel_loop3A_190] {strides = array<i32>} : memref<128x128xf32, #tpu.memory_space<vmem>>, vector<16xf32>,
        tpu.vector_store %arg13[%parallel_loop3A_189, %parallel_loop3A_190], %parallel_loop3A_188 {strides = array<i32>} : memref<128x128xf32, #tpu.memory_space<vmem>>, vector<16xf32>,
      } {sc.loop_unroll_factor = 4 : i64, sc.parallel_access}
      %dma_start3A_124 = arith.constant 0 : i32
      %dma_start3A_125 = tpu.memref_slice %arg9[%add3A_101, %dma_start3A_124] : memref<40x128xi32, #tpu.memory_space<vmem>> -> memref<1x128xi32, #tpu.memory_space<vmem>>
      %dma_start3A_126 = tpu.memref_squeeze %dma_start3A_125 : memref<1x128xi32, #tpu.memory_space<vmem>> -> memref<128xi32, #tpu.memory_space<vmem>>
      %dma_start3A_127 = arith.constant 0 : i32
      %dma_start3A_128 = arith.constant 0 : i32
      %dma_start3A_129 = tpu.memref_slice %arg11[%dma_start3A_127, %dma_start3A_128] : memref<10240x128xf32, #tpu.memory_space<vmem_shared>> -> memref<10240x128xf32, #tpu.memory_space<vmem_shared>>
      tpu.enqueue_indirect_dma source(%arg13 : memref<128x128xf32, #tpu.memory_space<vmem>>) target(%dma_start3A_129 : memref<10240x128xf32, #tpu.memory_space<vmem_shared>>) offsets(%dma_start3A_126 : memref<128xi32, #tpu.memory_space<vmem>>) semaphore(%arg17 : memref<!tpu.dma_semaphore, #tpu.memory_space<semaphore_mem>>) {add = true}
    }
    %scan3A_46 = arith.constant 20 : i32
    %dma_wait3A = arith.constant 0 : i32
    %dma_wait3A_47 = arith.constant 0 : i32
    %dma_wait3A_48 = tpu.memref_slice %arg9[%dma_wait3A, %dma_wait3A_47] : memref<40x128xi32, #tpu.memory_space<vmem>> -> memref<1x128xi32, #tpu.memory_space<vmem>>
    %dma_wait3A_49 = tpu.memref_squeeze %dma_wait3A_48 : memref<1x128xi32, #tpu.memory_space<vmem>> -> memref<128xi32, #tpu.memory_space<vmem>>
    %dma_wait3A_50 = arith.constant 0 : i32
    %dma_wait3A_51 = arith.constant 0 : i32
    %dma_wait3A_52 = tpu.memref_slice %arg11[%dma_wait3A_50, %dma_wait3A_51] : memref<10240x128xf32, #tpu.memory_space<vmem_shared>> -> memref<10240x128xf32, #tpu.memory_space<vmem_shared>>
    tpu.wait_indirect_dma semaphore(%arg16 : memref<!tpu.dma_semaphore, #tpu.memory_space<semaphore_mem>>) src(%arg12 : memref<128x128xf32, #tpu.memory_space<vmem>>) dst(%dma_wait3A_52 : memref<10240x128xf32, #tpu.memory_space<vmem_shared>>)
    %dma_wait3A_53 = arith.constant 0 : i32
    %dma_wait3A_54 = arith.constant 0 : i32
    %dma_wait3A_55 = tpu.memref_slice %arg9[%dma_wait3A_53, %dma_wait3A_54] : memref<40x128xi32, #tpu.memory_space<vmem>> -> memref<1x128xi32, #tpu.memory_space<vmem>>
    %dma_wait3A_56 = tpu.memref_squeeze %dma_wait3A_55 : memref<1x128xi32, #tpu.memory_space<vmem>> -> memref<128xi32, #tpu.memory_space<vmem>>
    %dma_wait3A_57 = arith.constant 0 : i32
    %dma_wait3A_58 = arith.constant 0 : i32
    %dma_wait3A_59 = tpu.memref_slice %arg11[%dma_wait3A_57, %dma_wait3A_58] : memref<10240x128xf32, #tpu.memory_space<vmem_shared>> -> memref<10240x128xf32, #tpu.memory_space<vmem_shared>>
    tpu.wait_indirect_dma semaphore(%arg17 : memref<!tpu.dma_semaphore, #tpu.memory_space<semaphore_mem>>) src(%arg13 : memref<128x128xf32, #tpu.memory_space<vmem>>) dst(%dma_wait3A_59 : memref<10240x128xf32, #tpu.memory_space<vmem_shared>>)
    %barrier3A_60 = arith.constant 0 : index
    tpu.barrier barrier_id(%barrier3A_60)
    %mul3A_61 = arith.constant 640 : i32
    %mul3A_62 = arith.muli %arg1, %mul3A_61 : i32
    %eq3A = arith.constant 0 : i32
    %eq3A_63 = arith.cmpi eq, %arg0, %eq3A : i32
    %convert_element_type3A = arith.extui %eq3A_63 : i1 to i32
    %cond3A = arith.constant 0 : i32
    %cond3A_64 = arith.cmpi ne, %convert_element_type3A, %cond3A : i32
    scf.if %cond3A_64 {
      "tpu.region"() ({
        %run_scoped3A = tpu.sem_alloc : memref<!tpu.dma_semaphore, #tpu.memory_space<semaphore_mem>>
        %dma_start3A_70 = arith.constant 0 : i32
        %dma_start3A_71 = tpu.memref_slice %arg6[%mul3A_62, %dma_start3A_70] : memref<10240x128xf32, #tpu.memory_space<hbm>> -> memref<640x128xf32, #tpu.memory_space<hbm>>
        %dma_start3A_72 = arith.constant 0 : i32
        %dma_start3A_73 = tpu.memref_slice %arg11[%mul3A_62, %dma_start3A_72] : memref<10240x128xf32, #tpu.memory_space<vmem_shared>> -> memref<640x128xf32, #tpu.memory_space<vmem_shared>>
        tpu.enqueue_dma source(%dma_start3A_73 : memref<640x128xf32, #tpu.memory_space<vmem_shared>>) target(%dma_start3A_71 : memref<640x128xf32, #tpu.memory_space<hbm>>) target_semaphore(%run_scoped3A : memref<!tpu.dma_semaphore, #tpu.memory_space<semaphore_mem>>)
        %dma_wait3A_74 = arith.constant 0 : i32
        %dma_wait3A_75 = tpu.memref_slice %arg6[%mul3A_62, %dma_wait3A_74] : memref<10240x128xf32, #tpu.memory_space<hbm>> -> memref<640x128xf32, #tpu.memory_space<hbm>>
        %dma_wait3A_76 = arith.constant 0 : i32
        %dma_wait3A_77 = tpu.memref_slice %arg11[%mul3A_62, %dma_wait3A_76] : memref<10240x128xf32, #tpu.memory_space<vmem_shared>> -> memref<640x128xf32, #tpu.memory_space<vmem_shared>>
        tpu.wait_dma2 semaphore(%run_scoped3A : memref<!tpu.dma_semaphore, #tpu.memory_space<semaphore_mem>>) src(%dma_wait3A_77 : memref<640x128xf32, #tpu.memory_space<vmem_shared>>) dst(%dma_wait3A_75 : memref<640x128xf32, #tpu.memory_space<hbm>>)
        tpu.yield
      }) : () -> ()
    } else {
    }
    %eq3A_65 = arith.constant 1 : i32
    %eq3A_66 = arith.cmpi eq, %arg0, %eq3A_65 : i32
    %convert_element_type3A_67 = arith.extui %eq3A_66 : i1 to i32
    %cond3A_68 = arith.constant 0 : i32
    %cond3A_69 = arith.cmpi ne, %convert_element_type3A_67, %cond3A_68 : i32
    scf.if %cond3A_69 {
      "tpu.region"() ({
        %run_scoped3A = tpu.sem_alloc : memref<!tpu.dma_semaphore, #tpu.memory_space<semaphore_mem>>
        %dma_start3A_70 = arith.constant 0 : i32
        %dma_start3A_71 = tpu.memref_slice %arg7[%mul3A_62, %dma_start3A_70] : memref<10240x128xf32, #tpu.memory_space<hbm>> -> memref<640x128xf32, #tpu.memory_space<hbm>>
        %dma_start3A_72 = arith.constant 0 : i32
        %dma_start3A_73 = tpu.memref_slice %arg11[%mul3A_62, %dma_start3A_72] : memref<10240x128xf32, #tpu.memory_space<vmem_shared>> -> memref<640x128xf32, #tpu.memory_space<vmem_shared>>
        tpu.enqueue_dma source(%dma_start3A_73 : memref<640x128xf32, #tpu.memory_space<vmem_shared>>) target(%dma_start3A_71 : memref<640x128xf32, #tpu.memory_space<hbm>>) target_semaphore(%run_scoped3A : memref<!tpu.dma_semaphore, #tpu.memory_space<semaphore_mem>>)
        %dma_wait3A_74 = arith.constant 0 : i32
        %dma_wait3A_75 = tpu.memref_slice %arg7[%mul3A_62, %dma_wait3A_74] : memref<10240x128xf32, #tpu.memory_space<hbm>> -> memref<640x128xf32, #tpu.memory_space<hbm>>
        %dma_wait3A_76 = arith.constant 0 : i32
        %dma_wait3A_77 = tpu.memref_slice %arg11[%mul3A_62, %dma_wait3A_76] : memref<10240x128xf32, #tpu.memory_space<vmem_shared>> -> memref<640x128xf32, #tpu.memory_space<vmem_shared>>
        tpu.wait_dma2 semaphore(%run_scoped3A : memref<!tpu.dma_semaphore, #tpu.memory_space<semaphore_mem>>) src(%dma_wait3A_77 : memref<640x128xf32, #tpu.memory_space<vmem_shared>>) dst(%dma_wait3A_75 : memref<640x128xf32, #tpu.memory_space<hbm>>)
        tpu.yield
      }) : () -> ()
    } else {
    }
    return
  }
}

module attributes {stable_mosaic.version = 14 : i64} {
  func.func @body(%arg0: i32, %arg1: memref<2000x1152xf32, #tpu.memory_space<vmem>>, %arg2: memref<1152x256xf32, #tpu.memory_space<vmem>>, %arg3: memref<2000x128xf32, #tpu.memory_space<vmem>>, %arg4: memref<2000x128xf32, #tpu.memory_space<vmem>>) attributes {dimension_semantics = [#tpu.dimension_semantics<arbitrary>], iteration_bounds = array<i64: 5>, scalar_prefetch = 0 : i64, scratch_operands = 0 : i64, tpu.core_type = #tpu.core_type<tc>, window_params = [{transform_indices = @transform_0, window_bounds = array<i64: 2000, 1152>}, {pipeline_mode = #tpu.pipeline_mode<synchronous>, transform_indices = @transform_1, window_bounds = array<i64: 1152, 256>}, {transform_indices = @transform_2, window_bounds = array<i64: 2000, 128>}, {transform_indices = @transform_3, window_bounds = array<i64: 2000, 128>}]} {
    %get3A = arith.constant 0 : index
    %get3A_0 = arith.constant 0 : index
    %get3A_1 = vector.load %arg1[%get3A, %get3A_0] : memref<2000x1152xf32, #tpu.memory_space<vmem>>, vector<2000x1152xf32>
    %get3A_2 = arith.constant 0 : index
    %get3A_3 = arith.constant 0 : index
    %get3A_4 = vector.load %arg2[%get3A_2, %get3A_3] : memref<1152x256xf32, #tpu.memory_space<vmem>>, vector<1152x256xf32>
    %dot_general3A = arith.constant dense<0.000000e+00> : vector<2000x256xf32>
    %dot_general3A_5 = tpu.matmul %get3A_1, %get3A_4, %dot_general3A {dimension_numbers = #tpu.dot_dimension_numbers<[1], [0], [0], [1], [0, 0, 1, 1], [], []>, transpose_lhs_hint = false} : vector<2000x1152xf32>, vector<1152x256xf32>, vector<2000x256xf32> -> vector<2000x256xf32>
    %slice3A = vector.extract_strided_slice %dot_general3A_5 {offsets = [0, 0], sizes = [2000, 128], strides = [1, 1]} : vector<2000x256xf32> to vector<2000x128xf32>
    %swap3A = arith.constant 0 : index
    %swap3A_6 = arith.constant 0 : index
    %swap3A_7 = vector.load %arg3[%swap3A, %swap3A_6] : memref<2000x128xf32, #tpu.memory_space<vmem>>, vector<2000x128xf32>
    tpu.vector_store %arg3[%swap3A, %swap3A_6], %slice3A {strides = array<i32>} : memref<2000x128xf32, #tpu.memory_space<vmem>>, vector<2000x128xf32>,
    %slice3A_8 = vector.extract_strided_slice %dot_general3A_5 {offsets = [0, 128], sizes = [2000, 128], strides = [1, 1]} : vector<2000x256xf32> to vector<2000x128xf32>
    %swap3A_9 = arith.constant 0 : index
    %swap3A_10 = arith.constant 0 : index
    %swap3A_11 = vector.load %arg4[%swap3A_9, %swap3A_10] : memref<2000x128xf32, #tpu.memory_space<vmem>>, vector<2000x128xf32>
    tpu.vector_store %arg4[%swap3A_9, %swap3A_10], %slice3A_8 {strides = array<i32>} : memref<2000x128xf32, #tpu.memory_space<vmem>>, vector<2000x128xf32>,
    return
  }
  func.func @transform_0(%arg0: i32) -> (i32, i32) {
    %c0_i32 = arith.constant 0 : i32
    %c0_i32_0 = arith.constant 0 : i32
    return %arg0, %c0_i32 : i32, i32
  }
  func.func @transform_1(%arg0: i32) -> (i32, i32) {
    %c0_i32 = arith.constant 0 : i32
    %c0_i32_0 = arith.constant 0 : i32
    %c0_i32_1 = arith.constant 0 : i32
    return %c0_i32, %c0_i32_0 : i32, i32
  }
  func.func @transform_2(%arg0: i32) -> (i32, i32) {
    %c0_i32 = arith.constant 0 : i32
    %c0_i32_0 = arith.constant 0 : i32
    return %arg0, %c0_i32 : i32, i32
  }
  func.func @transform_3(%arg0: i32) -> (i32, i32) {
    %c0_i32 = arith.constant 0 : i32
    %c0_i32_0 = arith.constant 0 : i32
    return %arg0, %c0_i32 : i32, i32
  }
}

module attributes {stable_mosaic.version = 14 : i64} {
  func.func @body(%arg0: i32, %arg1: memref<2000x1152xf32, #tpu.memory_space<vmem>>, %arg2: memref<1152x256xf32, #tpu.memory_space<vmem>>, %arg3: memref<1x256xf32, #tpu.memory_space<vmem>>, %arg4: memref<2000x256xf32, #tpu.memory_space<vmem>>) attributes {dimension_semantics = [#tpu.dimension_semantics<arbitrary>], iteration_bounds = array<i64: 5>, scalar_prefetch = 0 : i64, scratch_operands = 0 : i64, tpu.core_type = #tpu.core_type<tc>, window_params = [{transform_indices = @transform_0, window_bounds = array<i64: 2000, 1152>}, {pipeline_mode = #tpu.pipeline_mode<synchronous>, transform_indices = @transform_1, window_bounds = array<i64: 1152, 256>}, {pipeline_mode = #tpu.pipeline_mode<synchronous>, transform_indices = @transform_2, window_bounds = array<i64: 1, 256>}, {transform_indices = @transform_3, window_bounds = array<i64: 2000, 256>}]} {
    %get3A = arith.constant 0 : index
    %get3A_0 = arith.constant 0 : index
    %get3A_1 = vector.load %arg1[%get3A, %get3A_0] : memref<2000x1152xf32, #tpu.memory_space<vmem>>, vector<2000x1152xf32>
    %get3A_2 = arith.constant 0 : index
    %get3A_3 = arith.constant 0 : index
    %get3A_4 = vector.load %arg2[%get3A_2, %get3A_3] : memref<1152x256xf32, #tpu.memory_space<vmem>>, vector<1152x256xf32>
    %dot_general3A = arith.constant dense<0.000000e+00> : vector<2000x256xf32>
    %dot_general3A_5 = tpu.matmul %get3A_1, %get3A_4, %dot_general3A {dimension_numbers = #tpu.dot_dimension_numbers<[1], [0], [0], [1], [0, 0, 1, 1], [], []>, transpose_lhs_hint = false} : vector<2000x1152xf32>, vector<1152x256xf32>, vector<2000x256xf32> -> vector<2000x256xf32>
    %get3A_6 = arith.constant 0 : index
    %get3A_7 = arith.constant 0 : index
    %get3A_8 = vector.load %arg3[%get3A_6, %get3A_7] : memref<1x256xf32, #tpu.memory_space<vmem>>, vector<1x256xf32>
    %add3A = vector.broadcast %get3A_8 : vector<1x256xf32> to vector<2000x256xf32>
    %add3A_9 = arith.addf %dot_general3A_5, %add3A : vector<2000x256xf32>
    %swap3A = arith.constant 0 : index
    %swap3A_10 = arith.constant 0 : index
    %swap3A_11 = vector.load %arg4[%swap3A, %swap3A_10] : memref<2000x256xf32, #tpu.memory_space<vmem>>, vector<2000x256xf32>
    tpu.vector_store %arg4[%swap3A, %swap3A_10], %add3A_9 {strides = array<i32>} : memref<2000x256xf32, #tpu.memory_space<vmem>>, vector<2000x256xf32>,
    return
  }
  func.func @transform_0(%arg0: i32) -> (i32, i32) {
    %c0_i32 = arith.constant 0 : i32
    %c0_i32_0 = arith.constant 0 : i32
    return %arg0, %c0_i32 : i32, i32
  }
  func.func @transform_1(%arg0: i32) -> (i32, i32) {
    %c0_i32 = arith.constant 0 : i32
    %c0_i32_0 = arith.constant 0 : i32
    %c0_i32_1 = arith.constant 0 : i32
    return %c0_i32, %c0_i32_0 : i32, i32
  }
  func.func @transform_2(%arg0: i32) -> (i32, i32) {
    %c0_i32 = arith.constant 0 : i32
    %c0_i32_0 = arith.constant 0 : i32
    %c0_i32_1 = arith.constant 0 : i32
    return %c0_i32, %c0_i32_0 : i32, i32
  }
  func.func @transform_3(%arg0: i32) -> (i32, i32) {
    %c0_i32 = arith.constant 0 : i32
    %c0_i32_0 = arith.constant 0 : i32
    return %arg0, %c0_i32 : i32, i32
  }
}

module attributes {stable_mosaic.version = 14 : i64} {
  func.func @body(%arg0: i32, %arg1: memref<2000x128xf32, #tpu.memory_space<vmem>>, %arg2: memref<2000x128xf32, #tpu.memory_space<vmem>>, %arg3: memref<2000x128xf32, #tpu.memory_space<vmem>>, %arg4: memref<2000x128xf32, #tpu.memory_space<vmem>>, %arg5: memref<2000x256xf32, #tpu.memory_space<vmem>>, %arg6: memref<256x128xf32, #tpu.memory_space<vmem>>, %arg7: memref<2000x128xf32, #tpu.memory_space<vmem>>, %arg8: memref<2000x256xf32, #tpu.memory_space<vmem>>) attributes {dimension_semantics = [#tpu.dimension_semantics<arbitrary>], iteration_bounds = array<i64: 5>, scalar_prefetch = 0 : i64, scratch_operands = 0 : i64, tpu.core_type = #tpu.core_type<tc>, window_params = [{transform_indices = @transform_0, window_bounds = array<i64: 2000, 128>}, {transform_indices = @transform_1, window_bounds = array<i64: 2000, 128>}, {transform_indices = @transform_2, window_bounds = array<i64: 2000, 128>}, {transform_indices = @transform_3, window_bounds = array<i64: 2000, 128>}, {transform_indices = @transform_4, window_bounds = array<i64: 2000, 256>}, {pipeline_mode = #tpu.pipeline_mode<synchronous>, transform_indices = @transform_5, window_bounds = array<i64: 256, 128>}, {transform_indices = @transform_6, window_bounds = array<i64: 2000, 128>}, {transform_indices = @transform_7, window_bounds = array<i64: 2000, 256>}]} {
    %get3A = arith.constant 0 : index
    %get3A_0 = arith.constant 0 : index
    %get3A_1 = vector.load %arg1[%get3A, %get3A_0] : memref<2000x128xf32, #tpu.memory_space<vmem>>, vector<2000x128xf32>
    %get3A_2 = arith.constant 0 : index
    %get3A_3 = arith.constant 0 : index
    %get3A_4 = vector.load %arg2[%get3A_2, %get3A_3] : memref<2000x128xf32, #tpu.memory_space<vmem>>, vector<2000x128xf32>
    %add3A = arith.addf %get3A_1, %get3A_4 : vector<2000x128xf32>
    %get3A_5 = arith.constant 0 : index
    %get3A_6 = arith.constant 0 : index
    %get3A_7 = vector.load %arg3[%get3A_5, %get3A_6] : memref<2000x128xf32, #tpu.memory_space<vmem>>, vector<2000x128xf32>
    %get3A_8 = arith.constant 0 : index
    %get3A_9 = arith.constant 0 : index
    %get3A_10 = vector.load %arg4[%get3A_8, %get3A_9] : memref<2000x128xf32, #tpu.memory_space<vmem>>, vector<2000x128xf32>
    %add3A_11 = arith.addf %get3A_7, %get3A_10 : vector<2000x128xf32>
    %concatenate3A = tpu.concatenate %add3A, %add3A_11 in 1 : vector<2000x128xf32>, vector<2000x128xf32> -> vector<2000x256xf32>
    %get3A_12 = arith.constant 0 : index
    %get3A_13 = arith.constant 0 : index
    %get3A_14 = vector.load %arg5[%get3A_12, %get3A_13] : memref<2000x256xf32, #tpu.memory_space<vmem>>, vector<2000x256xf32>
    %add3A_15 = arith.addf %concatenate3A, %get3A_14 : vector<2000x256xf32>
    %max3A = arith.constant 0.000000e+00 : f32
    %max3A_16 = vector.broadcast %max3A : f32 to vector<2000x256xf32>
    %max3A_17 = arith.maximumf %add3A_15, %max3A_16 : vector<2000x256xf32>
    %swap3A = arith.constant 0 : index
    %swap3A_18 = arith.constant 0 : index
    %swap3A_19 = vector.load %arg8[%swap3A, %swap3A_18] : memref<2000x256xf32, #tpu.memory_space<vmem>>, vector<2000x256xf32>
    tpu.vector_store %arg8[%swap3A, %swap3A_18], %max3A_17 {strides = array<i32>} : memref<2000x256xf32, #tpu.memory_space<vmem>>, vector<2000x256xf32>,
    %get3A_20 = arith.constant 0 : index
    %get3A_21 = arith.constant 0 : index
    %get3A_22 = vector.load %arg6[%get3A_20, %get3A_21] : memref<256x128xf32, #tpu.memory_space<vmem>>, vector<256x128xf32>
    %dot_general3A = arith.constant dense<0.000000e+00> : vector<2000x128xf32>
    %dot_general3A_23 = tpu.matmul %max3A_17, %get3A_22, %dot_general3A {dimension_numbers = #tpu.dot_dimension_numbers<[1], [0], [0], [1], [0, 0, 1, 1], [], []>, transpose_lhs_hint = false} : vector<2000x256xf32>, vector<256x128xf32>, vector<2000x128xf32> -> vector<2000x128xf32>
    %swap3A_24 = arith.constant 0 : index
    %swap3A_25 = arith.constant 0 : index
    %swap3A_26 = vector.load %arg7[%swap3A_24, %swap3A_25] : memref<2000x128xf32, #tpu.memory_space<vmem>>, vector<2000x128xf32>
    tpu.vector_store %arg7[%swap3A_24, %swap3A_25], %dot_general3A_23 {strides = array<i32>} : memref<2000x128xf32, #tpu.memory_space<vmem>>, vector<2000x128xf32>,
    return
  }
  func.func @transform_0(%arg0: i32) -> (i32, i32) {
    %c0_i32 = arith.constant 0 : i32
    %c0_i32_0 = arith.constant 0 : i32
    return %arg0, %c0_i32 : i32, i32
  }
  func.func @transform_1(%arg0: i32) -> (i32, i32) {
    %c0_i32 = arith.constant 0 : i32
    %c0_i32_0 = arith.constant 0 : i32
    return %arg0, %c0_i32 : i32, i32
  }
  func.func @transform_2(%arg0: i32) -> (i32, i32) {
    %c0_i32 = arith.constant 0 : i32
    %c0_i32_0 = arith.constant 0 : i32
    return %arg0, %c0_i32 : i32, i32
  }
  func.func @transform_3(%arg0: i32) -> (i32, i32) {
    %c0_i32 = arith.constant 0 : i32
    %c0_i32_0 = arith.constant 0 : i32
    return %arg0, %c0_i32 : i32, i32
  }
  func.func @transform_4(%arg0: i32) -> (i32, i32) {
    %c0_i32 = arith.constant 0 : i32
    %c0_i32_0 = arith.constant 0 : i32
    return %arg0, %c0_i32 : i32, i32
  }
  func.func @transform_5(%arg0: i32) -> (i32, i32) {
    %c0_i32 = arith.constant 0 : i32
    %c0_i32_0 = arith.constant 0 : i32
    %c0_i32_1 = arith.constant 0 : i32
    return %c0_i32, %c0_i32_0 : i32, i32
  }
  func.func @transform_6(%arg0: i32) -> (i32, i32) {
    %c0_i32 = arith.constant 0 : i32
    %c0_i32_0 = arith.constant 0 : i32
    return %arg0, %c0_i32 : i32, i32
  }
  func.func @transform_7(%arg0: i32) -> (i32, i32) {
    %c0_i32 = arith.constant 0 : i32
    %c0_i32_0 = arith.constant 0 : i32
    return %arg0, %c0_i32 : i32, i32
  }
}

module attributes {stable_mosaic.version = 14 : i64} {
  func.func @body(%arg0: i32, %arg1: memref<2000x256xf32, #tpu.memory_space<vmem>>, %arg2: memref<256x128xf32, #tpu.memory_space<vmem>>, %arg3: memref<1x128xf32, #tpu.memory_space<vmem>>, %arg4: memref<2000x128xf32, #tpu.memory_space<vmem>>) attributes {dimension_semantics = [#tpu.dimension_semantics<arbitrary>], iteration_bounds = array<i64: 5>, scalar_prefetch = 0 : i64, scratch_operands = 0 : i64, tpu.core_type = #tpu.core_type<tc>, window_params = [{transform_indices = @transform_0, window_bounds = array<i64: 2000, 256>}, {pipeline_mode = #tpu.pipeline_mode<synchronous>, transform_indices = @transform_1, window_bounds = array<i64: 256, 128>}, {pipeline_mode = #tpu.pipeline_mode<synchronous>, transform_indices = @transform_2, window_bounds = array<i64: 1, 128>}, {transform_indices = @transform_3, window_bounds = array<i64: 2000, 128>}]} {
    %get3A = arith.constant 0 : index
    %get3A_0 = arith.constant 0 : index
    %get3A_1 = vector.load %arg1[%get3A, %get3A_0] : memref<2000x256xf32, #tpu.memory_space<vmem>>, vector<2000x256xf32>
    %get3A_2 = arith.constant 0 : index
    %get3A_3 = arith.constant 0 : index
    %get3A_4 = vector.load %arg2[%get3A_2, %get3A_3] : memref<256x128xf32, #tpu.memory_space<vmem>>, vector<256x128xf32>
    %dot_general3A = arith.constant dense<0.000000e+00> : vector<2000x128xf32>
    %dot_general3A_5 = tpu.matmul %get3A_1, %get3A_4, %dot_general3A {dimension_numbers = #tpu.dot_dimension_numbers<[1], [0], [0], [1], [0, 0, 1, 1], [], []>, transpose_lhs_hint = false} : vector<2000x256xf32>, vector<256x128xf32>, vector<2000x128xf32> -> vector<2000x128xf32>
    %get3A_6 = arith.constant 0 : index
    %get3A_7 = arith.constant 0 : index
    %get3A_8 = vector.load %arg3[%get3A_6, %get3A_7] : memref<1x128xf32, #tpu.memory_space<vmem>>, vector<1x128xf32>
    %add3A = vector.broadcast %get3A_8 : vector<1x128xf32> to vector<2000x128xf32>
    %add3A_9 = arith.addf %dot_general3A_5, %add3A : vector<2000x128xf32>
    %swap3A = arith.constant 0 : index
    %swap3A_10 = arith.constant 0 : index
    %swap3A_11 = vector.load %arg4[%swap3A, %swap3A_10] : memref<2000x128xf32, #tpu.memory_space<vmem>>, vector<2000x128xf32>
    tpu.vector_store %arg4[%swap3A, %swap3A_10], %add3A_9 {strides = array<i32>} : memref<2000x128xf32, #tpu.memory_space<vmem>>, vector<2000x128xf32>,
    return
  }
  func.func @transform_0(%arg0: i32) -> (i32, i32) {
    %c0_i32 = arith.constant 0 : i32
    %c0_i32_0 = arith.constant 0 : i32
    return %arg0, %c0_i32 : i32, i32
  }
  func.func @transform_1(%arg0: i32) -> (i32, i32) {
    %c0_i32 = arith.constant 0 : i32
    %c0_i32_0 = arith.constant 0 : i32
    %c0_i32_1 = arith.constant 0 : i32
    return %c0_i32, %c0_i32_0 : i32, i32
  }
  func.func @transform_2(%arg0: i32) -> (i32, i32) {
    %c0_i32 = arith.constant 0 : i32
    %c0_i32_0 = arith.constant 0 : i32
    %c0_i32_1 = arith.constant 0 : i32
    return %c0_i32, %c0_i32_0 : i32, i32
  }
  func.func @transform_3(%arg0: i32) -> (i32, i32) {
    %c0_i32 = arith.constant 0 : i32
    %c0_i32_0 = arith.constant 0 : i32
    return %arg0, %c0_i32 : i32, i32
  }
}

module attributes {stable_mosaic.version = 14 : i64} {
  func.func @body(%arg0: i32, %arg1: memref<2000x128xf32, #tpu.memory_space<vmem>>, %arg2: memref<2000x128xf32, #tpu.memory_space<vmem>>, %arg3: memref<2000x128xf32, #tpu.memory_space<vmem>>, %arg4: memref<2000x128xf32, #tpu.memory_space<vmem>>) attributes {dimension_semantics = [#tpu.dimension_semantics<arbitrary>], iteration_bounds = array<i64: 5>, scalar_prefetch = 0 : i64, scratch_operands = 0 : i64, tpu.core_type = #tpu.core_type<tc>, window_params = [{transform_indices = @transform_0, window_bounds = array<i64: 2000, 128>}, {transform_indices = @transform_1, window_bounds = array<i64: 2000, 128>}, {transform_indices = @transform_2, window_bounds = array<i64: 2000, 128>}, {transform_indices = @transform_3, window_bounds = array<i64: 2000, 128>}]} {
    %get3A = arith.constant 0 : index
    %get3A_0 = arith.constant 0 : index
    %get3A_1 = vector.load %arg1[%get3A, %get3A_0] : memref<2000x128xf32, #tpu.memory_space<vmem>>, vector<2000x128xf32>
    %get3A_2 = arith.constant 0 : index
    %get3A_3 = arith.constant 0 : index
    %get3A_4 = vector.load %arg2[%get3A_2, %get3A_3] : memref<2000x128xf32, #tpu.memory_space<vmem>>, vector<2000x128xf32>
    %add3A = arith.addf %get3A_1, %get3A_4 : vector<2000x128xf32>
    %get3A_5 = arith.constant 0 : index
    %get3A_6 = arith.constant 0 : index
    %get3A_7 = vector.load %arg3[%get3A_5, %get3A_6] : memref<2000x128xf32, #tpu.memory_space<vmem>>, vector<2000x128xf32>
    %add3A_8 = arith.addf %add3A, %get3A_7 : vector<2000x128xf32>
    %max3A = arith.constant 0.000000e+00 : f32
    %max3A_9 = vector.broadcast %max3A : f32 to vector<2000x128xf32>
    %max3A_10 = arith.maximumf %add3A_8, %max3A_9 : vector<2000x128xf32>
    %swap3A = arith.constant 0 : index
    %swap3A_11 = arith.constant 0 : index
    %swap3A_12 = vector.load %arg4[%swap3A, %swap3A_11] : memref<2000x128xf32, #tpu.memory_space<vmem>>, vector<2000x128xf32>
    tpu.vector_store %arg4[%swap3A, %swap3A_11], %max3A_10 {strides = array<i32>} : memref<2000x128xf32, #tpu.memory_space<vmem>>, vector<2000x128xf32>,
    return
  }
  func.func @transform_0(%arg0: i32) -> (i32, i32) {
    %c0_i32 = arith.constant 0 : i32
    %c0_i32_0 = arith.constant 0 : i32
    return %arg0, %c0_i32 : i32, i32
  }
  func.func @transform_1(%arg0: i32) -> (i32, i32) {
    %c0_i32 = arith.constant 0 : i32
    %c0_i32_0 = arith.constant 0 : i32
    return %arg0, %c0_i32 : i32, i32
  }
  func.func @transform_2(%arg0: i32) -> (i32, i32) {
    %c0_i32 = arith.constant 0 : i32
    %c0_i32_0 = arith.constant 0 : i32
    return %arg0, %c0_i32 : i32, i32
  }
  func.func @transform_3(%arg0: i32) -> (i32, i32) {
    %c0_i32 = arith.constant 0 : i32
    %c0_i32_0 = arith.constant 0 : i32
    return %arg0, %c0_i32 : i32, i32
  }
}

module attributes {stable_mosaic.version = 14 : i64} {
  func.func @body(%arg0: i32, %arg1: memref<2000x128xf32, #tpu.memory_space<vmem>>, %arg2: memref<128x2xf32, #tpu.memory_space<vmem>>, %arg3: memref<1x2xf32, #tpu.memory_space<vmem>>, %arg4: memref<2000x2xf32, #tpu.memory_space<vmem>>) attributes {dimension_semantics = [#tpu.dimension_semantics<arbitrary>], iteration_bounds = array<i64: 5>, scalar_prefetch = 0 : i64, scratch_operands = 0 : i64, tpu.core_type = #tpu.core_type<tc>, window_params = [{transform_indices = @transform_0, window_bounds = array<i64: 2000, 128>}, {pipeline_mode = #tpu.pipeline_mode<synchronous>, transform_indices = @transform_1, window_bounds = array<i64: 128, 2>}, {pipeline_mode = #tpu.pipeline_mode<synchronous>, transform_indices = @transform_2, window_bounds = array<i64: 1, 2>}, {transform_indices = @transform_3, window_bounds = array<i64: 2000, 2>}]} {
    %get3A = arith.constant 0 : index
    %get3A_0 = arith.constant 0 : index
    %get3A_1 = vector.load %arg1[%get3A, %get3A_0] : memref<2000x128xf32, #tpu.memory_space<vmem>>, vector<2000x128xf32>
    %get3A_2 = arith.constant 0 : index
    %get3A_3 = arith.constant 0 : index
    %get3A_4 = vector.load %arg2[%get3A_2, %get3A_3] : memref<128x2xf32, #tpu.memory_space<vmem>>, vector<128x2xf32>
    %dot_general3A = arith.constant dense<0.000000e+00> : vector<2000x2xf32>
    %dot_general3A_5 = tpu.matmul %get3A_1, %get3A_4, %dot_general3A {dimension_numbers = #tpu.dot_dimension_numbers<[1], [0], [0], [1], [0, 0, 1, 1], [], []>, transpose_lhs_hint = false} : vector<2000x128xf32>, vector<128x2xf32>, vector<2000x2xf32> -> vector<2000x2xf32>
    %get3A_6 = arith.constant 0 : index
    %get3A_7 = arith.constant 0 : index
    %get3A_8 = vector.load %arg3[%get3A_6, %get3A_7] : memref<1x2xf32, #tpu.memory_space<vmem>>, vector<1x2xf32>
    %add3A = vector.broadcast %get3A_8 : vector<1x2xf32> to vector<2000x2xf32>
    %add3A_9 = arith.addf %dot_general3A_5, %add3A : vector<2000x2xf32>
    %swap3A = arith.constant 0 : index
    %swap3A_10 = arith.constant 0 : index
    %swap3A_11 = vector.load %arg4[%swap3A, %swap3A_10] : memref<2000x2xf32, #tpu.memory_space<vmem>>, vector<2000x2xf32>
    tpu.vector_store %arg4[%swap3A, %swap3A_10], %add3A_9 {strides = array<i32>} : memref<2000x2xf32, #tpu.memory_space<vmem>>, vector<2000x2xf32>,
    return
  }
  func.func @transform_0(%arg0: i32) -> (i32, i32) {
    %c0_i32 = arith.constant 0 : i32
    %c0_i32_0 = arith.constant 0 : i32
    return %arg0, %c0_i32 : i32, i32
  }
  func.func @transform_1(%arg0: i32) -> (i32, i32) {
    %c0_i32 = arith.constant 0 : i32
    %c0_i32_0 = arith.constant 0 : i32
    %c0_i32_1 = arith.constant 0 : i32
    return %c0_i32, %c0_i32_0 : i32, i32
  }
  func.func @transform_2(%arg0: i32) -> (i32, i32) {
    %c0_i32 = arith.constant 0 : i32
    %c0_i32_0 = arith.constant 0 : i32
    %c0_i32_1 = arith.constant 0 : i32
    return %c0_i32, %c0_i32_0 : i32, i32
  }
  func.func @transform_3(%arg0: i32) -> (i32, i32) {
    %c0_i32 = arith.constant 0 : i32
    %c0_i32_0 = arith.constant 0 : i32
    return %arg0, %c0_i32 : i32, i32
  }
}

module attributes {stable_mosaic.version = 14 : i64} {
  func.func @body(%arg0: i32, %arg1: memref<2000x128xf32, #tpu.memory_space<vmem>>, %arg2: memref<2000x128xf32, #tpu.memory_space<vmem>>, %arg3: memref<2000x2xf32, #tpu.memory_space<vmem>>, %arg4: memref<128x2xf32, #tpu.memory_space<vmem>>, %arg5: memref<2000x2xf32, #tpu.memory_space<vmem>>) attributes {dimension_semantics = [#tpu.dimension_semantics<arbitrary>], iteration_bounds = array<i64: 5>, scalar_prefetch = 0 : i64, scratch_operands = 0 : i64, tpu.core_type = #tpu.core_type<tc>, window_params = [{transform_indices = @transform_0, window_bounds = array<i64: 2000, 128>}, {transform_indices = @transform_1, window_bounds = array<i64: 2000, 128>}, {transform_indices = @transform_2, window_bounds = array<i64: 2000, 2>}, {pipeline_mode = #tpu.pipeline_mode<synchronous>, transform_indices = @transform_3, window_bounds = array<i64: 128, 2>}, {transform_indices = @transform_4, window_bounds = array<i64: 2000, 2>}]} {
    %get3A = arith.constant 0 : index
    %get3A_0 = arith.constant 0 : index
    %get3A_1 = vector.load %arg1[%get3A, %get3A_0] : memref<2000x128xf32, #tpu.memory_space<vmem>>, vector<2000x128xf32>
    %get3A_2 = arith.constant 0 : index
    %get3A_3 = arith.constant 0 : index
    %get3A_4 = vector.load %arg2[%get3A_2, %get3A_3] : memref<2000x128xf32, #tpu.memory_space<vmem>>, vector<2000x128xf32>
    %add3A = arith.addf %get3A_1, %get3A_4 : vector<2000x128xf32>
    %get3A_5 = arith.constant 0 : index
    %get3A_6 = arith.constant 0 : index
    %get3A_7 = vector.load %arg4[%get3A_5, %get3A_6] : memref<128x2xf32, #tpu.memory_space<vmem>>, vector<128x2xf32>
    %dot_general3A = arith.constant dense<0.000000e+00> : vector<2000x2xf32>
    %dot_general3A_8 = tpu.matmul %add3A, %get3A_7, %dot_general3A {dimension_numbers = #tpu.dot_dimension_numbers<[1], [0], [0], [1], [0, 0, 1, 1], [], []>, transpose_lhs_hint = false} : vector<2000x128xf32>, vector<128x2xf32>, vector<2000x2xf32> -> vector<2000x2xf32>
    %get3A_9 = arith.constant 0 : index
    %get3A_10 = arith.constant 0 : index
    %get3A_11 = vector.load %arg3[%get3A_9, %get3A_10] : memref<2000x2xf32, #tpu.memory_space<vmem>>, vector<2000x2xf32>
    %add3A_12 = arith.addf %dot_general3A_8, %get3A_11 : vector<2000x2xf32>
    %swap3A = arith.constant 0 : index
    %swap3A_13 = arith.constant 0 : index
    %swap3A_14 = vector.load %arg5[%swap3A, %swap3A_13] : memref<2000x2xf32, #tpu.memory_space<vmem>>, vector<2000x2xf32>
    tpu.vector_store %arg5[%swap3A, %swap3A_13], %add3A_12 {strides = array<i32>} : memref<2000x2xf32, #tpu.memory_space<vmem>>, vector<2000x2xf32>,
    return
  }
  func.func @transform_0(%arg0: i32) -> (i32, i32) {
    %c0_i32 = arith.constant 0 : i32
    %c0_i32_0 = arith.constant 0 : i32
    return %arg0, %c0_i32 : i32, i32
  }
  func.func @transform_1(%arg0: i32) -> (i32, i32) {
    %c0_i32 = arith.constant 0 : i32
    %c0_i32_0 = arith.constant 0 : i32
    return %arg0, %c0_i32 : i32, i32
  }
  func.func @transform_2(%arg0: i32) -> (i32, i32) {
    %c0_i32 = arith.constant 0 : i32
    %c0_i32_0 = arith.constant 0 : i32
    return %arg0, %c0_i32 : i32, i32
  }
  func.func @transform_3(%arg0: i32) -> (i32, i32) {
    %c0_i32 = arith.constant 0 : i32
    %c0_i32_0 = arith.constant 0 : i32
    %c0_i32_1 = arith.constant 0 : i32
    return %c0_i32, %c0_i32_0 : i32, i32
  }
  func.func @transform_4(%arg0: i32) -> (i32, i32) {
    %c0_i32 = arith.constant 0 : i32
    %c0_i32_0 = arith.constant 0 : i32
    return %arg0, %c0_i32 : i32, i32
  }
}

</mosaic_0001>

<sc_bundles>
// kernel: kernel.13.cloned.1.call-start
scs
__scs_entry_jumppad:
0x0: {  	(pc) =	sbr.rel $0x88, $3  }
0x1: {  	(tag) =	ssettag $0x0;
	lr =	simm.s32 $0x1  }
0x2: {  	[smem:$0x3F95] =	sst lr;
	_ =	strace $0xD0000000  }
0x3: {  	_ = 	snop  }
0x4: {  	_ = 	snop  }
0x5: {  	_ = 	snop  }
0x6: {  	_ = 	snop  }
0x7: {  	_ = 	snop  }
__scs_overlays_trampoline_lowered:
0x8: {  	[smem:$0x3FA4] =	sst s0  }
0x9: {  	[smem:$0x3FA5] =	sst s1  }
0xa: {  	[smem:$0x3FA6] =	sst s2  }
0xb: {  	[smem:$0x3FA7] =	sst s3  }
0xc: {  	[smem:$0x3FA8] =	sst s4  }
0xd: {  	[smem:$0x3FA9] =	sst s5  }
0xe: {  	[smem:$0x3FAA] =	sst s6  }
0xf: {  	[smem:$0x3FAB] =	sst s7  }
0x10: {  	[smem:$0x3FAC] =	sst s8  }
0x11: {  	[smem:$0x3FAD] =	sst s9;
	s0 =	simm.s32 @!p0 $0x0  }
0x12: {  	s1 =	sld [smem:$0x3F93];
	s0 =	simm.s32 @p0 $0x1  }
0x13: {  	[smem:$0x3FAE] =	sst s0;
	s0 =	simm.s32 @!p1 $0x0  }
0x14: {  	s2 =	sld [smem:$0x3F92];
	s0 =	simm.s32 @p1 $0x1  }
0x15: {  	[smem:$0x3FAF] =	sst s0;
	s0 =	simm.s32 @!p2 $0x0  }
0x16: {  	s3 =	sld [smem:$0x3FDB];
	s0 =	simm.s32 @p2 $0x1  }
0x17: {  	s4 =	simm.s32 $0x1BF5;
	[smem:$0x3FB1] =	sst s0  }
0x18: {  	s0 =	sld [smem:$0x3F94];
	_ =	swait.ge [sflag:s4], $0x0  }
0x19: {  	s7 =	sld [smem:$0x3F95]  }
0x1a: {  	s8 =	sadd.s32 $0xFFFFE003, lr  }
0x1b: {  	s9 =	sadd.s32 $0xFFFFFEF7, lr;
	s5 =	simm.s32 $0xFFFFFFFF;
	p2 =	slt.u32 s8, $0xFFFFF086  }
0x1c: {  	p1 =	slt.u32 s9, $0xF7A;
	s5 =	simm.s32 @!p2 $0x0  }
0x1d: {  	s5 =	simm.s32 @p1 $0x1;
	p0 =	seq.s32 s7, s2  }
0x1e: {  	s7 =	smul.u32 @!p0 $0xF7A, s2;
	p2 =	seq.s32 @!p0 s5, $0x0  }
0x1f: {  	s9 =	smul.u32 $0xF7A, s1;
	s8 =	simm.s32 @!p0 $0x1BF5;
	p2 =	por !p2, p0  }
0x20: {  	[sflag:s8] =	ssyncset.s32 @!p0 $0xFFFFF086;
	s6 =	sadd.s32 @!p0 s3, s7;
	s7 =	simm.s32 @!p0 $0x108  }
0x21: {  	s3 =	sadd.s32 s3, s9;
	s6 =	sadd.s32 @!p0 $0x88, s6;
	s7 =	simm.s32 @p2 $0x1082  }
0x22: {  	[simem:s7], [sflag:s8] =	dma.local @!p0 [hbm:s6], $0xF7A  }
0x23: {  	s9 =	sor.u32 $0xD0000000, s2;
	s6 =	simm.s32 $0x108;
	_ =	swait.ge @!p0 [sflag:s8], $0x0  }
0x24: {  	s3 =	sadd.s32 $0x88, s3;
	s6 =	simm.s32 @!p1 $0x1082;
	[sflag:s4] =	ssyncset.s32 $0xFFFFF086  }
0x25: {  	[simem:s6], [sflag:s4] =	dma.local [hbm:s3], $0xF7A  }
0x26: {  	[smem:$0x3F95] =	sst s1;
	(tag) =	ssettag s2;
	_ =	strace s9  }
0x27: {  	s1 =	sld [smem:$0x3FA5]  }
0x28: {  	s2 =	sld [smem:$0x3FA6]  }
0x29: {  	s4 =	sld [smem:$0x3FA8]  }
0x2a: {  	p0 =	seq.s32 s5, $0x0;
	s5 =	sld [smem:$0x3FA9]  }
0x2b: {  	s6 =	sld [smem:$0x3FAA]  }
0x2c: {  	s7 =	sld [smem:$0x3FAB]  }
0x2d: {  	s3 =	simm.s32 $0x108;
	s8 =	sld [smem:$0x3FAC]  }
0x2e: {  	s3 =	simm.s32 @!p0 $0x1082;
	s9 =	sld [smem:$0x3FAD]  }
0x2f: {  	lr =	sadd.s32 s0, s3;
	s0 =	sld [smem:$0x3FA4]  }
0x30: {  	s3 =	sld [smem:$0x3FA7]  }
0x31: {  	[smem:$0x3FB0] =	sst s10  }
0x32: {  	s10 =	sld [smem:$0x3FAE];
	_ =	sdelay $0x3  }
0x33: {  	p0 =	seq.s32 s10, $0x1;
	s10 =	sld [smem:$0x3FB0];
	_ =	sdelay $0x3  }
0x34: {  	[smem:$0x3FB0] =	sst s10  }
0x35: {  	s10 =	sld [smem:$0x3FAF];
	_ =	sdelay $0x3  }
0x36: {  	p1 =	seq.s32 s10, $0x1;
	s10 =	sld [smem:$0x3FB0];
	_ =	sdelay $0x3  }
0x37: {  	[smem:$0x3FB0] =	sst s10  }
0x38: {  	s10 =	sld [smem:$0x3FB1]  }
0x39: {  	_ = 	snop;
	(pc) =	sbr.ind lr, $3  }
0x3a: {  	_ = 	snop  }
0x3b: {  	_ = 	snop  }
0x3c: {  	p2 =	seq.s32 s10, $0x1;
	s10 =	sld [smem:$0x3FB0]  }
0x3d: {  	_ =	shalt  }
0x3e: {  	_ =	shalt  }
0x3f: {  	_ =	shalt  }
0x40: {  	_ =	shalt  }
0x41: {  	_ =	shalt  }
0x42: {  	_ =	shalt  }
0x43: {  	_ =	shalt  }
0x44: {  	_ =	shalt  }
0x45: {  	_ =	shalt  }
0x46: {  	_ =	shalt  }
0x47: {  	_ =	shalt  }
0x48: {  	_ =	shalt  }
0x49: {  	_ =	shalt  }
0x4a: {  	_ =	shalt  }
0x4b: {  	_ =	shalt  }
0x4c: {  	_ =	shalt  }
0x4d: {  	_ =	shalt  }
0x4e: {  	_ =	shalt  }
0x4f: {  	_ =	shalt  }
0x50: {  	_ =	shalt  }
0x51: {  	_ =	shalt  }
0x52: {  	_ =	shalt  }
0x53: {  	_ =	shalt  }
0x54: {  	_ =	shalt  }
0x55: {  	_ =	shalt  }
0x56: {  	_ =	shalt  }
0x57: {  	_ =	shalt  }
0x58: {  	_ =	shalt  }
0x59: {  	_ =	shalt  }
0x5a: {  	_ =	shalt  }
0x5b: {  	_ =	shalt  }
0x5c: {  	_ =	shalt  }
0x5d: {  	_ =	shalt  }
0x5e: {  	_ =	shalt  }
0x5f: {  	_ =	shalt  }
0x60: {  	_ =	shalt  }
0x61: {  	_ =	shalt  }
0x62: {  	_ =	shalt  }
0x63: {  	_ =	shalt  }
0x64: {  	_ =	shalt  }
0x65: {  	_ =	shalt  }
0x66: {  	_ =	shalt  }
0x67: {  	_ =	shalt  }
0x68: {  	_ =	shalt  }
0x69: {  	_ =	shalt  }
0x6a: {  	_ =	shalt  }
0x6b: {  	_ =	shalt  }
0x6c: {  	_ =	shalt  }
0x6d: {  	_ =	shalt  }
0x6e: {  	_ =	shalt  }
0x6f: {  	_ =	shalt  }
0x70: {  	_ =	shalt  }
0x71: {  	_ =	shalt  }
0x72: {  	_ =	shalt  }
0x73: {  	_ =	shalt  }
0x74: {  	_ =	shalt  }
0x75: {  	_ =	shalt  }
0x76: {  	_ =	shalt  }
0x77: {  	_ =	shalt  }
0x78: {  	_ =	shalt  }
0x79: {  	_ =	shalt  }
0x7a: {  	_ =	shalt  }
0x7b: {  	_ =	shalt  }
0x7c: {  	_ =	shalt  }
0x7d: {  	_ =	shalt  }
0x7e: {  	_ =	shalt  }
0x7f: {  	_ =	shalt  }
0x80: {  	_ =	shalt  }
0x81: {  	_ =	shalt  }
0x82: {  	_ =	shalt  }
0x83: {  	_ =	shalt  }
0x84: {  	_ =	shalt  }
0x85: {  	_ =	shalt  }
0x86: {  	_ =	shalt  }
0x87: {  	_ =	shalt  }
.Lfunc_end0:
.L_simem_size_0:
called_computation_lowered:
.L_overlay_start_0:
0x88: {  	s2 =	sld [smem:$0x3FD9]  }
0x89: {  	s3 =	sld [smem:$0x3FFE];
	_ =	sdelay $0x1  }
0x8a: {  	s1 =	srdreg.scid  }
0x8b: {  	s0 =	sand.u32 $0x1, s1  }
0x8c: {  	s17 =	sshll.u32 s0, $0xA;
	s2 =	sadd.s32 s3, s2  }
0x8d: {  	s2 =	sadd.s32 s2, s17  }
0x8e: {  	[smem:$0x3FBC] =	sst s2  }
0x8f: {  	_ = 	snop  }
0x90: {  	(tm) =	ssettm $0x1  }
0x91: {  	s18 =	sld [smem:$0x3FFB];
	_ =	sdelay $0x3  }
0x92: {  	_ =	strace s18  }
0x93: {  	s2 =	sld [smem:$0x3FFC];
	_ =	sdelay $0x3  }
0x94: {  	_ =	strace s2  }
0x95: {  	s2 =	sld [smem:$0x3FFD];
	_ =	sdelay $0x3  }
0x96: {  	_ =	strace s2  }
0x97: {  	_ =	strace $0x8FFFFFFF  }
0x98: {  	s19 =	sld [smem:$0x3FDB];
	_ =	sdelay $0x1  }
0x99: {  	s20 =	simm.s32 $_scs_section_size  }
0x9a: {  	s4 =	simm.s32 $_size__tile_overlayer_lowered;
	s5 =	simm.s32 $_tile_overlayer_lowered  }
0x9b: {  	s6 =	simm.s32 $0x1BFF;
	s21 =	sshll.u32 s5, $0x1;
	s3 =	sadd.s32 s20, s19  }
0x9c: {  	s22 =	simm.s32 $0x0;
	s4 =	sshll.u32 s4, $0x1;
	s5 =	sadd.s32 s21, s3  }
0x9d: {  	[timem:s22], [sflag:s6] =	dma.local [hbm:s5], s4  }
0x9e: {  	_ =	swait.ge [sflag:s6], s4  }
0x9f: {  	s4 =	ssub.s32 $0x0, s4;
	[sflag:s6] =	ssyncset.done $0x0  }
0xa0: {  	[sflag:s6] =	ssyncadd.s32 s4;
	_ =	sdelay $0x1  }
0xa1: {  	s23 =	simm.s32 $0x1B8B  }
0xa2: {  	_ =	swait.ge [sflag:s23], $0x1  }
0xa3: {  	[sflag:s23] =	ssyncset.done $0x0  }
0xa4: {  	[sflag:s23] =	ssyncadd.s32 $0xFFFFFFFF  }
0xa5: {  	s4 =	sld [smem:$0x0]  }
0xa6: {  	s5 =	sand.u32 $0xFFFFFFFE, s1  }
0xa7: {  	p0 =	sne.s32 s1, s5  }
0xa8: {  	s5 =	sshll.u32 @p0 s5, $0xE  }
0xa9: {  	s5 =	sadd.s32 @p0 $0x11B8D, s5;
	s6 =	sshll.u32 @p0 s4, $0x11  }
0xaa: {  	s5 =	sor.u32 @p0 s6, s5  }
0xab: {  	[sflag:s5] =	ssyncadd.remote.s32 @p0 $0x1;
	_ =	sdelay $0x1  }
0xac: {  	s5 =	simm.s32 @p0 $0x1B8D  }
0xad: {  	_ =	swait.eq @p0 [sflag:s5], $0x1  }
0xae: {  	[sflag:s5] =	ssyncadd.s32 @p0 $0xFFFFFFFF  }
0xaf: {  	s6 =	sshll.u32 @!p0 s1, $0xE  }
0xb0: {  	s6 =	sor.u32 @!p0 $0x4000, s6;
	s5 =	simm.s32 @!p0 $0x1B8D  }
0xb1: {  	s4 =	sshll.u32 @!p0 s4, $0x11;
	s6 =	sadd.s32 @!p0 $0x11B8D, s6;
	_ =	swait.eq @!p0 [sflag:s5], $0x1  }
0xb2: {  	s4 =	sor.u32 @!p0 s4, s6;
	[sflag:s5] =	ssyncadd.s32 @!p0 $0xFFFFFFFF  }
0xb3: {  	s25 =	simm.s32 $0x1B8E;
	s24 =	sld [smem:$0x3FFE];
	[sflag:s4] =	ssyncadd.remote.s32 @!p0 $0x1  }
0xb4: {  	s26 =	simm.s32 $execute0_lowered;
	[smem:$0x3FD2] =	sst s25  }
0xb5: {  	s5 =	sshll.u32 s26, $0x1;
	_ =	strace $0x80000049;
	[dreg:$0x1] =	wrdreg $0xFFFFFFFF  }
0xb6: {  	s28 =	simm.s32 $_size_execute0_lowered;
	s3 =	sadd.s32 s3, s5;
	[dreg:$0x0] =	wrdreg $0x0  }
0xb7: {  	s5 =	sshll.u32 s28, $0x1;
	[dreg:$0x2] =	wrdreg s3  }
0xb8: {  	[dreg:$0x3] =	wrdreg s5  }
0xb9: {  	[dreg:$0x4] =	wrdreg $0xC0  }
0xba: {  	_ =	task [dreg:s22], $0x5FFFF  }
0xbb: {  	[dreg:$0x1] =	wrdreg $0xFFFFFFFF  }
0xbc: {  	[dreg:$0x0] =	wrdreg $0x60  }
0xbd: {  	[dreg:$0x2] =	wrdreg s24  }
0xbe: {  	[dreg:$0x3] =	wrdreg $0x3C000  }
0xbf: {  	[dreg:$0x4] =	wrdreg $0x9  }
0xc0: {  	_ =	task.clear_ibuf [dreg:s22], $0x5FFFF;
	_ =	strace $0x90000049  }
0xc1: {  	s29 =	simm.s32 $0x9;
	_ =	strace $0x8000004B  }
0xc2: {  	_ =	swait.ge [sflag:s29], $0x1  }
0xc3: {  	[sflag:s29] =	ssyncadd.s32 $0xFFFFFFFF  }
0xc4: {  	_ =	strace $0x9000004B  }
0xc5: {  	_ =	sfence  }
0xc6: {  	s30 =	sld [smem:$0x0];
	_ =	sdelay $0x2  }
0xc7: {  	s31 =	sshll.u32 s1, $0xD;
	s1 =	sshrl.u32 s1, $0x2  }
0xc8: {  	s4 =	sand.u32 $0x4000, s31;
	s1 =	sadd.s32 s1, s30  }
0xc9: {  	s0 =	sor.u32 s4, s0;
	s1 =	sshll.u32 s1, $0x11  }
0xca: {  	s0 =	sor.u32 s1, s0  }
0xcb: {  	s0 =	sadd.s32 $0x8F2B, s0  }
0xcc: {  	[sflag:s0] =	ssyncadd.remote.s32 $0x1  }
0xcd: {  	_ =	sfence.sel $0xFFFF  }
0xce: {  	[dreg:$0x0] =	wrdreg $0xFFFFFFFF;
	(pc) =	sbr.abs _section_cstart, $3  }
0xcf: {  	[dreg:$0x1] =	wrdreg $0xFFFFFFFF  }
0xd0: {  	_ =	task.clear_ibuf [dreg:s22], $0x2FFFF;
	_ =	strace $0x9FFFFFFF  }
0xd1: {  	(tm) =	ssettm $0x7FFFFFFF  }
tec
execute0_lowered:
.L_overlay_start_1:
0x0: {  	(tag) =	ssettag $0x1  }
0x1: {  	s13 =	rddreg [dreg:$0x0]  }
0x2: {  	s1 =	rddreg [dreg:$0x1];
	s2 =	srdreg.scid  }
0x3: {  	s3 =	simm.s32 $0x0;
	s0 =	stileid.u32;
	s15 =	simm.s32 $0xDAA00  }
0x4: {  	s18 =	simm.s32 $0x2800;
	s19 =	simm.s32 $0x80;
	s20 =	simm.s32 $0x1BC00  }
0x5: {  	s21 =	simm.s32 $0x1;
	s22 =	simm.s32 $0x2;
	s23 =	simm.s32 $0x3  }
0x6: {  	s24 =	simm.s32 $0x4;
	s10 =	sand.u32 $0x1, s2;
	s5 =	smul.u32 $0x50000, s0  }
0x7: {  	[smem:$0x7FF] =	sst s3;
	s16 =	smul.u32 $0x2800, s0;
	s4 =	sshll.u32 s10, $0x4  }
0x8: {  	_ =	strace $0x8000004A;
	s7 =	ssub.s32 $0x2, s10;
	p0 =	seq.s32 s10, $0x1  }
0x9: {  	s4 =	sor.u32 s0, s4;
	s8 =	sshrl.u32 s7, $0x1;
	s5 =	sshrl.u32 s5, $0x2  }
0xa: {  	s15 =	simm.s32 @!p0 $0xB2A00;
	s6 =	smul.u32 $0x280, s4;
	s4 =	sadd.s32 $0x31800, s13  }
0xb: {  	s14 =	ssub.s32 s7, s8;
	s5 =	sadd.s32 s5, s1;
	s15 =	sadd.s32 s15, s13  }
0xc: {  	s7 =	sadd.s32 $0x8000, s5;
	s8 =	sadd.s32 $0xC000, s5;
	s9 =	sadd.s32 $0x10000, s5  }
0xd: {  	s12 =	sadd.s32 s6, s13;
	s6 =	sadd.s32 $0x4000, s5;
	s13 =	smax.u32 s14, $0x1  }
0xe: {  	s14 =	sadd.s32 s15, s16;
	s15 =	simm.s32 $0x17C00;
	s16 =	simm.s32 $0x5  }
0xf: {  	v0 =	vimm.f32 $0.0e+00;
	s10 =	sadd.s32 $0x58A00, s12;
	s11 =	sadd.s32 $0x5DA00, s12;
	s12 =	sadd.s32 $0x5600, s12  }
.LBB2_1:
0x10: {  	s25 =	simm.s32 $0x0;
	s26 =	simm.s32 $0x200  }
.LBB2_2:
0x11: {  	p0 =	sne.s32 s26, $0xFE00;
	[tilespmem:s25+$0x17C70] =	vst v0  }
0x12: {  	[tilespmem:s25+$0x17C00] =	vst v0  }
0x13: {  	[tilespmem:s25+$0x17C10] =	vst v0  }
.Ltmp0:
0x14: {  	[tilespmem:s25+$0x17C20] =	vst v0;
	(pc) =	sbr.rel @p0 .LBB2_2-.Ltmp0, $4  }
0x15: {  	[tilespmem:s25+$0x17C30] =	vst v0  }
0x16: {  	[tilespmem:s25+$0x17C40] =	vst v0  }
0x17: {  	[tilespmem:s25+$0x17C50] =	vst v0  }
0x18: {  	[tilespmem:s25+$0x17C60] =	vst v0;
	s25 =	sshra.s32 s26, $0x2;
	s26 =	sadd.s32 $0x200, s26  }
0x19: {  	[tilespmem:s25+$0x17C70] =	vst v0  }
0x1a: {  	[tilespmem:s25+$0x17C00] =	vst v0  }
0x1b: {  	[tilespmem:s25+$0x17C10] =	vst v0  }
0x1c: {  	[tilespmem:s25+$0x17C20] =	vst v0  }
0x1d: {  	[tilespmem:s25+$0x17C30] =	vst v0  }
0x1e: {  	[tilespmem:s25+$0x17C40] =	vst v0  }
0x1f: {  	[tilespmem:s25+$0x17C50] =	vst v0  }
0x20: {  	[tilespmem:s25+$0x17C60] =	vst v0  }
0x21: {  	[spmem:s5] =	stream.linear.scatter [tilespmem:s15], [sflag:$0x5], $0x4000, $0x38;
	[tilespmem:$0x1FC00] =	vst v63  }
0x22: {  	_ =	swait.ge [sflag:s16], $0x4000  }
0x23: {  	[sflag:s16] =	ssyncset.done $0x0  }
0x24: {  	[sflag:s16] =	ssyncadd.s32 $0xFFFFC000  }
0x25: {  	[spmem:s6] =	stream.linear.scatter [tilespmem:s15], [sflag:$0x5], $0x4000, $0x38;
	[tilespmem:$0x1FC00] =	vst v63  }
0x26: {  	_ =	swait.ge [sflag:s16], $0x4000  }
0x27: {  	[sflag:s16] =	ssyncset.done $0x0  }
0x28: {  	[sflag:s16] =	ssyncadd.s32 $0xFFFFC000  }
0x29: {  	[spmem:s7] =	stream.linear.scatter [tilespmem:s15], [sflag:$0x5], $0x4000, $0x38;
	[tilespmem:$0x1FC00] =	vst v63  }
0x2a: {  	_ =	swait.ge [sflag:s16], $0x4000  }
0x2b: {  	[sflag:s16] =	ssyncset.done $0x0  }
0x2c: {  	[sflag:s16] =	ssyncadd.s32 $0xFFFFC000  }
0x2d: {  	[spmem:s8] =	stream.linear.scatter [tilespmem:s15], [sflag:$0x5], $0x4000, $0x38;
	[tilespmem:$0x1FC00] =	vst v63  }
0x2e: {  	_ =	swait.ge [sflag:s16], $0x4000  }
0x2f: {  	[sflag:s16] =	ssyncset.done $0x0  }
0x30: {  	[sflag:s16] =	ssyncadd.s32 $0xFFFFC000  }
0x31: {  	[spmem:s9] =	stream.linear.scatter [tilespmem:s15], [sflag:$0x5], $0x4000, $0x38;
	[tilespmem:$0x1FC00] =	vst v63  }
0x32: {  	_ =	swait.ge [sflag:s16], $0x4000  }
0x33: {  	[sflag:s16] =	ssyncset.done $0x0  }
0x34: {  	s25 =	simm.s32 $0x0;
	[sflag:s16] =	ssyncadd.s32 $0xFFFFC000  }
0x35: {  	[tilespmem:s25], [sflag:$0x5] =	stream.linear.gather [hbm4b:s10+s25], $0x1400, $0x38;
	[tilespmem:$0x1FC00] =	vst v63  }
0x36: {  	_ =	swait.ge [sflag:s16], $0x1400  }
0x37: {  	[sflag:s16] =	ssyncset.done $0x0  }
0x38: {  	s0 =	simm.s32 $0x1400;
	[sflag:s16] =	ssyncadd.s32 $0xFFFFEC00  }
0x39: {  	[tilespmem:s0], [sflag:$0x5] =	stream.linear.gather [hbm4b:s11+s25], $0x1400, $0x38;
	[tilespmem:$0x1FC00] =	vst v63  }
0x3a: {  	_ =	swait.ge [sflag:s16], $0x1400  }
0x3b: {  	[sflag:s16] =	ssyncset.done $0x0  }
0x3c: {  	[sflag:s16] =	ssyncadd.s32 $0xFFFFEC00  }
0x3d: {  	[tilespmem:s18], [sflag:$0x5] =	stream.linear.gather [hbm4b:s12+s25], $0x1400, $0x38;
	[tilespmem:$0x1FC00] =	vst v63  }
0x3e: {  	_ =	swait.ge [sflag:s16], $0x1400  }
0x3f: {  	[sflag:s16] =	ssyncset.done $0x0  }
0x40: {  	[sflag:s16] =	ssyncadd.s32 $0xFFFFEC00  }
0x41: {  	[bflag:$0x0] =	sbarrier.arrive $0xFFFF  }
0x42: {  	[tilespmem:s15], [sflag:$0x1] =	stream.indirect.gather [hbm4b:s4+s19], $0x80, s25, s19, $0xb8;
	[tilespmem:$0x1FC00] =	vst v63  }
0x43: {  	s26 =	simm.s32 $0x0  }
0x44: {  	[tilespmem:s20], [sflag:$0x2] =	stream.indirect.gather [hbm4b:s4+s19], $0x80, s19, s19, $0xb8;
	[tilespmem:$0x1FC00] =	vst v63  }
.LBB2_4:
0x45: {  	_ =	swait.ge [sflag:s21], $0x4000  }
0x46: {  	s30 =	sadd.s32 $0xFFFFFFFC, s25;
	p0 =	seq.s32 s26, $0x0;
	[sflag:s21] =	ssyncset.done $0x0  }
0x47: {  	s28 =	sadd.s32 $0x6, s30;
	s29 =	simm.s32 @!p0 $0x4;
	[sflag:s21] =	ssyncadd.s32 $0xFFFFC000  }
0x48: {  	v1 =	vmov s28;
	s28 =	sadd.s32 $0x4, s30;
	_ =	swait.ge @!p0 [sflag:s29], $0x4000  }
0x49: {  	v2 =	vmov s28;
	s28 =	sshllo.u32 s26, $0x1;
	[sflag:s29] =	ssyncset.done @!p0 $0x0  }
0x4a: {  	[sflag:s29] =	ssyncadd.s32 @!p0 $0xFFFFC000;
	s29 =	sshll.u32 @!p0 s28, $0x7  }
0x4b: {  	s31 =	simm.s32 @!p0 $0x80;
	s0 =	simm.s32 @!p0 $0x1BC00;
	v1 =	vand.u32 $0xFFFFFFFE, v1;
	s29 =	sand.u32 @!p0 $0x3FFFFF80, s29  }
0x4c: {  	v1 =	vbroadcast v1, $0x0;
	v2 =	vand.u32 $0xFFFFFFFC, v2;
	[tilespmem:s0], [sflag:$0x2] =	stream.indirect.gather @!p0 [hbm4b:s4+s31], $0x80, s29, s31, $0xb8;
	[tilespmem:$0x1FC00] =	vst v63  }
0x4d: {  	v2 =	vbroadcast v2, $0x0;
	s29 =	simm.s32 $0x17D00  }
0x4e: {  	v3 =	vld [tilespmem:s29+$0x70]  }
0x4f: {  	v5 =	vld [tilespmem:s29+$0xFFFFFF00]  }
0x50: {  	s2 =	sadd.s32 $0x5, s30;
	v6 =	vld [tilespmem:s29+$0xFFFFFF10]  }
0x51: {  	v4 =	vmov s2;
	v7 =	vld [tilespmem:s29+$0xFFFFFF20]  }
0x52: {  	v4 =	vand.u32 $0xFFFFFFFD, v4;
	v1 =	vld.idx.msk [tilespmem:v1+s18+$0x0], $0xffff  }
0x53: {  	v4 =	vbroadcast v4, $0x0;
	v2 =	vld.idx.msk [tilespmem:v2+s18+$0x0], $0xffff  }
0x54: {  	v8 =	vld [tilespmem:s29+$0xFFFFFF30]  }
0x55: {  	v9 =	vld [tilespmem:s29+$0xFFFFFF40]  }
0x56: {  	v10 =	vld [tilespmem:s29+$0xFFFFFF50]  }
0x57: {  	v11 =	vld [tilespmem:s29+$0xFFFFFF60];
	v3 =	vmul.f32 v3, v1  }
0x58: {  	v13 =	vld [tilespmem:s29+$0xFFFFFFD0];
	v5 =	vmul.f32 v5, v2  }
0x59: {  	v4 =	vld.idx.msk [tilespmem:v4+s18+$0x0], $0xffff;
	[tilespmem:s29+$0x70] =	vst v3;
	v3 =	vmul.f32 v7, v2  }
0x5a: {  	[tilespmem:s29+$0xFFFFFF00] =	vst v5;
	v5 =	vmul.f32 v6, v2;
	v6 =	vld [tilespmem:s29+$0xFFFFFF70]  }
0x5b: {  	s17 =	sadd.s32 $0x7, s30;
	v7 =	vld [tilespmem:s29+$0xFFFFFF80];
	[tilespmem:s29+$0xFFFFFF20] =	vst v3;
	v3 =	vmul.f32 v9, v2  }
0x5c: {  	v12 =	vmov s17;
	[tilespmem:s29+$0xFFFFFF10] =	vst v5;
	v5 =	vmul.f32 v8, v2;
	v8 =	vld [tilespmem:s29+$0xFFFFFF90]  }
0x5d: {  	v9 =	vld [tilespmem:s29+$0xFFFFFFA0];
	[tilespmem:s29+$0xFFFFFF40] =	vst v3;
	v3 =	vmul.f32 v11, v2  }
0x5e: {  	v11 =	vld [tilespmem:s29+$0xFFFFFFC0];
	[tilespmem:s29+$0xFFFFFF30] =	vst v5;
	v5 =	vmul.f32 v10, v2  }
0x5f: {  	v10 =	vld [tilespmem:s29+$0xFFFFFFB0];
	v6 =	vmul.f32 v6, v2;
	[tilespmem:s29+$0xFFFFFF60] =	vst v3  }
0x60: {  	v14 =	vld [tilespmem:s29+$0xFFFFFFE0];
	[tilespmem:s29+$0xFFFFFF50] =	vst v5;
	v5 =	vmul.f32 v7, v4  }
0x61: {  	v2 =	vld.idx.msk [tilespmem:v12+s18+$0x0], $0xffff;
	v3 =	vmul.f32 v8, v4;
	[tilespmem:s29+$0xFFFFFF70] =	vst v6  }
0x62: {  	v8 =	vld [tilespmem:s29+$0xFFFFFFF0];
	[tilespmem:s29+$0xFFFFFF80] =	vst v5;
	v5 =	vmul.f32 v9, v4  }
0x63: {  	v7 =	vld [tilespmem:s29+$0x0];
	v9 =	vmul.f32 v11, v4;
	[tilespmem:s29+$0xFFFFFF90] =	vst v3  }
0x64: {  	v6 =	vld [tilespmem:s29+$0x10];
	v3 =	vmul.f32 v10, v4;
	[tilespmem:s29+$0xFFFFFFA0] =	vst v5  }
0x65: {  	v10 =	vmul.f32 v13, v4;
	v5 =	vld [tilespmem:s29+$0x20];
	[tilespmem:s29+$0xFFFFFFC0] =	vst v9  }
0x66: {  	v9 =	vmul.f32 v14, v4;
	[tilespmem:s29+$0xFFFFFFB0] =	vst v3;
	v3 =	vld [tilespmem:s29+$0x30]  }
0x67: {  	s30 =	simm.s32 $0x17D00;
	s31 =	simm.s32 $0x0;
	[tilespmem:s29+$0xFFFFFFD0] =	vst v10;
	v8 =	vmul.f32 v8, v4;
	v4 =	vld [tilespmem:s29+$0x40]  }
.LBB2_5:
0x68: {  	s0 =	sadd.s32 s31, s25;
	s31 =	sadd.s32 $0x4, s31;
	[tilespmem:s29+$0xFFFFFFE0] =	vst v9;
	v7 =	vmul.f32 v7, v1;
	v9 =	vld [tilespmem:s29+$0x50]  }
0x69: {  	s17 =	sadd.s32 $0x4, s0;
	s2 =	sadd.s32 $0x6, s0;
	p0 =	slt.u32 s31, $0x7C;
	[tilespmem:s29+$0xFFFFFFF0] =	vst v8;
	v6 =	vmul.f32 v6, v1;
	v8 =	vld [tilespmem:s29+$0x60]  }
0x6a: {  	v10 =	vmov s17;
	s17 =	sadd.s32 $0x5, s0;
	v11 =	vmov s2;
	s0 =	sadd.s32 $0x7, s0;
	[tilespmem:s29+$0x0] =	vst v7;
	v5 =	vmul.f32 v5, v1;
	v7 =	vld [tilespmem:s29+$0x80]  }
0x6b: {  	v10 =	vand.u32 $0xFFFFFFFC, v10;
	v12 =	vmov s17;
	v11 =	vand.u32 $0xFFFFFFFE, v11;
	[tilespmem:s29+$0x10] =	vst v6;
	v6 =	vld [tilespmem:s29+$0x90]  }
0x6c: {  	v10 =	vbroadcast v10, $0x0;
	v12 =	vand.u32 $0xFFFFFFFD, v12;
	v11 =	vbroadcast v11, $0x0;
	[tilespmem:s29+$0x20] =	vst v5;
	v5 =	vld [tilespmem:s29+$0xA0]  }
0x6d: {  	v13 =	vmov s0;
	v3 =	vmul.f32 v3, v1;
	v12 =	vbroadcast v12, $0x0;
	v14 =	vld [tilespmem:s29+$0xB0]  }
0x6e: {  	v4 =	vmul.f32 v4, v1;
	v9 =	vmul.f32 v9, v1;
	v15 =	vld [tilespmem:s29+$0xC0]  }
0x6f: {  	[tilespmem:s29+$0x30] =	vst v3;
	v3 =	vmul.f32 v8, v1;
	v7 =	vmul.f32 v7, v2;
	v8 =	vld [tilespmem:s29+$0xD0]  }
0x70: {  	[tilespmem:s29+$0x40] =	vst v4;
	v4 =	vmul.f32 v6, v2;
	v6 =	vld [tilespmem:s29+$0xE0]  }
0x71: {  	[tilespmem:s29+$0x50] =	vst v9;
	v5 =	vmul.f32 v5, v2;
	v9 =	vld [tilespmem:s29+$0xF0]  }
0x72: {  	s29 =	sadd.s32 $0x200, s29;
	v1 =	vld.idx.msk [tilespmem:v11+s18+$0x0], $0xffff;
	[tilespmem:s30+$0x60] =	vst v3;
	v3 =	vmul.f32 v14, v2  }
0x73: {  	v11 =	vld [tilespmem:s29+$0x70];
	[tilespmem:s30+$0x80] =	vst v7;
	v7 =	vmul.f32 v15, v2  }
0x74: {  	v10 =	vld.idx.msk [tilespmem:v10+s18+$0x0], $0xffff;
	[tilespmem:s30+$0x90] =	vst v4;
	v4 =	vmul.f32 v8, v2  }
0x75: {  	v8 =	vld.idx.msk [tilespmem:v12+s18+$0x0], $0xffff;
	[tilespmem:s30+$0xA0] =	vst v5;
	v5 =	vmul.f32 v6, v2  }
0x76: {  	[tilespmem:s30+$0xB0] =	vst v3;
	v3 =	vmul.f32 v9, v2;
	v2 =	vld.idx.msk [tilespmem:v13+s18+$0x0], $0xffff  }
0x77: {  	v6 =	vld [tilespmem:s29+$0xFFFFFF00];
	[tilespmem:s30+$0xC0] =	vst v7  }
0x78: {  	v7 =	vld [tilespmem:s29+$0xFFFFFF10];
	v9 =	vmul.f32 v11, v1;
	[tilespmem:s30+$0xD0] =	vst v4  }
0x79: {  	v4 =	vld [tilespmem:s29+$0xFFFFFF20];
	[tilespmem:s30+$0xE0] =	vst v5  }
0x7a: {  	v5 =	vld [tilespmem:s29+$0xFFFFFF30];
	[tilespmem:s29+$0x70] =	vst v9  }
0x7b: {  	v9 =	vld [tilespmem:s29+$0xFFFFFF40];
	[tilespmem:s30+$0xF0] =	vst v3;
	s30 =	smov.u32 s29  }
0x7c: {  	v3 =	vmul.f32 v6, v10;
	v6 =	vld [tilespmem:s29+$0xFFFFFF50]  }
0x7d: {  	v7 =	vmul.f32 v7, v10;
	v11 =	vld [tilespmem:s29+$0xFFFFFF60]  }
0x7e: {  	[tilespmem:s29+$0xFFFFFF00] =	vst v3;
	v3 =	vmul.f32 v4, v10;
	v4 =	vld [tilespmem:s29+$0xFFFFFF70]  }
0x7f: {  	[tilespmem:s29+$0xFFFFFF10] =	vst v7;
	v5 =	vmul.f32 v5, v10;
	v7 =	vld [tilespmem:s29+$0xFFFFFF80]  }
0x80: {  	[tilespmem:s29+$0xFFFFFF20] =	vst v3;
	v3 =	vmul.f32 v9, v10;
	v9 =	vld [tilespmem:s29+$0xFFFFFF90]  }
0x81: {  	[tilespmem:s29+$0xFFFFFF30] =	vst v5;
	v5 =	vmul.f32 v6, v10;
	v6 =	vld [tilespmem:s29+$0xFFFFFFA0]  }
0x82: {  	[tilespmem:s29+$0xFFFFFF40] =	vst v3;
	v3 =	vmul.f32 v11, v10;
	v11 =	vld [tilespmem:s29+$0xFFFFFFB0]  }
0x83: {  	[tilespmem:s29+$0xFFFFFF50] =	vst v5;
	v4 =	vmul.f32 v4, v10;
	v5 =	vld [tilespmem:s29+$0xFFFFFFC0]  }
0x84: {  	[tilespmem:s29+$0xFFFFFF60] =	vst v3;
	v3 =	vmul.f32 v7, v8;
	v10 =	vld [tilespmem:s29+$0xFFFFFFD0]  }
0x85: {  	[tilespmem:s29+$0xFFFFFF70] =	vst v4;
	v4 =	vmul.f32 v9, v8;
	v9 =	vld [tilespmem:s29+$0xFFFFFFE0]  }
0x86: {  	[tilespmem:s29+$0xFFFFFF80] =	vst v3;
	v3 =	vmul.f32 v6, v8;
	v12 =	vld [tilespmem:s29+$0xFFFFFFF0]  }
.Ltmp1:
0x87: {  	[tilespmem:s29+$0xFFFFFF90] =	vst v4;
	v4 =	vmul.f32 v11, v8;
	v7 =	vld [tilespmem:s29+$0x0];
	(pc) =	sbr.rel @p0 .LBB2_5-.Ltmp1, $4  }
0x88: {  	[tilespmem:s29+$0xFFFFFFA0] =	vst v3;
	v3 =	vmul.f32 v5, v8;
	v6 =	vld [tilespmem:s29+$0x10]  }
0x89: {  	[tilespmem:s29+$0xFFFFFFB0] =	vst v4;
	v4 =	vmul.f32 v10, v8;
	v5 =	vld [tilespmem:s29+$0x20]  }
0x8a: {  	[tilespmem:s29+$0xFFFFFFC0] =	vst v3;
	v9 =	vmul.f32 v9, v8;
	v3 =	vld [tilespmem:s29+$0x30]  }
0x8b: {  	[tilespmem:s29+$0xFFFFFFD0] =	vst v4;
	v8 =	vmul.f32 v12, v8;
	v4 =	vld [tilespmem:s29+$0x40]  }
0x8c: {  	v10 =	vld [tilespmem:s29+$0x50];
	[tilespmem:s29+$0xFFFFFFE0] =	vst v9;
	v7 =	vmul.f32 v7, v1  }
0x8d: {  	v9 =	vld [tilespmem:s29+$0x60];
	[tilespmem:s29+$0xFFFFFFF0] =	vst v8;
	v6 =	vmul.f32 v6, v1  }
0x8e: {  	v8 =	vld [tilespmem:s29+$0x80];
	[tilespmem:s29+$0x0] =	vst v7;
	v5 =	vmul.f32 v5, v1  }
0x8f: {  	v7 =	vld [tilespmem:s29+$0x90];
	[tilespmem:s29+$0x10] =	vst v6;
	v3 =	vmul.f32 v3, v1  }
0x90: {  	v6 =	vld [tilespmem:s29+$0xA0];
	[tilespmem:s29+$0x20] =	vst v5;
	v4 =	vmul.f32 v4, v1  }
0x91: {  	v5 =	vld [tilespmem:s29+$0xB0];
	v10 =	vmul.f32 v10, v1;
	[tilespmem:s29+$0x30] =	vst v3  }
0x92: {  	v11 =	vld [tilespmem:s29+$0xC0];
	v1 =	vmul.f32 v9, v1;
	[tilespmem:s29+$0x40] =	vst v4  }
0x93: {  	v3 =	vld [tilespmem:s29+$0xD0];
	v4 =	vmul.f32 v8, v2;
	[tilespmem:s29+$0x50] =	vst v10  }
0x94: {  	v8 =	vld [tilespmem:s29+$0xE0];
	v7 =	vmul.f32 v7, v2;
	[tilespmem:s30+$0x60] =	vst v1  }
0x95: {  	v9 =	vld [tilespmem:s29+$0xF0];
	v1 =	vmul.f32 v6, v2;
	[tilespmem:s30+$0x80] =	vst v4  }
0x96: {  	v4 =	vmul.f32 v5, v2;
	[tilespmem:s30+$0x90] =	vst v7  }
0x97: {  	v5 =	vmul.f32 v11, v2;
	[tilespmem:s30+$0xA0] =	vst v1  }
0x98: {  	v1 =	vmul.f32 v3, v2;
	[tilespmem:s30+$0xB0] =	vst v4  }
0x99: {  	v3 =	vmul.f32 v8, v2;
	[tilespmem:s30+$0xC0] =	vst v5  }
0x9a: {  	s0 =	sshll.u32 s26, $0xA;
	v2 =	vmul.f32 v9, v2;
	[tilespmem:s30+$0xD0] =	vst v1  }
0x9b: {  	s2 =	sshrl.u32 s0, $0x2;
	[tilespmem:s30+$0xE0] =	vst v3  }
0x9c: {  	s2 =	sadd.s32 $0x1400, s2;
	[tilespmem:s30+$0xF0] =	vst v2  }
0x9d: {  	[spmem:s1] =	stream.indirect.scatter.add.f32 [tilespmem:s15], [sflag:$0x3], $0x80, s2, s19, $0xb8;
	[tilespmem:$0x1FC00] =	vst v63  }
0x9e: {  	_ =	swait.ge [sflag:s22], $0x4000  }
0x9f: {  	p0 =	seq.s32 s26, $0x13;
	[sflag:s22] =	ssyncset.done $0x0  }
0xa0: {  	s29 =	simm.s32 @!p0 $0x3;
	s2 =	sadd.s32 $0xFFFFFFFC, s25;
	[sflag:s22] =	ssyncadd.s32 $0xFFFFC000  }
0xa1: {  	s0 =	sshrl.u32 @!p0 s0, $0x2;
	s17 =	sadd.s32 $0x86, s2;
	_ =	swait.ge @!p0 [sflag:s29], $0x4000  }
0xa2: {  	s0 =	sadd.s32 @!p0 $0x100, s0;
	v1 =	vmov s17;
	s17 =	sadd.s32 $0x84, s2;
	[sflag:s29] =	ssyncset.done @!p0 $0x0  }
0xa3: {  	v1 =	vand.u32 $0xFFFFFFFE, v1;
	v2 =	vmov s17;
	s17 =	simm.s32 @!p0 $0x80;
	[sflag:s29] =	ssyncadd.s32 @!p0 $0xFFFFC000;
	s29 =	simm.s32 @!p0 $0x17C00  }
0xa4: {  	v1 =	vbroadcast v1, $0x0;
	v2 =	vand.u32 $0xFFFFFFFC, v2;
	[tilespmem:s29], [sflag:$0x1] =	stream.indirect.gather @!p0 [hbm4b:s4+s17], $0x80, s0, s17, $0xb8;
	[tilespmem:$0x1FC00] =	vst v63  }
0xa5: {  	v2 =	vbroadcast v2, $0x0;
	s29 =	simm.s32 $0x1BD00  }
0xa6: {  	v3 =	vld [tilespmem:s29+$0x70]  }
0xa7: {  	v5 =	vld [tilespmem:s29+$0xFFFFFF00]  }
0xa8: {  	s17 =	sadd.s32 $0x85, s2;
	v6 =	vld [tilespmem:s29+$0xFFFFFF10]  }
0xa9: {  	v4 =	vmov s17;
	v7 =	vld [tilespmem:s29+$0xFFFFFF20]  }
0xaa: {  	v4 =	vand.u32 $0xFFFFFFFD, v4;
	v1 =	vld.idx.msk [tilespmem:v1+s18+$0x0], $0xffff  }
0xab: {  	v4 =	vbroadcast v4, $0x0;
	v2 =	vld.idx.msk [tilespmem:v2+s18+$0x0], $0xffff  }
0xac: {  	v8 =	vld [tilespmem:s29+$0xFFFFFF30]  }
0xad: {  	v9 =	vld [tilespmem:s29+$0xFFFFFF40]  }
0xae: {  	v10 =	vld [tilespmem:s29+$0xFFFFFF50]  }
0xaf: {  	v11 =	vld [tilespmem:s29+$0xFFFFFF60];
	v3 =	vmul.f32 v3, v1  }
0xb0: {  	v13 =	vld [tilespmem:s29+$0xFFFFFFD0];
	v5 =	vmul.f32 v5, v2  }
0xb1: {  	v4 =	vld.idx.msk [tilespmem:v4+s18+$0x0], $0xffff;
	[tilespmem:s29+$0x70] =	vst v3;
	v3 =	vmul.f32 v7, v2  }
0xb2: {  	[tilespmem:s29+$0xFFFFFF00] =	vst v5;
	v5 =	vmul.f32 v6, v2;
	v6 =	vld [tilespmem:s29+$0xFFFFFF70]  }
0xb3: {  	s17 =	sadd.s32 $0x87, s2;
	v7 =	vld [tilespmem:s29+$0xFFFFFF80];
	[tilespmem:s29+$0xFFFFFF20] =	vst v3;
	v3 =	vmul.f32 v9, v2  }
0xb4: {  	v12 =	vmov s17;
	[tilespmem:s29+$0xFFFFFF10] =	vst v5;
	v5 =	vmul.f32 v8, v2;
	v8 =	vld [tilespmem:s29+$0xFFFFFF90]  }
0xb5: {  	v9 =	vld [tilespmem:s29+$0xFFFFFFA0];
	[tilespmem:s29+$0xFFFFFF40] =	vst v3;
	v3 =	vmul.f32 v11, v2  }
0xb6: {  	v11 =	vld [tilespmem:s29+$0xFFFFFFC0];
	[tilespmem:s29+$0xFFFFFF30] =	vst v5;
	v5 =	vmul.f32 v10, v2  }
0xb7: {  	v10 =	vld [tilespmem:s29+$0xFFFFFFB0];
	v6 =	vmul.f32 v6, v2;
	[tilespmem:s29+$0xFFFFFF60] =	vst v3  }
0xb8: {  	v14 =	vld [tilespmem:s29+$0xFFFFFFE0];
	[tilespmem:s29+$0xFFFFFF50] =	vst v5;
	v5 =	vmul.f32 v7, v4  }
0xb9: {  	v2 =	vld.idx.msk [tilespmem:v12+s18+$0x0], $0xffff;
	v3 =	vmul.f32 v8, v4;
	[tilespmem:s29+$0xFFFFFF70] =	vst v6  }
0xba: {  	v8 =	vld [tilespmem:s29+$0xFFFFFFF0];
	[tilespmem:s29+$0xFFFFFF80] =	vst v5;
	v5 =	vmul.f32 v9, v4  }
0xbb: {  	v7 =	vld [tilespmem:s29+$0x0];
	v9 =	vmul.f32 v11, v4;
	[tilespmem:s29+$0xFFFFFF90] =	vst v3  }
0xbc: {  	v6 =	vld [tilespmem:s29+$0x10];
	v3 =	vmul.f32 v10, v4;
	[tilespmem:s29+$0xFFFFFFA0] =	vst v5  }
0xbd: {  	v10 =	vmul.f32 v13, v4;
	v5 =	vld [tilespmem:s29+$0x20];
	[tilespmem:s29+$0xFFFFFFC0] =	vst v9  }
0xbe: {  	v9 =	vmul.f32 v14, v4;
	[tilespmem:s29+$0xFFFFFFB0] =	vst v3;
	v3 =	vld [tilespmem:s29+$0x30]  }
0xbf: {  	s31 =	simm.s32 $0x0;
	s30 =	simm.s32 $0x1BD00;
	[tilespmem:s29+$0xFFFFFFD0] =	vst v10;
	v8 =	vmul.f32 v8, v4;
	v4 =	vld [tilespmem:s29+$0x40]  }
.LBB2_7:
0xc0: {  	s0 =	sadd.s32 s31, s25;
	s31 =	sadd.s32 $0x4, s31;
	[tilespmem:s29+$0xFFFFFFE0] =	vst v9;
	v7 =	vmul.f32 v7, v1;
	v9 =	vld [tilespmem:s29+$0x50]  }
0xc1: {  	s2 =	sadd.s32 $0x84, s0;
	s17 =	sadd.s32 $0x86, s0;
	p0 =	slt.u32 s31, $0x7C;
	[tilespmem:s29+$0xFFFFFFF0] =	vst v8;
	v6 =	vmul.f32 v6, v1;
	v8 =	vld [tilespmem:s29+$0x60]  }
0xc2: {  	v10 =	vmov s2;
	s2 =	sadd.s32 $0x85, s0;
	v11 =	vmov s17;
	s0 =	sadd.s32 $0x87, s0;
	[tilespmem:s29+$0x0] =	vst v7;
	v5 =	vmul.f32 v5, v1;
	v7 =	vld [tilespmem:s29+$0x80]  }
0xc3: {  	v10 =	vand.u32 $0xFFFFFFFC, v10;
	v12 =	vmov s2;
	v11 =	vand.u32 $0xFFFFFFFE, v11;
	[tilespmem:s29+$0x10] =	vst v6;
	v6 =	vld [tilespmem:s29+$0x90]  }
0xc4: {  	v10 =	vbroadcast v10, $0x0;
	v12 =	vand.u32 $0xFFFFFFFD, v12;
	v11 =	vbroadcast v11, $0x0;
	[tilespmem:s29+$0x20] =	vst v5;
	v5 =	vld [tilespmem:s29+$0xA0]  }
0xc5: {  	v13 =	vmov s0;
	v3 =	vmul.f32 v3, v1;
	v12 =	vbroadcast v12, $0x0;
	v14 =	vld [tilespmem:s29+$0xB0]  }
0xc6: {  	v4 =	vmul.f32 v4, v1;
	v9 =	vmul.f32 v9, v1;
	v15 =	vld [tilespmem:s29+$0xC0]  }
0xc7: {  	[tilespmem:s29+$0x30] =	vst v3;
	v3 =	vmul.f32 v8, v1;
	v7 =	vmul.f32 v7, v2;
	v8 =	vld [tilespmem:s29+$0xD0]  }
0xc8: {  	[tilespmem:s29+$0x40] =	vst v4;
	v4 =	vmul.f32 v6, v2;
	v6 =	vld [tilespmem:s29+$0xE0]  }
0xc9: {  	[tilespmem:s29+$0x50] =	vst v9;
	v5 =	vmul.f32 v5, v2;
	v9 =	vld [tilespmem:s29+$0xF0]  }
0xca: {  	s29 =	sadd.s32 $0x200, s29;
	v1 =	vld.idx.msk [tilespmem:v11+s18+$0x0], $0xffff;
	[tilespmem:s30+$0x60] =	vst v3;
	v3 =	vmul.f32 v14, v2  }
0xcb: {  	v11 =	vld [tilespmem:s29+$0x70];
	[tilespmem:s30+$0x80] =	vst v7;
	v7 =	vmul.f32 v15, v2  }
0xcc: {  	v10 =	vld.idx.msk [tilespmem:v10+s18+$0x0], $0xffff;
	[tilespmem:s30+$0x90] =	vst v4;
	v4 =	vmul.f32 v8, v2  }
0xcd: {  	v8 =	vld.idx.msk [tilespmem:v12+s18+$0x0], $0xffff;
	[tilespmem:s30+$0xA0] =	vst v5;
	v5 =	vmul.f32 v6, v2  }
0xce: {  	[tilespmem:s30+$0xB0] =	vst v3;
	v3 =	vmul.f32 v9, v2;
	v2 =	vld.idx.msk [tilespmem:v13+s18+$0x0], $0xffff  }
0xcf: {  	v6 =	vld [tilespmem:s29+$0xFFFFFF00];
	[tilespmem:s30+$0xC0] =	vst v7  }
0xd0: {  	v7 =	vld [tilespmem:s29+$0xFFFFFF10];
	v9 =	vmul.f32 v11, v1;
	[tilespmem:s30+$0xD0] =	vst v4  }
0xd1: {  	v4 =	vld [tilespmem:s29+$0xFFFFFF20];
	[tilespmem:s30+$0xE0] =	vst v5  }
0xd2: {  	v5 =	vld [tilespmem:s29+$0xFFFFFF30];
	[tilespmem:s29+$0x70] =	vst v9  }
0xd3: {  	v9 =	vld [tilespmem:s29+$0xFFFFFF40];
	[tilespmem:s30+$0xF0] =	vst v3;
	s30 =	smov.u32 s29  }
0xd4: {  	v3 =	vmul.f32 v6, v10;
	v6 =	vld [tilespmem:s29+$0xFFFFFF50]  }
0xd5: {  	v7 =	vmul.f32 v7, v10;
	v11 =	vld [tilespmem:s29+$0xFFFFFF60]  }
0xd6: {  	[tilespmem:s29+$0xFFFFFF00] =	vst v3;
	v3 =	vmul.f32 v4, v10;
	v4 =	vld [tilespmem:s29+$0xFFFFFF70]  }
0xd7: {  	[tilespmem:s29+$0xFFFFFF10] =	vst v7;
	v5 =	vmul.f32 v5, v10;
	v7 =	vld [tilespmem:s29+$0xFFFFFF80]  }
0xd8: {  	[tilespmem:s29+$0xFFFFFF20] =	vst v3;
	v3 =	vmul.f32 v9, v10;
	v9 =	vld [tilespmem:s29+$0xFFFFFF90]  }
0xd9: {  	[tilespmem:s29+$0xFFFFFF30] =	vst v5;
	v5 =	vmul.f32 v6, v10;
	v6 =	vld [tilespmem:s29+$0xFFFFFFA0]  }
0xda: {  	[tilespmem:s29+$0xFFFFFF40] =	vst v3;
	v3 =	vmul.f32 v11, v10;
	v11 =	vld [tilespmem:s29+$0xFFFFFFB0]  }
0xdb: {  	[tilespmem:s29+$0xFFFFFF50] =	vst v5;
	v4 =	vmul.f32 v4, v10;
	v5 =	vld [tilespmem:s29+$0xFFFFFFC0]  }
0xdc: {  	[tilespmem:s29+$0xFFFFFF60] =	vst v3;
	v3 =	vmul.f32 v7, v8;
	v10 =	vld [tilespmem:s29+$0xFFFFFFD0]  }
0xdd: {  	[tilespmem:s29+$0xFFFFFF70] =	vst v4;
	v4 =	vmul.f32 v9, v8;
	v9 =	vld [tilespmem:s29+$0xFFFFFFE0]  }
0xde: {  	[tilespmem:s29+$0xFFFFFF80] =	vst v3;
	v3 =	vmul.f32 v6, v8;
	v12 =	vld [tilespmem:s29+$0xFFFFFFF0]  }
.Ltmp2:
0xdf: {  	[tilespmem:s29+$0xFFFFFF90] =	vst v4;
	v4 =	vmul.f32 v11, v8;
	v7 =	vld [tilespmem:s29+$0x0];
	(pc) =	sbr.rel @p0 .LBB2_7-.Ltmp2, $4  }
0xe0: {  	[tilespmem:s29+$0xFFFFFFA0] =	vst v3;
	v3 =	vmul.f32 v5, v8;
	v6 =	vld [tilespmem:s29+$0x10]  }
0xe1: {  	[tilespmem:s29+$0xFFFFFFB0] =	vst v4;
	v4 =	vmul.f32 v10, v8;
	v5 =	vld [tilespmem:s29+$0x20]  }
0xe2: {  	[tilespmem:s29+$0xFFFFFFC0] =	vst v3;
	v9 =	vmul.f32 v9, v8;
	v3 =	vld [tilespmem:s29+$0x30]  }
0xe3: {  	[tilespmem:s29+$0xFFFFFFD0] =	vst v4;
	v8 =	vmul.f32 v12, v8;
	v4 =	vld [tilespmem:s29+$0x40]  }
0xe4: {  	v10 =	vld [tilespmem:s29+$0x50]  }
0xe5: {  	[tilespmem:s29+$0xFFFFFFE0] =	vst v9;
	v7 =	vmul.f32 v7, v1;
	v54 =	vld [tilespmem:s29+$0x60]  }
0xe6: {  	v55 =	vld [tilespmem:s29+$0x80];
	[tilespmem:s29+$0xFFFFFFF0] =	vst v8;
	v6 =	vmul.f32 v6, v1  }
0xe7: {  	v56 =	vld [tilespmem:s29+$0x90];
	[tilespmem:s29+$0x0] =	vst v7;
	v5 =	vmul.f32 v5, v1  }
0xe8: {  	v57 =	vld [tilespmem:s29+$0xA0];
	[tilespmem:s29+$0x10] =	vst v6;
	v3 =	vmul.f32 v3, v1  }
0xe9: {  	v58 =	vld [tilespmem:s29+$0xB0];
	[tilespmem:s29+$0x20] =	vst v5;
	v4 =	vmul.f32 v4, v1  }
0xea: {  	v11 =	vld [tilespmem:s29+$0xC0];
	v10 =	vmul.f32 v10, v1;
	[tilespmem:s29+$0x30] =	vst v3  }
0xeb: {  	v60 =	vld [tilespmem:s29+$0xE0];
	v59 =	vmul.f32 v55, v2;
	[tilespmem:s29+$0x40] =	vst v4  }
0xec: {  	v3 =	vld [tilespmem:s29+$0xD0];
	v7 =	vmul.f32 v56, v2;
	[tilespmem:s29+$0x50] =	vst v10  }
0xed: {  	v61 =	vld [tilespmem:s29+$0xF0];
	v1 =	vmul.f32 v54, v1;
	[tilespmem:s30+$0x80] =	vst v59  }
0xee: {  	v62 =	vmul.f32 v58, v2;
	[tilespmem:s30+$0x90] =	vst v7  }
0xef: {  	[tilespmem:s30+$0x60] =	vst v1;
	v1 =	vmul.f32 v57, v2  }
0xf0: {  	s26 =	sadd.s32 $0x1, s26;
	v63 =	vmul.f32 v11, v2;
	[tilespmem:s30+$0xB0] =	vst v62  }
0xf1: {  	p0 =	sne.s32 s26, $0x14;
	[tilespmem:s30+$0xA0] =	vst v1;
	v1 =	vmul.f32 v3, v2  }
.Ltmp3:
0xf2: {  	[tilespmem:s30+$0xC0] =	vst v63;
	v3 =	vmul.f32 v60, v2;
	(pc) =	sbr.rel @p0 .LBB2_4-.Ltmp3, $4  }
0xf3: {  	s0 =	sshll.u32 s28, $0x7;
	v2 =	vmul.f32 v61, v2;
	[tilespmem:s30+$0xD0] =	vst v1  }
0xf4: {  	s0 =	sand.u32 $0x3FFFFF80, s0;
	[tilespmem:s30+$0xE0] =	vst v3  }
0xf5: {  	s25 =	sadd.s32 $0x100, s25;
	s0 =	sadd.s32 $0x1400, s0;
	[tilespmem:s30+$0xF0] =	vst v2  }
0xf6: {  	[spmem:s1] =	stream.indirect.scatter.add.f32 [tilespmem:s20], [sflag:$0x4], $0x80, s0, s19, $0xb8;
	[tilespmem:$0x1FC00] =	vst v63  }
0xf7: {  	_ =	swait.ge [sflag:s23], $0x4000  }
0xf8: {  	[sflag:s23] =	ssyncset.done $0x0  }
0xf9: {  	[sflag:s23] =	ssyncadd.s32 $0xFFFFC000  }
0xfa: {  	s0 =	stileid.u32;
	_ =	swait.ge [sflag:s24], $0x4000  }
0xfb: {  	s2 =	sshrl.u32 s5, $0x3;
	s3 =	sadd.s32 $0x1, s3;
	[sflag:s24] =	ssyncset.done $0x0  }
0xfc: {  	s0 =	sshll.u32 s0, $0x6;
	p0 =	sne.s32 s3, s13;
	[sflag:s24] =	ssyncadd.s32 $0xFFFFC000  }
.Ltmp4:
0xfd: {  	s0 =	sor.u32 $0x1C05, s0;
	[bflag:$0x0] =	sbarrier.arrive $0xFFFF;
	(pc) =	sbr.rel @p0 .LBB2_1-.Ltmp4, $4  }
0xfe: {  	[hbm:s14], [sflag:s0] =	dma.local [spmem:s2], $0x2800  }
0xff: {  	_ =	swait.ge [sflag:s16], $0x2800  }
0x100: {  	[sflag:s16] =	ssyncset.done $0x0  }
0x101: {  	[sflag:s16] =	ssyncadd.s32 $0xFFFFD800  }
0x102: {  	_ =	sfence.sel $0x180000  }
0x103: {  	[bflag:$0x0] =	sbarrier.arrive $0xFFFF  }
0x104: {  	_ =	strace $0x9000004A  }
0x105: {  	s0 =	stileid.u32;
	[bflag:$0x2] =	sbarrier.arrive $0xFFFF  }
0x106: {  	p0 =	sne.s32 s0, $0x0;
	s0 =	rddreg [dreg:$0x2]  }
0x107: {  	s0 =	sadd.s32 @!p0 $0x100000, s0  }
0x108: {  	[sflag:s0] =	ssyncadd.tile.s32 @!p0 $0x1;
	_ =	shalt  }
.Lfunc_end2:
_tile_overlayer_lowered:
.L_overlay_start_2:
0x109: {  	(tag) =	ssettag $0x2  }
0x10a: {  	s0 =	rddreg [dreg:$0x0];
	s2 =	stileid.u32  }
0x10b: {  	s1 =	rddreg [dreg:$0x1];
	p0 =	sne.s32 s2, $0x0  }
0x10c: {  	s3 =	rddreg [dreg:$0x2];
	[bflag:$0x3] =	sbarrier.arrive $0xFFFF;
	s2 =	simm.s32 @!p0 $0x1C05  }
0x10d: {  	[timem:s3], [sflag:s2] =	dma.local @!p0 [hbm:s0], s1  }
0x10e: {  	s0 =	simm.s32 @!p0 $0x5  }
0x10f: {  	_ =	swait.ge @!p0 [sflag:s0], s1  }
0x110: {  	s1 =	ssub.s32 @!p0 $0x0, s1;
	[sflag:s0] =	ssyncset.done @!p0 $0x0  }
0x111: {  	[sflag:s0] =	ssyncadd.s32 @!p0 s1  }
0x112: {  	[bflag:$0x3] =	sbarrier.arrive $0xFFFF  }
0x113: {  	_ =	shalt  }

// kernel: kernel.16.cloned.1.call-start
scs
__scs_entry_jumppad:
0x0: {  	(pc) =	sbr.rel $0x88, $3  }
0x1: {  	(tag) =	ssettag $0x0;
	lr =	simm.s32 $0x1  }
0x2: {  	[smem:$0x3F95] =	sst lr;
	_ =	strace $0xD0000000  }
0x3: {  	_ = 	snop  }
0x4: {  	_ = 	snop  }
0x5: {  	_ = 	snop  }
0x6: {  	_ = 	snop  }
0x7: {  	_ = 	snop  }
__scs_overlays_trampoline_lowered:
0x8: {  	[smem:$0x3FA4] =	sst s0  }
0x9: {  	[smem:$0x3FA5] =	sst s1  }
0xa: {  	[smem:$0x3FA6] =	sst s2  }
0xb: {  	[smem:$0x3FA7] =	sst s3  }
0xc: {  	[smem:$0x3FA8] =	sst s4  }
0xd: {  	[smem:$0x3FA9] =	sst s5  }
0xe: {  	[smem:$0x3FAA] =	sst s6  }
0xf: {  	[smem:$0x3FAB] =	sst s7  }
0x10: {  	[smem:$0x3FAC] =	sst s8  }
0x11: {  	[smem:$0x3FAD] =	sst s9;
	s0 =	simm.s32 @!p0 $0x0  }
0x12: {  	s1 =	sld [smem:$0x3F93];
	s0 =	simm.s32 @p0 $0x1  }
0x13: {  	[smem:$0x3FAE] =	sst s0;
	s0 =	simm.s32 @!p1 $0x0  }
0x14: {  	s2 =	sld [smem:$0x3F92];
	s0 =	simm.s32 @p1 $0x1  }
0x15: {  	[smem:$0x3FAF] =	sst s0;
	s0 =	simm.s32 @!p2 $0x0  }
0x16: {  	s3 =	sld [smem:$0x3FDB];
	s0 =	simm.s32 @p2 $0x1  }
0x17: {  	s4 =	simm.s32 $0x1BF5;
	[smem:$0x3FB1] =	sst s0  }
0x18: {  	s0 =	sld [smem:$0x3F94];
	_ =	swait.ge [sflag:s4], $0x0  }
0x19: {  	s7 =	sld [smem:$0x3F95]  }
0x1a: {  	s8 =	sadd.s32 $0xFFFFE003, lr  }
0x1b: {  	s9 =	sadd.s32 $0xFFFFFEF7, lr;
	s5 =	simm.s32 $0xFFFFFFFF;
	p2 =	slt.u32 s8, $0xFFFFF086  }
0x1c: {  	p1 =	slt.u32 s9, $0xF7A;
	s5 =	simm.s32 @!p2 $0x0  }
0x1d: {  	s5 =	simm.s32 @p1 $0x1;
	p0 =	seq.s32 s7, s2  }
0x1e: {  	s7 =	smul.u32 @!p0 $0xF7A, s2;
	p2 =	seq.s32 @!p0 s5, $0x0  }
0x1f: {  	s9 =	smul.u32 $0xF7A, s1;
	s8 =	simm.s32 @!p0 $0x1BF5;
	p2 =	por !p2, p0  }
0x20: {  	[sflag:s8] =	ssyncset.s32 @!p0 $0xFFFFF086;
	s6 =	sadd.s32 @!p0 s3, s7;
	s7 =	simm.s32 @!p0 $0x108  }
0x21: {  	s3 =	sadd.s32 s3, s9;
	s6 =	sadd.s32 @!p0 $0x88, s6;
	s7 =	simm.s32 @p2 $0x1082  }
0x22: {  	[simem:s7], [sflag:s8] =	dma.local @!p0 [hbm:s6], $0xF7A  }
0x23: {  	s9 =	sor.u32 $0xD0000000, s2;
	s6 =	simm.s32 $0x108;
	_ =	swait.ge @!p0 [sflag:s8], $0x0  }
0x24: {  	s3 =	sadd.s32 $0x88, s3;
	s6 =	simm.s32 @!p1 $0x1082;
	[sflag:s4] =	ssyncset.s32 $0xFFFFF086  }
0x25: {  	[simem:s6], [sflag:s4] =	dma.local [hbm:s3], $0xF7A  }
0x26: {  	[smem:$0x3F95] =	sst s1;
	(tag) =	ssettag s2;
	_ =	strace s9  }
0x27: {  	s1 =	sld [smem:$0x3FA5]  }
0x28: {  	s2 =	sld [smem:$0x3FA6]  }
0x29: {  	s4 =	sld [smem:$0x3FA8]  }
0x2a: {  	p0 =	seq.s32 s5, $0x0;
	s5 =	sld [smem:$0x3FA9]  }
0x2b: {  	s6 =	sld [smem:$0x3FAA]  }
0x2c: {  	s7 =	sld [smem:$0x3FAB]  }
0x2d: {  	s3 =	simm.s32 $0x108;
	s8 =	sld [smem:$0x3FAC]  }
0x2e: {  	s3 =	simm.s32 @!p0 $0x1082;
	s9 =	sld [smem:$0x3FAD]  }
0x2f: {  	lr =	sadd.s32 s0, s3;
	s0 =	sld [smem:$0x3FA4]  }
0x30: {  	s3 =	sld [smem:$0x3FA7]  }
0x31: {  	[smem:$0x3FB0] =	sst s10  }
0x32: {  	s10 =	sld [smem:$0x3FAE];
	_ =	sdelay $0x3  }
0x33: {  	p0 =	seq.s32 s10, $0x1;
	s10 =	sld [smem:$0x3FB0];
	_ =	sdelay $0x3  }
0x34: {  	[smem:$0x3FB0] =	sst s10  }
0x35: {  	s10 =	sld [smem:$0x3FAF];
	_ =	sdelay $0x3  }
0x36: {  	p1 =	seq.s32 s10, $0x1;
	s10 =	sld [smem:$0x3FB0];
	_ =	sdelay $0x3  }
0x37: {  	[smem:$0x3FB0] =	sst s10  }
0x38: {  	s10 =	sld [smem:$0x3FB1]  }
0x39: {  	_ = 	snop;
	(pc) =	sbr.ind lr, $3  }
0x3a: {  	_ = 	snop  }
0x3b: {  	_ = 	snop  }
0x3c: {  	p2 =	seq.s32 s10, $0x1;
	s10 =	sld [smem:$0x3FB0]  }
0x3d: {  	_ =	shalt  }
0x3e: {  	_ =	shalt  }
0x3f: {  	_ =	shalt  }
0x40: {  	_ =	shalt  }
0x41: {  	_ =	shalt  }
0x42: {  	_ =	shalt  }
0x43: {  	_ =	shalt  }
0x44: {  	_ =	shalt  }
0x45: {  	_ =	shalt  }
0x46: {  	_ =	shalt  }
0x47: {  	_ =	shalt  }
0x48: {  	_ =	shalt  }
0x49: {  	_ =	shalt  }
0x4a: {  	_ =	shalt  }
0x4b: {  	_ =	shalt  }
0x4c: {  	_ =	shalt  }
0x4d: {  	_ =	shalt  }
0x4e: {  	_ =	shalt  }
0x4f: {  	_ =	shalt  }
0x50: {  	_ =	shalt  }
0x51: {  	_ =	shalt  }
0x52: {  	_ =	shalt  }
0x53: {  	_ =	shalt  }
0x54: {  	_ =	shalt  }
0x55: {  	_ =	shalt  }
0x56: {  	_ =	shalt  }
0x57: {  	_ =	shalt  }
0x58: {  	_ =	shalt  }
0x59: {  	_ =	shalt  }
0x5a: {  	_ =	shalt  }
0x5b: {  	_ =	shalt  }
0x5c: {  	_ =	shalt  }
0x5d: {  	_ =	shalt  }
0x5e: {  	_ =	shalt  }
0x5f: {  	_ =	shalt  }
0x60: {  	_ =	shalt  }
0x61: {  	_ =	shalt  }
0x62: {  	_ =	shalt  }
0x63: {  	_ =	shalt  }
0x64: {  	_ =	shalt  }
0x65: {  	_ =	shalt  }
0x66: {  	_ =	shalt  }
0x67: {  	_ =	shalt  }
0x68: {  	_ =	shalt  }
0x69: {  	_ =	shalt  }
0x6a: {  	_ =	shalt  }
0x6b: {  	_ =	shalt  }
0x6c: {  	_ =	shalt  }
0x6d: {  	_ =	shalt  }
0x6e: {  	_ =	shalt  }
0x6f: {  	_ =	shalt  }
0x70: {  	_ =	shalt  }
0x71: {  	_ =	shalt  }
0x72: {  	_ =	shalt  }
0x73: {  	_ =	shalt  }
0x74: {  	_ =	shalt  }
0x75: {  	_ =	shalt  }
0x76: {  	_ =	shalt  }
0x77: {  	_ =	shalt  }
0x78: {  	_ =	shalt  }
0x79: {  	_ =	shalt  }
0x7a: {  	_ =	shalt  }
0x7b: {  	_ =	shalt  }
0x7c: {  	_ =	shalt  }
0x7d: {  	_ =	shalt  }
0x7e: {  	_ =	shalt  }
0x7f: {  	_ =	shalt  }
0x80: {  	_ =	shalt  }
0x81: {  	_ =	shalt  }
0x82: {  	_ =	shalt  }
0x83: {  	_ =	shalt  }
0x84: {  	_ =	shalt  }
0x85: {  	_ =	shalt  }
0x86: {  	_ =	shalt  }
0x87: {  	_ =	shalt  }
.Lfunc_end0:
.L_simem_size_0:
called_computation.1_lowered:
.L_overlay_start_0:
0x88: {  	s2 =	sld [smem:$0x3FD9]  }
0x89: {  	s3 =	sld [smem:$0x3FFE];
	_ =	sdelay $0x1  }
0x8a: {  	s1 =	srdreg.scid  }
0x8b: {  	s0 =	sand.u32 $0x1, s1  }
0x8c: {  	s16 =	sshll.u32 s0, $0xA;
	s2 =	sadd.s32 s3, s2  }
0x8d: {  	s2 =	sadd.s32 s2, s16  }
0x8e: {  	[smem:$0x3FBC] =	sst s2  }
0x8f: {  	_ = 	snop  }
0x90: {  	(tm) =	ssettm $0x1  }
0x91: {  	s17 =	sld [smem:$0x3FFB];
	_ =	sdelay $0x3  }
0x92: {  	_ =	strace s17  }
0x93: {  	s2 =	sld [smem:$0x3FFC];
	_ =	sdelay $0x3  }
0x94: {  	_ =	strace s2  }
0x95: {  	s2 =	sld [smem:$0x3FFD];
	_ =	sdelay $0x3  }
0x96: {  	_ =	strace s2  }
0x97: {  	_ =	strace $0x8FFFFFFF  }
0x98: {  	s18 =	sld [smem:$0x3FDB];
	_ =	sdelay $0x1  }
0x99: {  	s19 =	simm.s32 $_scs_section_size  }
0x9a: {  	s4 =	simm.s32 $_size__tile_overlayer_lowered;
	s5 =	simm.s32 $_tile_overlayer_lowered  }
0x9b: {  	s22 =	simm.s32 $0x1BFF;
	s21 =	sshll.u32 s5, $0x1;
	s2 =	sadd.s32 s19, s18  }
0x9c: {  	s6 =	simm.s32 $0x0;
	s20 =	sshll.u32 s4, $0x1;
	s4 =	sadd.s32 s21, s2  }
0x9d: {  	[timem:s6], [sflag:s22] =	dma.local [hbm:s4], s20  }
0x9e: {  	_ =	swait.ge [sflag:s22], s20  }
0x9f: {  	s3 =	ssub.s32 $0x0, s20;
	[sflag:s22] =	ssyncset.done $0x0  }
0xa0: {  	[sflag:s22] =	ssyncadd.s32 s3;
	_ =	sdelay $0x1  }
0xa1: {  	s23 =	simm.s32 $0x1B8B  }
0xa2: {  	_ =	swait.ge [sflag:s23], $0x1  }
0xa3: {  	[sflag:s23] =	ssyncset.done $0x0  }
0xa4: {  	s25 =	simm.s32 $0x1B8E;
	s24 =	sld [smem:$0x3FFE];
	[sflag:s23] =	ssyncadd.s32 $0xFFFFFFFF  }
0xa5: {  	s26 =	simm.s32 $execute0_lowered;
	[smem:$0x3FD2] =	sst s25  }
0xa6: {  	s4 =	sshll.u32 s26, $0x1;
	_ =	strace $0x80000046;
	[dreg:$0x1] =	wrdreg $0xFFFFFFFF  }
0xa7: {  	s28 =	simm.s32 $_size_execute0_lowered;
	s2 =	sadd.s32 s2, s4;
	[dreg:$0x0] =	wrdreg $0x0  }
0xa8: {  	s4 =	sshll.u32 s28, $0x1;
	[dreg:$0x2] =	wrdreg s2  }
0xa9: {  	[dreg:$0x3] =	wrdreg s4  }
0xaa: {  	[dreg:$0x4] =	wrdreg $0xC0  }
0xab: {  	_ =	task [dreg:s6], $0x5FFFF  }
0xac: {  	[dreg:$0x1] =	wrdreg $0xFFFFFFFF  }
0xad: {  	[dreg:$0x0] =	wrdreg $0x60  }
0xae: {  	[dreg:$0x2] =	wrdreg s24  }
0xaf: {  	[dreg:$0x3] =	wrdreg $0x3C000  }
0xb0: {  	[dreg:$0x4] =	wrdreg $0xA  }
0xb1: {  	_ =	task.clear_ibuf [dreg:s6], $0x5FFFF;
	_ =	strace $0x90000046  }
0xb2: {  	s29 =	simm.s32 $0xA;
	_ =	strace $0x80000048  }
0xb3: {  	_ =	swait.ge [sflag:s29], $0x1  }
0xb4: {  	[sflag:s29] =	ssyncadd.s32 $0xFFFFFFFF  }
0xb5: {  	_ =	strace $0x90000048  }
0xb6: {  	_ =	sfence  }
0xb7: {  	s30 =	sld [smem:$0x0];
	_ =	sdelay $0x2  }
0xb8: {  	s31 =	sshll.u32 s1, $0xD;
	s1 =	sshrl.u32 s1, $0x2  }
0xb9: {  	s3 =	sand.u32 $0x4000, s31;
	s1 =	sadd.s32 s1, s30  }
0xba: {  	s0 =	sor.u32 s3, s0;
	s1 =	sshll.u32 s1, $0x11  }
0xbb: {  	s0 =	sor.u32 s1, s0  }
0xbc: {  	s0 =	sadd.s32 $0x8F2B, s0  }
0xbd: {  	[sflag:s0] =	ssyncadd.remote.s32 $0x1  }
0xbe: {  	_ =	sfence.sel $0xFFFF  }
0xbf: {  	[dreg:$0x0] =	wrdreg $0xFFFFFFFF;
	(pc) =	sbr.abs _section_cstart, $3  }
0xc0: {  	[dreg:$0x1] =	wrdreg $0xFFFFFFFF  }
0xc1: {  	_ =	task.clear_ibuf [dreg:s6], $0x2FFFF;
	_ =	strace $0x9FFFFFFF  }
0xc2: {  	(tm) =	ssettm $0x7FFFFFFF  }
0xc3: {  	_ =	shalt  }
tec
execute0_lowered:
.L_overlay_start_1:
0x0: {  	(tag) =	ssettag $0x1  }
0x1: {  	s13 =	rddreg [dreg:$0x0]  }
0x2: {  	s1 =	rddreg [dreg:$0x1];
	s2 =	srdreg.scid  }
0x3: {  	s3 =	simm.s32 $0x0;
	s0 =	stileid.u32;
	s15 =	simm.s32 $0x8AA00  }
0x4: {  	s18 =	simm.s32 $0x2800;
	s19 =	simm.s32 $0x80;
	s20 =	simm.s32 $0x1BC00  }
0x5: {  	s21 =	simm.s32 $0x1;
	s22 =	simm.s32 $0x2;
	s23 =	simm.s32 $0x3  }
0x6: {  	s24 =	simm.s32 $0x4;
	s10 =	sand.u32 $0x1, s2;
	s5 =	smul.u32 $0x50000, s0  }
0x7: {  	[smem:$0x7FF] =	sst s3;
	s16 =	smul.u32 $0x2800, s0;
	s4 =	sshll.u32 s10, $0x4  }
0x8: {  	_ =	strace $0x80000047;
	s7 =	ssub.s32 $0x2, s10;
	p0 =	seq.s32 s10, $0x1  }
0x9: {  	s4 =	sor.u32 s0, s4;
	s8 =	sshrl.u32 s7, $0x1;
	s5 =	sshrl.u32 s5, $0x2  }
0xa: {  	s15 =	simm.s32 @!p0 $0x62A00;
	s6 =	smul.u32 $0x280, s4;
	s4 =	sadd.s32 $0xA600, s13  }
0xb: {  	s14 =	ssub.s32 s7, s8;
	s5 =	sadd.s32 s5, s1;
	s15 =	sadd.s32 s15, s13  }
0xc: {  	s7 =	sadd.s32 $0x8000, s5;
	s8 =	sadd.s32 $0xC000, s5;
	s9 =	sadd.s32 $0x10000, s5  }
0xd: {  	s12 =	sadd.s32 s6, s13;
	s6 =	sadd.s32 $0x4000, s5;
	s13 =	smax.u32 s14, $0x1  }
0xe: {  	s14 =	sadd.s32 s15, s16;
	s15 =	simm.s32 $0x17C00;
	s16 =	simm.s32 $0x5  }
0xf: {  	v0 =	vimm.f32 $0.0e+00;
	s10 =	sadd.s32 $0x58A00, s12;
	s11 =	sadd.s32 $0x5DA00, s12;
	s12 =	sadd.s32 $0x5600, s12  }
.LBB2_1:
0x10: {  	s25 =	simm.s32 $0x0;
	s26 =	simm.s32 $0x200  }
.LBB2_2:
0x11: {  	p0 =	sne.s32 s26, $0xFE00;
	[tilespmem:s25+$0x17C70] =	vst v0  }
0x12: {  	[tilespmem:s25+$0x17C00] =	vst v0  }
0x13: {  	[tilespmem:s25+$0x17C10] =	vst v0  }
.Ltmp0:
0x14: {  	[tilespmem:s25+$0x17C20] =	vst v0;
	(pc) =	sbr.rel @p0 .LBB2_2-.Ltmp0, $4  }
0x15: {  	[tilespmem:s25+$0x17C30] =	vst v0  }
0x16: {  	[tilespmem:s25+$0x17C40] =	vst v0  }
0x17: {  	[tilespmem:s25+$0x17C50] =	vst v0  }
0x18: {  	[tilespmem:s25+$0x17C60] =	vst v0;
	s25 =	sshra.s32 s26, $0x2;
	s26 =	sadd.s32 $0x200, s26  }
0x19: {  	[tilespmem:s25+$0x17C70] =	vst v0  }
0x1a: {  	[tilespmem:s25+$0x17C00] =	vst v0  }
0x1b: {  	[tilespmem:s25+$0x17C10] =	vst v0  }
0x1c: {  	[tilespmem:s25+$0x17C20] =	vst v0  }
0x1d: {  	[tilespmem:s25+$0x17C30] =	vst v0  }
0x1e: {  	[tilespmem:s25+$0x17C40] =	vst v0  }
0x1f: {  	[tilespmem:s25+$0x17C50] =	vst v0  }
0x20: {  	[tilespmem:s25+$0x17C60] =	vst v0  }
0x21: {  	[spmem:s5] =	stream.linear.scatter [tilespmem:s15], [sflag:$0x5], $0x4000, $0x38;
	[tilespmem:$0x1FC00] =	vst v63  }
0x22: {  	_ =	swait.ge [sflag:s16], $0x4000  }
0x23: {  	[sflag:s16] =	ssyncset.done $0x0  }
0x24: {  	[sflag:s16] =	ssyncadd.s32 $0xFFFFC000  }
0x25: {  	[spmem:s6] =	stream.linear.scatter [tilespmem:s15], [sflag:$0x5], $0x4000, $0x38;
	[tilespmem:$0x1FC00] =	vst v63  }
0x26: {  	_ =	swait.ge [sflag:s16], $0x4000  }
0x27: {  	[sflag:s16] =	ssyncset.done $0x0  }
0x28: {  	[sflag:s16] =	ssyncadd.s32 $0xFFFFC000  }
0x29: {  	[spmem:s7] =	stream.linear.scatter [tilespmem:s15], [sflag:$0x5], $0x4000, $0x38;
	[tilespmem:$0x1FC00] =	vst v63  }
0x2a: {  	_ =	swait.ge [sflag:s16], $0x4000  }
0x2b: {  	[sflag:s16] =	ssyncset.done $0x0  }
0x2c: {  	[sflag:s16] =	ssyncadd.s32 $0xFFFFC000  }
0x2d: {  	[spmem:s8] =	stream.linear.scatter [tilespmem:s15], [sflag:$0x5], $0x4000, $0x38;
	[tilespmem:$0x1FC00] =	vst v63  }
0x2e: {  	_ =	swait.ge [sflag:s16], $0x4000  }
0x2f: {  	[sflag:s16] =	ssyncset.done $0x0  }
0x30: {  	[sflag:s16] =	ssyncadd.s32 $0xFFFFC000  }
0x31: {  	[spmem:s9] =	stream.linear.scatter [tilespmem:s15], [sflag:$0x5], $0x4000, $0x38;
	[tilespmem:$0x1FC00] =	vst v63  }
0x32: {  	_ =	swait.ge [sflag:s16], $0x4000  }
0x33: {  	[sflag:s16] =	ssyncset.done $0x0  }
0x34: {  	s25 =	simm.s32 $0x0;
	[sflag:s16] =	ssyncadd.s32 $0xFFFFC000  }
0x35: {  	[tilespmem:s25], [sflag:$0x5] =	stream.linear.gather [hbm4b:s10+s25], $0x1400, $0x38;
	[tilespmem:$0x1FC00] =	vst v63  }
0x36: {  	_ =	swait.ge [sflag:s16], $0x1400  }
0x37: {  	[sflag:s16] =	ssyncset.done $0x0  }
0x38: {  	s0 =	simm.s32 $0x1400;
	[sflag:s16] =	ssyncadd.s32 $0xFFFFEC00  }
0x39: {  	[tilespmem:s0], [sflag:$0x5] =	stream.linear.gather [hbm4b:s11+s25], $0x1400, $0x38;
	[tilespmem:$0x1FC00] =	vst v63  }
0x3a: {  	_ =	swait.ge [sflag:s16], $0x1400  }
0x3b: {  	[sflag:s16] =	ssyncset.done $0x0  }
0x3c: {  	[sflag:s16] =	ssyncadd.s32 $0xFFFFEC00  }
0x3d: {  	[tilespmem:s18], [sflag:$0x5] =	stream.linear.gather [hbm4b:s12+s25], $0x1400, $0x38;
	[tilespmem:$0x1FC00] =	vst v63  }
0x3e: {  	_ =	swait.ge [sflag:s16], $0x1400  }
0x3f: {  	[sflag:s16] =	ssyncset.done $0x0  }
0x40: {  	[sflag:s16] =	ssyncadd.s32 $0xFFFFEC00  }
0x41: {  	[bflag:$0x0] =	sbarrier.arrive $0xFFFF  }
0x42: {  	[tilespmem:s15], [sflag:$0x1] =	stream.indirect.gather [hbm4b:s4+s19], $0x80, s25, s19, $0xb8;
	[tilespmem:$0x1FC00] =	vst v63  }
0x43: {  	s26 =	simm.s32 $0x0  }
0x44: {  	[tilespmem:s20], [sflag:$0x2] =	stream.indirect.gather [hbm4b:s4+s19], $0x80, s19, s19, $0xb8;
	[tilespmem:$0x1FC00] =	vst v63  }
.LBB2_4:
0x45: {  	_ =	swait.ge [sflag:s21], $0x4000  }
0x46: {  	s30 =	sadd.s32 $0xFFFFFFFC, s25;
	p0 =	seq.s32 s26, $0x0;
	[sflag:s21] =	ssyncset.done $0x0  }
0x47: {  	s28 =	sadd.s32 $0x6, s30;
	s29 =	simm.s32 @!p0 $0x4;
	[sflag:s21] =	ssyncadd.s32 $0xFFFFC000  }
0x48: {  	v1 =	vmov s28;
	s28 =	sadd.s32 $0x4, s30;
	_ =	swait.ge @!p0 [sflag:s29], $0x4000  }
0x49: {  	v2 =	vmov s28;
	s28 =	sshllo.u32 s26, $0x1;
	[sflag:s29] =	ssyncset.done @!p0 $0x0  }
0x4a: {  	[sflag:s29] =	ssyncadd.s32 @!p0 $0xFFFFC000;
	s29 =	sshll.u32 @!p0 s28, $0x7  }
0x4b: {  	s31 =	simm.s32 @!p0 $0x80;
	s0 =	simm.s32 @!p0 $0x1BC00;
	v1 =	vand.u32 $0xFFFFFFFE, v1;
	s29 =	sand.u32 @!p0 $0x3FFFFF80, s29  }
0x4c: {  	v1 =	vbroadcast v1, $0x0;
	v2 =	vand.u32 $0xFFFFFFFC, v2;
	[tilespmem:s0], [sflag:$0x2] =	stream.indirect.gather @!p0 [hbm4b:s4+s31], $0x80, s29, s31, $0xb8;
	[tilespmem:$0x1FC00] =	vst v63  }
0x4d: {  	v2 =	vbroadcast v2, $0x0;
	s29 =	simm.s32 $0x17D00  }
0x4e: {  	v3 =	vld [tilespmem:s29+$0x70]  }
0x4f: {  	v5 =	vld [tilespmem:s29+$0xFFFFFF00]  }
0x50: {  	s2 =	sadd.s32 $0x5, s30;
	v6 =	vld [tilespmem:s29+$0xFFFFFF10]  }
0x51: {  	v4 =	vmov s2;
	v7 =	vld [tilespmem:s29+$0xFFFFFF20]  }
0x52: {  	v4 =	vand.u32 $0xFFFFFFFD, v4;
	v1 =	vld.idx.msk [tilespmem:v1+s18+$0x0], $0xffff  }
0x53: {  	v4 =	vbroadcast v4, $0x0;
	v2 =	vld.idx.msk [tilespmem:v2+s18+$0x0], $0xffff  }
0x54: {  	v8 =	vld [tilespmem:s29+$0xFFFFFF30]  }
0x55: {  	v9 =	vld [tilespmem:s29+$0xFFFFFF40]  }
0x56: {  	v10 =	vld [tilespmem:s29+$0xFFFFFF50]  }
0x57: {  	v11 =	vld [tilespmem:s29+$0xFFFFFF60];
	v3 =	vmul.f32 v3, v1  }
0x58: {  	v13 =	vld [tilespmem:s29+$0xFFFFFFD0];
	v5 =	vmul.f32 v5, v2  }
0x59: {  	v4 =	vld.idx.msk [tilespmem:v4+s18+$0x0], $0xffff;
	[tilespmem:s29+$0x70] =	vst v3;
	v3 =	vmul.f32 v7, v2  }
0x5a: {  	[tilespmem:s29+$0xFFFFFF00] =	vst v5;
	v5 =	vmul.f32 v6, v2;
	v6 =	vld [tilespmem:s29+$0xFFFFFF70]  }
0x5b: {  	s17 =	sadd.s32 $0x7, s30;
	v7 =	vld [tilespmem:s29+$0xFFFFFF80];
	[tilespmem:s29+$0xFFFFFF20] =	vst v3;
	v3 =	vmul.f32 v9, v2  }
0x5c: {  	v12 =	vmov s17;
	[tilespmem:s29+$0xFFFFFF10] =	vst v5;
	v5 =	vmul.f32 v8, v2;
	v8 =	vld [tilespmem:s29+$0xFFFFFF90]  }
0x5d: {  	v9 =	vld [tilespmem:s29+$0xFFFFFFA0];
	[tilespmem:s29+$0xFFFFFF40] =	vst v3;
	v3 =	vmul.f32 v11, v2  }
0x5e: {  	v11 =	vld [tilespmem:s29+$0xFFFFFFC0];
	[tilespmem:s29+$0xFFFFFF30] =	vst v5;
	v5 =	vmul.f32 v10, v2  }
0x5f: {  	v10 =	vld [tilespmem:s29+$0xFFFFFFB0];
	v6 =	vmul.f32 v6, v2;
	[tilespmem:s29+$0xFFFFFF60] =	vst v3  }
0x60: {  	v14 =	vld [tilespmem:s29+$0xFFFFFFE0];
	[tilespmem:s29+$0xFFFFFF50] =	vst v5;
	v5 =	vmul.f32 v7, v4  }
0x61: {  	v2 =	vld.idx.msk [tilespmem:v12+s18+$0x0], $0xffff;
	v3 =	vmul.f32 v8, v4;
	[tilespmem:s29+$0xFFFFFF70] =	vst v6  }
0x62: {  	v8 =	vld [tilespmem:s29+$0xFFFFFFF0];
	[tilespmem:s29+$0xFFFFFF80] =	vst v5;
	v5 =	vmul.f32 v9, v4  }
0x63: {  	v7 =	vld [tilespmem:s29+$0x0];
	v9 =	vmul.f32 v11, v4;
	[tilespmem:s29+$0xFFFFFF90] =	vst v3  }
0x64: {  	v6 =	vld [tilespmem:s29+$0x10];
	v3 =	vmul.f32 v10, v4;
	[tilespmem:s29+$0xFFFFFFA0] =	vst v5  }
0x65: {  	v10 =	vmul.f32 v13, v4;
	v5 =	vld [tilespmem:s29+$0x20];
	[tilespmem:s29+$0xFFFFFFC0] =	vst v9  }
0x66: {  	v9 =	vmul.f32 v14, v4;
	[tilespmem:s29+$0xFFFFFFB0] =	vst v3;
	v3 =	vld [tilespmem:s29+$0x30]  }
0x67: {  	s30 =	simm.s32 $0x17D00;
	s31 =	simm.s32 $0x0;
	[tilespmem:s29+$0xFFFFFFD0] =	vst v10;
	v8 =	vmul.f32 v8, v4;
	v4 =	vld [tilespmem:s29+$0x40]  }
.LBB2_5:
0x68: {  	s0 =	sadd.s32 s31, s25;
	s31 =	sadd.s32 $0x4, s31;
	[tilespmem:s29+$0xFFFFFFE0] =	vst v9;
	v7 =	vmul.f32 v7, v1;
	v9 =	vld [tilespmem:s29+$0x50]  }
0x69: {  	s17 =	sadd.s32 $0x4, s0;
	s2 =	sadd.s32 $0x6, s0;
	p0 =	slt.u32 s31, $0x7C;
	[tilespmem:s29+$0xFFFFFFF0] =	vst v8;
	v6 =	vmul.f32 v6, v1;
	v8 =	vld [tilespmem:s29+$0x60]  }
0x6a: {  	v10 =	vmov s17;
	s17 =	sadd.s32 $0x5, s0;
	v11 =	vmov s2;
	s0 =	sadd.s32 $0x7, s0;
	[tilespmem:s29+$0x0] =	vst v7;
	v5 =	vmul.f32 v5, v1;
	v7 =	vld [tilespmem:s29+$0x80]  }
0x6b: {  	v10 =	vand.u32 $0xFFFFFFFC, v10;
	v12 =	vmov s17;
	v11 =	vand.u32 $0xFFFFFFFE, v11;
	[tilespmem:s29+$0x10] =	vst v6;
	v6 =	vld [tilespmem:s29+$0x90]  }
0x6c: {  	v10 =	vbroadcast v10, $0x0;
	v12 =	vand.u32 $0xFFFFFFFD, v12;
	v11 =	vbroadcast v11, $0x0;
	[tilespmem:s29+$0x20] =	vst v5;
	v5 =	vld [tilespmem:s29+$0xA0]  }
0x6d: {  	v13 =	vmov s0;
	v3 =	vmul.f32 v3, v1;
	v12 =	vbroadcast v12, $0x0;
	v14 =	vld [tilespmem:s29+$0xB0]  }
0x6e: {  	v4 =	vmul.f32 v4, v1;
	v9 =	vmul.f32 v9, v1;
	v15 =	vld [tilespmem:s29+$0xC0]  }
0x6f: {  	[tilespmem:s29+$0x30] =	vst v3;
	v3 =	vmul.f32 v8, v1;
	v7 =	vmul.f32 v7, v2;
	v8 =	vld [tilespmem:s29+$0xD0]  }
0x70: {  	[tilespmem:s29+$0x40] =	vst v4;
	v4 =	vmul.f32 v6, v2;
	v6 =	vld [tilespmem:s29+$0xE0]  }
0x71: {  	[tilespmem:s29+$0x50] =	vst v9;
	v5 =	vmul.f32 v5, v2;
	v9 =	vld [tilespmem:s29+$0xF0]  }
0x72: {  	s29 =	sadd.s32 $0x200, s29;
	v1 =	vld.idx.msk [tilespmem:v11+s18+$0x0], $0xffff;
	[tilespmem:s30+$0x60] =	vst v3;
	v3 =	vmul.f32 v14, v2  }
0x73: {  	v11 =	vld [tilespmem:s29+$0x70];
	[tilespmem:s30+$0x80] =	vst v7;
	v7 =	vmul.f32 v15, v2  }
0x74: {  	v10 =	vld.idx.msk [tilespmem:v10+s18+$0x0], $0xffff;
	[tilespmem:s30+$0x90] =	vst v4;
	v4 =	vmul.f32 v8, v2  }
0x75: {  	v8 =	vld.idx.msk [tilespmem:v12+s18+$0x0], $0xffff;
	[tilespmem:s30+$0xA0] =	vst v5;
	v5 =	vmul.f32 v6, v2  }
0x76: {  	[tilespmem:s30+$0xB0] =	vst v3;
	v3 =	vmul.f32 v9, v2;
	v2 =	vld.idx.msk [tilespmem:v13+s18+$0x0], $0xffff  }
0x77: {  	v6 =	vld [tilespmem:s29+$0xFFFFFF00];
	[tilespmem:s30+$0xC0] =	vst v7  }
0x78: {  	v7 =	vld [tilespmem:s29+$0xFFFFFF10];
	v9 =	vmul.f32 v11, v1;
	[tilespmem:s30+$0xD0] =	vst v4  }
0x79: {  	v4 =	vld [tilespmem:s29+$0xFFFFFF20];
	[tilespmem:s30+$0xE0] =	vst v5  }
0x7a: {  	v5 =	vld [tilespmem:s29+$0xFFFFFF30];
	[tilespmem:s29+$0x70] =	vst v9  }
0x7b: {  	v9 =	vld [tilespmem:s29+$0xFFFFFF40];
	[tilespmem:s30+$0xF0] =	vst v3;
	s30 =	smov.u32 s29  }
0x7c: {  	v3 =	vmul.f32 v6, v10;
	v6 =	vld [tilespmem:s29+$0xFFFFFF50]  }
0x7d: {  	v7 =	vmul.f32 v7, v10;
	v11 =	vld [tilespmem:s29+$0xFFFFFF60]  }
0x7e: {  	[tilespmem:s29+$0xFFFFFF00] =	vst v3;
	v3 =	vmul.f32 v4, v10;
	v4 =	vld [tilespmem:s29+$0xFFFFFF70]  }
0x7f: {  	[tilespmem:s29+$0xFFFFFF10] =	vst v7;
	v5 =	vmul.f32 v5, v10;
	v7 =	vld [tilespmem:s29+$0xFFFFFF80]  }
0x80: {  	[tilespmem:s29+$0xFFFFFF20] =	vst v3;
	v3 =	vmul.f32 v9, v10;
	v9 =	vld [tilespmem:s29+$0xFFFFFF90]  }
0x81: {  	[tilespmem:s29+$0xFFFFFF30] =	vst v5;
	v5 =	vmul.f32 v6, v10;
	v6 =	vld [tilespmem:s29+$0xFFFFFFA0]  }
0x82: {  	[tilespmem:s29+$0xFFFFFF40] =	vst v3;
	v3 =	vmul.f32 v11, v10;
	v11 =	vld [tilespmem:s29+$0xFFFFFFB0]  }
0x83: {  	[tilespmem:s29+$0xFFFFFF50] =	vst v5;
	v4 =	vmul.f32 v4, v10;
	v5 =	vld [tilespmem:s29+$0xFFFFFFC0]  }
0x84: {  	[tilespmem:s29+$0xFFFFFF60] =	vst v3;
	v3 =	vmul.f32 v7, v8;
	v10 =	vld [tilespmem:s29+$0xFFFFFFD0]  }
0x85: {  	[tilespmem:s29+$0xFFFFFF70] =	vst v4;
	v4 =	vmul.f32 v9, v8;
	v9 =	vld [tilespmem:s29+$0xFFFFFFE0]  }
0x86: {  	[tilespmem:s29+$0xFFFFFF80] =	vst v3;
	v3 =	vmul.f32 v6, v8;
	v12 =	vld [tilespmem:s29+$0xFFFFFFF0]  }
.Ltmp1:
0x87: {  	[tilespmem:s29+$0xFFFFFF90] =	vst v4;
	v4 =	vmul.f32 v11, v8;
	v7 =	vld [tilespmem:s29+$0x0];
	(pc) =	sbr.rel @p0 .LBB2_5-.Ltmp1, $4  }
0x88: {  	[tilespmem:s29+$0xFFFFFFA0] =	vst v3;
	v3 =	vmul.f32 v5, v8;
	v6 =	vld [tilespmem:s29+$0x10]  }
0x89: {  	[tilespmem:s29+$0xFFFFFFB0] =	vst v4;
	v4 =	vmul.f32 v10, v8;
	v5 =	vld [tilespmem:s29+$0x20]  }
0x8a: {  	[tilespmem:s29+$0xFFFFFFC0] =	vst v3;
	v9 =	vmul.f32 v9, v8;
	v3 =	vld [tilespmem:s29+$0x30]  }
0x8b: {  	[tilespmem:s29+$0xFFFFFFD0] =	vst v4;
	v8 =	vmul.f32 v12, v8;
	v4 =	vld [tilespmem:s29+$0x40]  }
0x8c: {  	v10 =	vld [tilespmem:s29+$0x50];
	[tilespmem:s29+$0xFFFFFFE0] =	vst v9;
	v7 =	vmul.f32 v7, v1  }
0x8d: {  	v9 =	vld [tilespmem:s29+$0x60];
	[tilespmem:s29+$0xFFFFFFF0] =	vst v8;
	v6 =	vmul.f32 v6, v1  }
0x8e: {  	v8 =	vld [tilespmem:s29+$0x80];
	[tilespmem:s29+$0x0] =	vst v7;
	v5 =	vmul.f32 v5, v1  }
0x8f: {  	v7 =	vld [tilespmem:s29+$0x90];
	[tilespmem:s29+$0x10] =	vst v6;
	v3 =	vmul.f32 v3, v1  }
0x90: {  	v6 =	vld [tilespmem:s29+$0xA0];
	[tilespmem:s29+$0x20] =	vst v5;
	v4 =	vmul.f32 v4, v1  }
0x91: {  	v5 =	vld [tilespmem:s29+$0xB0];
	v10 =	vmul.f32 v10, v1;
	[tilespmem:s29+$0x30] =	vst v3  }
0x92: {  	v11 =	vld [tilespmem:s29+$0xC0];
	v1 =	vmul.f32 v9, v1;
	[tilespmem:s29+$0x40] =	vst v4  }
0x93: {  	v3 =	vld [tilespmem:s29+$0xD0];
	v4 =	vmul.f32 v8, v2;
	[tilespmem:s29+$0x50] =	vst v10  }
0x94: {  	v8 =	vld [tilespmem:s29+$0xE0];
	v7 =	vmul.f32 v7, v2;
	[tilespmem:s30+$0x60] =	vst v1  }
0x95: {  	v9 =	vld [tilespmem:s29+$0xF0];
	v1 =	vmul.f32 v6, v2;
	[tilespmem:s30+$0x80] =	vst v4  }
0x96: {  	v4 =	vmul.f32 v5, v2;
	[tilespmem:s30+$0x90] =	vst v7  }
0x97: {  	v5 =	vmul.f32 v11, v2;
	[tilespmem:s30+$0xA0] =	vst v1  }
0x98: {  	v1 =	vmul.f32 v3, v2;
	[tilespmem:s30+$0xB0] =	vst v4  }
0x99: {  	v3 =	vmul.f32 v8, v2;
	[tilespmem:s30+$0xC0] =	vst v5  }
0x9a: {  	s0 =	sshll.u32 s26, $0xA;
	v2 =	vmul.f32 v9, v2;
	[tilespmem:s30+$0xD0] =	vst v1  }
0x9b: {  	s2 =	sshrl.u32 s0, $0x2;
	[tilespmem:s30+$0xE0] =	vst v3  }
0x9c: {  	s2 =	sadd.s32 $0x1400, s2;
	[tilespmem:s30+$0xF0] =	vst v2  }
0x9d: {  	[spmem:s1] =	stream.indirect.scatter.add.f32 [tilespmem:s15], [sflag:$0x3], $0x80, s2, s19, $0xb8;
	[tilespmem:$0x1FC00] =	vst v63  }
0x9e: {  	_ =	swait.ge [sflag:s22], $0x4000  }
0x9f: {  	p0 =	seq.s32 s26, $0x13;
	[sflag:s22] =	ssyncset.done $0x0  }
0xa0: {  	s29 =	simm.s32 @!p0 $0x3;
	s2 =	sadd.s32 $0xFFFFFFFC, s25;
	[sflag:s22] =	ssyncadd.s32 $0xFFFFC000  }
0xa1: {  	s0 =	sshrl.u32 @!p0 s0, $0x2;
	s17 =	sadd.s32 $0x86, s2;
	_ =	swait.ge @!p0 [sflag:s29], $0x4000  }
0xa2: {  	s0 =	sadd.s32 @!p0 $0x100, s0;
	v1 =	vmov s17;
	s17 =	sadd.s32 $0x84, s2;
	[sflag:s29] =	ssyncset.done @!p0 $0x0  }
0xa3: {  	v1 =	vand.u32 $0xFFFFFFFE, v1;
	v2 =	vmov s17;
	s17 =	simm.s32 @!p0 $0x80;
	[sflag:s29] =	ssyncadd.s32 @!p0 $0xFFFFC000;
	s29 =	simm.s32 @!p0 $0x17C00  }
0xa4: {  	v1 =	vbroadcast v1, $0x0;
	v2 =	vand.u32 $0xFFFFFFFC, v2;
	[tilespmem:s29], [sflag:$0x1] =	stream.indirect.gather @!p0 [hbm4b:s4+s17], $0x80, s0, s17, $0xb8;
	[tilespmem:$0x1FC00] =	vst v63  }
0xa5: {  	v2 =	vbroadcast v2, $0x0;
	s29 =	simm.s32 $0x1BD00  }
0xa6: {  	v3 =	vld [tilespmem:s29+$0x70]  }
0xa7: {  	v5 =	vld [tilespmem:s29+$0xFFFFFF00]  }
0xa8: {  	s17 =	sadd.s32 $0x85, s2;
	v6 =	vld [tilespmem:s29+$0xFFFFFF10]  }
0xa9: {  	v4 =	vmov s17;
	v7 =	vld [tilespmem:s29+$0xFFFFFF20]  }
0xaa: {  	v4 =	vand.u32 $0xFFFFFFFD, v4;
	v1 =	vld.idx.msk [tilespmem:v1+s18+$0x0], $0xffff  }
0xab: {  	v4 =	vbroadcast v4, $0x0;
	v2 =	vld.idx.msk [tilespmem:v2+s18+$0x0], $0xffff  }
0xac: {  	v8 =	vld [tilespmem:s29+$0xFFFFFF30]  }
0xad: {  	v9 =	vld [tilespmem:s29+$0xFFFFFF40]  }
0xae: {  	v10 =	vld [tilespmem:s29+$0xFFFFFF50]  }
0xaf: {  	v11 =	vld [tilespmem:s29+$0xFFFFFF60];
	v3 =	vmul.f32 v3, v1  }
0xb0: {  	v13 =	vld [tilespmem:s29+$0xFFFFFFD0];
	v5 =	vmul.f32 v5, v2  }
0xb1: {  	v4 =	vld.idx.msk [tilespmem:v4+s18+$0x0], $0xffff;
	[tilespmem:s29+$0x70] =	vst v3;
	v3 =	vmul.f32 v7, v2  }
0xb2: {  	[tilespmem:s29+$0xFFFFFF00] =	vst v5;
	v5 =	vmul.f32 v6, v2;
	v6 =	vld [tilespmem:s29+$0xFFFFFF70]  }
0xb3: {  	s17 =	sadd.s32 $0x87, s2;
	v7 =	vld [tilespmem:s29+$0xFFFFFF80];
	[tilespmem:s29+$0xFFFFFF20] =	vst v3;
	v3 =	vmul.f32 v9, v2  }
0xb4: {  	v12 =	vmov s17;
	[tilespmem:s29+$0xFFFFFF10] =	vst v5;
	v5 =	vmul.f32 v8, v2;
	v8 =	vld [tilespmem:s29+$0xFFFFFF90]  }
0xb5: {  	v9 =	vld [tilespmem:s29+$0xFFFFFFA0];
	[tilespmem:s29+$0xFFFFFF40] =	vst v3;
	v3 =	vmul.f32 v11, v2  }
0xb6: {  	v11 =	vld [tilespmem:s29+$0xFFFFFFC0];
	[tilespmem:s29+$0xFFFFFF30] =	vst v5;
	v5 =	vmul.f32 v10, v2  }
0xb7: {  	v10 =	vld [tilespmem:s29+$0xFFFFFFB0];
	v6 =	vmul.f32 v6, v2;
	[tilespmem:s29+$0xFFFFFF60] =	vst v3  }
0xb8: {  	v14 =	vld [tilespmem:s29+$0xFFFFFFE0];
	[tilespmem:s29+$0xFFFFFF50] =	vst v5;
	v5 =	vmul.f32 v7, v4  }
0xb9: {  	v2 =	vld.idx.msk [tilespmem:v12+s18+$0x0], $0xffff;
	v3 =	vmul.f32 v8, v4;
	[tilespmem:s29+$0xFFFFFF70] =	vst v6  }
0xba: {  	v8 =	vld [tilespmem:s29+$0xFFFFFFF0];
	[tilespmem:s29+$0xFFFFFF80] =	vst v5;
	v5 =	vmul.f32 v9, v4  }
0xbb: {  	v7 =	vld [tilespmem:s29+$0x0];
	v9 =	vmul.f32 v11, v4;
	[tilespmem:s29+$0xFFFFFF90] =	vst v3  }
0xbc: {  	v6 =	vld [tilespmem:s29+$0x10];
	v3 =	vmul.f32 v10, v4;
	[tilespmem:s29+$0xFFFFFFA0] =	vst v5  }
0xbd: {  	v10 =	vmul.f32 v13, v4;
	v5 =	vld [tilespmem:s29+$0x20];
	[tilespmem:s29+$0xFFFFFFC0] =	vst v9  }
0xbe: {  	v9 =	vmul.f32 v14, v4;
	[tilespmem:s29+$0xFFFFFFB0] =	vst v3;
	v3 =	vld [tilespmem:s29+$0x30]  }
0xbf: {  	s31 =	simm.s32 $0x0;
	s30 =	simm.s32 $0x1BD00;
	[tilespmem:s29+$0xFFFFFFD0] =	vst v10;
	v8 =	vmul.f32 v8, v4;
	v4 =	vld [tilespmem:s29+$0x40]  }
.LBB2_7:
0xc0: {  	s0 =	sadd.s32 s31, s25;
	s31 =	sadd.s32 $0x4, s31;
	[tilespmem:s29+$0xFFFFFFE0] =	vst v9;
	v7 =	vmul.f32 v7, v1;
	v9 =	vld [tilespmem:s29+$0x50]  }
0xc1: {  	s2 =	sadd.s32 $0x84, s0;
	s17 =	sadd.s32 $0x86, s0;
	p0 =	slt.u32 s31, $0x7C;
	[tilespmem:s29+$0xFFFFFFF0] =	vst v8;
	v6 =	vmul.f32 v6, v1;
	v8 =	vld [tilespmem:s29+$0x60]  }
0xc2: {  	v10 =	vmov s2;
	s2 =	sadd.s32 $0x85, s0;
	v11 =	vmov s17;
	s0 =	sadd.s32 $0x87, s0;
	[tilespmem:s29+$0x0] =	vst v7;
	v5 =	vmul.f32 v5, v1;
	v7 =	vld [tilespmem:s29+$0x80]  }
0xc3: {  	v10 =	vand.u32 $0xFFFFFFFC, v10;
	v12 =	vmov s2;
	v11 =	vand.u32 $0xFFFFFFFE, v11;
	[tilespmem:s29+$0x10] =	vst v6;
	v6 =	vld [tilespmem:s29+$0x90]  }
0xc4: {  	v10 =	vbroadcast v10, $0x0;
	v12 =	vand.u32 $0xFFFFFFFD, v12;
	v11 =	vbroadcast v11, $0x0;
	[tilespmem:s29+$0x20] =	vst v5;
	v5 =	vld [tilespmem:s29+$0xA0]  }
0xc5: {  	v13 =	vmov s0;
	v3 =	vmul.f32 v3, v1;
	v12 =	vbroadcast v12, $0x0;
	v14 =	vld [tilespmem:s29+$0xB0]  }
0xc6: {  	v4 =	vmul.f32 v4, v1;
	v9 =	vmul.f32 v9, v1;
	v15 =	vld [tilespmem:s29+$0xC0]  }
0xc7: {  	[tilespmem:s29+$0x30] =	vst v3;
	v3 =	vmul.f32 v8, v1;
	v7 =	vmul.f32 v7, v2;
	v8 =	vld [tilespmem:s29+$0xD0]  }
0xc8: {  	[tilespmem:s29+$0x40] =	vst v4;
	v4 =	vmul.f32 v6, v2;
	v6 =	vld [tilespmem:s29+$0xE0]  }
0xc9: {  	[tilespmem:s29+$0x50] =	vst v9;
	v5 =	vmul.f32 v5, v2;
	v9 =	vld [tilespmem:s29+$0xF0]  }
0xca: {  	s29 =	sadd.s32 $0x200, s29;
	v1 =	vld.idx.msk [tilespmem:v11+s18+$0x0], $0xffff;
	[tilespmem:s30+$0x60] =	vst v3;
	v3 =	vmul.f32 v14, v2  }
0xcb: {  	v11 =	vld [tilespmem:s29+$0x70];
	[tilespmem:s30+$0x80] =	vst v7;
	v7 =	vmul.f32 v15, v2  }
0xcc: {  	v10 =	vld.idx.msk [tilespmem:v10+s18+$0x0], $0xffff;
	[tilespmem:s30+$0x90] =	vst v4;
	v4 =	vmul.f32 v8, v2  }
0xcd: {  	v8 =	vld.idx.msk [tilespmem:v12+s18+$0x0], $0xffff;
	[tilespmem:s30+$0xA0] =	vst v5;
	v5 =	vmul.f32 v6, v2  }
0xce: {  	[tilespmem:s30+$0xB0] =	vst v3;
	v3 =	vmul.f32 v9, v2;
	v2 =	vld.idx.msk [tilespmem:v13+s18+$0x0], $0xffff  }
0xcf: {  	v6 =	vld [tilespmem:s29+$0xFFFFFF00];
	[tilespmem:s30+$0xC0] =	vst v7  }
0xd0: {  	v7 =	vld [tilespmem:s29+$0xFFFFFF10];
	v9 =	vmul.f32 v11, v1;
	[tilespmem:s30+$0xD0] =	vst v4  }
0xd1: {  	v4 =	vld [tilespmem:s29+$0xFFFFFF20];
	[tilespmem:s30+$0xE0] =	vst v5  }
0xd2: {  	v5 =	vld [tilespmem:s29+$0xFFFFFF30];
	[tilespmem:s29+$0x70] =	vst v9  }
0xd3: {  	v9 =	vld [tilespmem:s29+$0xFFFFFF40];
	[tilespmem:s30+$0xF0] =	vst v3;
	s30 =	smov.u32 s29  }
0xd4: {  	v3 =	vmul.f32 v6, v10;
	v6 =	vld [tilespmem:s29+$0xFFFFFF50]  }
0xd5: {  	v7 =	vmul.f32 v7, v10;
	v11 =	vld [tilespmem:s29+$0xFFFFFF60]  }
0xd6: {  	[tilespmem:s29+$0xFFFFFF00] =	vst v3;
	v3 =	vmul.f32 v4, v10;
	v4 =	vld [tilespmem:s29+$0xFFFFFF70]  }
0xd7: {  	[tilespmem:s29+$0xFFFFFF10] =	vst v7;
	v5 =	vmul.f32 v5, v10;
	v7 =	vld [tilespmem:s29+$0xFFFFFF80]  }
0xd8: {  	[tilespmem:s29+$0xFFFFFF20] =	vst v3;
	v3 =	vmul.f32 v9, v10;
	v9 =	vld [tilespmem:s29+$0xFFFFFF90]  }
0xd9: {  	[tilespmem:s29+$0xFFFFFF30] =	vst v5;
	v5 =	vmul.f32 v6, v10;
	v6 =	vld [tilespmem:s29+$0xFFFFFFA0]  }
0xda: {  	[tilespmem:s29+$0xFFFFFF40] =	vst v3;
	v3 =	vmul.f32 v11, v10;
	v11 =	vld [tilespmem:s29+$0xFFFFFFB0]  }
0xdb: {  	[tilespmem:s29+$0xFFFFFF50] =	vst v5;
	v4 =	vmul.f32 v4, v10;
	v5 =	vld [tilespmem:s29+$0xFFFFFFC0]  }
0xdc: {  	[tilespmem:s29+$0xFFFFFF60] =	vst v3;
	v3 =	vmul.f32 v7, v8;
	v10 =	vld [tilespmem:s29+$0xFFFFFFD0]  }
0xdd: {  	[tilespmem:s29+$0xFFFFFF70] =	vst v4;
	v4 =	vmul.f32 v9, v8;
	v9 =	vld [tilespmem:s29+$0xFFFFFFE0]  }
0xde: {  	[tilespmem:s29+$0xFFFFFF80] =	vst v3;
	v3 =	vmul.f32 v6, v8;
	v12 =	vld [tilespmem:s29+$0xFFFFFFF0]  }
.Ltmp2:
0xdf: {  	[tilespmem:s29+$0xFFFFFF90] =	vst v4;
	v4 =	vmul.f32 v11, v8;
	v7 =	vld [tilespmem:s29+$0x0];
	(pc) =	sbr.rel @p0 .LBB2_7-.Ltmp2, $4  }
0xe0: {  	[tilespmem:s29+$0xFFFFFFA0] =	vst v3;
	v3 =	vmul.f32 v5, v8;
	v6 =	vld [tilespmem:s29+$0x10]  }
0xe1: {  	[tilespmem:s29+$0xFFFFFFB0] =	vst v4;
	v4 =	vmul.f32 v10, v8;
	v5 =	vld [tilespmem:s29+$0x20]  }
0xe2: {  	[tilespmem:s29+$0xFFFFFFC0] =	vst v3;
	v9 =	vmul.f32 v9, v8;
	v3 =	vld [tilespmem:s29+$0x30]  }
0xe3: {  	[tilespmem:s29+$0xFFFFFFD0] =	vst v4;
	v8 =	vmul.f32 v12, v8;
	v4 =	vld [tilespmem:s29+$0x40]  }
0xe4: {  	v10 =	vld [tilespmem:s29+$0x50]  }
0xe5: {  	[tilespmem:s29+$0xFFFFFFE0] =	vst v9;
	v7 =	vmul.f32 v7, v1;
	v54 =	vld [tilespmem:s29+$0x60]  }
0xe6: {  	v55 =	vld [tilespmem:s29+$0x80];
	[tilespmem:s29+$0xFFFFFFF0] =	vst v8;
	v6 =	vmul.f32 v6, v1  }
0xe7: {  	v56 =	vld [tilespmem:s29+$0x90];
	[tilespmem:s29+$0x0] =	vst v7;
	v5 =	vmul.f32 v5, v1  }
0xe8: {  	v57 =	vld [tilespmem:s29+$0xA0];
	[tilespmem:s29+$0x10] =	vst v6;
	v3 =	vmul.f32 v3, v1  }
0xe9: {  	v58 =	vld [tilespmem:s29+$0xB0];
	[tilespmem:s29+$0x20] =	vst v5;
	v4 =	vmul.f32 v4, v1  }
0xea: {  	v11 =	vld [tilespmem:s29+$0xC0];
	v10 =	vmul.f32 v10, v1;
	[tilespmem:s29+$0x30] =	vst v3  }
0xeb: {  	v60 =	vld [tilespmem:s29+$0xE0];
	v59 =	vmul.f32 v55, v2;
	[tilespmem:s29+$0x40] =	vst v4  }
0xec: {  	v3 =	vld [tilespmem:s29+$0xD0];
	v7 =	vmul.f32 v56, v2;
	[tilespmem:s29+$0x50] =	vst v10  }
0xed: {  	v61 =	vld [tilespmem:s29+$0xF0];
	v1 =	vmul.f32 v54, v1;
	[tilespmem:s30+$0x80] =	vst v59  }
0xee: {  	v62 =	vmul.f32 v58, v2;
	[tilespmem:s30+$0x90] =	vst v7  }
0xef: {  	[tilespmem:s30+$0x60] =	vst v1;
	v1 =	vmul.f32 v57, v2  }
0xf0: {  	s26 =	sadd.s32 $0x1, s26;
	v63 =	vmul.f32 v11, v2;
	[tilespmem:s30+$0xB0] =	vst v62  }
0xf1: {  	p0 =	sne.s32 s26, $0x14;
	[tilespmem:s30+$0xA0] =	vst v1;
	v1 =	vmul.f32 v3, v2  }
.Ltmp3:
0xf2: {  	[tilespmem:s30+$0xC0] =	vst v63;
	v3 =	vmul.f32 v60, v2;
	(pc) =	sbr.rel @p0 .LBB2_4-.Ltmp3, $4  }
0xf3: {  	s0 =	sshll.u32 s28, $0x7;
	v2 =	vmul.f32 v61, v2;
	[tilespmem:s30+$0xD0] =	vst v1  }
0xf4: {  	s0 =	sand.u32 $0x3FFFFF80, s0;
	[tilespmem:s30+$0xE0] =	vst v3  }
0xf5: {  	s25 =	sadd.s32 $0x100, s25;
	s0 =	sadd.s32 $0x1400, s0;
	[tilespmem:s30+$0xF0] =	vst v2  }
0xf6: {  	[spmem:s1] =	stream.indirect.scatter.add.f32 [tilespmem:s20], [sflag:$0x4], $0x80, s0, s19, $0xb8;
	[tilespmem:$0x1FC00] =	vst v63  }
0xf7: {  	_ =	swait.ge [sflag:s23], $0x4000  }
0xf8: {  	[sflag:s23] =	ssyncset.done $0x0  }
0xf9: {  	[sflag:s23] =	ssyncadd.s32 $0xFFFFC000  }
0xfa: {  	s0 =	stileid.u32;
	_ =	swait.ge [sflag:s24], $0x4000  }
0xfb: {  	s2 =	sshrl.u32 s5, $0x3;
	s3 =	sadd.s32 $0x1, s3;
	[sflag:s24] =	ssyncset.done $0x0  }
0xfc: {  	s0 =	sshll.u32 s0, $0x6;
	p0 =	sne.s32 s3, s13;
	[sflag:s24] =	ssyncadd.s32 $0xFFFFC000  }
.Ltmp4:
0xfd: {  	s0 =	sor.u32 $0x1C05, s0;
	[bflag:$0x0] =	sbarrier.arrive $0xFFFF;
	(pc) =	sbr.rel @p0 .LBB2_1-.Ltmp4, $4  }
0xfe: {  	[hbm:s14], [sflag:s0] =	dma.local [spmem:s2], $0x2800  }
0xff: {  	_ =	swait.ge [sflag:s16], $0x2800  }
0x100: {  	[sflag:s16] =	ssyncset.done $0x0  }
0x101: {  	[sflag:s16] =	ssyncadd.s32 $0xFFFFD800  }
0x102: {  	_ =	sfence.sel $0x180000  }
0x103: {  	[bflag:$0x0] =	sbarrier.arrive $0xFFFF  }
0x104: {  	_ =	strace $0x90000047  }
0x105: {  	s0 =	stileid.u32;
	[bflag:$0x2] =	sbarrier.arrive $0xFFFF  }
0x106: {  	p0 =	sne.s32 s0, $0x0;
	s0 =	rddreg [dreg:$0x2]  }
0x107: {  	s0 =	sadd.s32 @!p0 $0x100000, s0  }
0x108: {  	[sflag:s0] =	ssyncadd.tile.s32 @!p0 $0x1;
	_ =	shalt  }
.Lfunc_end2:
_tile_overlayer_lowered:
.L_overlay_start_2:
0x109: {  	(tag) =	ssettag $0x2  }
0x10a: {  	s0 =	rddreg [dreg:$0x0];
	s2 =	stileid.u32  }
0x10b: {  	s1 =	rddreg [dreg:$0x1];
	p0 =	sne.s32 s2, $0x0  }
0x10c: {  	s3 =	rddreg [dreg:$0x2];
	[bflag:$0x3] =	sbarrier.arrive $0xFFFF;
	s2 =	simm.s32 @!p0 $0x1C05  }
0x10d: {  	[timem:s3], [sflag:s2] =	dma.local @!p0 [hbm:s0], s1  }
0x10e: {  	s0 =	simm.s32 @!p0 $0x5  }
0x10f: {  	_ =	swait.ge @!p0 [sflag:s0], s1  }
0x110: {  	s1 =	ssub.s32 @!p0 $0x0, s1;
	[sflag:s0] =	ssyncset.done @!p0 $0x0  }
0x111: {  	[sflag:s0] =	ssyncadd.s32 @!p0 s1  }
0x112: {  	[bflag:$0x3] =	sbarrier.arrive $0xFFFF  }
0x113: {  	_ =	shalt  }

// kernel: kernel.19.cloned.1.call-start
scs
__scs_entry_jumppad:
0x0: {  	(pc) =	sbr.rel $0x88, $3  }
0x1: {  	(tag) =	ssettag $0x0;
	lr =	simm.s32 $0x1  }
0x2: {  	[smem:$0x3F95] =	sst lr;
	_ =	strace $0xD0000000  }
0x3: {  	_ = 	snop  }
0x4: {  	_ = 	snop  }
0x5: {  	_ = 	snop  }
0x6: {  	_ = 	snop  }
0x7: {  	_ = 	snop  }
__scs_overlays_trampoline_lowered:
0x8: {  	[smem:$0x3FA4] =	sst s0  }
0x9: {  	[smem:$0x3FA5] =	sst s1  }
0xa: {  	[smem:$0x3FA6] =	sst s2  }
0xb: {  	[smem:$0x3FA7] =	sst s3  }
0xc: {  	[smem:$0x3FA8] =	sst s4  }
0xd: {  	[smem:$0x3FA9] =	sst s5  }
0xe: {  	[smem:$0x3FAA] =	sst s6  }
0xf: {  	[smem:$0x3FAB] =	sst s7  }
0x10: {  	[smem:$0x3FAC] =	sst s8  }
0x11: {  	[smem:$0x3FAD] =	sst s9;
	s0 =	simm.s32 @!p0 $0x0  }
0x12: {  	s1 =	sld [smem:$0x3F93];
	s0 =	simm.s32 @p0 $0x1  }
0x13: {  	[smem:$0x3FAE] =	sst s0;
	s0 =	simm.s32 @!p1 $0x0  }
0x14: {  	s2 =	sld [smem:$0x3F92];
	s0 =	simm.s32 @p1 $0x1  }
0x15: {  	[smem:$0x3FAF] =	sst s0;
	s0 =	simm.s32 @!p2 $0x0  }
0x16: {  	s3 =	sld [smem:$0x3FDB];
	s0 =	simm.s32 @p2 $0x1  }
0x17: {  	s4 =	simm.s32 $0x1BF5;
	[smem:$0x3FB1] =	sst s0  }
0x18: {  	s0 =	sld [smem:$0x3F94];
	_ =	swait.ge [sflag:s4], $0x0  }
0x19: {  	s7 =	sld [smem:$0x3F95]  }
0x1a: {  	s8 =	sadd.s32 $0xFFFFE003, lr  }
0x1b: {  	s9 =	sadd.s32 $0xFFFFFEF7, lr;
	s5 =	simm.s32 $0xFFFFFFFF;
	p2 =	slt.u32 s8, $0xFFFFF086  }
0x1c: {  	p1 =	slt.u32 s9, $0xF7A;
	s5 =	simm.s32 @!p2 $0x0  }
0x1d: {  	s5 =	simm.s32 @p1 $0x1;
	p0 =	seq.s32 s7, s2  }
0x1e: {  	s7 =	smul.u32 @!p0 $0xF7A, s2;
	p2 =	seq.s32 @!p0 s5, $0x0  }
0x1f: {  	s9 =	smul.u32 $0xF7A, s1;
	s8 =	simm.s32 @!p0 $0x1BF5;
	p2 =	por !p2, p0  }
0x20: {  	[sflag:s8] =	ssyncset.s32 @!p0 $0xFFFFF086;
	s6 =	sadd.s32 @!p0 s3, s7;
	s7 =	simm.s32 @!p0 $0x108  }
0x21: {  	s3 =	sadd.s32 s3, s9;
	s6 =	sadd.s32 @!p0 $0x88, s6;
	s7 =	simm.s32 @p2 $0x1082  }
0x22: {  	[simem:s7], [sflag:s8] =	dma.local @!p0 [hbm:s6], $0xF7A  }
0x23: {  	s9 =	sor.u32 $0xD0000000, s2;
	s6 =	simm.s32 $0x108;
	_ =	swait.ge @!p0 [sflag:s8], $0x0  }
0x24: {  	s3 =	sadd.s32 $0x88, s3;
	s6 =	simm.s32 @!p1 $0x1082;
	[sflag:s4] =	ssyncset.s32 $0xFFFFF086  }
0x25: {  	[simem:s6], [sflag:s4] =	dma.local [hbm:s3], $0xF7A  }
0x26: {  	[smem:$0x3F95] =	sst s1;
	(tag) =	ssettag s2;
	_ =	strace s9  }
0x27: {  	s1 =	sld [smem:$0x3FA5]  }
0x28: {  	s2 =	sld [smem:$0x3FA6]  }
0x29: {  	s4 =	sld [smem:$0x3FA8]  }
0x2a: {  	p0 =	seq.s32 s5, $0x0;
	s5 =	sld [smem:$0x3FA9]  }
0x2b: {  	s6 =	sld [smem:$0x3FAA]  }
0x2c: {  	s7 =	sld [smem:$0x3FAB]  }
0x2d: {  	s3 =	simm.s32 $0x108;
	s8 =	sld [smem:$0x3FAC]  }
0x2e: {  	s3 =	simm.s32 @!p0 $0x1082;
	s9 =	sld [smem:$0x3FAD]  }
0x2f: {  	lr =	sadd.s32 s0, s3;
	s0 =	sld [smem:$0x3FA4]  }
0x30: {  	s3 =	sld [smem:$0x3FA7]  }
0x31: {  	[smem:$0x3FB0] =	sst s10  }
0x32: {  	s10 =	sld [smem:$0x3FAE];
	_ =	sdelay $0x3  }
0x33: {  	p0 =	seq.s32 s10, $0x1;
	s10 =	sld [smem:$0x3FB0];
	_ =	sdelay $0x3  }
0x34: {  	[smem:$0x3FB0] =	sst s10  }
0x35: {  	s10 =	sld [smem:$0x3FAF];
	_ =	sdelay $0x3  }
0x36: {  	p1 =	seq.s32 s10, $0x1;
	s10 =	sld [smem:$0x3FB0];
	_ =	sdelay $0x3  }
0x37: {  	[smem:$0x3FB0] =	sst s10  }
0x38: {  	s10 =	sld [smem:$0x3FB1]  }
0x39: {  	_ = 	snop;
	(pc) =	sbr.ind lr, $3  }
0x3a: {  	_ = 	snop  }
0x3b: {  	_ = 	snop  }
0x3c: {  	p2 =	seq.s32 s10, $0x1;
	s10 =	sld [smem:$0x3FB0]  }
0x3d: {  	_ =	shalt  }
0x3e: {  	_ =	shalt  }
0x3f: {  	_ =	shalt  }
0x40: {  	_ =	shalt  }
0x41: {  	_ =	shalt  }
0x42: {  	_ =	shalt  }
0x43: {  	_ =	shalt  }
0x44: {  	_ =	shalt  }
0x45: {  	_ =	shalt  }
0x46: {  	_ =	shalt  }
0x47: {  	_ =	shalt  }
0x48: {  	_ =	shalt  }
0x49: {  	_ =	shalt  }
0x4a: {  	_ =	shalt  }
0x4b: {  	_ =	shalt  }
0x4c: {  	_ =	shalt  }
0x4d: {  	_ =	shalt  }
0x4e: {  	_ =	shalt  }
0x4f: {  	_ =	shalt  }
0x50: {  	_ =	shalt  }
0x51: {  	_ =	shalt  }
0x52: {  	_ =	shalt  }
0x53: {  	_ =	shalt  }
0x54: {  	_ =	shalt  }
0x55: {  	_ =	shalt  }
0x56: {  	_ =	shalt  }
0x57: {  	_ =	shalt  }
0x58: {  	_ =	shalt  }
0x59: {  	_ =	shalt  }
0x5a: {  	_ =	shalt  }
0x5b: {  	_ =	shalt  }
0x5c: {  	_ =	shalt  }
0x5d: {  	_ =	shalt  }
0x5e: {  	_ =	shalt  }
0x5f: {  	_ =	shalt  }
0x60: {  	_ =	shalt  }
0x61: {  	_ =	shalt  }
0x62: {  	_ =	shalt  }
0x63: {  	_ =	shalt  }
0x64: {  	_ =	shalt  }
0x65: {  	_ =	shalt  }
0x66: {  	_ =	shalt  }
0x67: {  	_ =	shalt  }
0x68: {  	_ =	shalt  }
0x69: {  	_ =	shalt  }
0x6a: {  	_ =	shalt  }
0x6b: {  	_ =	shalt  }
0x6c: {  	_ =	shalt  }
0x6d: {  	_ =	shalt  }
0x6e: {  	_ =	shalt  }
0x6f: {  	_ =	shalt  }
0x70: {  	_ =	shalt  }
0x71: {  	_ =	shalt  }
0x72: {  	_ =	shalt  }
0x73: {  	_ =	shalt  }
0x74: {  	_ =	shalt  }
0x75: {  	_ =	shalt  }
0x76: {  	_ =	shalt  }
0x77: {  	_ =	shalt  }
0x78: {  	_ =	shalt  }
0x79: {  	_ =	shalt  }
0x7a: {  	_ =	shalt  }
0x7b: {  	_ =	shalt  }
0x7c: {  	_ =	shalt  }
0x7d: {  	_ =	shalt  }
0x7e: {  	_ =	shalt  }
0x7f: {  	_ =	shalt  }
0x80: {  	_ =	shalt  }
0x81: {  	_ =	shalt  }
0x82: {  	_ =	shalt  }
0x83: {  	_ =	shalt  }
0x84: {  	_ =	shalt  }
0x85: {  	_ =	shalt  }
0x86: {  	_ =	shalt  }
0x87: {  	_ =	shalt  }
.Lfunc_end0:
.L_simem_size_0:
called_computation.2_lowered:
.L_overlay_start_0:
0x88: {  	s2 =	sld [smem:$0x3FD9]  }
0x89: {  	s3 =	sld [smem:$0x3FFE];
	_ =	sdelay $0x1  }
0x8a: {  	s1 =	srdreg.scid  }
0x8b: {  	s0 =	sand.u32 $0x1, s1  }
0x8c: {  	s16 =	sshll.u32 s0, $0xA;
	s2 =	sadd.s32 s3, s2  }
0x8d: {  	s2 =	sadd.s32 s2, s16  }
0x8e: {  	[smem:$0x3FBC] =	sst s2  }
0x8f: {  	_ = 	snop  }
0x90: {  	(tm) =	ssettm $0x1  }
0x91: {  	s17 =	sld [smem:$0x3FFB];
	_ =	sdelay $0x3  }
0x92: {  	_ =	strace s17  }
0x93: {  	s2 =	sld [smem:$0x3FFC];
	_ =	sdelay $0x3  }
0x94: {  	_ =	strace s2  }
0x95: {  	s2 =	sld [smem:$0x3FFD];
	_ =	sdelay $0x3  }
0x96: {  	_ =	strace s2  }
0x97: {  	_ =	strace $0x8FFFFFFF  }
0x98: {  	s18 =	sld [smem:$0x3FDB];
	_ =	sdelay $0x1  }
0x99: {  	s19 =	simm.s32 $_scs_section_size  }
0x9a: {  	s4 =	simm.s32 $_size__tile_overlayer_lowered;
	s5 =	simm.s32 $_tile_overlayer_lowered  }
0x9b: {  	s22 =	simm.s32 $0x1BFF;
	s21 =	sshll.u32 s5, $0x1;
	s2 =	sadd.s32 s19, s18  }
0x9c: {  	s6 =	simm.s32 $0x0;
	s20 =	sshll.u32 s4, $0x1;
	s4 =	sadd.s32 s21, s2  }
0x9d: {  	[timem:s6], [sflag:s22] =	dma.local [hbm:s4], s20  }
0x9e: {  	_ =	swait.ge [sflag:s22], s20  }
0x9f: {  	s3 =	ssub.s32 $0x0, s20;
	[sflag:s22] =	ssyncset.done $0x0  }
0xa0: {  	[sflag:s22] =	ssyncadd.s32 s3;
	_ =	sdelay $0x1  }
0xa1: {  	s23 =	simm.s32 $0x1B8B  }
0xa2: {  	_ =	swait.ge [sflag:s23], $0x1  }
0xa3: {  	[sflag:s23] =	ssyncset.done $0x0  }
0xa4: {  	s25 =	simm.s32 $0x1B8E;
	s24 =	sld [smem:$0x3FFE];
	[sflag:s23] =	ssyncadd.s32 $0xFFFFFFFF  }
0xa5: {  	s26 =	simm.s32 $execute0_lowered;
	[smem:$0x3FD2] =	sst s25  }
0xa6: {  	s4 =	sshll.u32 s26, $0x1;
	_ =	strace $0x8000004C;
	[dreg:$0x1] =	wrdreg $0xFFFFFFFF  }
0xa7: {  	s28 =	simm.s32 $_size_execute0_lowered;
	s2 =	sadd.s32 s2, s4;
	[dreg:$0x0] =	wrdreg $0x0  }
0xa8: {  	s4 =	sshll.u32 s28, $0x1;
	[dreg:$0x2] =	wrdreg s2  }
0xa9: {  	[dreg:$0x3] =	wrdreg s4  }
0xaa: {  	[dreg:$0x4] =	wrdreg $0xC0  }
0xab: {  	_ =	task [dreg:s6], $0x5FFFF  }
0xac: {  	[dreg:$0x1] =	wrdreg $0xFFFFFFFF  }
0xad: {  	[dreg:$0x0] =	wrdreg $0x60  }
0xae: {  	[dreg:$0x2] =	wrdreg s24  }
0xaf: {  	[dreg:$0x3] =	wrdreg $0x3C000  }
0xb0: {  	[dreg:$0x4] =	wrdreg $0x9  }
0xb1: {  	_ =	task.clear_ibuf [dreg:s6], $0x5FFFF;
	_ =	strace $0x9000004C  }
0xb2: {  	s29 =	simm.s32 $0x9;
	_ =	strace $0x8000004E  }
0xb3: {  	_ =	swait.ge [sflag:s29], $0x1  }
0xb4: {  	[sflag:s29] =	ssyncadd.s32 $0xFFFFFFFF  }
0xb5: {  	_ =	strace $0x9000004E  }
0xb6: {  	_ =	sfence  }
0xb7: {  	s30 =	sld [smem:$0x0];
	_ =	sdelay $0x2  }
0xb8: {  	s31 =	sshll.u32 s1, $0xD;
	s1 =	sshrl.u32 s1, $0x2  }
0xb9: {  	s3 =	sand.u32 $0x4000, s31;
	s1 =	sadd.s32 s1, s30  }
0xba: {  	s0 =	sor.u32 s3, s0;
	s1 =	sshll.u32 s1, $0x11  }
0xbb: {  	s0 =	sor.u32 s1, s0  }
0xbc: {  	s0 =	sadd.s32 $0x8F2B, s0  }
0xbd: {  	[sflag:s0] =	ssyncadd.remote.s32 $0x1  }
0xbe: {  	_ =	sfence.sel $0xFFFF  }
0xbf: {  	[dreg:$0x0] =	wrdreg $0xFFFFFFFF;
	(pc) =	sbr.abs _section_cstart, $3  }
0xc0: {  	[dreg:$0x1] =	wrdreg $0xFFFFFFFF  }
0xc1: {  	_ =	task.clear_ibuf [dreg:s6], $0x2FFFF;
	_ =	strace $0x9FFFFFFF  }
0xc2: {  	(tm) =	ssettm $0x7FFFFFFF  }
0xc3: {  	_ =	shalt  }
tec
execute0_lowered:
.L_overlay_start_1:
0x0: {  	(tag) =	ssettag $0x1  }
0x1: {  	s13 =	rddreg [dreg:$0x0]  }
0x2: {  	s1 =	rddreg [dreg:$0x1];
	s2 =	srdreg.scid  }
0x3: {  	s3 =	simm.s32 $0x0;
	s0 =	stileid.u32;
	s15 =	simm.s32 $0xB1C00  }
0x4: {  	s18 =	simm.s32 $0x2800;
	s19 =	simm.s32 $0x80;
	s20 =	simm.s32 $0x1BC00  }
0x5: {  	s21 =	simm.s32 $0x1;
	s22 =	simm.s32 $0x2;
	s23 =	simm.s32 $0x3  }
0x6: {  	s24 =	simm.s32 $0x4;
	s10 =	sand.u32 $0x1, s2;
	s5 =	smul.u32 $0x50000, s0  }
0x7: {  	[smem:$0x7FF] =	sst s3;
	s16 =	smul.u32 $0x2800, s0;
	s4 =	sshll.u32 s10, $0x4  }
0x8: {  	_ =	strace $0x8000004D;
	s7 =	ssub.s32 $0x2, s10;
	p0 =	seq.s32 s10, $0x1  }
0x9: {  	s4 =	sor.u32 s0, s4;
	s8 =	sshrl.u32 s7, $0x1;
	s5 =	sshrl.u32 s5, $0x2  }
0xa: {  	s15 =	simm.s32 @!p0 $0x89C00;
	s6 =	smul.u32 $0x280, s4;
	s4 =	sadd.s32 $0x62A00, s13  }
0xb: {  	s14 =	ssub.s32 s7, s8;
	s5 =	sadd.s32 s5, s1;
	s15 =	sadd.s32 s15, s13  }
0xc: {  	s7 =	sadd.s32 $0x8000, s5;
	s8 =	sadd.s32 $0xC000, s5;
	s9 =	sadd.s32 $0x10000, s5  }
0xd: {  	s12 =	sadd.s32 s6, s13;
	s6 =	sadd.s32 $0x4000, s5;
	s13 =	smax.u32 s14, $0x1  }
0xe: {  	s14 =	sadd.s32 s15, s16;
	s15 =	simm.s32 $0x17C00;
	s16 =	simm.s32 $0x5  }
0xf: {  	v0 =	vimm.f32 $0.0e+00;
	s10 =	sadd.s32 $0x58A00, s12;
	s11 =	sadd.s32 $0x5DA00, s12;
	s12 =	sadd.s32 $0x5600, s12  }
.LBB2_1:
0x10: {  	s25 =	simm.s32 $0x0;
	s26 =	simm.s32 $0x200  }
.LBB2_2:
0x11: {  	p0 =	sne.s32 s26, $0xFE00;
	[tilespmem:s25+$0x17C70] =	vst v0  }
0x12: {  	[tilespmem:s25+$0x17C00] =	vst v0  }
0x13: {  	[tilespmem:s25+$0x17C10] =	vst v0  }
.Ltmp0:
0x14: {  	[tilespmem:s25+$0x17C20] =	vst v0;
	(pc) =	sbr.rel @p0 .LBB2_2-.Ltmp0, $4  }
0x15: {  	[tilespmem:s25+$0x17C30] =	vst v0  }
0x16: {  	[tilespmem:s25+$0x17C40] =	vst v0  }
0x17: {  	[tilespmem:s25+$0x17C50] =	vst v0  }
0x18: {  	[tilespmem:s25+$0x17C60] =	vst v0;
	s25 =	sshra.s32 s26, $0x2;
	s26 =	sadd.s32 $0x200, s26  }
0x19: {  	[tilespmem:s25+$0x17C70] =	vst v0  }
0x1a: {  	[tilespmem:s25+$0x17C00] =	vst v0  }
0x1b: {  	[tilespmem:s25+$0x17C10] =	vst v0  }
0x1c: {  	[tilespmem:s25+$0x17C20] =	vst v0  }
0x1d: {  	[tilespmem:s25+$0x17C30] =	vst v0  }
0x1e: {  	[tilespmem:s25+$0x17C40] =	vst v0  }
0x1f: {  	[tilespmem:s25+$0x17C50] =	vst v0  }
0x20: {  	[tilespmem:s25+$0x17C60] =	vst v0  }
0x21: {  	[spmem:s5] =	stream.linear.scatter [tilespmem:s15], [sflag:$0x5], $0x4000, $0x38;
	[tilespmem:$0x1FC00] =	vst v63  }
0x22: {  	_ =	swait.ge [sflag:s16], $0x4000  }
0x23: {  	[sflag:s16] =	ssyncset.done $0x0  }
0x24: {  	[sflag:s16] =	ssyncadd.s32 $0xFFFFC000  }
0x25: {  	[spmem:s6] =	stream.linear.scatter [tilespmem:s15], [sflag:$0x5], $0x4000, $0x38;
	[tilespmem:$0x1FC00] =	vst v63  }
0x26: {  	_ =	swait.ge [sflag:s16], $0x4000  }
0x27: {  	[sflag:s16] =	ssyncset.done $0x0  }
0x28: {  	[sflag:s16] =	ssyncadd.s32 $0xFFFFC000  }
0x29: {  	[spmem:s7] =	stream.linear.scatter [tilespmem:s15], [sflag:$0x5], $0x4000, $0x38;
	[tilespmem:$0x1FC00] =	vst v63  }
0x2a: {  	_ =	swait.ge [sflag:s16], $0x4000  }
0x2b: {  	[sflag:s16] =	ssyncset.done $0x0  }
0x2c: {  	[sflag:s16] =	ssyncadd.s32 $0xFFFFC000  }
0x2d: {  	[spmem:s8] =	stream.linear.scatter [tilespmem:s15], [sflag:$0x5], $0x4000, $0x38;
	[tilespmem:$0x1FC00] =	vst v63  }
0x2e: {  	_ =	swait.ge [sflag:s16], $0x4000  }
0x2f: {  	[sflag:s16] =	ssyncset.done $0x0  }
0x30: {  	[sflag:s16] =	ssyncadd.s32 $0xFFFFC000  }
0x31: {  	[spmem:s9] =	stream.linear.scatter [tilespmem:s15], [sflag:$0x5], $0x4000, $0x38;
	[tilespmem:$0x1FC00] =	vst v63  }
0x32: {  	_ =	swait.ge [sflag:s16], $0x4000  }
0x33: {  	[sflag:s16] =	ssyncset.done $0x0  }
0x34: {  	s25 =	simm.s32 $0x0;
	[sflag:s16] =	ssyncadd.s32 $0xFFFFC000  }
0x35: {  	[tilespmem:s25], [sflag:$0x5] =	stream.linear.gather [hbm4b:s10+s25], $0x1400, $0x38;
	[tilespmem:$0x1FC00] =	vst v63  }
0x36: {  	_ =	swait.ge [sflag:s16], $0x1400  }
0x37: {  	[sflag:s16] =	ssyncset.done $0x0  }
0x38: {  	s0 =	simm.s32 $0x1400;
	[sflag:s16] =	ssyncadd.s32 $0xFFFFEC00  }
0x39: {  	[tilespmem:s0], [sflag:$0x5] =	stream.linear.gather [hbm4b:s11+s25], $0x1400, $0x38;
	[tilespmem:$0x1FC00] =	vst v63  }
0x3a: {  	_ =	swait.ge [sflag:s16], $0x1400  }
0x3b: {  	[sflag:s16] =	ssyncset.done $0x0  }
0x3c: {  	[sflag:s16] =	ssyncadd.s32 $0xFFFFEC00  }
0x3d: {  	[tilespmem:s18], [sflag:$0x5] =	stream.linear.gather [hbm4b:s12+s25], $0x1400, $0x38;
	[tilespmem:$0x1FC00] =	vst v63  }
0x3e: {  	_ =	swait.ge [sflag:s16], $0x1400  }
0x3f: {  	[sflag:s16] =	ssyncset.done $0x0  }
0x40: {  	[sflag:s16] =	ssyncadd.s32 $0xFFFFEC00  }
0x41: {  	[bflag:$0x0] =	sbarrier.arrive $0xFFFF  }
0x42: {  	[tilespmem:s15], [sflag:$0x1] =	stream.indirect.gather [hbm4b:s4+s19], $0x80, s25, s19, $0xb8;
	[tilespmem:$0x1FC00] =	vst v63  }
0x43: {  	s26 =	simm.s32 $0x0  }
0x44: {  	[tilespmem:s20], [sflag:$0x2] =	stream.indirect.gather [hbm4b:s4+s19], $0x80, s19, s19, $0xb8;
	[tilespmem:$0x1FC00] =	vst v63  }
.LBB2_4:
0x45: {  	_ =	swait.ge [sflag:s21], $0x4000  }
0x46: {  	s30 =	sadd.s32 $0xFFFFFFFC, s25;
	p0 =	seq.s32 s26, $0x0;
	[sflag:s21] =	ssyncset.done $0x0  }
0x47: {  	s28 =	sadd.s32 $0x6, s30;
	s29 =	simm.s32 @!p0 $0x4;
	[sflag:s21] =	ssyncadd.s32 $0xFFFFC000  }
0x48: {  	v1 =	vmov s28;
	s28 =	sadd.s32 $0x4, s30;
	_ =	swait.ge @!p0 [sflag:s29], $0x4000  }
0x49: {  	v2 =	vmov s28;
	s28 =	sshllo.u32 s26, $0x1;
	[sflag:s29] =	ssyncset.done @!p0 $0x0  }
0x4a: {  	[sflag:s29] =	ssyncadd.s32 @!p0 $0xFFFFC000;
	s29 =	sshll.u32 @!p0 s28, $0x7  }
0x4b: {  	s31 =	simm.s32 @!p0 $0x80;
	s0 =	simm.s32 @!p0 $0x1BC00;
	v1 =	vand.u32 $0xFFFFFFFE, v1;
	s29 =	sand.u32 @!p0 $0x3FFFFF80, s29  }
0x4c: {  	v1 =	vbroadcast v1, $0x0;
	v2 =	vand.u32 $0xFFFFFFFC, v2;
	[tilespmem:s0], [sflag:$0x2] =	stream.indirect.gather @!p0 [hbm4b:s4+s31], $0x80, s29, s31, $0xb8;
	[tilespmem:$0x1FC00] =	vst v63  }
0x4d: {  	v2 =	vbroadcast v2, $0x0;
	s29 =	simm.s32 $0x17D00  }
0x4e: {  	v3 =	vld [tilespmem:s29+$0x70]  }
0x4f: {  	v5 =	vld [tilespmem:s29+$0xFFFFFF00]  }
0x50: {  	s2 =	sadd.s32 $0x5, s30;
	v6 =	vld [tilespmem:s29+$0xFFFFFF10]  }
0x51: {  	v4 =	vmov s2;
	v7 =	vld [tilespmem:s29+$0xFFFFFF20]  }
0x52: {  	v4 =	vand.u32 $0xFFFFFFFD, v4;
	v1 =	vld.idx.msk [tilespmem:v1+s18+$0x0], $0xffff  }
0x53: {  	v4 =	vbroadcast v4, $0x0;
	v2 =	vld.idx.msk [tilespmem:v2+s18+$0x0], $0xffff  }
0x54: {  	v8 =	vld [tilespmem:s29+$0xFFFFFF30]  }
0x55: {  	v9 =	vld [tilespmem:s29+$0xFFFFFF40]  }
0x56: {  	v10 =	vld [tilespmem:s29+$0xFFFFFF50]  }
0x57: {  	v11 =	vld [tilespmem:s29+$0xFFFFFF60];
	v3 =	vmul.f32 v3, v1  }
0x58: {  	v13 =	vld [tilespmem:s29+$0xFFFFFFD0];
	v5 =	vmul.f32 v5, v2  }
0x59: {  	v4 =	vld.idx.msk [tilespmem:v4+s18+$0x0], $0xffff;
	[tilespmem:s29+$0x70] =	vst v3;
	v3 =	vmul.f32 v7, v2  }
0x5a: {  	[tilespmem:s29+$0xFFFFFF00] =	vst v5;
	v5 =	vmul.f32 v6, v2;
	v6 =	vld [tilespmem:s29+$0xFFFFFF70]  }
0x5b: {  	s17 =	sadd.s32 $0x7, s30;
	v7 =	vld [tilespmem:s29+$0xFFFFFF80];
	[tilespmem:s29+$0xFFFFFF20] =	vst v3;
	v3 =	vmul.f32 v9, v2  }
0x5c: {  	v12 =	vmov s17;
	[tilespmem:s29+$0xFFFFFF10] =	vst v5;
	v5 =	vmul.f32 v8, v2;
	v8 =	vld [tilespmem:s29+$0xFFFFFF90]  }
0x5d: {  	v9 =	vld [tilespmem:s29+$0xFFFFFFA0];
	[tilespmem:s29+$0xFFFFFF40] =	vst v3;
	v3 =	vmul.f32 v11, v2  }
0x5e: {  	v11 =	vld [tilespmem:s29+$0xFFFFFFC0];
	[tilespmem:s29+$0xFFFFFF30] =	vst v5;
	v5 =	vmul.f32 v10, v2  }
0x5f: {  	v10 =	vld [tilespmem:s29+$0xFFFFFFB0];
	v6 =	vmul.f32 v6, v2;
	[tilespmem:s29+$0xFFFFFF60] =	vst v3  }
0x60: {  	v14 =	vld [tilespmem:s29+$0xFFFFFFE0];
	[tilespmem:s29+$0xFFFFFF50] =	vst v5;
	v5 =	vmul.f32 v7, v4  }
0x61: {  	v2 =	vld.idx.msk [tilespmem:v12+s18+$0x0], $0xffff;
	v3 =	vmul.f32 v8, v4;
	[tilespmem:s29+$0xFFFFFF70] =	vst v6  }
0x62: {  	v8 =	vld [tilespmem:s29+$0xFFFFFFF0];
	[tilespmem:s29+$0xFFFFFF80] =	vst v5;
	v5 =	vmul.f32 v9, v4  }
0x63: {  	v7 =	vld [tilespmem:s29+$0x0];
	v9 =	vmul.f32 v11, v4;
	[tilespmem:s29+$0xFFFFFF90] =	vst v3  }
0x64: {  	v6 =	vld [tilespmem:s29+$0x10];
	v3 =	vmul.f32 v10, v4;
	[tilespmem:s29+$0xFFFFFFA0] =	vst v5  }
0x65: {  	v10 =	vmul.f32 v13, v4;
	v5 =	vld [tilespmem:s29+$0x20];
	[tilespmem:s29+$0xFFFFFFC0] =	vst v9  }
0x66: {  	v9 =	vmul.f32 v14, v4;
	[tilespmem:s29+$0xFFFFFFB0] =	vst v3;
	v3 =	vld [tilespmem:s29+$0x30]  }
0x67: {  	s30 =	simm.s32 $0x17D00;
	s31 =	simm.s32 $0x0;
	[tilespmem:s29+$0xFFFFFFD0] =	vst v10;
	v8 =	vmul.f32 v8, v4;
	v4 =	vld [tilespmem:s29+$0x40]  }
.LBB2_5:
0x68: {  	s0 =	sadd.s32 s31, s25;
	s31 =	sadd.s32 $0x4, s31;
	[tilespmem:s29+$0xFFFFFFE0] =	vst v9;
	v7 =	vmul.f32 v7, v1;
	v9 =	vld [tilespmem:s29+$0x50]  }
0x69: {  	s17 =	sadd.s32 $0x4, s0;
	s2 =	sadd.s32 $0x6, s0;
	p0 =	slt.u32 s31, $0x7C;
	[tilespmem:s29+$0xFFFFFFF0] =	vst v8;
	v6 =	vmul.f32 v6, v1;
	v8 =	vld [tilespmem:s29+$0x60]  }
0x6a: {  	v10 =	vmov s17;
	s17 =	sadd.s32 $0x5, s0;
	v11 =	vmov s2;
	s0 =	sadd.s32 $0x7, s0;
	[tilespmem:s29+$0x0] =	vst v7;
	v5 =	vmul.f32 v5, v1;
	v7 =	vld [tilespmem:s29+$0x80]  }
0x6b: {  	v10 =	vand.u32 $0xFFFFFFFC, v10;
	v12 =	vmov s17;
	v11 =	vand.u32 $0xFFFFFFFE, v11;
	[tilespmem:s29+$0x10] =	vst v6;
	v6 =	vld [tilespmem:s29+$0x90]  }
0x6c: {  	v10 =	vbroadcast v10, $0x0;
	v12 =	vand.u32 $0xFFFFFFFD, v12;
	v11 =	vbroadcast v11, $0x0;
	[tilespmem:s29+$0x20] =	vst v5;
	v5 =	vld [tilespmem:s29+$0xA0]  }
0x6d: {  	v13 =	vmov s0;
	v3 =	vmul.f32 v3, v1;
	v12 =	vbroadcast v12, $0x0;
	v14 =	vld [tilespmem:s29+$0xB0]  }
0x6e: {  	v4 =	vmul.f32 v4, v1;
	v9 =	vmul.f32 v9, v1;
	v15 =	vld [tilespmem:s29+$0xC0]  }
0x6f: {  	[tilespmem:s29+$0x30] =	vst v3;
	v3 =	vmul.f32 v8, v1;
	v7 =	vmul.f32 v7, v2;
	v8 =	vld [tilespmem:s29+$0xD0]  }
0x70: {  	[tilespmem:s29+$0x40] =	vst v4;
	v4 =	vmul.f32 v6, v2;
	v6 =	vld [tilespmem:s29+$0xE0]  }
0x71: {  	[tilespmem:s29+$0x50] =	vst v9;
	v5 =	vmul.f32 v5, v2;
	v9 =	vld [tilespmem:s29+$0xF0]  }
0x72: {  	s29 =	sadd.s32 $0x200, s29;
	v1 =	vld.idx.msk [tilespmem:v11+s18+$0x0], $0xffff;
	[tilespmem:s30+$0x60] =	vst v3;
	v3 =	vmul.f32 v14, v2  }
0x73: {  	v11 =	vld [tilespmem:s29+$0x70];
	[tilespmem:s30+$0x80] =	vst v7;
	v7 =	vmul.f32 v15, v2  }
0x74: {  	v10 =	vld.idx.msk [tilespmem:v10+s18+$0x0], $0xffff;
	[tilespmem:s30+$0x90] =	vst v4;
	v4 =	vmul.f32 v8, v2  }
0x75: {  	v8 =	vld.idx.msk [tilespmem:v12+s18+$0x0], $0xffff;
	[tilespmem:s30+$0xA0] =	vst v5;
	v5 =	vmul.f32 v6, v2  }
0x76: {  	[tilespmem:s30+$0xB0] =	vst v3;
	v3 =	vmul.f32 v9, v2;
	v2 =	vld.idx.msk [tilespmem:v13+s18+$0x0], $0xffff  }
0x77: {  	v6 =	vld [tilespmem:s29+$0xFFFFFF00];
	[tilespmem:s30+$0xC0] =	vst v7  }
0x78: {  	v7 =	vld [tilespmem:s29+$0xFFFFFF10];
	v9 =	vmul.f32 v11, v1;
	[tilespmem:s30+$0xD0] =	vst v4  }
0x79: {  	v4 =	vld [tilespmem:s29+$0xFFFFFF20];
	[tilespmem:s30+$0xE0] =	vst v5  }
0x7a: {  	v5 =	vld [tilespmem:s29+$0xFFFFFF30];
	[tilespmem:s29+$0x70] =	vst v9  }
0x7b: {  	v9 =	vld [tilespmem:s29+$0xFFFFFF40];
	[tilespmem:s30+$0xF0] =	vst v3;
	s30 =	smov.u32 s29  }
0x7c: {  	v3 =	vmul.f32 v6, v10;
	v6 =	vld [tilespmem:s29+$0xFFFFFF50]  }
0x7d: {  	v7 =	vmul.f32 v7, v10;
	v11 =	vld [tilespmem:s29+$0xFFFFFF60]  }
0x7e: {  	[tilespmem:s29+$0xFFFFFF00] =	vst v3;
	v3 =	vmul.f32 v4, v10;
	v4 =	vld [tilespmem:s29+$0xFFFFFF70]  }
0x7f: {  	[tilespmem:s29+$0xFFFFFF10] =	vst v7;
	v5 =	vmul.f32 v5, v10;
	v7 =	vld [tilespmem:s29+$0xFFFFFF80]  }
0x80: {  	[tilespmem:s29+$0xFFFFFF20] =	vst v3;
	v3 =	vmul.f32 v9, v10;
	v9 =	vld [tilespmem:s29+$0xFFFFFF90]  }
0x81: {  	[tilespmem:s29+$0xFFFFFF30] =	vst v5;
	v5 =	vmul.f32 v6, v10;
	v6 =	vld [tilespmem:s29+$0xFFFFFFA0]  }
0x82: {  	[tilespmem:s29+$0xFFFFFF40] =	vst v3;
	v3 =	vmul.f32 v11, v10;
	v11 =	vld [tilespmem:s29+$0xFFFFFFB0]  }
0x83: {  	[tilespmem:s29+$0xFFFFFF50] =	vst v5;
	v4 =	vmul.f32 v4, v10;
	v5 =	vld [tilespmem:s29+$0xFFFFFFC0]  }
0x84: {  	[tilespmem:s29+$0xFFFFFF60] =	vst v3;
	v3 =	vmul.f32 v7, v8;
	v10 =	vld [tilespmem:s29+$0xFFFFFFD0]  }
0x85: {  	[tilespmem:s29+$0xFFFFFF70] =	vst v4;
	v4 =	vmul.f32 v9, v8;
	v9 =	vld [tilespmem:s29+$0xFFFFFFE0]  }
0x86: {  	[tilespmem:s29+$0xFFFFFF80] =	vst v3;
	v3 =	vmul.f32 v6, v8;
	v12 =	vld [tilespmem:s29+$0xFFFFFFF0]  }
.Ltmp1:
0x87: {  	[tilespmem:s29+$0xFFFFFF90] =	vst v4;
	v4 =	vmul.f32 v11, v8;
	v7 =	vld [tilespmem:s29+$0x0];
	(pc) =	sbr.rel @p0 .LBB2_5-.Ltmp1, $4  }
0x88: {  	[tilespmem:s29+$0xFFFFFFA0] =	vst v3;
	v3 =	vmul.f32 v5, v8;
	v6 =	vld [tilespmem:s29+$0x10]  }
0x89: {  	[tilespmem:s29+$0xFFFFFFB0] =	vst v4;
	v4 =	vmul.f32 v10, v8;
	v5 =	vld [tilespmem:s29+$0x20]  }
0x8a: {  	[tilespmem:s29+$0xFFFFFFC0] =	vst v3;
	v9 =	vmul.f32 v9, v8;
	v3 =	vld [tilespmem:s29+$0x30]  }
0x8b: {  	[tilespmem:s29+$0xFFFFFFD0] =	vst v4;
	v8 =	vmul.f32 v12, v8;
	v4 =	vld [tilespmem:s29+$0x40]  }
0x8c: {  	v10 =	vld [tilespmem:s29+$0x50];
	[tilespmem:s29+$0xFFFFFFE0] =	vst v9;
	v7 =	vmul.f32 v7, v1  }
0x8d: {  	v9 =	vld [tilespmem:s29+$0x60];
	[tilespmem:s29+$0xFFFFFFF0] =	vst v8;
	v6 =	vmul.f32 v6, v1  }
0x8e: {  	v8 =	vld [tilespmem:s29+$0x80];
	[tilespmem:s29+$0x0] =	vst v7;
	v5 =	vmul.f32 v5, v1  }
0x8f: {  	v7 =	vld [tilespmem:s29+$0x90];
	[tilespmem:s29+$0x10] =	vst v6;
	v3 =	vmul.f32 v3, v1  }
0x90: {  	v6 =	vld [tilespmem:s29+$0xA0];
	[tilespmem:s29+$0x20] =	vst v5;
	v4 =	vmul.f32 v4, v1  }
0x91: {  	v5 =	vld [tilespmem:s29+$0xB0];
	v10 =	vmul.f32 v10, v1;
	[tilespmem:s29+$0x30] =	vst v3  }
0x92: {  	v11 =	vld [tilespmem:s29+$0xC0];
	v1 =	vmul.f32 v9, v1;
	[tilespmem:s29+$0x40] =	vst v4  }
0x93: {  	v3 =	vld [tilespmem:s29+$0xD0];
	v4 =	vmul.f32 v8, v2;
	[tilespmem:s29+$0x50] =	vst v10  }
0x94: {  	v8 =	vld [tilespmem:s29+$0xE0];
	v7 =	vmul.f32 v7, v2;
	[tilespmem:s30+$0x60] =	vst v1  }
0x95: {  	v9 =	vld [tilespmem:s29+$0xF0];
	v1 =	vmul.f32 v6, v2;
	[tilespmem:s30+$0x80] =	vst v4  }
0x96: {  	v4 =	vmul.f32 v5, v2;
	[tilespmem:s30+$0x90] =	vst v7  }
0x97: {  	v5 =	vmul.f32 v11, v2;
	[tilespmem:s30+$0xA0] =	vst v1  }
0x98: {  	v1 =	vmul.f32 v3, v2;
	[tilespmem:s30+$0xB0] =	vst v4  }
0x99: {  	v3 =	vmul.f32 v8, v2;
	[tilespmem:s30+$0xC0] =	vst v5  }
0x9a: {  	s0 =	sshll.u32 s26, $0xA;
	v2 =	vmul.f32 v9, v2;
	[tilespmem:s30+$0xD0] =	vst v1  }
0x9b: {  	s2 =	sshrl.u32 s0, $0x2;
	[tilespmem:s30+$0xE0] =	vst v3  }
0x9c: {  	s2 =	sadd.s32 $0x1400, s2;
	[tilespmem:s30+$0xF0] =	vst v2  }
0x9d: {  	[spmem:s1] =	stream.indirect.scatter.add.f32 [tilespmem:s15], [sflag:$0x3], $0x80, s2, s19, $0xb8;
	[tilespmem:$0x1FC00] =	vst v63  }
0x9e: {  	_ =	swait.ge [sflag:s22], $0x4000  }
0x9f: {  	p0 =	seq.s32 s26, $0x13;
	[sflag:s22] =	ssyncset.done $0x0  }
0xa0: {  	s29 =	simm.s32 @!p0 $0x3;
	s2 =	sadd.s32 $0xFFFFFFFC, s25;
	[sflag:s22] =	ssyncadd.s32 $0xFFFFC000  }
0xa1: {  	s0 =	sshrl.u32 @!p0 s0, $0x2;
	s17 =	sadd.s32 $0x86, s2;
	_ =	swait.ge @!p0 [sflag:s29], $0x4000  }
0xa2: {  	s0 =	sadd.s32 @!p0 $0x100, s0;
	v1 =	vmov s17;
	s17 =	sadd.s32 $0x84, s2;
	[sflag:s29] =	ssyncset.done @!p0 $0x0  }
0xa3: {  	v1 =	vand.u32 $0xFFFFFFFE, v1;
	v2 =	vmov s17;
	s17 =	simm.s32 @!p0 $0x80;
	[sflag:s29] =	ssyncadd.s32 @!p0 $0xFFFFC000;
	s29 =	simm.s32 @!p0 $0x17C00  }
0xa4: {  	v1 =	vbroadcast v1, $0x0;
	v2 =	vand.u32 $0xFFFFFFFC, v2;
	[tilespmem:s29], [sflag:$0x1] =	stream.indirect.gather @!p0 [hbm4b:s4+s17], $0x80, s0, s17, $0xb8;
	[tilespmem:$0x1FC00] =	vst v63  }
0xa5: {  	v2 =	vbroadcast v2, $0x0;
	s29 =	simm.s32 $0x1BD00  }
0xa6: {  	v3 =	vld [tilespmem:s29+$0x70]  }
0xa7: {  	v5 =	vld [tilespmem:s29+$0xFFFFFF00]  }
0xa8: {  	s17 =	sadd.s32 $0x85, s2;
	v6 =	vld [tilespmem:s29+$0xFFFFFF10]  }
0xa9: {  	v4 =	vmov s17;
	v7 =	vld [tilespmem:s29+$0xFFFFFF20]  }
0xaa: {  	v4 =	vand.u32 $0xFFFFFFFD, v4;
	v1 =	vld.idx.msk [tilespmem:v1+s18+$0x0], $0xffff  }
0xab: {  	v4 =	vbroadcast v4, $0x0;
	v2 =	vld.idx.msk [tilespmem:v2+s18+$0x0], $0xffff  }
0xac: {  	v8 =	vld [tilespmem:s29+$0xFFFFFF30]  }
0xad: {  	v9 =	vld [tilespmem:s29+$0xFFFFFF40]  }
0xae: {  	v10 =	vld [tilespmem:s29+$0xFFFFFF50]  }
0xaf: {  	v11 =	vld [tilespmem:s29+$0xFFFFFF60];
	v3 =	vmul.f32 v3, v1  }
0xb0: {  	v13 =	vld [tilespmem:s29+$0xFFFFFFD0];
	v5 =	vmul.f32 v5, v2  }
0xb1: {  	v4 =	vld.idx.msk [tilespmem:v4+s18+$0x0], $0xffff;
	[tilespmem:s29+$0x70] =	vst v3;
	v3 =	vmul.f32 v7, v2  }
0xb2: {  	[tilespmem:s29+$0xFFFFFF00] =	vst v5;
	v5 =	vmul.f32 v6, v2;
	v6 =	vld [tilespmem:s29+$0xFFFFFF70]  }
0xb3: {  	s17 =	sadd.s32 $0x87, s2;
	v7 =	vld [tilespmem:s29+$0xFFFFFF80];
	[tilespmem:s29+$0xFFFFFF20] =	vst v3;
	v3 =	vmul.f32 v9, v2  }
0xb4: {  	v12 =	vmov s17;
	[tilespmem:s29+$0xFFFFFF10] =	vst v5;
	v5 =	vmul.f32 v8, v2;
	v8 =	vld [tilespmem:s29+$0xFFFFFF90]  }
0xb5: {  	v9 =	vld [tilespmem:s29+$0xFFFFFFA0];
	[tilespmem:s29+$0xFFFFFF40] =	vst v3;
	v3 =	vmul.f32 v11, v2  }
0xb6: {  	v11 =	vld [tilespmem:s29+$0xFFFFFFC0];
	[tilespmem:s29+$0xFFFFFF30] =	vst v5;
	v5 =	vmul.f32 v10, v2  }
0xb7: {  	v10 =	vld [tilespmem:s29+$0xFFFFFFB0];
	v6 =	vmul.f32 v6, v2;
	[tilespmem:s29+$0xFFFFFF60] =	vst v3  }
0xb8: {  	v14 =	vld [tilespmem:s29+$0xFFFFFFE0];
	[tilespmem:s29+$0xFFFFFF50] =	vst v5;
	v5 =	vmul.f32 v7, v4  }
0xb9: {  	v2 =	vld.idx.msk [tilespmem:v12+s18+$0x0], $0xffff;
	v3 =	vmul.f32 v8, v4;
	[tilespmem:s29+$0xFFFFFF70] =	vst v6  }
0xba: {  	v8 =	vld [tilespmem:s29+$0xFFFFFFF0];
	[tilespmem:s29+$0xFFFFFF80] =	vst v5;
	v5 =	vmul.f32 v9, v4  }
0xbb: {  	v7 =	vld [tilespmem:s29+$0x0];
	v9 =	vmul.f32 v11, v4;
	[tilespmem:s29+$0xFFFFFF90] =	vst v3  }
0xbc: {  	v6 =	vld [tilespmem:s29+$0x10];
	v3 =	vmul.f32 v10, v4;
	[tilespmem:s29+$0xFFFFFFA0] =	vst v5  }
0xbd: {  	v10 =	vmul.f32 v13, v4;
	v5 =	vld [tilespmem:s29+$0x20];
	[tilespmem:s29+$0xFFFFFFC0] =	vst v9  }
0xbe: {  	v9 =	vmul.f32 v14, v4;
	[tilespmem:s29+$0xFFFFFFB0] =	vst v3;
	v3 =	vld [tilespmem:s29+$0x30]  }
0xbf: {  	s31 =	simm.s32 $0x0;
	s30 =	simm.s32 $0x1BD00;
	[tilespmem:s29+$0xFFFFFFD0] =	vst v10;
	v8 =	vmul.f32 v8, v4;
	v4 =	vld [tilespmem:s29+$0x40]  }
.LBB2_7:
0xc0: {  	s0 =	sadd.s32 s31, s25;
	s31 =	sadd.s32 $0x4, s31;
	[tilespmem:s29+$0xFFFFFFE0] =	vst v9;
	v7 =	vmul.f32 v7, v1;
	v9 =	vld [tilespmem:s29+$0x50]  }
0xc1: {  	s2 =	sadd.s32 $0x84, s0;
	s17 =	sadd.s32 $0x86, s0;
	p0 =	slt.u32 s31, $0x7C;
	[tilespmem:s29+$0xFFFFFFF0] =	vst v8;
	v6 =	vmul.f32 v6, v1;
	v8 =	vld [tilespmem:s29+$0x60]  }
0xc2: {  	v10 =	vmov s2;
	s2 =	sadd.s32 $0x85, s0;
	v11 =	vmov s17;
	s0 =	sadd.s32 $0x87, s0;
	[tilespmem:s29+$0x0] =	vst v7;
	v5 =	vmul.f32 v5, v1;
	v7 =	vld [tilespmem:s29+$0x80]  }
0xc3: {  	v10 =	vand.u32 $0xFFFFFFFC, v10;
	v12 =	vmov s2;
	v11 =	vand.u32 $0xFFFFFFFE, v11;
	[tilespmem:s29+$0x10] =	vst v6;
	v6 =	vld [tilespmem:s29+$0x90]  }
0xc4: {  	v10 =	vbroadcast v10, $0x0;
	v12 =	vand.u32 $0xFFFFFFFD, v12;
	v11 =	vbroadcast v11, $0x0;
	[tilespmem:s29+$0x20] =	vst v5;
	v5 =	vld [tilespmem:s29+$0xA0]  }
0xc5: {  	v13 =	vmov s0;
	v3 =	vmul.f32 v3, v1;
	v12 =	vbroadcast v12, $0x0;
	v14 =	vld [tilespmem:s29+$0xB0]  }
0xc6: {  	v4 =	vmul.f32 v4, v1;
	v9 =	vmul.f32 v9, v1;
	v15 =	vld [tilespmem:s29+$0xC0]  }
0xc7: {  	[tilespmem:s29+$0x30] =	vst v3;
	v3 =	vmul.f32 v8, v1;
	v7 =	vmul.f32 v7, v2;
	v8 =	vld [tilespmem:s29+$0xD0]  }
0xc8: {  	[tilespmem:s29+$0x40] =	vst v4;
	v4 =	vmul.f32 v6, v2;
	v6 =	vld [tilespmem:s29+$0xE0]  }
0xc9: {  	[tilespmem:s29+$0x50] =	vst v9;
	v5 =	vmul.f32 v5, v2;
	v9 =	vld [tilespmem:s29+$0xF0]  }
0xca: {  	s29 =	sadd.s32 $0x200, s29;
	v1 =	vld.idx.msk [tilespmem:v11+s18+$0x0], $0xffff;
	[tilespmem:s30+$0x60] =	vst v3;
	v3 =	vmul.f32 v14, v2  }
0xcb: {  	v11 =	vld [tilespmem:s29+$0x70];
	[tilespmem:s30+$0x80] =	vst v7;
	v7 =	vmul.f32 v15, v2  }
0xcc: {  	v10 =	vld.idx.msk [tilespmem:v10+s18+$0x0], $0xffff;
	[tilespmem:s30+$0x90] =	vst v4;
	v4 =	vmul.f32 v8, v2  }
0xcd: {  	v8 =	vld.idx.msk [tilespmem:v12+s18+$0x0], $0xffff;
	[tilespmem:s30+$0xA0] =	vst v5;
	v5 =	vmul.f32 v6, v2  }
0xce: {  	[tilespmem:s30+$0xB0] =	vst v3;
	v3 =	vmul.f32 v9, v2;
	v2 =	vld.idx.msk [tilespmem:v13+s18+$0x0], $0xffff  }
0xcf: {  	v6 =	vld [tilespmem:s29+$0xFFFFFF00];
	[tilespmem:s30+$0xC0] =	vst v7  }
0xd0: {  	v7 =	vld [tilespmem:s29+$0xFFFFFF10];
	v9 =	vmul.f32 v11, v1;
	[tilespmem:s30+$0xD0] =	vst v4  }
0xd1: {  	v4 =	vld [tilespmem:s29+$0xFFFFFF20];
	[tilespmem:s30+$0xE0] =	vst v5  }
0xd2: {  	v5 =	vld [tilespmem:s29+$0xFFFFFF30];
	[tilespmem:s29+$0x70] =	vst v9  }
0xd3: {  	v9 =	vld [tilespmem:s29+$0xFFFFFF40];
	[tilespmem:s30+$0xF0] =	vst v3;
	s30 =	smov.u32 s29  }
0xd4: {  	v3 =	vmul.f32 v6, v10;
	v6 =	vld [tilespmem:s29+$0xFFFFFF50]  }
0xd5: {  	v7 =	vmul.f32 v7, v10;
	v11 =	vld [tilespmem:s29+$0xFFFFFF60]  }
0xd6: {  	[tilespmem:s29+$0xFFFFFF00] =	vst v3;
	v3 =	vmul.f32 v4, v10;
	v4 =	vld [tilespmem:s29+$0xFFFFFF70]  }
0xd7: {  	[tilespmem:s29+$0xFFFFFF10] =	vst v7;
	v5 =	vmul.f32 v5, v10;
	v7 =	vld [tilespmem:s29+$0xFFFFFF80]  }
0xd8: {  	[tilespmem:s29+$0xFFFFFF20] =	vst v3;
	v3 =	vmul.f32 v9, v10;
	v9 =	vld [tilespmem:s29+$0xFFFFFF90]  }
0xd9: {  	[tilespmem:s29+$0xFFFFFF30] =	vst v5;
	v5 =	vmul.f32 v6, v10;
	v6 =	vld [tilespmem:s29+$0xFFFFFFA0]  }
0xda: {  	[tilespmem:s29+$0xFFFFFF40] =	vst v3;
	v3 =	vmul.f32 v11, v10;
	v11 =	vld [tilespmem:s29+$0xFFFFFFB0]  }
0xdb: {  	[tilespmem:s29+$0xFFFFFF50] =	vst v5;
	v4 =	vmul.f32 v4, v10;
	v5 =	vld [tilespmem:s29+$0xFFFFFFC0]  }
0xdc: {  	[tilespmem:s29+$0xFFFFFF60] =	vst v3;
	v3 =	vmul.f32 v7, v8;
	v10 =	vld [tilespmem:s29+$0xFFFFFFD0]  }
0xdd: {  	[tilespmem:s29+$0xFFFFFF70] =	vst v4;
	v4 =	vmul.f32 v9, v8;
	v9 =	vld [tilespmem:s29+$0xFFFFFFE0]  }
0xde: {  	[tilespmem:s29+$0xFFFFFF80] =	vst v3;
	v3 =	vmul.f32 v6, v8;
	v12 =	vld [tilespmem:s29+$0xFFFFFFF0]  }
.Ltmp2:
0xdf: {  	[tilespmem:s29+$0xFFFFFF90] =	vst v4;
	v4 =	vmul.f32 v11, v8;
	v7 =	vld [tilespmem:s29+$0x0];
	(pc) =	sbr.rel @p0 .LBB2_7-.Ltmp2, $4  }
0xe0: {  	[tilespmem:s29+$0xFFFFFFA0] =	vst v3;
	v3 =	vmul.f32 v5, v8;
	v6 =	vld [tilespmem:s29+$0x10]  }
0xe1: {  	[tilespmem:s29+$0xFFFFFFB0] =	vst v4;
	v4 =	vmul.f32 v10, v8;
	v5 =	vld [tilespmem:s29+$0x20]  }
0xe2: {  	[tilespmem:s29+$0xFFFFFFC0] =	vst v3;
	v9 =	vmul.f32 v9, v8;
	v3 =	vld [tilespmem:s29+$0x30]  }
0xe3: {  	[tilespmem:s29+$0xFFFFFFD0] =	vst v4;
	v8 =	vmul.f32 v12, v8;
	v4 =	vld [tilespmem:s29+$0x40]  }
0xe4: {  	v10 =	vld [tilespmem:s29+$0x50]  }
0xe5: {  	[tilespmem:s29+$0xFFFFFFE0] =	vst v9;
	v7 =	vmul.f32 v7, v1;
	v54 =	vld [tilespmem:s29+$0x60]  }
0xe6: {  	v55 =	vld [tilespmem:s29+$0x80];
	[tilespmem:s29+$0xFFFFFFF0] =	vst v8;
	v6 =	vmul.f32 v6, v1  }
0xe7: {  	v56 =	vld [tilespmem:s29+$0x90];
	[tilespmem:s29+$0x0] =	vst v7;
	v5 =	vmul.f32 v5, v1  }
0xe8: {  	v57 =	vld [tilespmem:s29+$0xA0];
	[tilespmem:s29+$0x10] =	vst v6;
	v3 =	vmul.f32 v3, v1  }
0xe9: {  	v58 =	vld [tilespmem:s29+$0xB0];
	[tilespmem:s29+$0x20] =	vst v5;
	v4 =	vmul.f32 v4, v1  }
0xea: {  	v11 =	vld [tilespmem:s29+$0xC0];
	v10 =	vmul.f32 v10, v1;
	[tilespmem:s29+$0x30] =	vst v3  }
0xeb: {  	v60 =	vld [tilespmem:s29+$0xE0];
	v59 =	vmul.f32 v55, v2;
	[tilespmem:s29+$0x40] =	vst v4  }
0xec: {  	v3 =	vld [tilespmem:s29+$0xD0];
	v7 =	vmul.f32 v56, v2;
	[tilespmem:s29+$0x50] =	vst v10  }
0xed: {  	v61 =	vld [tilespmem:s29+$0xF0];
	v1 =	vmul.f32 v54, v1;
	[tilespmem:s30+$0x80] =	vst v59  }
0xee: {  	v62 =	vmul.f32 v58, v2;
	[tilespmem:s30+$0x90] =	vst v7  }
0xef: {  	[tilespmem:s30+$0x60] =	vst v1;
	v1 =	vmul.f32 v57, v2  }
0xf0: {  	s26 =	sadd.s32 $0x1, s26;
	v63 =	vmul.f32 v11, v2;
	[tilespmem:s30+$0xB0] =	vst v62  }
0xf1: {  	p0 =	sne.s32 s26, $0x14;
	[tilespmem:s30+$0xA0] =	vst v1;
	v1 =	vmul.f32 v3, v2  }
.Ltmp3:
0xf2: {  	[tilespmem:s30+$0xC0] =	vst v63;
	v3 =	vmul.f32 v60, v2;
	(pc) =	sbr.rel @p0 .LBB2_4-.Ltmp3, $4  }
0xf3: {  	s0 =	sshll.u32 s28, $0x7;
	v2 =	vmul.f32 v61, v2;
	[tilespmem:s30+$0xD0] =	vst v1  }
0xf4: {  	s0 =	sand.u32 $0x3FFFFF80, s0;
	[tilespmem:s30+$0xE0] =	vst v3  }
0xf5: {  	s25 =	sadd.s32 $0x100, s25;
	s0 =	sadd.s32 $0x1400, s0;
	[tilespmem:s30+$0xF0] =	vst v2  }
0xf6: {  	[spmem:s1] =	stream.indirect.scatter.add.f32 [tilespmem:s20], [sflag:$0x4], $0x80, s0, s19, $0xb8;
	[tilespmem:$0x1FC00] =	vst v63  }
0xf7: {  	_ =	swait.ge [sflag:s23], $0x4000  }
0xf8: {  	[sflag:s23] =	ssyncset.done $0x0  }
0xf9: {  	[sflag:s23] =	ssyncadd.s32 $0xFFFFC000  }
0xfa: {  	s0 =	stileid.u32;
	_ =	swait.ge [sflag:s24], $0x4000  }
0xfb: {  	s2 =	sshrl.u32 s5, $0x3;
	s3 =	sadd.s32 $0x1, s3;
	[sflag:s24] =	ssyncset.done $0x0  }
0xfc: {  	s0 =	sshll.u32 s0, $0x6;
	p0 =	sne.s32 s3, s13;
	[sflag:s24] =	ssyncadd.s32 $0xFFFFC000  }
.Ltmp4:
0xfd: {  	s0 =	sor.u32 $0x1C05, s0;
	[bflag:$0x0] =	sbarrier.arrive $0xFFFF;
	(pc) =	sbr.rel @p0 .LBB2_1-.Ltmp4, $4  }
0xfe: {  	[hbm:s14], [sflag:s0] =	dma.local [spmem:s2], $0x2800  }
0xff: {  	_ =	swait.ge [sflag:s16], $0x2800  }
0x100: {  	[sflag:s16] =	ssyncset.done $0x0  }
0x101: {  	[sflag:s16] =	ssyncadd.s32 $0xFFFFD800  }
0x102: {  	_ =	sfence.sel $0x180000  }
0x103: {  	[bflag:$0x0] =	sbarrier.arrive $0xFFFF  }
0x104: {  	_ =	strace $0x9000004D  }
0x105: {  	s0 =	stileid.u32;
	[bflag:$0x2] =	sbarrier.arrive $0xFFFF  }
0x106: {  	p0 =	sne.s32 s0, $0x0;
	s0 =	rddreg [dreg:$0x2]  }
0x107: {  	s0 =	sadd.s32 @!p0 $0x100000, s0  }
0x108: {  	[sflag:s0] =	ssyncadd.tile.s32 @!p0 $0x1;
	_ =	shalt  }
.Lfunc_end2:
_tile_overlayer_lowered:
.L_overlay_start_2:
0x109: {  	(tag) =	ssettag $0x2  }
0x10a: {  	s0 =	rddreg [dreg:$0x0];
	s2 =	stileid.u32  }
0x10b: {  	s1 =	rddreg [dreg:$0x1];
	p0 =	sne.s32 s2, $0x0  }
0x10c: {  	s3 =	rddreg [dreg:$0x2];
	[bflag:$0x3] =	sbarrier.arrive $0xFFFF;
	s2 =	simm.s32 @!p0 $0x1C05  }
0x10d: {  	[timem:s3], [sflag:s2] =	dma.local @!p0 [hbm:s0], s1  }
0x10e: {  	s0 =	simm.s32 @!p0 $0x5  }
0x10f: {  	_ =	swait.ge @!p0 [sflag:s0], s1  }
0x110: {  	s1 =	ssub.s32 @!p0 $0x0, s1;
	[sflag:s0] =	ssyncset.done @!p0 $0x0  }
0x111: {  	[sflag:s0] =	ssyncadd.s32 @!p0 s1  }
0x112: {  	[bflag:$0x3] =	sbarrier.arrive $0xFFFF  }
0x113: {  	_ =	shalt  }

// kernel: kernel.22.cloned.1.call-start
scs
__scs_entry_jumppad:
0x0: {  	(pc) =	sbr.rel $0x88, $3  }
0x1: {  	(tag) =	ssettag $0x0;
	lr =	simm.s32 $0x1  }
0x2: {  	[smem:$0x3F95] =	sst lr;
	_ =	strace $0xD0000000  }
0x3: {  	_ = 	snop  }
0x4: {  	_ = 	snop  }
0x5: {  	_ = 	snop  }
0x6: {  	_ = 	snop  }
0x7: {  	_ = 	snop  }
__scs_overlays_trampoline_lowered:
0x8: {  	[smem:$0x3FA4] =	sst s0  }
0x9: {  	[smem:$0x3FA5] =	sst s1  }
0xa: {  	[smem:$0x3FA6] =	sst s2  }
0xb: {  	[smem:$0x3FA7] =	sst s3  }
0xc: {  	[smem:$0x3FA8] =	sst s4  }
0xd: {  	[smem:$0x3FA9] =	sst s5  }
0xe: {  	[smem:$0x3FAA] =	sst s6  }
0xf: {  	[smem:$0x3FAB] =	sst s7  }
0x10: {  	[smem:$0x3FAC] =	sst s8  }
0x11: {  	[smem:$0x3FAD] =	sst s9;
	s0 =	simm.s32 @!p0 $0x0  }
0x12: {  	s1 =	sld [smem:$0x3F93];
	s0 =	simm.s32 @p0 $0x1  }
0x13: {  	[smem:$0x3FAE] =	sst s0;
	s0 =	simm.s32 @!p1 $0x0  }
0x14: {  	s2 =	sld [smem:$0x3F92];
	s0 =	simm.s32 @p1 $0x1  }
0x15: {  	[smem:$0x3FAF] =	sst s0;
	s0 =	simm.s32 @!p2 $0x0  }
0x16: {  	s3 =	sld [smem:$0x3FDB];
	s0 =	simm.s32 @p2 $0x1  }
0x17: {  	s4 =	simm.s32 $0x1BF5;
	[smem:$0x3FB1] =	sst s0  }
0x18: {  	s0 =	sld [smem:$0x3F94];
	_ =	swait.ge [sflag:s4], $0x0  }
0x19: {  	s7 =	sld [smem:$0x3F95]  }
0x1a: {  	s8 =	sadd.s32 $0xFFFFE003, lr  }
0x1b: {  	s9 =	sadd.s32 $0xFFFFFEF7, lr;
	s5 =	simm.s32 $0xFFFFFFFF;
	p2 =	slt.u32 s8, $0xFFFFF086  }
0x1c: {  	p1 =	slt.u32 s9, $0xF7A;
	s5 =	simm.s32 @!p2 $0x0  }
0x1d: {  	s5 =	simm.s32 @p1 $0x1;
	p0 =	seq.s32 s7, s2  }
0x1e: {  	s7 =	smul.u32 @!p0 $0xF7A, s2;
	p2 =	seq.s32 @!p0 s5, $0x0  }
0x1f: {  	s9 =	smul.u32 $0xF7A, s1;
	s8 =	simm.s32 @!p0 $0x1BF5;
	p2 =	por !p2, p0  }
0x20: {  	[sflag:s8] =	ssyncset.s32 @!p0 $0xFFFFF086;
	s6 =	sadd.s32 @!p0 s3, s7;
	s7 =	simm.s32 @!p0 $0x108  }
0x21: {  	s3 =	sadd.s32 s3, s9;
	s6 =	sadd.s32 @!p0 $0x88, s6;
	s7 =	simm.s32 @p2 $0x1082  }
0x22: {  	[simem:s7], [sflag:s8] =	dma.local @!p0 [hbm:s6], $0xF7A  }
0x23: {  	s9 =	sor.u32 $0xD0000000, s2;
	s6 =	simm.s32 $0x108;
	_ =	swait.ge @!p0 [sflag:s8], $0x0  }
0x24: {  	s3 =	sadd.s32 $0x88, s3;
	s6 =	simm.s32 @!p1 $0x1082;
	[sflag:s4] =	ssyncset.s32 $0xFFFFF086  }
0x25: {  	[simem:s6], [sflag:s4] =	dma.local [hbm:s3], $0xF7A  }
0x26: {  	[smem:$0x3F95] =	sst s1;
	(tag) =	ssettag s2;
	_ =	strace s9  }
0x27: {  	s1 =	sld [smem:$0x3FA5]  }
0x28: {  	s2 =	sld [smem:$0x3FA6]  }
0x29: {  	s4 =	sld [smem:$0x3FA8]  }
0x2a: {  	p0 =	seq.s32 s5, $0x0;
	s5 =	sld [smem:$0x3FA9]  }
0x2b: {  	s6 =	sld [smem:$0x3FAA]  }
0x2c: {  	s7 =	sld [smem:$0x3FAB]  }
0x2d: {  	s3 =	simm.s32 $0x108;
	s8 =	sld [smem:$0x3FAC]  }
0x2e: {  	s3 =	simm.s32 @!p0 $0x1082;
	s9 =	sld [smem:$0x3FAD]  }
0x2f: {  	lr =	sadd.s32 s0, s3;
	s0 =	sld [smem:$0x3FA4]  }
0x30: {  	s3 =	sld [smem:$0x3FA7]  }
0x31: {  	[smem:$0x3FB0] =	sst s10  }
0x32: {  	s10 =	sld [smem:$0x3FAE];
	_ =	sdelay $0x3  }
0x33: {  	p0 =	seq.s32 s10, $0x1;
	s10 =	sld [smem:$0x3FB0];
	_ =	sdelay $0x3  }
0x34: {  	[smem:$0x3FB0] =	sst s10  }
0x35: {  	s10 =	sld [smem:$0x3FAF];
	_ =	sdelay $0x3  }
0x36: {  	p1 =	seq.s32 s10, $0x1;
	s10 =	sld [smem:$0x3FB0];
	_ =	sdelay $0x3  }
0x37: {  	[smem:$0x3FB0] =	sst s10  }
0x38: {  	s10 =	sld [smem:$0x3FB1]  }
0x39: {  	_ = 	snop;
	(pc) =	sbr.ind lr, $3  }
0x3a: {  	_ = 	snop  }
0x3b: {  	_ = 	snop  }
0x3c: {  	p2 =	seq.s32 s10, $0x1;
	s10 =	sld [smem:$0x3FB0]  }
0x3d: {  	_ =	shalt  }
0x3e: {  	_ =	shalt  }
0x3f: {  	_ =	shalt  }
0x40: {  	_ =	shalt  }
0x41: {  	_ =	shalt  }
0x42: {  	_ =	shalt  }
0x43: {  	_ =	shalt  }
0x44: {  	_ =	shalt  }
0x45: {  	_ =	shalt  }
0x46: {  	_ =	shalt  }
0x47: {  	_ =	shalt  }
0x48: {  	_ =	shalt  }
0x49: {  	_ =	shalt  }
0x4a: {  	_ =	shalt  }
0x4b: {  	_ =	shalt  }
0x4c: {  	_ =	shalt  }
0x4d: {  	_ =	shalt  }
0x4e: {  	_ =	shalt  }
0x4f: {  	_ =	shalt  }
0x50: {  	_ =	shalt  }
0x51: {  	_ =	shalt  }
0x52: {  	_ =	shalt  }
0x53: {  	_ =	shalt  }
0x54: {  	_ =	shalt  }
0x55: {  	_ =	shalt  }
0x56: {  	_ =	shalt  }
0x57: {  	_ =	shalt  }
0x58: {  	_ =	shalt  }
0x59: {  	_ =	shalt  }
0x5a: {  	_ =	shalt  }
0x5b: {  	_ =	shalt  }
0x5c: {  	_ =	shalt  }
0x5d: {  	_ =	shalt  }
0x5e: {  	_ =	shalt  }
0x5f: {  	_ =	shalt  }
0x60: {  	_ =	shalt  }
0x61: {  	_ =	shalt  }
0x62: {  	_ =	shalt  }
0x63: {  	_ =	shalt  }
0x64: {  	_ =	shalt  }
0x65: {  	_ =	shalt  }
0x66: {  	_ =	shalt  }
0x67: {  	_ =	shalt  }
0x68: {  	_ =	shalt  }
0x69: {  	_ =	shalt  }
0x6a: {  	_ =	shalt  }
0x6b: {  	_ =	shalt  }
0x6c: {  	_ =	shalt  }
0x6d: {  	_ =	shalt  }
0x6e: {  	_ =	shalt  }
0x6f: {  	_ =	shalt  }
0x70: {  	_ =	shalt  }
0x71: {  	_ =	shalt  }
0x72: {  	_ =	shalt  }
0x73: {  	_ =	shalt  }
0x74: {  	_ =	shalt  }
0x75: {  	_ =	shalt  }
0x76: {  	_ =	shalt  }
0x77: {  	_ =	shalt  }
0x78: {  	_ =	shalt  }
0x79: {  	_ =	shalt  }
0x7a: {  	_ =	shalt  }
0x7b: {  	_ =	shalt  }
0x7c: {  	_ =	shalt  }
0x7d: {  	_ =	shalt  }
0x7e: {  	_ =	shalt  }
0x7f: {  	_ =	shalt  }
0x80: {  	_ =	shalt  }
0x81: {  	_ =	shalt  }
0x82: {  	_ =	shalt  }
0x83: {  	_ =	shalt  }
0x84: {  	_ =	shalt  }
0x85: {  	_ =	shalt  }
0x86: {  	_ =	shalt  }
0x87: {  	_ =	shalt  }
.Lfunc_end0:
.L_simem_size_0:
called_computation.3_lowered:
.L_overlay_start_0:
0x88: {  	s2 =	sld [smem:$0x3FD9]  }
0x89: {  	s3 =	sld [smem:$0x3FFE];
	_ =	sdelay $0x1  }
0x8a: {  	s1 =	srdreg.scid  }
0x8b: {  	s0 =	sand.u32 $0x1, s1  }
0x8c: {  	s16 =	sshll.u32 s0, $0xA;
	s2 =	sadd.s32 s3, s2  }
0x8d: {  	s2 =	sadd.s32 s2, s16  }
0x8e: {  	[smem:$0x3FBC] =	sst s2  }
0x8f: {  	_ = 	snop  }
0x90: {  	(tm) =	ssettm $0x1  }
0x91: {  	s17 =	sld [smem:$0x3FFB];
	_ =	sdelay $0x3  }
0x92: {  	_ =	strace s17  }
0x93: {  	s2 =	sld [smem:$0x3FFC];
	_ =	sdelay $0x3  }
0x94: {  	_ =	strace s2  }
0x95: {  	s2 =	sld [smem:$0x3FFD];
	_ =	sdelay $0x3  }
0x96: {  	_ =	strace s2  }
0x97: {  	_ =	strace $0x8FFFFFFF  }
0x98: {  	s18 =	sld [smem:$0x3FDB];
	_ =	sdelay $0x1  }
0x99: {  	s19 =	simm.s32 $_scs_section_size  }
0x9a: {  	s4 =	simm.s32 $_size__tile_overlayer_lowered;
	s5 =	simm.s32 $_tile_overlayer_lowered  }
0x9b: {  	s22 =	simm.s32 $0x1BFF;
	s21 =	sshll.u32 s5, $0x1;
	s2 =	sadd.s32 s19, s18  }
0x9c: {  	s6 =	simm.s32 $0x0;
	s20 =	sshll.u32 s4, $0x1;
	s4 =	sadd.s32 s21, s2  }
0x9d: {  	[timem:s6], [sflag:s22] =	dma.local [hbm:s4], s20  }
0x9e: {  	_ =	swait.ge [sflag:s22], s20  }
0x9f: {  	s3 =	ssub.s32 $0x0, s20;
	[sflag:s22] =	ssyncset.done $0x0  }
0xa0: {  	[sflag:s22] =	ssyncadd.s32 s3;
	_ =	sdelay $0x1  }
0xa1: {  	s23 =	simm.s32 $0x1B8B  }
0xa2: {  	_ =	swait.ge [sflag:s23], $0x1  }
0xa3: {  	[sflag:s23] =	ssyncset.done $0x0  }
0xa4: {  	s25 =	simm.s32 $0x1B8E;
	s24 =	sld [smem:$0x3FFE];
	[sflag:s23] =	ssyncadd.s32 $0xFFFFFFFF  }
0xa5: {  	s26 =	simm.s32 $execute0_lowered;
	[smem:$0x3FD2] =	sst s25  }
0xa6: {  	s4 =	sshll.u32 s26, $0x1;
	_ =	strace $0x8000004F;
	[dreg:$0x1] =	wrdreg $0xFFFFFFFF  }
0xa7: {  	s28 =	simm.s32 $_size_execute0_lowered;
	s2 =	sadd.s32 s2, s4;
	[dreg:$0x0] =	wrdreg $0x0  }
0xa8: {  	s4 =	sshll.u32 s28, $0x1;
	[dreg:$0x2] =	wrdreg s2  }
0xa9: {  	[dreg:$0x3] =	wrdreg s4  }
0xaa: {  	[dreg:$0x4] =	wrdreg $0xC0  }
0xab: {  	_ =	task [dreg:s6], $0x5FFFF  }
0xac: {  	[dreg:$0x1] =	wrdreg $0xFFFFFFFF  }
0xad: {  	[dreg:$0x0] =	wrdreg $0x60  }
0xae: {  	[dreg:$0x2] =	wrdreg s24  }
0xaf: {  	[dreg:$0x3] =	wrdreg $0x3C000  }
0xb0: {  	[dreg:$0x4] =	wrdreg $0x9  }
0xb1: {  	_ =	task.clear_ibuf [dreg:s6], $0x5FFFF;
	_ =	strace $0x9000004F  }
0xb2: {  	s29 =	simm.s32 $0x9;
	_ =	strace $0x80000051  }
0xb3: {  	_ =	swait.ge [sflag:s29], $0x1  }
0xb4: {  	[sflag:s29] =	ssyncadd.s32 $0xFFFFFFFF  }
0xb5: {  	_ =	strace $0x90000051  }
0xb6: {  	_ =	sfence  }
0xb7: {  	s30 =	sld [smem:$0x0];
	_ =	sdelay $0x2  }
0xb8: {  	s31 =	sshll.u32 s1, $0xD;
	s1 =	sshrl.u32 s1, $0x2  }
0xb9: {  	s3 =	sand.u32 $0x4000, s31;
	s1 =	sadd.s32 s1, s30  }
0xba: {  	s0 =	sor.u32 s3, s0;
	s1 =	sshll.u32 s1, $0x11  }
0xbb: {  	s0 =	sor.u32 s1, s0  }
0xbc: {  	s0 =	sadd.s32 $0x8F2B, s0  }
0xbd: {  	[sflag:s0] =	ssyncadd.remote.s32 $0x1  }
0xbe: {  	_ =	sfence.sel $0xFFFF  }
0xbf: {  	[dreg:$0x0] =	wrdreg $0xFFFFFFFF;
	(pc) =	sbr.abs _section_cstart, $3  }
0xc0: {  	[dreg:$0x1] =	wrdreg $0xFFFFFFFF  }
0xc1: {  	_ =	task.clear_ibuf [dreg:s6], $0x2FFFF;
	_ =	strace $0x9FFFFFFF  }
0xc2: {  	(tm) =	ssettm $0x7FFFFFFF  }
0xc3: {  	_ =	shalt  }
tec
execute0_lowered:
.L_overlay_start_1:
0x0: {  	(tag) =	ssettag $0x1  }
0x1: {  	s13 =	rddreg [dreg:$0x0]  }
0x2: {  	s1 =	rddreg [dreg:$0x1];
	s2 =	srdreg.scid  }
0x3: {  	s3 =	simm.s32 $0x0;
	s0 =	stileid.u32;
	s15 =	simm.s32 $0x8AA00  }
0x4: {  	s18 =	simm.s32 $0x2800;
	s19 =	simm.s32 $0x80;
	s20 =	simm.s32 $0x1BC00  }
0x5: {  	s21 =	simm.s32 $0x1;
	s22 =	simm.s32 $0x2;
	s23 =	simm.s32 $0x3  }
0x6: {  	s24 =	simm.s32 $0x4;
	s10 =	sand.u32 $0x1, s2;
	s5 =	smul.u32 $0x50000, s0  }
0x7: {  	[smem:$0x7FF] =	sst s3;
	s16 =	smul.u32 $0x2800, s0;
	s4 =	sshll.u32 s10, $0x4  }
0x8: {  	_ =	strace $0x80000050;
	s7 =	ssub.s32 $0x2, s10;
	p0 =	seq.s32 s10, $0x1  }
0x9: {  	s4 =	sor.u32 s0, s4;
	s8 =	sshrl.u32 s7, $0x1;
	s5 =	sshrl.u32 s5, $0x2  }
0xa: {  	s15 =	simm.s32 @!p0 $0x62A00;
	s6 =	smul.u32 $0x280, s4;
	s4 =	sadd.s32 $0xA600, s13  }
0xb: {  	s14 =	ssub.s32 s7, s8;
	s5 =	sadd.s32 s5, s1;
	s15 =	sadd.s32 s15, s13  }
0xc: {  	s7 =	sadd.s32 $0x8000, s5;
	s8 =	sadd.s32 $0xC000, s5;
	s9 =	sadd.s32 $0x10000, s5  }
0xd: {  	s12 =	sadd.s32 s6, s13;
	s6 =	sadd.s32 $0x4000, s5;
	s13 =	smax.u32 s14, $0x1  }
0xe: {  	s14 =	sadd.s32 s15, s16;
	s15 =	simm.s32 $0x17C00;
	s16 =	simm.s32 $0x5  }
0xf: {  	v0 =	vimm.f32 $0.0e+00;
	s10 =	sadd.s32 $0x58A00, s12;
	s11 =	sadd.s32 $0x5DA00, s12;
	s12 =	sadd.s32 $0x5600, s12  }
.LBB2_1:
0x10: {  	s25 =	simm.s32 $0x0;
	s26 =	simm.s32 $0x200  }
.LBB2_2:
0x11: {  	p0 =	sne.s32 s26, $0xFE00;
	[tilespmem:s25+$0x17C70] =	vst v0  }
0x12: {  	[tilespmem:s25+$0x17C00] =	vst v0  }
0x13: {  	[tilespmem:s25+$0x17C10] =	vst v0  }
.Ltmp0:
0x14: {  	[tilespmem:s25+$0x17C20] =	vst v0;
	(pc) =	sbr.rel @p0 .LBB2_2-.Ltmp0, $4  }
0x15: {  	[tilespmem:s25+$0x17C30] =	vst v0  }
0x16: {  	[tilespmem:s25+$0x17C40] =	vst v0  }
0x17: {  	[tilespmem:s25+$0x17C50] =	vst v0  }
0x18: {  	[tilespmem:s25+$0x17C60] =	vst v0;
	s25 =	sshra.s32 s26, $0x2;
	s26 =	sadd.s32 $0x200, s26  }
0x19: {  	[tilespmem:s25+$0x17C70] =	vst v0  }
0x1a: {  	[tilespmem:s25+$0x17C00] =	vst v0  }
0x1b: {  	[tilespmem:s25+$0x17C10] =	vst v0  }
0x1c: {  	[tilespmem:s25+$0x17C20] =	vst v0  }
0x1d: {  	[tilespmem:s25+$0x17C30] =	vst v0  }
0x1e: {  	[tilespmem:s25+$0x17C40] =	vst v0  }
0x1f: {  	[tilespmem:s25+$0x17C50] =	vst v0  }
0x20: {  	[tilespmem:s25+$0x17C60] =	vst v0  }
0x21: {  	[spmem:s5] =	stream.linear.scatter [tilespmem:s15], [sflag:$0x5], $0x4000, $0x38;
	[tilespmem:$0x1FC00] =	vst v63  }
0x22: {  	_ =	swait.ge [sflag:s16], $0x4000  }
0x23: {  	[sflag:s16] =	ssyncset.done $0x0  }
0x24: {  	[sflag:s16] =	ssyncadd.s32 $0xFFFFC000  }
0x25: {  	[spmem:s6] =	stream.linear.scatter [tilespmem:s15], [sflag:$0x5], $0x4000, $0x38;
	[tilespmem:$0x1FC00] =	vst v63  }
0x26: {  	_ =	swait.ge [sflag:s16], $0x4000  }
0x27: {  	[sflag:s16] =	ssyncset.done $0x0  }
0x28: {  	[sflag:s16] =	ssyncadd.s32 $0xFFFFC000  }
0x29: {  	[spmem:s7] =	stream.linear.scatter [tilespmem:s15], [sflag:$0x5], $0x4000, $0x38;
	[tilespmem:$0x1FC00] =	vst v63  }
0x2a: {  	_ =	swait.ge [sflag:s16], $0x4000  }
0x2b: {  	[sflag:s16] =	ssyncset.done $0x0  }
0x2c: {  	[sflag:s16] =	ssyncadd.s32 $0xFFFFC000  }
0x2d: {  	[spmem:s8] =	stream.linear.scatter [tilespmem:s15], [sflag:$0x5], $0x4000, $0x38;
	[tilespmem:$0x1FC00] =	vst v63  }
0x2e: {  	_ =	swait.ge [sflag:s16], $0x4000  }
0x2f: {  	[sflag:s16] =	ssyncset.done $0x0  }
0x30: {  	[sflag:s16] =	ssyncadd.s32 $0xFFFFC000  }
0x31: {  	[spmem:s9] =	stream.linear.scatter [tilespmem:s15], [sflag:$0x5], $0x4000, $0x38;
	[tilespmem:$0x1FC00] =	vst v63  }
0x32: {  	_ =	swait.ge [sflag:s16], $0x4000  }
0x33: {  	[sflag:s16] =	ssyncset.done $0x0  }
0x34: {  	s25 =	simm.s32 $0x0;
	[sflag:s16] =	ssyncadd.s32 $0xFFFFC000  }
0x35: {  	[tilespmem:s25], [sflag:$0x5] =	stream.linear.gather [hbm4b:s10+s25], $0x1400, $0x38;
	[tilespmem:$0x1FC00] =	vst v63  }
0x36: {  	_ =	swait.ge [sflag:s16], $0x1400  }
0x37: {  	[sflag:s16] =	ssyncset.done $0x0  }
0x38: {  	s0 =	simm.s32 $0x1400;
	[sflag:s16] =	ssyncadd.s32 $0xFFFFEC00  }
0x39: {  	[tilespmem:s0], [sflag:$0x5] =	stream.linear.gather [hbm4b:s11+s25], $0x1400, $0x38;
	[tilespmem:$0x1FC00] =	vst v63  }
0x3a: {  	_ =	swait.ge [sflag:s16], $0x1400  }
0x3b: {  	[sflag:s16] =	ssyncset.done $0x0  }
0x3c: {  	[sflag:s16] =	ssyncadd.s32 $0xFFFFEC00  }
0x3d: {  	[tilespmem:s18], [sflag:$0x5] =	stream.linear.gather [hbm4b:s12+s25], $0x1400, $0x38;
	[tilespmem:$0x1FC00] =	vst v63  }
0x3e: {  	_ =	swait.ge [sflag:s16], $0x1400  }
0x3f: {  	[sflag:s16] =	ssyncset.done $0x0  }
0x40: {  	[sflag:s16] =	ssyncadd.s32 $0xFFFFEC00  }
0x41: {  	[bflag:$0x0] =	sbarrier.arrive $0xFFFF  }
0x42: {  	[tilespmem:s15], [sflag:$0x1] =	stream.indirect.gather [hbm4b:s4+s19], $0x80, s25, s19, $0xb8;
	[tilespmem:$0x1FC00] =	vst v63  }
0x43: {  	s26 =	simm.s32 $0x0  }
0x44: {  	[tilespmem:s20], [sflag:$0x2] =	stream.indirect.gather [hbm4b:s4+s19], $0x80, s19, s19, $0xb8;
	[tilespmem:$0x1FC00] =	vst v63  }
.LBB2_4:
0x45: {  	_ =	swait.ge [sflag:s21], $0x4000  }
0x46: {  	s30 =	sadd.s32 $0xFFFFFFFC, s25;
	p0 =	seq.s32 s26, $0x0;
	[sflag:s21] =	ssyncset.done $0x0  }
0x47: {  	s28 =	sadd.s32 $0x6, s30;
	s29 =	simm.s32 @!p0 $0x4;
	[sflag:s21] =	ssyncadd.s32 $0xFFFFC000  }
0x48: {  	v1 =	vmov s28;
	s28 =	sadd.s32 $0x4, s30;
	_ =	swait.ge @!p0 [sflag:s29], $0x4000  }
0x49: {  	v2 =	vmov s28;
	s28 =	sshllo.u32 s26, $0x1;
	[sflag:s29] =	ssyncset.done @!p0 $0x0  }
0x4a: {  	[sflag:s29] =	ssyncadd.s32 @!p0 $0xFFFFC000;
	s29 =	sshll.u32 @!p0 s28, $0x7  }
0x4b: {  	s31 =	simm.s32 @!p0 $0x80;
	s0 =	simm.s32 @!p0 $0x1BC00;
	v1 =	vand.u32 $0xFFFFFFFE, v1;
	s29 =	sand.u32 @!p0 $0x3FFFFF80, s29  }
0x4c: {  	v1 =	vbroadcast v1, $0x0;
	v2 =	vand.u32 $0xFFFFFFFC, v2;
	[tilespmem:s0], [sflag:$0x2] =	stream.indirect.gather @!p0 [hbm4b:s4+s31], $0x80, s29, s31, $0xb8;
	[tilespmem:$0x1FC00] =	vst v63  }
0x4d: {  	v2 =	vbroadcast v2, $0x0;
	s29 =	simm.s32 $0x17D00  }
0x4e: {  	v3 =	vld [tilespmem:s29+$0x70]  }
0x4f: {  	v5 =	vld [tilespmem:s29+$0xFFFFFF00]  }
0x50: {  	s2 =	sadd.s32 $0x5, s30;
	v6 =	vld [tilespmem:s29+$0xFFFFFF10]  }
0x51: {  	v4 =	vmov s2;
	v7 =	vld [tilespmem:s29+$0xFFFFFF20]  }
0x52: {  	v4 =	vand.u32 $0xFFFFFFFD, v4;
	v1 =	vld.idx.msk [tilespmem:v1+s18+$0x0], $0xffff  }
0x53: {  	v4 =	vbroadcast v4, $0x0;
	v2 =	vld.idx.msk [tilespmem:v2+s18+$0x0], $0xffff  }
0x54: {  	v8 =	vld [tilespmem:s29+$0xFFFFFF30]  }
0x55: {  	v9 =	vld [tilespmem:s29+$0xFFFFFF40]  }
0x56: {  	v10 =	vld [tilespmem:s29+$0xFFFFFF50]  }
0x57: {  	v11 =	vld [tilespmem:s29+$0xFFFFFF60];
	v3 =	vmul.f32 v3, v1  }
0x58: {  	v13 =	vld [tilespmem:s29+$0xFFFFFFD0];
	v5 =	vmul.f32 v5, v2  }
0x59: {  	v4 =	vld.idx.msk [tilespmem:v4+s18+$0x0], $0xffff;
	[tilespmem:s29+$0x70] =	vst v3;
	v3 =	vmul.f32 v7, v2  }
0x5a: {  	[tilespmem:s29+$0xFFFFFF00] =	vst v5;
	v5 =	vmul.f32 v6, v2;
	v6 =	vld [tilespmem:s29+$0xFFFFFF70]  }
0x5b: {  	s17 =	sadd.s32 $0x7, s30;
	v7 =	vld [tilespmem:s29+$0xFFFFFF80];
	[tilespmem:s29+$0xFFFFFF20] =	vst v3;
	v3 =	vmul.f32 v9, v2  }
0x5c: {  	v12 =	vmov s17;
	[tilespmem:s29+$0xFFFFFF10] =	vst v5;
	v5 =	vmul.f32 v8, v2;
	v8 =	vld [tilespmem:s29+$0xFFFFFF90]  }
0x5d: {  	v9 =	vld [tilespmem:s29+$0xFFFFFFA0];
	[tilespmem:s29+$0xFFFFFF40] =	vst v3;
	v3 =	vmul.f32 v11, v2  }
0x5e: {  	v11 =	vld [tilespmem:s29+$0xFFFFFFC0];
	[tilespmem:s29+$0xFFFFFF30] =	vst v5;
	v5 =	vmul.f32 v10, v2  }
0x5f: {  	v10 =	vld [tilespmem:s29+$0xFFFFFFB0];
	v6 =	vmul.f32 v6, v2;
	[tilespmem:s29+$0xFFFFFF60] =	vst v3  }
0x60: {  	v14 =	vld [tilespmem:s29+$0xFFFFFFE0];
	[tilespmem:s29+$0xFFFFFF50] =	vst v5;
	v5 =	vmul.f32 v7, v4  }
0x61: {  	v2 =	vld.idx.msk [tilespmem:v12+s18+$0x0], $0xffff;
	v3 =	vmul.f32 v8, v4;
	[tilespmem:s29+$0xFFFFFF70] =	vst v6  }
0x62: {  	v8 =	vld [tilespmem:s29+$0xFFFFFFF0];
	[tilespmem:s29+$0xFFFFFF80] =	vst v5;
	v5 =	vmul.f32 v9, v4  }
0x63: {  	v7 =	vld [tilespmem:s29+$0x0];
	v9 =	vmul.f32 v11, v4;
	[tilespmem:s29+$0xFFFFFF90] =	vst v3  }
0x64: {  	v6 =	vld [tilespmem:s29+$0x10];
	v3 =	vmul.f32 v10, v4;
	[tilespmem:s29+$0xFFFFFFA0] =	vst v5  }
0x65: {  	v10 =	vmul.f32 v13, v4;
	v5 =	vld [tilespmem:s29+$0x20];
	[tilespmem:s29+$0xFFFFFFC0] =	vst v9  }
0x66: {  	v9 =	vmul.f32 v14, v4;
	[tilespmem:s29+$0xFFFFFFB0] =	vst v3;
	v3 =	vld [tilespmem:s29+$0x30]  }
0x67: {  	s30 =	simm.s32 $0x17D00;
	s31 =	simm.s32 $0x0;
	[tilespmem:s29+$0xFFFFFFD0] =	vst v10;
	v8 =	vmul.f32 v8, v4;
	v4 =	vld [tilespmem:s29+$0x40]  }
.LBB2_5:
0x68: {  	s0 =	sadd.s32 s31, s25;
	s31 =	sadd.s32 $0x4, s31;
	[tilespmem:s29+$0xFFFFFFE0] =	vst v9;
	v7 =	vmul.f32 v7, v1;
	v9 =	vld [tilespmem:s29+$0x50]  }
0x69: {  	s17 =	sadd.s32 $0x4, s0;
	s2 =	sadd.s32 $0x6, s0;
	p0 =	slt.u32 s31, $0x7C;
	[tilespmem:s29+$0xFFFFFFF0] =	vst v8;
	v6 =	vmul.f32 v6, v1;
	v8 =	vld [tilespmem:s29+$0x60]  }
0x6a: {  	v10 =	vmov s17;
	s17 =	sadd.s32 $0x5, s0;
	v11 =	vmov s2;
	s0 =	sadd.s32 $0x7, s0;
	[tilespmem:s29+$0x0] =	vst v7;
	v5 =	vmul.f32 v5, v1;
	v7 =	vld [tilespmem:s29+$0x80]  }
0x6b: {  	v10 =	vand.u32 $0xFFFFFFFC, v10;
	v12 =	vmov s17;
	v11 =	vand.u32 $0xFFFFFFFE, v11;
	[tilespmem:s29+$0x10] =	vst v6;
	v6 =	vld [tilespmem:s29+$0x90]  }
0x6c: {  	v10 =	vbroadcast v10, $0x0;
	v12 =	vand.u32 $0xFFFFFFFD, v12;
	v11 =	vbroadcast v11, $0x0;
	[tilespmem:s29+$0x20] =	vst v5;
	v5 =	vld [tilespmem:s29+$0xA0]  }
0x6d: {  	v13 =	vmov s0;
	v3 =	vmul.f32 v3, v1;
	v12 =	vbroadcast v12, $0x0;
	v14 =	vld [tilespmem:s29+$0xB0]  }
0x6e: {  	v4 =	vmul.f32 v4, v1;
	v9 =	vmul.f32 v9, v1;
	v15 =	vld [tilespmem:s29+$0xC0]  }
0x6f: {  	[tilespmem:s29+$0x30] =	vst v3;
	v3 =	vmul.f32 v8, v1;
	v7 =	vmul.f32 v7, v2;
	v8 =	vld [tilespmem:s29+$0xD0]  }
0x70: {  	[tilespmem:s29+$0x40] =	vst v4;
	v4 =	vmul.f32 v6, v2;
	v6 =	vld [tilespmem:s29+$0xE0]  }
0x71: {  	[tilespmem:s29+$0x50] =	vst v9;
	v5 =	vmul.f32 v5, v2;
	v9 =	vld [tilespmem:s29+$0xF0]  }
0x72: {  	s29 =	sadd.s32 $0x200, s29;
	v1 =	vld.idx.msk [tilespmem:v11+s18+$0x0], $0xffff;
	[tilespmem:s30+$0x60] =	vst v3;
	v3 =	vmul.f32 v14, v2  }
0x73: {  	v11 =	vld [tilespmem:s29+$0x70];
	[tilespmem:s30+$0x80] =	vst v7;
	v7 =	vmul.f32 v15, v2  }
0x74: {  	v10 =	vld.idx.msk [tilespmem:v10+s18+$0x0], $0xffff;
	[tilespmem:s30+$0x90] =	vst v4;
	v4 =	vmul.f32 v8, v2  }
0x75: {  	v8 =	vld.idx.msk [tilespmem:v12+s18+$0x0], $0xffff;
	[tilespmem:s30+$0xA0] =	vst v5;
	v5 =	vmul.f32 v6, v2  }
0x76: {  	[tilespmem:s30+$0xB0] =	vst v3;
	v3 =	vmul.f32 v9, v2;
	v2 =	vld.idx.msk [tilespmem:v13+s18+$0x0], $0xffff  }
0x77: {  	v6 =	vld [tilespmem:s29+$0xFFFFFF00];
	[tilespmem:s30+$0xC0] =	vst v7  }
0x78: {  	v7 =	vld [tilespmem:s29+$0xFFFFFF10];
	v9 =	vmul.f32 v11, v1;
	[tilespmem:s30+$0xD0] =	vst v4  }
0x79: {  	v4 =	vld [tilespmem:s29+$0xFFFFFF20];
	[tilespmem:s30+$0xE0] =	vst v5  }
0x7a: {  	v5 =	vld [tilespmem:s29+$0xFFFFFF30];
	[tilespmem:s29+$0x70] =	vst v9  }
0x7b: {  	v9 =	vld [tilespmem:s29+$0xFFFFFF40];
	[tilespmem:s30+$0xF0] =	vst v3;
	s30 =	smov.u32 s29  }
0x7c: {  	v3 =	vmul.f32 v6, v10;
	v6 =	vld [tilespmem:s29+$0xFFFFFF50]  }
0x7d: {  	v7 =	vmul.f32 v7, v10;
	v11 =	vld [tilespmem:s29+$0xFFFFFF60]  }
0x7e: {  	[tilespmem:s29+$0xFFFFFF00] =	vst v3;
	v3 =	vmul.f32 v4, v10;
	v4 =	vld [tilespmem:s29+$0xFFFFFF70]  }
0x7f: {  	[tilespmem:s29+$0xFFFFFF10] =	vst v7;
	v5 =	vmul.f32 v5, v10;
	v7 =	vld [tilespmem:s29+$0xFFFFFF80]  }
0x80: {  	[tilespmem:s29+$0xFFFFFF20] =	vst v3;
	v3 =	vmul.f32 v9, v10;
	v9 =	vld [tilespmem:s29+$0xFFFFFF90]  }
0x81: {  	[tilespmem:s29+$0xFFFFFF30] =	vst v5;
	v5 =	vmul.f32 v6, v10;
	v6 =	vld [tilespmem:s29+$0xFFFFFFA0]  }
0x82: {  	[tilespmem:s29+$0xFFFFFF40] =	vst v3;
	v3 =	vmul.f32 v11, v10;
	v11 =	vld [tilespmem:s29+$0xFFFFFFB0]  }
0x83: {  	[tilespmem:s29+$0xFFFFFF50] =	vst v5;
	v4 =	vmul.f32 v4, v10;
	v5 =	vld [tilespmem:s29+$0xFFFFFFC0]  }
0x84: {  	[tilespmem:s29+$0xFFFFFF60] =	vst v3;
	v3 =	vmul.f32 v7, v8;
	v10 =	vld [tilespmem:s29+$0xFFFFFFD0]  }
0x85: {  	[tilespmem:s29+$0xFFFFFF70] =	vst v4;
	v4 =	vmul.f32 v9, v8;
	v9 =	vld [tilespmem:s29+$0xFFFFFFE0]  }
0x86: {  	[tilespmem:s29+$0xFFFFFF80] =	vst v3;
	v3 =	vmul.f32 v6, v8;
	v12 =	vld [tilespmem:s29+$0xFFFFFFF0]  }
.Ltmp1:
0x87: {  	[tilespmem:s29+$0xFFFFFF90] =	vst v4;
	v4 =	vmul.f32 v11, v8;
	v7 =	vld [tilespmem:s29+$0x0];
	(pc) =	sbr.rel @p0 .LBB2_5-.Ltmp1, $4  }
0x88: {  	[tilespmem:s29+$0xFFFFFFA0] =	vst v3;
	v3 =	vmul.f32 v5, v8;
	v6 =	vld [tilespmem:s29+$0x10]  }
0x89: {  	[tilespmem:s29+$0xFFFFFFB0] =	vst v4;
	v4 =	vmul.f32 v10, v8;
	v5 =	vld [tilespmem:s29+$0x20]  }
0x8a: {  	[tilespmem:s29+$0xFFFFFFC0] =	vst v3;
	v9 =	vmul.f32 v9, v8;
	v3 =	vld [tilespmem:s29+$0x30]  }
0x8b: {  	[tilespmem:s29+$0xFFFFFFD0] =	vst v4;
	v8 =	vmul.f32 v12, v8;
	v4 =	vld [tilespmem:s29+$0x40]  }
0x8c: {  	v10 =	vld [tilespmem:s29+$0x50];
	[tilespmem:s29+$0xFFFFFFE0] =	vst v9;
	v7 =	vmul.f32 v7, v1  }
0x8d: {  	v9 =	vld [tilespmem:s29+$0x60];
	[tilespmem:s29+$0xFFFFFFF0] =	vst v8;
	v6 =	vmul.f32 v6, v1  }
0x8e: {  	v8 =	vld [tilespmem:s29+$0x80];
	[tilespmem:s29+$0x0] =	vst v7;
	v5 =	vmul.f32 v5, v1  }
0x8f: {  	v7 =	vld [tilespmem:s29+$0x90];
	[tilespmem:s29+$0x10] =	vst v6;
	v3 =	vmul.f32 v3, v1  }
0x90: {  	v6 =	vld [tilespmem:s29+$0xA0];
	[tilespmem:s29+$0x20] =	vst v5;
	v4 =	vmul.f32 v4, v1  }
0x91: {  	v5 =	vld [tilespmem:s29+$0xB0];
	v10 =	vmul.f32 v10, v1;
	[tilespmem:s29+$0x30] =	vst v3  }
0x92: {  	v11 =	vld [tilespmem:s29+$0xC0];
	v1 =	vmul.f32 v9, v1;
	[tilespmem:s29+$0x40] =	vst v4  }
0x93: {  	v3 =	vld [tilespmem:s29+$0xD0];
	v4 =	vmul.f32 v8, v2;
	[tilespmem:s29+$0x50] =	vst v10  }
0x94: {  	v8 =	vld [tilespmem:s29+$0xE0];
	v7 =	vmul.f32 v7, v2;
	[tilespmem:s30+$0x60] =	vst v1  }
0x95: {  	v9 =	vld [tilespmem:s29+$0xF0];
	v1 =	vmul.f32 v6, v2;
	[tilespmem:s30+$0x80] =	vst v4  }
0x96: {  	v4 =	vmul.f32 v5, v2;
	[tilespmem:s30+$0x90] =	vst v7  }
0x97: {  	v5 =	vmul.f32 v11, v2;
	[tilespmem:s30+$0xA0] =	vst v1  }
0x98: {  	v1 =	vmul.f32 v3, v2;
	[tilespmem:s30+$0xB0] =	vst v4  }
0x99: {  	v3 =	vmul.f32 v8, v2;
	[tilespmem:s30+$0xC0] =	vst v5  }
0x9a: {  	s0 =	sshll.u32 s26, $0xA;
	v2 =	vmul.f32 v9, v2;
	[tilespmem:s30+$0xD0] =	vst v1  }
0x9b: {  	s2 =	sshrl.u32 s0, $0x2;
	[tilespmem:s30+$0xE0] =	vst v3  }
0x9c: {  	s2 =	sadd.s32 $0x1400, s2;
	[tilespmem:s30+$0xF0] =	vst v2  }
0x9d: {  	[spmem:s1] =	stream.indirect.scatter.add.f32 [tilespmem:s15], [sflag:$0x3], $0x80, s2, s19, $0xb8;
	[tilespmem:$0x1FC00] =	vst v63  }
0x9e: {  	_ =	swait.ge [sflag:s22], $0x4000  }
0x9f: {  	p0 =	seq.s32 s26, $0x13;
	[sflag:s22] =	ssyncset.done $0x0  }
0xa0: {  	s29 =	simm.s32 @!p0 $0x3;
	s2 =	sadd.s32 $0xFFFFFFFC, s25;
	[sflag:s22] =	ssyncadd.s32 $0xFFFFC000  }
0xa1: {  	s0 =	sshrl.u32 @!p0 s0, $0x2;
	s17 =	sadd.s32 $0x86, s2;
	_ =	swait.ge @!p0 [sflag:s29], $0x4000  }
0xa2: {  	s0 =	sadd.s32 @!p0 $0x100, s0;
	v1 =	vmov s17;
	s17 =	sadd.s32 $0x84, s2;
	[sflag:s29] =	ssyncset.done @!p0 $0x0  }
0xa3: {  	v1 =	vand.u32 $0xFFFFFFFE, v1;
	v2 =	vmov s17;
	s17 =	simm.s32 @!p0 $0x80;
	[sflag:s29] =	ssyncadd.s32 @!p0 $0xFFFFC000;
	s29 =	simm.s32 @!p0 $0x17C00  }
0xa4: {  	v1 =	vbroadcast v1, $0x0;
	v2 =	vand.u32 $0xFFFFFFFC, v2;
	[tilespmem:s29], [sflag:$0x1] =	stream.indirect.gather @!p0 [hbm4b:s4+s17], $0x80, s0, s17, $0xb8;
	[tilespmem:$0x1FC00] =	vst v63  }
0xa5: {  	v2 =	vbroadcast v2, $0x0;
	s29 =	simm.s32 $0x1BD00  }
0xa6: {  	v3 =	vld [tilespmem:s29+$0x70]  }
0xa7: {  	v5 =	vld [tilespmem:s29+$0xFFFFFF00]  }
0xa8: {  	s17 =	sadd.s32 $0x85, s2;
	v6 =	vld [tilespmem:s29+$0xFFFFFF10]  }
0xa9: {  	v4 =	vmov s17;
	v7 =	vld [tilespmem:s29+$0xFFFFFF20]  }
0xaa: {  	v4 =	vand.u32 $0xFFFFFFFD, v4;
	v1 =	vld.idx.msk [tilespmem:v1+s18+$0x0], $0xffff  }
0xab: {  	v4 =	vbroadcast v4, $0x0;
	v2 =	vld.idx.msk [tilespmem:v2+s18+$0x0], $0xffff  }
0xac: {  	v8 =	vld [tilespmem:s29+$0xFFFFFF30]  }
0xad: {  	v9 =	vld [tilespmem:s29+$0xFFFFFF40]  }
0xae: {  	v10 =	vld [tilespmem:s29+$0xFFFFFF50]  }
0xaf: {  	v11 =	vld [tilespmem:s29+$0xFFFFFF60];
	v3 =	vmul.f32 v3, v1  }
0xb0: {  	v13 =	vld [tilespmem:s29+$0xFFFFFFD0];
	v5 =	vmul.f32 v5, v2  }
0xb1: {  	v4 =	vld.idx.msk [tilespmem:v4+s18+$0x0], $0xffff;
	[tilespmem:s29+$0x70] =	vst v3;
	v3 =	vmul.f32 v7, v2  }
0xb2: {  	[tilespmem:s29+$0xFFFFFF00] =	vst v5;
	v5 =	vmul.f32 v6, v2;
	v6 =	vld [tilespmem:s29+$0xFFFFFF70]  }
0xb3: {  	s17 =	sadd.s32 $0x87, s2;
	v7 =	vld [tilespmem:s29+$0xFFFFFF80];
	[tilespmem:s29+$0xFFFFFF20] =	vst v3;
	v3 =	vmul.f32 v9, v2  }
0xb4: {  	v12 =	vmov s17;
	[tilespmem:s29+$0xFFFFFF10] =	vst v5;
	v5 =	vmul.f32 v8, v2;
	v8 =	vld [tilespmem:s29+$0xFFFFFF90]  }
0xb5: {  	v9 =	vld [tilespmem:s29+$0xFFFFFFA0];
	[tilespmem:s29+$0xFFFFFF40] =	vst v3;
	v3 =	vmul.f32 v11, v2  }
0xb6: {  	v11 =	vld [tilespmem:s29+$0xFFFFFFC0];
	[tilespmem:s29+$0xFFFFFF30] =	vst v5;
	v5 =	vmul.f32 v10, v2  }
0xb7: {  	v10 =	vld [tilespmem:s29+$0xFFFFFFB0];
	v6 =	vmul.f32 v6, v2;
	[tilespmem:s29+$0xFFFFFF60] =	vst v3  }
0xb8: {  	v14 =	vld [tilespmem:s29+$0xFFFFFFE0];
	[tilespmem:s29+$0xFFFFFF50] =	vst v5;
	v5 =	vmul.f32 v7, v4  }
0xb9: {  	v2 =	vld.idx.msk [tilespmem:v12+s18+$0x0], $0xffff;
	v3 =	vmul.f32 v8, v4;
	[tilespmem:s29+$0xFFFFFF70] =	vst v6  }
0xba: {  	v8 =	vld [tilespmem:s29+$0xFFFFFFF0];
	[tilespmem:s29+$0xFFFFFF80] =	vst v5;
	v5 =	vmul.f32 v9, v4  }
0xbb: {  	v7 =	vld [tilespmem:s29+$0x0];
	v9 =	vmul.f32 v11, v4;
	[tilespmem:s29+$0xFFFFFF90] =	vst v3  }
0xbc: {  	v6 =	vld [tilespmem:s29+$0x10];
	v3 =	vmul.f32 v10, v4;
	[tilespmem:s29+$0xFFFFFFA0] =	vst v5  }
0xbd: {  	v10 =	vmul.f32 v13, v4;
	v5 =	vld [tilespmem:s29+$0x20];
	[tilespmem:s29+$0xFFFFFFC0] =	vst v9  }
0xbe: {  	v9 =	vmul.f32 v14, v4;
	[tilespmem:s29+$0xFFFFFFB0] =	vst v3;
	v3 =	vld [tilespmem:s29+$0x30]  }
0xbf: {  	s31 =	simm.s32 $0x0;
	s30 =	simm.s32 $0x1BD00;
	[tilespmem:s29+$0xFFFFFFD0] =	vst v10;
	v8 =	vmul.f32 v8, v4;
	v4 =	vld [tilespmem:s29+$0x40]  }
.LBB2_7:
0xc0: {  	s0 =	sadd.s32 s31, s25;
	s31 =	sadd.s32 $0x4, s31;
	[tilespmem:s29+$0xFFFFFFE0] =	vst v9;
	v7 =	vmul.f32 v7, v1;
	v9 =	vld [tilespmem:s29+$0x50]  }
0xc1: {  	s2 =	sadd.s32 $0x84, s0;
	s17 =	sadd.s32 $0x86, s0;
	p0 =	slt.u32 s31, $0x7C;
	[tilespmem:s29+$0xFFFFFFF0] =	vst v8;
	v6 =	vmul.f32 v6, v1;
	v8 =	vld [tilespmem:s29+$0x60]  }
0xc2: {  	v10 =	vmov s2;
	s2 =	sadd.s32 $0x85, s0;
	v11 =	vmov s17;
	s0 =	sadd.s32 $0x87, s0;
	[tilespmem:s29+$0x0] =	vst v7;
	v5 =	vmul.f32 v5, v1;
	v7 =	vld [tilespmem:s29+$0x80]  }
0xc3: {  	v10 =	vand.u32 $0xFFFFFFFC, v10;
	v12 =	vmov s2;
	v11 =	vand.u32 $0xFFFFFFFE, v11;
	[tilespmem:s29+$0x10] =	vst v6;
	v6 =	vld [tilespmem:s29+$0x90]  }
0xc4: {  	v10 =	vbroadcast v10, $0x0;
	v12 =	vand.u32 $0xFFFFFFFD, v12;
	v11 =	vbroadcast v11, $0x0;
	[tilespmem:s29+$0x20] =	vst v5;
	v5 =	vld [tilespmem:s29+$0xA0]  }
0xc5: {  	v13 =	vmov s0;
	v3 =	vmul.f32 v3, v1;
	v12 =	vbroadcast v12, $0x0;
	v14 =	vld [tilespmem:s29+$0xB0]  }
0xc6: {  	v4 =	vmul.f32 v4, v1;
	v9 =	vmul.f32 v9, v1;
	v15 =	vld [tilespmem:s29+$0xC0]  }
0xc7: {  	[tilespmem:s29+$0x30] =	vst v3;
	v3 =	vmul.f32 v8, v1;
	v7 =	vmul.f32 v7, v2;
	v8 =	vld [tilespmem:s29+$0xD0]  }
0xc8: {  	[tilespmem:s29+$0x40] =	vst v4;
	v4 =	vmul.f32 v6, v2;
	v6 =	vld [tilespmem:s29+$0xE0]  }
0xc9: {  	[tilespmem:s29+$0x50] =	vst v9;
	v5 =	vmul.f32 v5, v2;
	v9 =	vld [tilespmem:s29+$0xF0]  }
0xca: {  	s29 =	sadd.s32 $0x200, s29;
	v1 =	vld.idx.msk [tilespmem:v11+s18+$0x0], $0xffff;
	[tilespmem:s30+$0x60] =	vst v3;
	v3 =	vmul.f32 v14, v2  }
0xcb: {  	v11 =	vld [tilespmem:s29+$0x70];
	[tilespmem:s30+$0x80] =	vst v7;
	v7 =	vmul.f32 v15, v2  }
0xcc: {  	v10 =	vld.idx.msk [tilespmem:v10+s18+$0x0], $0xffff;
	[tilespmem:s30+$0x90] =	vst v4;
	v4 =	vmul.f32 v8, v2  }
0xcd: {  	v8 =	vld.idx.msk [tilespmem:v12+s18+$0x0], $0xffff;
	[tilespmem:s30+$0xA0] =	vst v5;
	v5 =	vmul.f32 v6, v2  }
0xce: {  	[tilespmem:s30+$0xB0] =	vst v3;
	v3 =	vmul.f32 v9, v2;
	v2 =	vld.idx.msk [tilespmem:v13+s18+$0x0], $0xffff  }
0xcf: {  	v6 =	vld [tilespmem:s29+$0xFFFFFF00];
	[tilespmem:s30+$0xC0] =	vst v7  }
0xd0: {  	v7 =	vld [tilespmem:s29+$0xFFFFFF10];
	v9 =	vmul.f32 v11, v1;
	[tilespmem:s30+$0xD0] =	vst v4  }
0xd1: {  	v4 =	vld [tilespmem:s29+$0xFFFFFF20];
	[tilespmem:s30+$0xE0] =	vst v5  }
0xd2: {  	v5 =	vld [tilespmem:s29+$0xFFFFFF30];
	[tilespmem:s29+$0x70] =	vst v9  }
0xd3: {  	v9 =	vld [tilespmem:s29+$0xFFFFFF40];
	[tilespmem:s30+$0xF0] =	vst v3;
	s30 =	smov.u32 s29  }
0xd4: {  	v3 =	vmul.f32 v6, v10;
	v6 =	vld [tilespmem:s29+$0xFFFFFF50]  }
0xd5: {  	v7 =	vmul.f32 v7, v10;
	v11 =	vld [tilespmem:s29+$0xFFFFFF60]  }
0xd6: {  	[tilespmem:s29+$0xFFFFFF00] =	vst v3;
	v3 =	vmul.f32 v4, v10;
	v4 =	vld [tilespmem:s29+$0xFFFFFF70]  }
0xd7: {  	[tilespmem:s29+$0xFFFFFF10] =	vst v7;
	v5 =	vmul.f32 v5, v10;
	v7 =	vld [tilespmem:s29+$0xFFFFFF80]  }
0xd8: {  	[tilespmem:s29+$0xFFFFFF20] =	vst v3;
	v3 =	vmul.f32 v9, v10;
	v9 =	vld [tilespmem:s29+$0xFFFFFF90]  }
0xd9: {  	[tilespmem:s29+$0xFFFFFF30] =	vst v5;
	v5 =	vmul.f32 v6, v10;
	v6 =	vld [tilespmem:s29+$0xFFFFFFA0]  }
0xda: {  	[tilespmem:s29+$0xFFFFFF40] =	vst v3;
	v3 =	vmul.f32 v11, v10;
	v11 =	vld [tilespmem:s29+$0xFFFFFFB0]  }
0xdb: {  	[tilespmem:s29+$0xFFFFFF50] =	vst v5;
	v4 =	vmul.f32 v4, v10;
	v5 =	vld [tilespmem:s29+$0xFFFFFFC0]  }
0xdc: {  	[tilespmem:s29+$0xFFFFFF60] =	vst v3;
	v3 =	vmul.f32 v7, v8;
	v10 =	vld [tilespmem:s29+$0xFFFFFFD0]  }
0xdd: {  	[tilespmem:s29+$0xFFFFFF70] =	vst v4;
	v4 =	vmul.f32 v9, v8;
	v9 =	vld [tilespmem:s29+$0xFFFFFFE0]  }
0xde: {  	[tilespmem:s29+$0xFFFFFF80] =	vst v3;
	v3 =	vmul.f32 v6, v8;
	v12 =	vld [tilespmem:s29+$0xFFFFFFF0]  }
.Ltmp2:
0xdf: {  	[tilespmem:s29+$0xFFFFFF90] =	vst v4;
	v4 =	vmul.f32 v11, v8;
	v7 =	vld [tilespmem:s29+$0x0];
	(pc) =	sbr.rel @p0 .LBB2_7-.Ltmp2, $4  }
0xe0: {  	[tilespmem:s29+$0xFFFFFFA0] =	vst v3;
	v3 =	vmul.f32 v5, v8;
	v6 =	vld [tilespmem:s29+$0x10]  }
0xe1: {  	[tilespmem:s29+$0xFFFFFFB0] =	vst v4;
	v4 =	vmul.f32 v10, v8;
	v5 =	vld [tilespmem:s29+$0x20]  }
0xe2: {  	[tilespmem:s29+$0xFFFFFFC0] =	vst v3;
	v9 =	vmul.f32 v9, v8;
	v3 =	vld [tilespmem:s29+$0x30]  }
0xe3: {  	[tilespmem:s29+$0xFFFFFFD0] =	vst v4;
	v8 =	vmul.f32 v12, v8;
	v4 =	vld [tilespmem:s29+$0x40]  }
0xe4: {  	v10 =	vld [tilespmem:s29+$0x50]  }
0xe5: {  	[tilespmem:s29+$0xFFFFFFE0] =	vst v9;
	v7 =	vmul.f32 v7, v1;
	v54 =	vld [tilespmem:s29+$0x60]  }
0xe6: {  	v55 =	vld [tilespmem:s29+$0x80];
	[tilespmem:s29+$0xFFFFFFF0] =	vst v8;
	v6 =	vmul.f32 v6, v1  }
0xe7: {  	v56 =	vld [tilespmem:s29+$0x90];
	[tilespmem:s29+$0x0] =	vst v7;
	v5 =	vmul.f32 v5, v1  }
0xe8: {  	v57 =	vld [tilespmem:s29+$0xA0];
	[tilespmem:s29+$0x10] =	vst v6;
	v3 =	vmul.f32 v3, v1  }
0xe9: {  	v58 =	vld [tilespmem:s29+$0xB0];
	[tilespmem:s29+$0x20] =	vst v5;
	v4 =	vmul.f32 v4, v1  }
0xea: {  	v11 =	vld [tilespmem:s29+$0xC0];
	v10 =	vmul.f32 v10, v1;
	[tilespmem:s29+$0x30] =	vst v3  }
0xeb: {  	v60 =	vld [tilespmem:s29+$0xE0];
	v59 =	vmul.f32 v55, v2;
	[tilespmem:s29+$0x40] =	vst v4  }
0xec: {  	v3 =	vld [tilespmem:s29+$0xD0];
	v7 =	vmul.f32 v56, v2;
	[tilespmem:s29+$0x50] =	vst v10  }
0xed: {  	v61 =	vld [tilespmem:s29+$0xF0];
	v1 =	vmul.f32 v54, v1;
	[tilespmem:s30+$0x80] =	vst v59  }
0xee: {  	v62 =	vmul.f32 v58, v2;
	[tilespmem:s30+$0x90] =	vst v7  }
0xef: {  	[tilespmem:s30+$0x60] =	vst v1;
	v1 =	vmul.f32 v57, v2  }
0xf0: {  	s26 =	sadd.s32 $0x1, s26;
	v63 =	vmul.f32 v11, v2;
	[tilespmem:s30+$0xB0] =	vst v62  }
0xf1: {  	p0 =	sne.s32 s26, $0x14;
	[tilespmem:s30+$0xA0] =	vst v1;
	v1 =	vmul.f32 v3, v2  }
.Ltmp3:
0xf2: {  	[tilespmem:s30+$0xC0] =	vst v63;
	v3 =	vmul.f32 v60, v2;
	(pc) =	sbr.rel @p0 .LBB2_4-.Ltmp3, $4  }
0xf3: {  	s0 =	sshll.u32 s28, $0x7;
	v2 =	vmul.f32 v61, v2;
	[tilespmem:s30+$0xD0] =	vst v1  }
0xf4: {  	s0 =	sand.u32 $0x3FFFFF80, s0;
	[tilespmem:s30+$0xE0] =	vst v3  }
0xf5: {  	s25 =	sadd.s32 $0x100, s25;
	s0 =	sadd.s32 $0x1400, s0;
	[tilespmem:s30+$0xF0] =	vst v2  }
0xf6: {  	[spmem:s1] =	stream.indirect.scatter.add.f32 [tilespmem:s20], [sflag:$0x4], $0x80, s0, s19, $0xb8;
	[tilespmem:$0x1FC00] =	vst v63  }
0xf7: {  	_ =	swait.ge [sflag:s23], $0x4000  }
0xf8: {  	[sflag:s23] =	ssyncset.done $0x0  }
0xf9: {  	[sflag:s23] =	ssyncadd.s32 $0xFFFFC000  }
0xfa: {  	s0 =	stileid.u32;
	_ =	swait.ge [sflag:s24], $0x4000  }
0xfb: {  	s2 =	sshrl.u32 s5, $0x3;
	s3 =	sadd.s32 $0x1, s3;
	[sflag:s24] =	ssyncset.done $0x0  }
0xfc: {  	s0 =	sshll.u32 s0, $0x6;
	p0 =	sne.s32 s3, s13;
	[sflag:s24] =	ssyncadd.s32 $0xFFFFC000  }
.Ltmp4:
0xfd: {  	s0 =	sor.u32 $0x1C05, s0;
	[bflag:$0x0] =	sbarrier.arrive $0xFFFF;
	(pc) =	sbr.rel @p0 .LBB2_1-.Ltmp4, $4  }
0xfe: {  	[hbm:s14], [sflag:s0] =	dma.local [spmem:s2], $0x2800  }
0xff: {  	_ =	swait.ge [sflag:s16], $0x2800  }
0x100: {  	[sflag:s16] =	ssyncset.done $0x0  }
0x101: {  	[sflag:s16] =	ssyncadd.s32 $0xFFFFD800  }
0x102: {  	_ =	sfence.sel $0x180000  }
0x103: {  	[bflag:$0x0] =	sbarrier.arrive $0xFFFF  }
0x104: {  	_ =	strace $0x90000050  }
0x105: {  	s0 =	stileid.u32;
	[bflag:$0x2] =	sbarrier.arrive $0xFFFF  }
0x106: {  	p0 =	sne.s32 s0, $0x0;
	s0 =	rddreg [dreg:$0x2]  }
0x107: {  	s0 =	sadd.s32 @!p0 $0x100000, s0  }
0x108: {  	[sflag:s0] =	ssyncadd.tile.s32 @!p0 $0x1;
	_ =	shalt  }
.Lfunc_end2:
_tile_overlayer_lowered:
.L_overlay_start_2:
0x109: {  	(tag) =	ssettag $0x2  }
0x10a: {  	s0 =	rddreg [dreg:$0x0];
	s2 =	stileid.u32  }
0x10b: {  	s1 =	rddreg [dreg:$0x1];
	p0 =	sne.s32 s2, $0x0  }
0x10c: {  	s3 =	rddreg [dreg:$0x2];
	[bflag:$0x3] =	sbarrier.arrive $0xFFFF;
	s2 =	simm.s32 @!p0 $0x1C05  }
0x10d: {  	[timem:s3], [sflag:s2] =	dma.local @!p0 [hbm:s0], s1  }
0x10e: {  	s0 =	simm.s32 @!p0 $0x5  }
0x10f: {  	_ =	swait.ge @!p0 [sflag:s0], s1  }
0x110: {  	s1 =	ssub.s32 @!p0 $0x0, s1;
	[sflag:s0] =	ssyncset.done @!p0 $0x0  }
0x111: {  	[sflag:s0] =	ssyncadd.s32 @!p0 s1  }
0x112: {  	[bflag:$0x3] =	sbarrier.arrive $0xFFFF  }
0x113: {  	_ =	shalt  }

</sc_bundles>
